<compile_context>
chip_gen: v7x
topology: tpu7x:2x2x1
jax: 0.10.2.dev20260603
libtpu: 0.0.44.dev20260713+nightly
codegen_flags: <defaults>
</compile_context>

<pallas_src>
import jax
import jax.numpy as jnp
from jax import lax
from jax.experimental import pallas as pl
from jax.experimental.pallas import tpu as pltpu
from jax.experimental.pallas import tpu_sc as plsc

N = 10000
E = 320000
D = 128
H = 128

NC = 2
NS = 16
LANES = 16
NP = 10240
RPT = NP // NS
EPT = E // NS
CHUNK = 80
GROUP = 5
NGROUPS = EPT // (CHUNK * GROUP)
NQ = 4
DQ = D // NQ


def _rsqrt16(x):
  i = lax.bitcast_convert_type(x, jnp.int32)
  i = jnp.full((LANES,), 0x5F3759DF, jnp.int32) - lax.shift_right_logical(i, 1)
  y = lax.bitcast_convert_type(i, jnp.float32)
  half = x * 0.5
  for _ in range(3):
    y = y * (1.5 - half * y * y)
  return y


def _sc_body(ei_hbm, w_hbm, x4_hbm,
             s_hbm, dis_hbm,
             src_v, dst_v, a_v, dis_v, zb, degb, rows,
             aggS, degS,
             sem_g, sem_s, sem_d):
  c = lax.axis_index("c")
  s = lax.axis_index("s")
  r0 = s * RPT
  e0 = s * EPT

  c0 = s * (EPT // CHUNK)
  pltpu.sync_copy(ei_hbm.at[0, pl.ds(c0, EPT // CHUNK)], src_v)
  pltpu.sync_copy(ei_hbm.at[1, pl.ds(c0, EPT // CHUNK)], dst_v)
  pltpu.sync_copy(w_hbm.at[pl.ds(e0, EPT)], a_v)

  zeros = jnp.zeros((LANES,), jnp.float32)
  ones = jnp.ones((LANES,), jnp.float32)

  def _fill_zb(i, _):
    for k in range(DQ // LANES):
      zb[i, pl.ds(k * LANES, LANES)] = zeros
    return 0
  lax.fori_loop(0, 64, _fill_zb, 0)

  def _fill_ob(i, _):
    degb[pl.ds(i * LANES, LANES)] = ones
    return 0
  lax.fori_loop(0, RPT // LANES, _fill_ob, 0)

  def _zero_agg():
    for k in range(RPT // 64):
      pltpu.sync_copy(zb, aggS.at[pl.ds(r0 + k * 64, 64)])

  _zero_agg()
  pltpu.sync_copy(degb, degS.at[pl.ds(r0, RPT)])

  plsc.subcore_barrier()

  def _deg_group(g, _):
    descs = []
    for j in range(GROUP):
      chk = g * GROUP + j
      descs.append(
          pltpu.async_copy(a_v.at[pl.ds(chk * CHUNK, CHUNK)],
                           degS.at[dst_v.at[chk]], sem_d, add=True))
    for d in descs:
      d.wait()
    return 0
  lax.fori_loop(0, NGROUPS, _deg_group, 0)

  plsc.subcore_barrier()

  pltpu.sync_copy(degS.at[pl.ds(r0, RPT)], degb)

  def _rs(i, _):
    sl = pl.ds(i * LANES, LANES)
    degb[sl] = _rsqrt16(degb[sl])
    return 0
  lax.fori_loop(0, RPT // LANES, _rs, 0)

  pltpu.sync_copy(degb, degS.at[pl.ds(r0, RPT)])

  @pl.when(c == 0)
  def _():
    pltpu.sync_copy(degb, dis_hbm.at[pl.ds(r0, RPT)])

  plsc.subcore_barrier()

  pltpu.sync_copy(degS, dis_v)

  @plsc.parallel_loop(0, EPT // CHUNK, step=1, unroll=4)
  def _fold(i):
    for h in range(CHUNK // LANES):
      s16 = src_v[i, pl.ds(h * LANES, LANES)]
      sl = pl.ds(i * CHUNK + h * LANES, LANES)
      a_v[sl] = a_v[sl] * plsc.load_gather(dis_v, [s16])

  for p in range(2):
    q = c * 2 + p
    xq = x4_hbm.at[q]

    def _fire_g(g, buf, xq=xq):
      for j in range(GROUP):
        chk = g * GROUP + j
        pltpu.async_copy(xq.at[src_v.at[chk]],
                         rows.at[buf, pl.ds(j * CHUNK, CHUNK)],
                         sem_g.at[buf, j])

    def _wait_g(buf, xq=xq):
      for j in range(GROUP):
        pltpu.make_async_copy(xq.at[pl.ds(0, CHUNK)],
                              rows.at[buf, pl.ds(j * CHUNK, CHUNK)],
                              sem_g.at[buf, j]).wait()

    def _scale(g, buf):
      gbase = g * GROUP * CHUNK

      @plsc.parallel_loop(0, GROUP * CHUNK, step=1, unroll=8)
      def _s(i):
        aj = plsc.load_gather(
            a_v, [jnp.full((LANES,), 0, jnp.int32) + (gbase + i)])
        for k in range(DQ // LANES):
          sl = pl.ds(k * LANES, LANES)
          rows[buf, i, sl] = rows[buf, i, sl] * aj

    def _fire_s(g, buf):
      for j in range(GROUP):
        chk = g * GROUP + j
        pltpu.async_copy(rows.at[buf, pl.ds(j * CHUNK, CHUNK)],
                         aggS.at[dst_v.at[chk]], sem_s.at[buf, j], add=True)

    def _wait_s(buf):
      for j in range(GROUP):
        pltpu.make_async_copy(rows.at[buf, pl.ds(j * CHUNK, CHUNK)],
                              aggS.at[pl.ds(0, CHUNK)],
                              sem_s.at[buf, j]).wait()

    _fire_g(0, 0)

    def _body(gg, _):
      g0 = gg * 2
      g1 = g0 + 1
      _fire_g(g1, 1)
      _wait_g(0)
      _scale(g0, 0)
      _fire_s(g0, 0)
      _wait_s(0)

      @pl.when(g0 + 2 < NGROUPS)
      def _():
        _fire_g(g0 + 2, 0)
      _wait_g(1)
      _scale(g1, 1)
      _fire_s(g1, 1)
      _wait_s(1)
      return 0
    lax.fori_loop(0, NGROUPS // 2, _body, 0)
    if NGROUPS % 2:
      gl = NGROUPS - 1
      _wait_g(0)
      _scale(gl, 0)
      _fire_s(gl, 0)
      _wait_s(0)

    plsc.subcore_barrier()

    pltpu.sync_copy(aggS.at[pl.ds(r0, RPT)], s_hbm.at[q, pl.ds(r0, RPT)])
    if p == 0:
      _zero_agg()
      plsc.subcore_barrier()


def _sc_scatter(ei, w, x4):
  mesh = plsc.VectorSubcoreMesh(core_axis_name="c", subcore_axis_name="s",
                                num_cores=NC, num_subcores=NS)
  return pl.kernel(
      _sc_body,
      out_type=(jax.ShapeDtypeStruct((NQ, NP, DQ), jnp.float32),
                jax.ShapeDtypeStruct((NP,), jnp.float32)),
      mesh=mesh,
      compiler_params=pltpu.CompilerParams(needs_layout_passes=False,
                                           use_tc_tiling_on_sc=False),
      scratch_types=[
          pltpu.VMEM((EPT // CHUNK, CHUNK), jnp.int32),
          pltpu.VMEM((EPT // CHUNK, CHUNK), jnp.int32),
          pltpu.VMEM((EPT,), jnp.float32),
          pltpu.VMEM((NP,), jnp.float32),
          pltpu.VMEM((64, DQ), jnp.float32),
          pltpu.VMEM((RPT,), jnp.float32),
          pltpu.VMEM((2, GROUP * CHUNK, DQ), jnp.float32),
          pltpu.VMEM_SHARED((NP, DQ), jnp.float32),
          pltpu.VMEM_SHARED((NP,), jnp.float32),
          pltpu.SemaphoreType.DMA((2, GROUP)),
          pltpu.SemaphoreType.DMA((2, GROUP)),
          pltpu.SemaphoreType.DMA,
      ],
  )(ei, w, x4)


BN = 1000


def _tc_body(x_ref, s0_ref, s1_ref, s2_ref, s3_ref, dis_ref,
             wg_ref, bg_ref, wl_ref, bl_ref, o_ref):
  dis = dis_ref[...]
  sm = jnp.concatenate(
      [s0_ref[0], s1_ref[0], s2_ref[0], s3_ref[0]], axis=1)
  pre = dis * sm + (dis * dis) * x_ref[...]
  h = jnp.dot(pre, wg_ref[...], preferred_element_type=jnp.float32)
  h = jnp.maximum(h + bg_ref[...], 0.0)
  o_ref[...] = (jnp.dot(h, wl_ref[...], preferred_element_type=jnp.float32)
                + bl_ref[...])


def _tc_finish(x, s4, dis2, W_gcn, b_gcn, W_lin, b_lin):
  sspec = [pl.BlockSpec((1, BN, DQ), lambda i, q=q: (q, i, 0))
           for q in range(NQ)]
  return pl.pallas_call(
      _tc_body,
      grid=(N // BN,),
      in_specs=[pl.BlockSpec((BN, D), lambda i: (i, 0))] + sspec + [
          pl.BlockSpec((BN, 1), lambda i: (i, 0)),
          pl.BlockSpec((D, H), lambda i: (0, 0)),
          pl.BlockSpec((1, H), lambda i: (0, 0)),
          pl.BlockSpec((H, 1), lambda i: (0, 0)),
          pl.BlockSpec((1, 1), lambda i: (0, 0)),
      ],
      out_specs=pl.BlockSpec((BN, 1), lambda i: (i, 0)),
      out_shape=jax.ShapeDtypeStruct((N, 1), jnp.float32),
  )(x, s4, s4, s4, s4, dis2, W_gcn, b_gcn, W_lin, b_lin)


def kernel(x, edge_index, edge_weight, W_gcn, b_gcn, W_lin, b_lin):
  x4 = jnp.pad(x, ((0, NP - N), (0, 0))).reshape(NP, NQ, DQ).transpose(1, 0, 2)
  ei3 = edge_index.astype(jnp.int32).reshape(2, E // CHUNK, CHUNK)
  s4, dis = _sc_scatter(ei3, edge_weight.astype(jnp.float32), x4)
  return _tc_finish(x, s4, dis[:, None], W_gcn,
                    b_gcn.reshape(1, H), W_lin, b_lin.reshape(1, 1))

# --- scband reference (transcript-rebuilt; emitter-appended) ---
"""Pipeline reference for scband-recurrent-gcn-54030688584146 (READ-ONLY COPY).

The authoritative reference and input builder live on the scoring server;
editing this copy changes nothing except your own understanding.
"""

import jax, jax.numpy as jnp
import numpy as np

N = 10000
E = 320000
D = 128
H = 128


def setup_inputs(seed: int = 0) -> dict:
    key = jax.random.key(seed)
    ks = jax.random.split(key, 8)
    x = jax.random.normal(ks[0], (N, D), dtype=jnp.float32)
    edge_index = jax.random.randint(ks[1], (2, E), 0, N)
    edge_weight = jax.random.uniform(ks[2], (E,), dtype=jnp.float32)
    # GCNConv weight (input_dim -> hidden_dim) and bias
    W_gcn = jax.random.normal(ks[3], (D, H), dtype=jnp.float32) * (1.0 / np.sqrt(D))
    b_gcn = jnp.zeros((H,), dtype=jnp.float32)
    # final Linear(hidden_dim -> 1)
    W_lin = jax.random.normal(ks[4], (H, 1), dtype=jnp.float32) * (1.0 / np.sqrt(H))
    b_lin = jnp.zeros((1,), dtype=jnp.float32)
    return {
        "x": x,
        "edge_index": edge_index,
        "edge_weight": edge_weight,
        "W_gcn": W_gcn,
        "b_gcn": b_gcn,
        "W_lin": W_lin,
        "b_lin": b_lin,
    }


def reference(x, edge_index, edge_weight, W_gcn, b_gcn, W_lin, b_lin):
    # GCNConv with edge weights (PyG semantics: add self-loops w/ weight 1,
    # symmetric normalization deg^{-1/2} * w * deg^{-1/2}).
    src = edge_index[0]
    dst = edge_index[1]
    loop = jnp.arange(N, dtype=src.dtype)
    src_f = jnp.concatenate([src, loop])
    dst_f = jnp.concatenate([dst, loop])
    w_f = jnp.concatenate([edge_weight, jnp.ones((N,), dtype=edge_weight.dtype)])
    deg = jnp.zeros((N,), dtype=jnp.float32).at[dst_f].add(w_f)
    deg_inv_sqrt = jnp.where(deg > 0, jax.lax.rsqrt(jnp.maximum(deg, 1e-12)), 0.0)
    norm = deg_inv_sqrt[src_f] * w_f * deg_inv_sqrt[dst_f]
    xw = x @ W_gcn
    msg = norm[:, None] * jnp.take(xw, src_f, axis=0)
    agg = jnp.zeros((N, H), dtype=jnp.float32).at[dst_f].add(msg)
    h = agg + b_gcn
    h = jax.nn.relu(h)
    out = h @ W_lin + b_lin
    return out

if __name__ == "__main__":
    import jax
    _d = setup_inputs()
    print(jax.jit(kernel)(*tuple(_d.values())))

</pallas_src>

<mosaic_0001>
#map = affine_map<(d0, d1) -> (0, 0, 0)>
#map1 = affine_map<(d0, d1) -> (0)>
module attributes {stable_mosaic.version = 14 : i64} {
  func.func @_sc_body(%arg0: i32, %arg1: i32, %arg2: memref<2x4000x80xi32, #tpu.memory_space<hbm>>, %arg3: memref<320000xf32, #tpu.memory_space<hbm>>, %arg4: memref<4x10240x32xf32, #tpu.memory_space<hbm>>, %arg5: memref<4x10240x32xf32, #tpu.memory_space<hbm>>, %arg6: memref<10240xf32, #tpu.memory_space<hbm>>, %arg7: memref<250x80xi32, #tpu.memory_space<vmem>>, %arg8: memref<250x80xi32, #tpu.memory_space<vmem>>, %arg9: memref<20000xf32, #tpu.memory_space<vmem>>, %arg10: memref<10240xf32, #tpu.memory_space<vmem>>, %arg11: memref<64x32xf32, #tpu.memory_space<vmem>>, %arg12: memref<640xf32, #tpu.memory_space<vmem>>, %arg13: memref<2x400x32xf32, #tpu.memory_space<vmem>>, %arg14: memref<10240x32xf32, #tpu.memory_space<vmem_shared>>, %arg15: memref<10240xf32, #tpu.memory_space<vmem_shared>>, %arg16: memref<2x5x!tpu.dma_semaphore, #tpu.memory_space<semaphore_mem>>, %arg17: memref<2x5x!tpu.dma_semaphore, #tpu.memory_space<semaphore_mem>>, %arg18: memref<!tpu.dma_semaphore, #tpu.memory_space<semaphore_mem>>) attributes {dimension_semantics = [#tpu.dimension_semantics<core_parallel>, #tpu.dimension_semantics<subcore_parallel>], iteration_bounds = array<i64: 2, 16>, scalar_prefetch = 0 : i64, scratch_operands = 12 : i64, tpu.core_type = #tpu.core_type<sc_vector_subcore>, window_params = [{transform_indices = #map}, {transform_indices = #map1}, {transform_indices = #map}, {transform_indices = #map}, {transform_indices = #map1}]} {
    %mul3A = arith.constant 640 : i32
    %mul3A_0 = arith.muli %arg1, %mul3A : i32
    %mul3A_1 = arith.constant 20000 : i32
    %mul3A_2 = arith.muli %arg1, %mul3A_1 : i32
    %mul3A_3 = arith.constant 250 : i32
    %mul3A_4 = arith.muli %arg1, %mul3A_3 : i32
    %run_scoped3A = arith.constant 0 : i32
    "tpu.region"() ({
      %run_scoped3A_305 = tpu.sem_alloc : memref<!tpu.dma_semaphore, #tpu.memory_space<semaphore_mem>>
      %dma_start3A_306 = arith.constant 0 : i32
      %dma_start3A_307 = tpu.memref_slice %arg2[%run_scoped3A, %mul3A_4, %dma_start3A_306] : memref<2x4000x80xi32, #tpu.memory_space<hbm>> -> memref<1x250x80xi32, #tpu.memory_space<hbm>>
      %dma_start3A_308 = tpu.memref_squeeze %dma_start3A_307 : memref<1x250x80xi32, #tpu.memory_space<hbm>> -> memref<250x80xi32, #tpu.memory_space<hbm>>
      %dma_start3A_309 = arith.constant 0 : i32
      %dma_start3A_310 = tpu.memref_slice %arg2[%run_scoped3A, %mul3A_4, %dma_start3A_309] : memref<2x4000x80xi32, #tpu.memory_space<hbm>> -> memref<1x250x80xi32, #tpu.memory_space<hbm>>
      %dma_start3A_311 = tpu.memref_squeeze %dma_start3A_310 : memref<1x250x80xi32, #tpu.memory_space<hbm>> -> memref<250x80xi32, #tpu.memory_space<hbm>>
      tpu.enqueue_dma source(%dma_start3A_311 : memref<250x80xi32, #tpu.memory_space<hbm>>) target(%arg7 : memref<250x80xi32, #tpu.memory_space<vmem>>) target_semaphore(%run_scoped3A_305 : memref<!tpu.dma_semaphore, #tpu.memory_space<semaphore_mem>>)
      %dma_wait3A = arith.constant 0 : i32
      %dma_wait3A_312 = tpu.memref_slice %arg2[%run_scoped3A, %mul3A_4, %dma_wait3A] : memref<2x4000x80xi32, #tpu.memory_space<hbm>> -> memref<1x250x80xi32, #tpu.memory_space<hbm>>
      %dma_wait3A_313 = tpu.memref_squeeze %dma_wait3A_312 : memref<1x250x80xi32, #tpu.memory_space<hbm>> -> memref<250x80xi32, #tpu.memory_space<hbm>>
      %dma_wait3A_314 = arith.constant 0 : i32
      %dma_wait3A_315 = tpu.memref_slice %arg2[%run_scoped3A, %mul3A_4, %dma_wait3A_314] : memref<2x4000x80xi32, #tpu.memory_space<hbm>> -> memref<1x250x80xi32, #tpu.memory_space<hbm>>
      %dma_wait3A_316 = tpu.memref_squeeze %dma_wait3A_315 : memref<1x250x80xi32, #tpu.memory_space<hbm>> -> memref<250x80xi32, #tpu.memory_space<hbm>>
      tpu.wait_dma2 semaphore(%run_scoped3A_305 : memref<!tpu.dma_semaphore, #tpu.memory_space<semaphore_mem>>) src(%dma_wait3A_316 : memref<250x80xi32, #tpu.memory_space<hbm>>) dst(%arg7 : memref<250x80xi32, #tpu.memory_space<vmem>>)
      tpu.yield
    }) : () -> ()
    %run_scoped3A_5 = arith.constant 1 : i32
    "tpu.region"() ({
      %run_scoped3A_305 = tpu.sem_alloc : memref<!tpu.dma_semaphore, #tpu.memory_space<semaphore_mem>>
      %dma_start3A_306 = arith.constant 0 : i32
      %dma_start3A_307 = tpu.memref_slice %arg2[%run_scoped3A_5, %mul3A_4, %dma_start3A_306] : memref<2x4000x80xi32, #tpu.memory_space<hbm>> -> memref<1x250x80xi32, #tpu.memory_space<hbm>>
      %dma_start3A_308 = tpu.memref_squeeze %dma_start3A_307 : memref<1x250x80xi32, #tpu.memory_space<hbm>> -> memref<250x80xi32, #tpu.memory_space<hbm>>
      %dma_start3A_309 = arith.constant 0 : i32
      %dma_start3A_310 = tpu.memref_slice %arg2[%run_scoped3A_5, %mul3A_4, %dma_start3A_309] : memref<2x4000x80xi32, #tpu.memory_space<hbm>> -> memref<1x250x80xi32, #tpu.memory_space<hbm>>
      %dma_start3A_311 = tpu.memref_squeeze %dma_start3A_310 : memref<1x250x80xi32, #tpu.memory_space<hbm>> -> memref<250x80xi32, #tpu.memory_space<hbm>>
      tpu.enqueue_dma source(%dma_start3A_311 : memref<250x80xi32, #tpu.memory_space<hbm>>) target(%arg8 : memref<250x80xi32, #tpu.memory_space<vmem>>) target_semaphore(%run_scoped3A_305 : memref<!tpu.dma_semaphore, #tpu.memory_space<semaphore_mem>>)
      %dma_wait3A = arith.constant 0 : i32
      %dma_wait3A_312 = tpu.memref_slice %arg2[%run_scoped3A_5, %mul3A_4, %dma_wait3A] : memref<2x4000x80xi32, #tpu.memory_space<hbm>> -> memref<1x250x80xi32, #tpu.memory_space<hbm>>
      %dma_wait3A_313 = tpu.memref_squeeze %dma_wait3A_312 : memref<1x250x80xi32, #tpu.memory_space<hbm>> -> memref<250x80xi32, #tpu.memory_space<hbm>>
      %dma_wait3A_314 = arith.constant 0 : i32
      %dma_wait3A_315 = tpu.memref_slice %arg2[%run_scoped3A_5, %mul3A_4, %dma_wait3A_314] : memref<2x4000x80xi32, #tpu.memory_space<hbm>> -> memref<1x250x80xi32, #tpu.memory_space<hbm>>
      %dma_wait3A_316 = tpu.memref_squeeze %dma_wait3A_315 : memref<1x250x80xi32, #tpu.memory_space<hbm>> -> memref<250x80xi32, #tpu.memory_space<hbm>>
      tpu.wait_dma2 semaphore(%run_scoped3A_305 : memref<!tpu.dma_semaphore, #tpu.memory_space<semaphore_mem>>) src(%dma_wait3A_316 : memref<250x80xi32, #tpu.memory_space<hbm>>) dst(%arg8 : memref<250x80xi32, #tpu.memory_space<vmem>>)
      tpu.yield
    }) : () -> ()
    "tpu.region"() ({
      %run_scoped3A_305 = tpu.sem_alloc : memref<!tpu.dma_semaphore, #tpu.memory_space<semaphore_mem>>
      %dma_start3A_306 = tpu.memref_slice %arg3[%mul3A_2] : memref<320000xf32, #tpu.memory_space<hbm>> -> memref<20000xf32, #tpu.memory_space<hbm>>
      %dma_start3A_307 = tpu.memref_slice %arg3[%mul3A_2] : memref<320000xf32, #tpu.memory_space<hbm>> -> memref<20000xf32, #tpu.memory_space<hbm>>
      tpu.enqueue_dma source(%dma_start3A_307 : memref<20000xf32, #tpu.memory_space<hbm>>) target(%arg9 : memref<20000xf32, #tpu.memory_space<vmem>>) target_semaphore(%run_scoped3A_305 : memref<!tpu.dma_semaphore, #tpu.memory_space<semaphore_mem>>)
      %dma_wait3A = tpu.memref_slice %arg3[%mul3A_2] : memref<320000xf32, #tpu.memory_space<hbm>> -> memref<20000xf32, #tpu.memory_space<hbm>>
      %dma_wait3A_308 = tpu.memref_slice %arg3[%mul3A_2] : memref<320000xf32, #tpu.memory_space<hbm>> -> memref<20000xf32, #tpu.memory_space<hbm>>
      tpu.wait_dma2 semaphore(%run_scoped3A_305 : memref<!tpu.dma_semaphore, #tpu.memory_space<semaphore_mem>>) src(%dma_wait3A_308 : memref<20000xf32, #tpu.memory_space<hbm>>) dst(%arg9 : memref<20000xf32, #tpu.memory_space<vmem>>)
      tpu.yield
    }) : () -> ()
    %broadcast_in_dim3A = arith.constant 0.000000e+00 : f32
    %broadcast_in_dim3A_6 = vector.broadcast %broadcast_in_dim3A : f32 to vector<16xf32>
    %broadcast_in_dim3A_7 = arith.constant 1.000000e+00 : f32
    %broadcast_in_dim3A_8 = vector.broadcast %broadcast_in_dim3A_7 : f32 to vector<16xf32>
    %scan3A = arith.constant 0 : i32
    %scan3A_9 = arith.constant 0 : i32
    %scan3A_10 = arith.constant 64 : i32
    %scan3A_11 = arith.addi %scan3A_9, %scan3A_10 : i32
    %scan3A_12 = arith.constant 1 : i32
    %scan3A_13 = scf.for %scan3A_305 = %scan3A_9 to %scan3A_11 step %scan3A_12 iter_args(%scan3A_306 = %scan3A) -> (i32)  : i32 {
      %swap3A = arith.index_cast %scan3A_305 : i32 to index
      %swap3A_307 = arith.constant 0 : index
      %swap3A_308 = tpu.vector_load %arg11[%swap3A, %swap3A_307] {strides = array<i32>} : memref<64x32xf32, #tpu.memory_space<vmem>>, vector<16xf32>,
      tpu.vector_store %arg11[%swap3A, %swap3A_307], %broadcast_in_dim3A_6 {strides = array<i32>} : memref<64x32xf32, #tpu.memory_space<vmem>>, vector<16xf32>,
      %swap3A_309 = arith.index_cast %scan3A_305 : i32 to index
      %swap3A_310 = arith.constant 16 : index
      %swap3A_311 = tpu.vector_load %arg11[%swap3A_309, %swap3A_310] {strides = array<i32>} : memref<64x32xf32, #tpu.memory_space<vmem>>, vector<16xf32>,
      tpu.vector_store %arg11[%swap3A_309, %swap3A_310], %broadcast_in_dim3A_6 {strides = array<i32>} : memref<64x32xf32, #tpu.memory_space<vmem>>, vector<16xf32>,
      %scan3A_312 = arith.constant 0 : i32
      scf.yield %scan3A_312 : i32
    }
    %scan3A_14 = arith.constant 64 : i32
    %scan3A_15 = arith.constant 0 : i32
    %scan3A_16 = arith.constant 0 : i32
    %scan3A_17 = arith.constant 40 : i32
    %scan3A_18 = arith.addi %scan3A_16, %scan3A_17 : i32
    %scan3A_19 = arith.constant 1 : i32
    %scan3A_20 = scf.for %scan3A_305 = %scan3A_16 to %scan3A_18 step %scan3A_19 iter_args(%scan3A_306 = %scan3A_15) -> (i32)  : i32 {
      %mul3A_307 = arith.constant 16 : i32
      %mul3A_308 = arith.muli %scan3A_305, %mul3A_307 : i32
      %swap3A = arith.index_cast %mul3A_308 : i32 to index
      %swap3A_309 = tpu.vector_load %arg12[%swap3A] {strides = array<i32>} : memref<640xf32, #tpu.memory_space<vmem>>, vector<16xf32>,
      tpu.vector_store %arg12[%swap3A], %broadcast_in_dim3A_8 {strides = array<i32>} : memref<640xf32, #tpu.memory_space<vmem>>, vector<16xf32>,
      %scan3A_310 = arith.constant 0 : i32
      scf.yield %scan3A_310 : i32
    }
    %scan3A_21 = arith.constant 40 : i32
    %add3A = arith.constant 0 : i32
    %add3A_22 = arith.addi %mul3A_0, %add3A : i32
    "tpu.region"() ({
      %run_scoped3A_305 = tpu.sem_alloc : memref<!tpu.dma_semaphore, #tpu.memory_space<semaphore_mem>>
      %dma_start3A_306 = arith.constant 0 : i32
      %dma_start3A_307 = tpu.memref_slice %arg14[%add3A_22, %dma_start3A_306] : memref<10240x32xf32, #tpu.memory_space<vmem_shared>> -> memref<64x32xf32, #tpu.memory_space<vmem_shared>>
      %dma_start3A_308 = arith.constant 0 : i32
      %dma_start3A_309 = tpu.memref_slice %arg14[%add3A_22, %dma_start3A_308] : memref<10240x32xf32, #tpu.memory_space<vmem_shared>> -> memref<64x32xf32, #tpu.memory_space<vmem_shared>>
      tpu.enqueue_dma source(%arg11 : memref<64x32xf32, #tpu.memory_space<vmem>>) target(%dma_start3A_309 : memref<64x32xf32, #tpu.memory_space<vmem_shared>>) target_semaphore(%run_scoped3A_305 : memref<!tpu.dma_semaphore, #tpu.memory_space<semaphore_mem>>)
      %dma_wait3A = arith.constant 0 : i32
      %dma_wait3A_310 = tpu.memref_slice %arg14[%add3A_22, %dma_wait3A] : memref<10240x32xf32, #tpu.memory_space<vmem_shared>> -> memref<64x32xf32, #tpu.memory_space<vmem_shared>>
      %dma_wait3A_311 = arith.constant 0 : i32
      %dma_wait3A_312 = tpu.memref_slice %arg14[%add3A_22, %dma_wait3A_311] : memref<10240x32xf32, #tpu.memory_space<vmem_shared>> -> memref<64x32xf32, #tpu.memory_space<vmem_shared>>
      tpu.wait_dma2 semaphore(%run_scoped3A_305 : memref<!tpu.dma_semaphore, #tpu.memory_space<semaphore_mem>>) src(%arg11 : memref<64x32xf32, #tpu.memory_space<vmem>>) dst(%dma_wait3A_312 : memref<64x32xf32, #tpu.memory_space<vmem_shared>>)
      tpu.yield
    }) : () -> ()
    %add3A_23 = arith.constant 64 : i32
    %add3A_24 = arith.addi %mul3A_0, %add3A_23 : i32
    "tpu.region"() ({
      %run_scoped3A_305 = tpu.sem_alloc : memref<!tpu.dma_semaphore, #tpu.memory_space<semaphore_mem>>
      %dma_start3A_306 = arith.constant 0 : i32
      %dma_start3A_307 = tpu.memref_slice %arg14[%add3A_24, %dma_start3A_306] : memref<10240x32xf32, #tpu.memory_space<vmem_shared>> -> memref<64x32xf32, #tpu.memory_space<vmem_shared>>
      %dma_start3A_308 = arith.constant 0 : i32
      %dma_start3A_309 = tpu.memref_slice %arg14[%add3A_24, %dma_start3A_308] : memref<10240x32xf32, #tpu.memory_space<vmem_shared>> -> memref<64x32xf32, #tpu.memory_space<vmem_shared>>
      tpu.enqueue_dma source(%arg11 : memref<64x32xf32, #tpu.memory_space<vmem>>) target(%dma_start3A_309 : memref<64x32xf32, #tpu.memory_space<vmem_shared>>) target_semaphore(%run_scoped3A_305 : memref<!tpu.dma_semaphore, #tpu.memory_space<semaphore_mem>>)
      %dma_wait3A = arith.constant 0 : i32
      %dma_wait3A_310 = tpu.memref_slice %arg14[%add3A_24, %dma_wait3A] : memref<10240x32xf32, #tpu.memory_space<vmem_shared>> -> memref<64x32xf32, #tpu.memory_space<vmem_shared>>
      %dma_wait3A_311 = arith.constant 0 : i32
      %dma_wait3A_312 = tpu.memref_slice %arg14[%add3A_24, %dma_wait3A_311] : memref<10240x32xf32, #tpu.memory_space<vmem_shared>> -> memref<64x32xf32, #tpu.memory_space<vmem_shared>>
      tpu.wait_dma2 semaphore(%run_scoped3A_305 : memref<!tpu.dma_semaphore, #tpu.memory_space<semaphore_mem>>) src(%arg11 : memref<64x32xf32, #tpu.memory_space<vmem>>) dst(%dma_wait3A_312 : memref<64x32xf32, #tpu.memory_space<vmem_shared>>)
      tpu.yield
    }) : () -> ()
    %add3A_25 = arith.constant 128 : i32
    %add3A_26 = arith.addi %mul3A_0, %add3A_25 : i32
    "tpu.region"() ({
      %run_scoped3A_305 = tpu.sem_alloc : memref<!tpu.dma_semaphore, #tpu.memory_space<semaphore_mem>>
      %dma_start3A_306 = arith.constant 0 : i32
      %dma_start3A_307 = tpu.memref_slice %arg14[%add3A_26, %dma_start3A_306] : memref<10240x32xf32, #tpu.memory_space<vmem_shared>> -> memref<64x32xf32, #tpu.memory_space<vmem_shared>>
      %dma_start3A_308 = arith.constant 0 : i32
      %dma_start3A_309 = tpu.memref_slice %arg14[%add3A_26, %dma_start3A_308] : memref<10240x32xf32, #tpu.memory_space<vmem_shared>> -> memref<64x32xf32, #tpu.memory_space<vmem_shared>>
      tpu.enqueue_dma source(%arg11 : memref<64x32xf32, #tpu.memory_space<vmem>>) target(%dma_start3A_309 : memref<64x32xf32, #tpu.memory_space<vmem_shared>>) target_semaphore(%run_scoped3A_305 : memref<!tpu.dma_semaphore, #tpu.memory_space<semaphore_mem>>)
      %dma_wait3A = arith.constant 0 : i32
      %dma_wait3A_310 = tpu.memref_slice %arg14[%add3A_26, %dma_wait3A] : memref<10240x32xf32, #tpu.memory_space<vmem_shared>> -> memref<64x32xf32, #tpu.memory_space<vmem_shared>>
      %dma_wait3A_311 = arith.constant 0 : i32
      %dma_wait3A_312 = tpu.memref_slice %arg14[%add3A_26, %dma_wait3A_311] : memref<10240x32xf32, #tpu.memory_space<vmem_shared>> -> memref<64x32xf32, #tpu.memory_space<vmem_shared>>
      tpu.wait_dma2 semaphore(%run_scoped3A_305 : memref<!tpu.dma_semaphore, #tpu.memory_space<semaphore_mem>>) src(%arg11 : memref<64x32xf32, #tpu.memory_space<vmem>>) dst(%dma_wait3A_312 : memref<64x32xf32, #tpu.memory_space<vmem_shared>>)
      tpu.yield
    }) : () -> ()
    %add3A_27 = arith.constant 192 : i32
    %add3A_28 = arith.addi %mul3A_0, %add3A_27 : i32
    "tpu.region"() ({
      %run_scoped3A_305 = tpu.sem_alloc : memref<!tpu.dma_semaphore, #tpu.memory_space<semaphore_mem>>
      %dma_start3A_306 = arith.constant 0 : i32
      %dma_start3A_307 = tpu.memref_slice %arg14[%add3A_28, %dma_start3A_306] : memref<10240x32xf32, #tpu.memory_space<vmem_shared>> -> memref<64x32xf32, #tpu.memory_space<vmem_shared>>
      %dma_start3A_308 = arith.constant 0 : i32
      %dma_start3A_309 = tpu.memref_slice %arg14[%add3A_28, %dma_start3A_308] : memref<10240x32xf32, #tpu.memory_space<vmem_shared>> -> memref<64x32xf32, #tpu.memory_space<vmem_shared>>
      tpu.enqueue_dma source(%arg11 : memref<64x32xf32, #tpu.memory_space<vmem>>) target(%dma_start3A_309 : memref<64x32xf32, #tpu.memory_space<vmem_shared>>) target_semaphore(%run_scoped3A_305 : memref<!tpu.dma_semaphore, #tpu.memory_space<semaphore_mem>>)
      %dma_wait3A = arith.constant 0 : i32
      %dma_wait3A_310 = tpu.memref_slice %arg14[%add3A_28, %dma_wait3A] : memref<10240x32xf32, #tpu.memory_space<vmem_shared>> -> memref<64x32xf32, #tpu.memory_space<vmem_shared>>
      %dma_wait3A_311 = arith.constant 0 : i32
      %dma_wait3A_312 = tpu.memref_slice %arg14[%add3A_28, %dma_wait3A_311] : memref<10240x32xf32, #tpu.memory_space<vmem_shared>> -> memref<64x32xf32, #tpu.memory_space<vmem_shared>>
      tpu.wait_dma2 semaphore(%run_scoped3A_305 : memref<!tpu.dma_semaphore, #tpu.memory_space<semaphore_mem>>) src(%arg11 : memref<64x32xf32, #tpu.memory_space<vmem>>) dst(%dma_wait3A_312 : memref<64x32xf32, #tpu.memory_space<vmem_shared>>)
      tpu.yield
    }) : () -> ()
    %add3A_29 = arith.constant 256 : i32
    %add3A_30 = arith.addi %mul3A_0, %add3A_29 : i32
    "tpu.region"() ({
      %run_scoped3A_305 = tpu.sem_alloc : memref<!tpu.dma_semaphore, #tpu.memory_space<semaphore_mem>>
      %dma_start3A_306 = arith.constant 0 : i32
      %dma_start3A_307 = tpu.memref_slice %arg14[%add3A_30, %dma_start3A_306] : memref<10240x32xf32, #tpu.memory_space<vmem_shared>> -> memref<64x32xf32, #tpu.memory_space<vmem_shared>>
      %dma_start3A_308 = arith.constant 0 : i32
      %dma_start3A_309 = tpu.memref_slice %arg14[%add3A_30, %dma_start3A_308] : memref<10240x32xf32, #tpu.memory_space<vmem_shared>> -> memref<64x32xf32, #tpu.memory_space<vmem_shared>>
      tpu.enqueue_dma source(%arg11 : memref<64x32xf32, #tpu.memory_space<vmem>>) target(%dma_start3A_309 : memref<64x32xf32, #tpu.memory_space<vmem_shared>>) target_semaphore(%run_scoped3A_305 : memref<!tpu.dma_semaphore, #tpu.memory_space<semaphore_mem>>)
      %dma_wait3A = arith.constant 0 : i32
      %dma_wait3A_310 = tpu.memref_slice %arg14[%add3A_30, %dma_wait3A] : memref<10240x32xf32, #tpu.memory_space<vmem_shared>> -> memref<64x32xf32, #tpu.memory_space<vmem_shared>>
      %dma_wait3A_311 = arith.constant 0 : i32
      %dma_wait3A_312 = tpu.memref_slice %arg14[%add3A_30, %dma_wait3A_311] : memref<10240x32xf32, #tpu.memory_space<vmem_shared>> -> memref<64x32xf32, #tpu.memory_space<vmem_shared>>
      tpu.wait_dma2 semaphore(%run_scoped3A_305 : memref<!tpu.dma_semaphore, #tpu.memory_space<semaphore_mem>>) src(%arg11 : memref<64x32xf32, #tpu.memory_space<vmem>>) dst(%dma_wait3A_312 : memref<64x32xf32, #tpu.memory_space<vmem_shared>>)
      tpu.yield
    }) : () -> ()
    %add3A_31 = arith.constant 320 : i32
    %add3A_32 = arith.addi %mul3A_0, %add3A_31 : i32
    "tpu.region"() ({
      %run_scoped3A_305 = tpu.sem_alloc : memref<!tpu.dma_semaphore, #tpu.memory_space<semaphore_mem>>
      %dma_start3A_306 = arith.constant 0 : i32
      %dma_start3A_307 = tpu.memref_slice %arg14[%add3A_32, %dma_start3A_306] : memref<10240x32xf32, #tpu.memory_space<vmem_shared>> -> memref<64x32xf32, #tpu.memory_space<vmem_shared>>
      %dma_start3A_308 = arith.constant 0 : i32
      %dma_start3A_309 = tpu.memref_slice %arg14[%add3A_32, %dma_start3A_308] : memref<10240x32xf32, #tpu.memory_space<vmem_shared>> -> memref<64x32xf32, #tpu.memory_space<vmem_shared>>
      tpu.enqueue_dma source(%arg11 : memref<64x32xf32, #tpu.memory_space<vmem>>) target(%dma_start3A_309 : memref<64x32xf32, #tpu.memory_space<vmem_shared>>) target_semaphore(%run_scoped3A_305 : memref<!tpu.dma_semaphore, #tpu.memory_space<semaphore_mem>>)
      %dma_wait3A = arith.constant 0 : i32
      %dma_wait3A_310 = tpu.memref_slice %arg14[%add3A_32, %dma_wait3A] : memref<10240x32xf32, #tpu.memory_space<vmem_shared>> -> memref<64x32xf32, #tpu.memory_space<vmem_shared>>
      %dma_wait3A_311 = arith.constant 0 : i32
      %dma_wait3A_312 = tpu.memref_slice %arg14[%add3A_32, %dma_wait3A_311] : memref<10240x32xf32, #tpu.memory_space<vmem_shared>> -> memref<64x32xf32, #tpu.memory_space<vmem_shared>>
      tpu.wait_dma2 semaphore(%run_scoped3A_305 : memref<!tpu.dma_semaphore, #tpu.memory_space<semaphore_mem>>) src(%arg11 : memref<64x32xf32, #tpu.memory_space<vmem>>) dst(%dma_wait3A_312 : memref<64x32xf32, #tpu.memory_space<vmem_shared>>)
      tpu.yield
    }) : () -> ()
    %add3A_33 = arith.constant 384 : i32
    %add3A_34 = arith.addi %mul3A_0, %add3A_33 : i32
    "tpu.region"() ({
      %run_scoped3A_305 = tpu.sem_alloc : memref<!tpu.dma_semaphore, #tpu.memory_space<semaphore_mem>>
      %dma_start3A_306 = arith.constant 0 : i32
      %dma_start3A_307 = tpu.memref_slice %arg14[%add3A_34, %dma_start3A_306] : memref<10240x32xf32, #tpu.memory_space<vmem_shared>> -> memref<64x32xf32, #tpu.memory_space<vmem_shared>>
      %dma_start3A_308 = arith.constant 0 : i32
      %dma_start3A_309 = tpu.memref_slice %arg14[%add3A_34, %dma_start3A_308] : memref<10240x32xf32, #tpu.memory_space<vmem_shared>> -> memref<64x32xf32, #tpu.memory_space<vmem_shared>>
      tpu.enqueue_dma source(%arg11 : memref<64x32xf32, #tpu.memory_space<vmem>>) target(%dma_start3A_309 : memref<64x32xf32, #tpu.memory_space<vmem_shared>>) target_semaphore(%run_scoped3A_305 : memref<!tpu.dma_semaphore, #tpu.memory_space<semaphore_mem>>)
      %dma_wait3A = arith.constant 0 : i32
      %dma_wait3A_310 = tpu.memref_slice %arg14[%add3A_34, %dma_wait3A] : memref<10240x32xf32, #tpu.memory_space<vmem_shared>> -> memref<64x32xf32, #tpu.memory_space<vmem_shared>>
      %dma_wait3A_311 = arith.constant 0 : i32
      %dma_wait3A_312 = tpu.memref_slice %arg14[%add3A_34, %dma_wait3A_311] : memref<10240x32xf32, #tpu.memory_space<vmem_shared>> -> memref<64x32xf32, #tpu.memory_space<vmem_shared>>
      tpu.wait_dma2 semaphore(%run_scoped3A_305 : memref<!tpu.dma_semaphore, #tpu.memory_space<semaphore_mem>>) src(%arg11 : memref<64x32xf32, #tpu.memory_space<vmem>>) dst(%dma_wait3A_312 : memref<64x32xf32, #tpu.memory_space<vmem_shared>>)
      tpu.yield
    }) : () -> ()
    %add3A_35 = arith.constant 448 : i32
    %add3A_36 = arith.addi %mul3A_0, %add3A_35 : i32
    "tpu.region"() ({
      %run_scoped3A_305 = tpu.sem_alloc : memref<!tpu.dma_semaphore, #tpu.memory_space<semaphore_mem>>
      %dma_start3A_306 = arith.constant 0 : i32
      %dma_start3A_307 = tpu.memref_slice %arg14[%add3A_36, %dma_start3A_306] : memref<10240x32xf32, #tpu.memory_space<vmem_shared>> -> memref<64x32xf32, #tpu.memory_space<vmem_shared>>
      %dma_start3A_308 = arith.constant 0 : i32
      %dma_start3A_309 = tpu.memref_slice %arg14[%add3A_36, %dma_start3A_308] : memref<10240x32xf32, #tpu.memory_space<vmem_shared>> -> memref<64x32xf32, #tpu.memory_space<vmem_shared>>
      tpu.enqueue_dma source(%arg11 : memref<64x32xf32, #tpu.memory_space<vmem>>) target(%dma_start3A_309 : memref<64x32xf32, #tpu.memory_space<vmem_shared>>) target_semaphore(%run_scoped3A_305 : memref<!tpu.dma_semaphore, #tpu.memory_space<semaphore_mem>>)
      %dma_wait3A = arith.constant 0 : i32
      %dma_wait3A_310 = tpu.memref_slice %arg14[%add3A_36, %dma_wait3A] : memref<10240x32xf32, #tpu.memory_space<vmem_shared>> -> memref<64x32xf32, #tpu.memory_space<vmem_shared>>
      %dma_wait3A_311 = arith.constant 0 : i32
      %dma_wait3A_312 = tpu.memref_slice %arg14[%add3A_36, %dma_wait3A_311] : memref<10240x32xf32, #tpu.memory_space<vmem_shared>> -> memref<64x32xf32, #tpu.memory_space<vmem_shared>>
      tpu.wait_dma2 semaphore(%run_scoped3A_305 : memref<!tpu.dma_semaphore, #tpu.memory_space<semaphore_mem>>) src(%arg11 : memref<64x32xf32, #tpu.memory_space<vmem>>) dst(%dma_wait3A_312 : memref<64x32xf32, #tpu.memory_space<vmem_shared>>)
      tpu.yield
    }) : () -> ()
    %add3A_37 = arith.constant 512 : i32
    %add3A_38 = arith.addi %mul3A_0, %add3A_37 : i32
    "tpu.region"() ({
      %run_scoped3A_305 = tpu.sem_alloc : memref<!tpu.dma_semaphore, #tpu.memory_space<semaphore_mem>>
      %dma_start3A_306 = arith.constant 0 : i32
      %dma_start3A_307 = tpu.memref_slice %arg14[%add3A_38, %dma_start3A_306] : memref<10240x32xf32, #tpu.memory_space<vmem_shared>> -> memref<64x32xf32, #tpu.memory_space<vmem_shared>>
      %dma_start3A_308 = arith.constant 0 : i32
      %dma_start3A_309 = tpu.memref_slice %arg14[%add3A_38, %dma_start3A_308] : memref<10240x32xf32, #tpu.memory_space<vmem_shared>> -> memref<64x32xf32, #tpu.memory_space<vmem_shared>>
      tpu.enqueue_dma source(%arg11 : memref<64x32xf32, #tpu.memory_space<vmem>>) target(%dma_start3A_309 : memref<64x32xf32, #tpu.memory_space<vmem_shared>>) target_semaphore(%run_scoped3A_305 : memref<!tpu.dma_semaphore, #tpu.memory_space<semaphore_mem>>)
      %dma_wait3A = arith.constant 0 : i32
      %dma_wait3A_310 = tpu.memref_slice %arg14[%add3A_38, %dma_wait3A] : memref<10240x32xf32, #tpu.memory_space<vmem_shared>> -> memref<64x32xf32, #tpu.memory_space<vmem_shared>>
      %dma_wait3A_311 = arith.constant 0 : i32
      %dma_wait3A_312 = tpu.memref_slice %arg14[%add3A_38, %dma_wait3A_311] : memref<10240x32xf32, #tpu.memory_space<vmem_shared>> -> memref<64x32xf32, #tpu.memory_space<vmem_shared>>
      tpu.wait_dma2 semaphore(%run_scoped3A_305 : memref<!tpu.dma_semaphore, #tpu.memory_space<semaphore_mem>>) src(%arg11 : memref<64x32xf32, #tpu.memory_space<vmem>>) dst(%dma_wait3A_312 : memref<64x32xf32, #tpu.memory_space<vmem_shared>>)
      tpu.yield
    }) : () -> ()
    %add3A_39 = arith.constant 576 : i32
    %add3A_40 = arith.addi %mul3A_0, %add3A_39 : i32
    "tpu.region"() ({
      %run_scoped3A_305 = tpu.sem_alloc : memref<!tpu.dma_semaphore, #tpu.memory_space<semaphore_mem>>
      %dma_start3A_306 = arith.constant 0 : i32
      %dma_start3A_307 = tpu.memref_slice %arg14[%add3A_40, %dma_start3A_306] : memref<10240x32xf32, #tpu.memory_space<vmem_shared>> -> memref<64x32xf32, #tpu.memory_space<vmem_shared>>
      %dma_start3A_308 = arith.constant 0 : i32
      %dma_start3A_309 = tpu.memref_slice %arg14[%add3A_40, %dma_start3A_308] : memref<10240x32xf32, #tpu.memory_space<vmem_shared>> -> memref<64x32xf32, #tpu.memory_space<vmem_shared>>
      tpu.enqueue_dma source(%arg11 : memref<64x32xf32, #tpu.memory_space<vmem>>) target(%dma_start3A_309 : memref<64x32xf32, #tpu.memory_space<vmem_shared>>) target_semaphore(%run_scoped3A_305 : memref<!tpu.dma_semaphore, #tpu.memory_space<semaphore_mem>>)
      %dma_wait3A = arith.constant 0 : i32
      %dma_wait3A_310 = tpu.memref_slice %arg14[%add3A_40, %dma_wait3A] : memref<10240x32xf32, #tpu.memory_space<vmem_shared>> -> memref<64x32xf32, #tpu.memory_space<vmem_shared>>
      %dma_wait3A_311 = arith.constant 0 : i32
      %dma_wait3A_312 = tpu.memref_slice %arg14[%add3A_40, %dma_wait3A_311] : memref<10240x32xf32, #tpu.memory_space<vmem_shared>> -> memref<64x32xf32, #tpu.memory_space<vmem_shared>>
      tpu.wait_dma2 semaphore(%run_scoped3A_305 : memref<!tpu.dma_semaphore, #tpu.memory_space<semaphore_mem>>) src(%arg11 : memref<64x32xf32, #tpu.memory_space<vmem>>) dst(%dma_wait3A_312 : memref<64x32xf32, #tpu.memory_space<vmem_shared>>)
      tpu.yield
    }) : () -> ()
    "tpu.region"() ({
      %run_scoped3A_305 = tpu.sem_alloc : memref<!tpu.dma_semaphore, #tpu.memory_space<semaphore_mem>>
      %dma_start3A_306 = tpu.memref_slice %arg15[%mul3A_0] : memref<10240xf32, #tpu.memory_space<vmem_shared>> -> memref<640xf32, #tpu.memory_space<vmem_shared>>
      %dma_start3A_307 = tpu.memref_slice %arg15[%mul3A_0] : memref<10240xf32, #tpu.memory_space<vmem_shared>> -> memref<640xf32, #tpu.memory_space<vmem_shared>>
      tpu.enqueue_dma source(%arg12 : memref<640xf32, #tpu.memory_space<vmem>>) target(%dma_start3A_307 : memref<640xf32, #tpu.memory_space<vmem_shared>>) target_semaphore(%run_scoped3A_305 : memref<!tpu.dma_semaphore, #tpu.memory_space<semaphore_mem>>)
      %dma_wait3A = tpu.memref_slice %arg15[%mul3A_0] : memref<10240xf32, #tpu.memory_space<vmem_shared>> -> memref<640xf32, #tpu.memory_space<vmem_shared>>
      %dma_wait3A_308 = tpu.memref_slice %arg15[%mul3A_0] : memref<10240xf32, #tpu.memory_space<vmem_shared>> -> memref<640xf32, #tpu.memory_space<vmem_shared>>
      tpu.wait_dma2 semaphore(%run_scoped3A_305 : memref<!tpu.dma_semaphore, #tpu.memory_space<semaphore_mem>>) src(%arg12 : memref<640xf32, #tpu.memory_space<vmem>>) dst(%dma_wait3A_308 : memref<640xf32, #tpu.memory_space<vmem_shared>>)
      tpu.yield
    }) : () -> ()
    %barrier3A = arith.constant 0 : index
    tpu.barrier barrier_id(%barrier3A)
    %scan3A_41 = arith.constant 0 : i32
    %scan3A_42 = arith.constant 0 : i32
    %scan3A_43 = arith.constant 50 : i32
    %scan3A_44 = arith.addi %scan3A_42, %scan3A_43 : i32
    %scan3A_45 = arith.constant 1 : i32
    %scan3A_46 = scf.for %scan3A_305 = %scan3A_42 to %scan3A_44 step %scan3A_45 iter_args(%scan3A_306 = %scan3A_41) -> (i32)  : i32 {
      %mul3A_307 = arith.constant 5 : i32
      %mul3A_308 = arith.muli %scan3A_305, %mul3A_307 : i32
      %add3A_309 = arith.constant 0 : i32
      %add3A_310 = arith.addi %mul3A_308, %add3A_309 : i32
      %mul3A_311 = arith.constant 80 : i32
      %mul3A_312 = arith.muli %add3A_310, %mul3A_311 : i32
      %dma_start3A_313 = tpu.memref_slice %arg9[%mul3A_312] : memref<20000xf32, #tpu.memory_space<vmem>> -> memref<80xf32, #tpu.memory_space<vmem>>
      %dma_start3A_314 = arith.constant 0 : i32
      %dma_start3A_315 = tpu.memref_slice %arg8[%add3A_310, %dma_start3A_314] : memref<250x80xi32, #tpu.memory_space<vmem>> -> memref<1x80xi32, #tpu.memory_space<vmem>>
      %dma_start3A_316 = tpu.memref_squeeze %dma_start3A_315 : memref<1x80xi32, #tpu.memory_space<vmem>> -> memref<80xi32, #tpu.memory_space<vmem>>
      %dma_start3A_317 = arith.constant 0 : i32
      %dma_start3A_318 = tpu.memref_slice %arg15[%dma_start3A_317] : memref<10240xf32, #tpu.memory_space<vmem_shared>> -> memref<10240xf32, #tpu.memory_space<vmem_shared>>
      tpu.enqueue_indirect_dma source(%dma_start3A_313 : memref<80xf32, #tpu.memory_space<vmem>>) target(%dma_start3A_318 : memref<10240xf32, #tpu.memory_space<vmem_shared>>) offsets(%dma_start3A_316 : memref<80xi32, #tpu.memory_space<vmem>>) semaphore(%arg18 : memref<!tpu.dma_semaphore, #tpu.memory_space<semaphore_mem>>) {add = true}
      %mul3A_319 = arith.constant 5 : i32
      %mul3A_320 = arith.muli %scan3A_305, %mul3A_319 : i32
      %add3A_321 = arith.constant 1 : i32
      %add3A_322 = arith.addi %mul3A_320, %add3A_321 : i32
      %mul3A_323 = arith.constant 80 : i32
      %mul3A_324 = arith.muli %add3A_322, %mul3A_323 : i32
      %dma_start3A_325 = tpu.memref_slice %arg9[%mul3A_324] : memref<20000xf32, #tpu.memory_space<vmem>> -> memref<80xf32, #tpu.memory_space<vmem>>
      %dma_start3A_326 = arith.constant 0 : i32
      %dma_start3A_327 = tpu.memref_slice %arg8[%add3A_322, %dma_start3A_326] : memref<250x80xi32, #tpu.memory_space<vmem>> -> memref<1x80xi32, #tpu.memory_space<vmem>>
      %dma_start3A_328 = tpu.memref_squeeze %dma_start3A_327 : memref<1x80xi32, #tpu.memory_space<vmem>> -> memref<80xi32, #tpu.memory_space<vmem>>
      %dma_start3A_329 = arith.constant 0 : i32
      %dma_start3A_330 = tpu.memref_slice %arg15[%dma_start3A_329] : memref<10240xf32, #tpu.memory_space<vmem_shared>> -> memref<10240xf32, #tpu.memory_space<vmem_shared>>
      tpu.enqueue_indirect_dma source(%dma_start3A_325 : memref<80xf32, #tpu.memory_space<vmem>>) target(%dma_start3A_330 : memref<10240xf32, #tpu.memory_space<vmem_shared>>) offsets(%dma_start3A_328 : memref<80xi32, #tpu.memory_space<vmem>>) semaphore(%arg18 : memref<!tpu.dma_semaphore, #tpu.memory_space<semaphore_mem>>) {add = true}
      %mul3A_331 = arith.constant 5 : i32
      %mul3A_332 = arith.muli %scan3A_305, %mul3A_331 : i32
      %add3A_333 = arith.constant 2 : i32
      %add3A_334 = arith.addi %mul3A_332, %add3A_333 : i32
      %mul3A_335 = arith.constant 80 : i32
      %mul3A_336 = arith.muli %add3A_334, %mul3A_335 : i32
      %dma_start3A_337 = tpu.memref_slice %arg9[%mul3A_336] : memref<20000xf32, #tpu.memory_space<vmem>> -> memref<80xf32, #tpu.memory_space<vmem>>
      %dma_start3A_338 = arith.constant 0 : i32
      %dma_start3A_339 = tpu.memref_slice %arg8[%add3A_334, %dma_start3A_338] : memref<250x80xi32, #tpu.memory_space<vmem>> -> memref<1x80xi32, #tpu.memory_space<vmem>>
      %dma_start3A_340 = tpu.memref_squeeze %dma_start3A_339 : memref<1x80xi32, #tpu.memory_space<vmem>> -> memref<80xi32, #tpu.memory_space<vmem>>
      %dma_start3A_341 = arith.constant 0 : i32
      %dma_start3A_342 = tpu.memref_slice %arg15[%dma_start3A_341] : memref<10240xf32, #tpu.memory_space<vmem_shared>> -> memref<10240xf32, #tpu.memory_space<vmem_shared>>
      tpu.enqueue_indirect_dma source(%dma_start3A_337 : memref<80xf32, #tpu.memory_space<vmem>>) target(%dma_start3A_342 : memref<10240xf32, #tpu.memory_space<vmem_shared>>) offsets(%dma_start3A_340 : memref<80xi32, #tpu.memory_space<vmem>>) semaphore(%arg18 : memref<!tpu.dma_semaphore, #tpu.memory_space<semaphore_mem>>) {add = true}
      %mul3A_343 = arith.constant 5 : i32
      %mul3A_344 = arith.muli %scan3A_305, %mul3A_343 : i32
      %add3A_345 = arith.constant 3 : i32
      %add3A_346 = arith.addi %mul3A_344, %add3A_345 : i32
      %mul3A_347 = arith.constant 80 : i32
      %mul3A_348 = arith.muli %add3A_346, %mul3A_347 : i32
      %dma_start3A_349 = tpu.memref_slice %arg9[%mul3A_348] : memref<20000xf32, #tpu.memory_space<vmem>> -> memref<80xf32, #tpu.memory_space<vmem>>
      %dma_start3A_350 = arith.constant 0 : i32
      %dma_start3A_351 = tpu.memref_slice %arg8[%add3A_346, %dma_start3A_350] : memref<250x80xi32, #tpu.memory_space<vmem>> -> memref<1x80xi32, #tpu.memory_space<vmem>>
      %dma_start3A_352 = tpu.memref_squeeze %dma_start3A_351 : memref<1x80xi32, #tpu.memory_space<vmem>> -> memref<80xi32, #tpu.memory_space<vmem>>
      %dma_start3A_353 = arith.constant 0 : i32
      %dma_start3A_354 = tpu.memref_slice %arg15[%dma_start3A_353] : memref<10240xf32, #tpu.memory_space<vmem_shared>> -> memref<10240xf32, #tpu.memory_space<vmem_shared>>
      tpu.enqueue_indirect_dma source(%dma_start3A_349 : memref<80xf32, #tpu.memory_space<vmem>>) target(%dma_start3A_354 : memref<10240xf32, #tpu.memory_space<vmem_shared>>) offsets(%dma_start3A_352 : memref<80xi32, #tpu.memory_space<vmem>>) semaphore(%arg18 : memref<!tpu.dma_semaphore, #tpu.memory_space<semaphore_mem>>) {add = true}
      %mul3A_355 = arith.constant 5 : i32
      %mul3A_356 = arith.muli %scan3A_305, %mul3A_355 : i32
      %add3A_357 = arith.constant 4 : i32
      %add3A_358 = arith.addi %mul3A_356, %add3A_357 : i32
      %mul3A_359 = arith.constant 80 : i32
      %mul3A_360 = arith.muli %add3A_358, %mul3A_359 : i32
      %dma_start3A_361 = tpu.memref_slice %arg9[%mul3A_360] : memref<20000xf32, #tpu.memory_space<vmem>> -> memref<80xf32, #tpu.memory_space<vmem>>
      %dma_start3A_362 = arith.constant 0 : i32
      %dma_start3A_363 = tpu.memref_slice %arg8[%add3A_358, %dma_start3A_362] : memref<250x80xi32, #tpu.memory_space<vmem>> -> memref<1x80xi32, #tpu.memory_space<vmem>>
      %dma_start3A_364 = tpu.memref_squeeze %dma_start3A_363 : memref<1x80xi32, #tpu.memory_space<vmem>> -> memref<80xi32, #tpu.memory_space<vmem>>
      %dma_start3A_365 = arith.constant 0 : i32
      %dma_start3A_366 = tpu.memref_slice %arg15[%dma_start3A_365] : memref<10240xf32, #tpu.memory_space<vmem_shared>> -> memref<10240xf32, #tpu.memory_space<vmem_shared>>
      tpu.enqueue_indirect_dma source(%dma_start3A_361 : memref<80xf32, #tpu.memory_space<vmem>>) target(%dma_start3A_366 : memref<10240xf32, #tpu.memory_space<vmem_shared>>) offsets(%dma_start3A_364 : memref<80xi32, #tpu.memory_space<vmem>>) semaphore(%arg18 : memref<!tpu.dma_semaphore, #tpu.memory_space<semaphore_mem>>) {add = true}
      %dma_wait3A = tpu.memref_slice %arg9[%mul3A_312] : memref<20000xf32, #tpu.memory_space<vmem>> -> memref<80xf32, #tpu.memory_space<vmem>>
      %dma_wait3A_367 = arith.constant 0 : i32
      %dma_wait3A_368 = tpu.memref_slice %arg8[%add3A_310, %dma_wait3A_367] : memref<250x80xi32, #tpu.memory_space<vmem>> -> memref<1x80xi32, #tpu.memory_space<vmem>>
      %dma_wait3A_369 = tpu.memref_squeeze %dma_wait3A_368 : memref<1x80xi32, #tpu.memory_space<vmem>> -> memref<80xi32, #tpu.memory_space<vmem>>
      %dma_wait3A_370 = arith.constant 0 : i32
      %dma_wait3A_371 = tpu.memref_slice %arg15[%dma_wait3A_370] : memref<10240xf32, #tpu.memory_space<vmem_shared>> -> memref<10240xf32, #tpu.memory_space<vmem_shared>>
      tpu.wait_indirect_dma semaphore(%arg18 : memref<!tpu.dma_semaphore, #tpu.memory_space<semaphore_mem>>) src(%dma_wait3A : memref<80xf32, #tpu.memory_space<vmem>>) dst(%dma_wait3A_371 : memref<10240xf32, #tpu.memory_space<vmem_shared>>)
      %dma_wait3A_372 = tpu.memref_slice %arg9[%mul3A_324] : memref<20000xf32, #tpu.memory_space<vmem>> -> memref<80xf32, #tpu.memory_space<vmem>>
      %dma_wait3A_373 = arith.constant 0 : i32
      %dma_wait3A_374 = tpu.memref_slice %arg8[%add3A_322, %dma_wait3A_373] : memref<250x80xi32, #tpu.memory_space<vmem>> -> memref<1x80xi32, #tpu.memory_space<vmem>>
      %dma_wait3A_375 = tpu.memref_squeeze %dma_wait3A_374 : memref<1x80xi32, #tpu.memory_space<vmem>> -> memref<80xi32, #tpu.memory_space<vmem>>
      %dma_wait3A_376 = arith.constant 0 : i32
      %dma_wait3A_377 = tpu.memref_slice %arg15[%dma_wait3A_376] : memref<10240xf32, #tpu.memory_space<vmem_shared>> -> memref<10240xf32, #tpu.memory_space<vmem_shared>>
      tpu.wait_indirect_dma semaphore(%arg18 : memref<!tpu.dma_semaphore, #tpu.memory_space<semaphore_mem>>) src(%dma_wait3A_372 : memref<80xf32, #tpu.memory_space<vmem>>) dst(%dma_wait3A_377 : memref<10240xf32, #tpu.memory_space<vmem_shared>>)
      %dma_wait3A_378 = tpu.memref_slice %arg9[%mul3A_336] : memref<20000xf32, #tpu.memory_space<vmem>> -> memref<80xf32, #tpu.memory_space<vmem>>
      %dma_wait3A_379 = arith.constant 0 : i32
      %dma_wait3A_380 = tpu.memref_slice %arg8[%add3A_334, %dma_wait3A_379] : memref<250x80xi32, #tpu.memory_space<vmem>> -> memref<1x80xi32, #tpu.memory_space<vmem>>
      %dma_wait3A_381 = tpu.memref_squeeze %dma_wait3A_380 : memref<1x80xi32, #tpu.memory_space<vmem>> -> memref<80xi32, #tpu.memory_space<vmem>>
      %dma_wait3A_382 = arith.constant 0 : i32
      %dma_wait3A_383 = tpu.memref_slice %arg15[%dma_wait3A_382] : memref<10240xf32, #tpu.memory_space<vmem_shared>> -> memref<10240xf32, #tpu.memory_space<vmem_shared>>
      tpu.wait_indirect_dma semaphore(%arg18 : memref<!tpu.dma_semaphore, #tpu.memory_space<semaphore_mem>>) src(%dma_wait3A_378 : memref<80xf32, #tpu.memory_space<vmem>>) dst(%dma_wait3A_383 : memref<10240xf32, #tpu.memory_space<vmem_shared>>)
      %dma_wait3A_384 = tpu.memref_slice %arg9[%mul3A_348] : memref<20000xf32, #tpu.memory_space<vmem>> -> memref<80xf32, #tpu.memory_space<vmem>>
      %dma_wait3A_385 = arith.constant 0 : i32
      %dma_wait3A_386 = tpu.memref_slice %arg8[%add3A_346, %dma_wait3A_385] : memref<250x80xi32, #tpu.memory_space<vmem>> -> memref<1x80xi32, #tpu.memory_space<vmem>>
      %dma_wait3A_387 = tpu.memref_squeeze %dma_wait3A_386 : memref<1x80xi32, #tpu.memory_space<vmem>> -> memref<80xi32, #tpu.memory_space<vmem>>
      %dma_wait3A_388 = arith.constant 0 : i32
      %dma_wait3A_389 = tpu.memref_slice %arg15[%dma_wait3A_388] : memref<10240xf32, #tpu.memory_space<vmem_shared>> -> memref<10240xf32, #tpu.memory_space<vmem_shared>>
      tpu.wait_indirect_dma semaphore(%arg18 : memref<!tpu.dma_semaphore, #tpu.memory_space<semaphore_mem>>) src(%dma_wait3A_384 : memref<80xf32, #tpu.memory_space<vmem>>) dst(%dma_wait3A_389 : memref<10240xf32, #tpu.memory_space<vmem_shared>>)
      %dma_wait3A_390 = tpu.memref_slice %arg9[%mul3A_360] : memref<20000xf32, #tpu.memory_space<vmem>> -> memref<80xf32, #tpu.memory_space<vmem>>
      %dma_wait3A_391 = arith.constant 0 : i32
      %dma_wait3A_392 = tpu.memref_slice %arg8[%add3A_358, %dma_wait3A_391] : memref<250x80xi32, #tpu.memory_space<vmem>> -> memref<1x80xi32, #tpu.memory_space<vmem>>
      %dma_wait3A_393 = tpu.memref_squeeze %dma_wait3A_392 : memref<1x80xi32, #tpu.memory_space<vmem>> -> memref<80xi32, #tpu.memory_space<vmem>>
      %dma_wait3A_394 = arith.constant 0 : i32
      %dma_wait3A_395 = tpu.memref_slice %arg15[%dma_wait3A_394] : memref<10240xf32, #tpu.memory_space<vmem_shared>> -> memref<10240xf32, #tpu.memory_space<vmem_shared>>
      tpu.wait_indirect_dma semaphore(%arg18 : memref<!tpu.dma_semaphore, #tpu.memory_space<semaphore_mem>>) src(%dma_wait3A_390 : memref<80xf32, #tpu.memory_space<vmem>>) dst(%dma_wait3A_395 : memref<10240xf32, #tpu.memory_space<vmem_shared>>)
      %scan3A_396 = arith.constant 0 : i32
      scf.yield %scan3A_396 : i32
    }
    %scan3A_47 = arith.constant 50 : i32
    %barrier3A_48 = arith.constant 0 : index
    tpu.barrier barrier_id(%barrier3A_48)
    "tpu.region"() ({
      %run_scoped3A_305 = tpu.sem_alloc : memref<!tpu.dma_semaphore, #tpu.memory_space<semaphore_mem>>
      %dma_start3A_306 = tpu.memref_slice %arg15[%mul3A_0] : memref<10240xf32, #tpu.memory_space<vmem_shared>> -> memref<640xf32, #tpu.memory_space<vmem_shared>>
      %dma_start3A_307 = tpu.memref_slice %arg15[%mul3A_0] : memref<10240xf32, #tpu.memory_space<vmem_shared>> -> memref<640xf32, #tpu.memory_space<vmem_shared>>
      tpu.enqueue_dma source(%dma_start3A_307 : memref<640xf32, #tpu.memory_space<vmem_shared>>) target(%arg12 : memref<640xf32, #tpu.memory_space<vmem>>) target_semaphore(%run_scoped3A_305 : memref<!tpu.dma_semaphore, #tpu.memory_space<semaphore_mem>>)
      %dma_wait3A = tpu.memref_slice %arg15[%mul3A_0] : memref<10240xf32, #tpu.memory_space<vmem_shared>> -> memref<640xf32, #tpu.memory_space<vmem_shared>>
      %dma_wait3A_308 = tpu.memref_slice %arg15[%mul3A_0] : memref<10240xf32, #tpu.memory_space<vmem_shared>> -> memref<640xf32, #tpu.memory_space<vmem_shared>>
      tpu.wait_dma2 semaphore(%run_scoped3A_305 : memref<!tpu.dma_semaphore, #tpu.memory_space<semaphore_mem>>) src(%dma_wait3A_308 : memref<640xf32, #tpu.memory_space<vmem_shared>>) dst(%arg12 : memref<640xf32, #tpu.memory_space<vmem>>)
      tpu.yield
    }) : () -> ()
    %scan3A_49 = arith.constant 0 : i32
    %scan3A_50 = arith.constant 0 : i32
    %scan3A_51 = arith.constant 40 : i32
    %scan3A_52 = arith.addi %scan3A_50, %scan3A_51 : i32
    %scan3A_53 = arith.constant 1 : i32
    %scan3A_54 = scf.for %scan3A_305 = %scan3A_50 to %scan3A_52 step %scan3A_53 iter_args(%scan3A_306 = %scan3A_49) -> (i32)  : i32 {
      %mul3A_307 = arith.constant 16 : i32
      %mul3A_308 = arith.muli %scan3A_305, %mul3A_307 : i32
      %get3A = arith.index_cast %mul3A_308 : i32 to index
      %get3A_309 = tpu.vector_load %arg12[%get3A] {strides = array<i32>} : memref<640xf32, #tpu.memory_space<vmem>>, vector<16xf32>,
      %bitcast_convert_type3A = tpu.bitcast %get3A_309 : vector<16xf32> -> vector<16xi32>
      %broadcast_in_dim3A_310 = arith.constant 1597463007 : i32
      %broadcast_in_dim3A_311 = vector.broadcast %broadcast_in_dim3A_310 : i32 to vector<16xi32>
      %shift_right_logical3A = arith.constant 1 : i32
      %shift_right_logical3A_312 = vector.broadcast %shift_right_logical3A : i32 to vector<16xi32>
      %shift_right_logical3A_313 = arith.shrui %bitcast_convert_type3A, %shift_right_logical3A_312 : vector<16xi32>
      %sub3A = arith.subi %broadcast_in_dim3A_311, %shift_right_logical3A_313 : vector<16xi32>
      %bitcast_convert_type3A_314 = tpu.bitcast %sub3A : vector<16xi32> -> vector<16xf32>
      %mul3A_315 = arith.constant 5.000000e-01 : f32
      %mul3A_316 = vector.broadcast %mul3A_315 : f32 to vector<16xf32>
      %mul3A_317 = arith.mulf %get3A_309, %mul3A_316 : vector<16xf32>
      %mul3A_318 = arith.mulf %mul3A_317, %bitcast_convert_type3A_314 : vector<16xf32>
      %mul3A_319 = arith.mulf %mul3A_318, %bitcast_convert_type3A_314 : vector<16xf32>
      %sub3A_320 = arith.constant 1.500000e+00 : f32
      %sub3A_321 = vector.broadcast %sub3A_320 : f32 to vector<16xf32>
      %sub3A_322 = arith.subf %sub3A_321, %mul3A_319 : vector<16xf32>
      %mul3A_323 = arith.mulf %bitcast_convert_type3A_314, %sub3A_322 : vector<16xf32>
      %mul3A_324 = arith.mulf %mul3A_317, %mul3A_323 : vector<16xf32>
      %mul3A_325 = arith.mulf %mul3A_324, %mul3A_323 : vector<16xf32>
      %sub3A_326 = arith.constant 1.500000e+00 : f32
      %sub3A_327 = vector.broadcast %sub3A_326 : f32 to vector<16xf32>
      %sub3A_328 = arith.subf %sub3A_327, %mul3A_325 : vector<16xf32>
      %mul3A_329 = arith.mulf %mul3A_323, %sub3A_328 : vector<16xf32>
      %mul3A_330 = arith.mulf %mul3A_317, %mul3A_329 : vector<16xf32>
      %mul3A_331 = arith.mulf %mul3A_330, %mul3A_329 : vector<16xf32>
      %sub3A_332 = arith.constant 1.500000e+00 : f32
      %sub3A_333 = vector.broadcast %sub3A_332 : f32 to vector<16xf32>
      %sub3A_334 = arith.subf %sub3A_333, %mul3A_331 : vector<16xf32>
      %mul3A_335 = arith.mulf %mul3A_329, %sub3A_334 : vector<16xf32>
      %swap3A = arith.index_cast %mul3A_308 : i32 to index
      %swap3A_336 = tpu.vector_load %arg12[%swap3A] {strides = array<i32>} : memref<640xf32, #tpu.memory_space<vmem>>, vector<16xf32>,
      tpu.vector_store %arg12[%swap3A], %mul3A_335 {strides = array<i32>} : memref<640xf32, #tpu.memory_space<vmem>>, vector<16xf32>,
      %scan3A_337 = arith.constant 0 : i32
      scf.yield %scan3A_337 : i32
    }
    %scan3A_55 = arith.constant 40 : i32
    "tpu.region"() ({
      %run_scoped3A_305 = tpu.sem_alloc : memref<!tpu.dma_semaphore, #tpu.memory_space<semaphore_mem>>
      %dma_start3A_306 = tpu.memref_slice %arg15[%mul3A_0] : memref<10240xf32, #tpu.memory_space<vmem_shared>> -> memref<640xf32, #tpu.memory_space<vmem_shared>>
      %dma_start3A_307 = tpu.memref_slice %arg15[%mul3A_0] : memref<10240xf32, #tpu.memory_space<vmem_shared>> -> memref<640xf32, #tpu.memory_space<vmem_shared>>
      tpu.enqueue_dma source(%arg12 : memref<640xf32, #tpu.memory_space<vmem>>) target(%dma_start3A_307 : memref<640xf32, #tpu.memory_space<vmem_shared>>) target_semaphore(%run_scoped3A_305 : memref<!tpu.dma_semaphore, #tpu.memory_space<semaphore_mem>>)
      %dma_wait3A = tpu.memref_slice %arg15[%mul3A_0] : memref<10240xf32, #tpu.memory_space<vmem_shared>> -> memref<640xf32, #tpu.memory_space<vmem_shared>>
      %dma_wait3A_308 = tpu.memref_slice %arg15[%mul3A_0] : memref<10240xf32, #tpu.memory_space<vmem_shared>> -> memref<640xf32, #tpu.memory_space<vmem_shared>>
      tpu.wait_dma2 semaphore(%run_scoped3A_305 : memref<!tpu.dma_semaphore, #tpu.memory_space<semaphore_mem>>) src(%arg12 : memref<640xf32, #tpu.memory_space<vmem>>) dst(%dma_wait3A_308 : memref<640xf32, #tpu.memory_space<vmem_shared>>)
      tpu.yield
    }) : () -> ()
    %eq3A = arith.constant 0 : i32
    %eq3A_56 = arith.cmpi eq, %arg0, %eq3A : i32
    %convert_element_type3A = arith.extui %eq3A_56 : i1 to i32
    %cond3A = arith.constant 0 : i32
    %cond3A_57 = arith.cmpi ne, %convert_element_type3A, %cond3A : i32
    scf.if %cond3A_57 {
      "tpu.region"() ({
        %run_scoped3A_305 = tpu.sem_alloc : memref<!tpu.dma_semaphore, #tpu.memory_space<semaphore_mem>>
        %dma_start3A_306 = tpu.memref_slice %arg6[%mul3A_0] : memref<10240xf32, #tpu.memory_space<hbm>> -> memref<640xf32, #tpu.memory_space<hbm>>
        %dma_start3A_307 = tpu.memref_slice %arg6[%mul3A_0] : memref<10240xf32, #tpu.memory_space<hbm>> -> memref<640xf32, #tpu.memory_space<hbm>>
        tpu.enqueue_dma source(%arg12 : memref<640xf32, #tpu.memory_space<vmem>>) target(%dma_start3A_307 : memref<640xf32, #tpu.memory_space<hbm>>) target_semaphore(%run_scoped3A_305 : memref<!tpu.dma_semaphore, #tpu.memory_space<semaphore_mem>>)
        %dma_wait3A = tpu.memref_slice %arg6[%mul3A_0] : memref<10240xf32, #tpu.memory_space<hbm>> -> memref<640xf32, #tpu.memory_space<hbm>>
        %dma_wait3A_308 = tpu.memref_slice %arg6[%mul3A_0] : memref<10240xf32, #tpu.memory_space<hbm>> -> memref<640xf32, #tpu.memory_space<hbm>>
        tpu.wait_dma2 semaphore(%run_scoped3A_305 : memref<!tpu.dma_semaphore, #tpu.memory_space<semaphore_mem>>) src(%arg12 : memref<640xf32, #tpu.memory_space<vmem>>) dst(%dma_wait3A_308 : memref<640xf32, #tpu.memory_space<hbm>>)
        tpu.yield
      }) : () -> ()
    } else {
    }
    %barrier3A_58 = arith.constant 0 : index
    tpu.barrier barrier_id(%barrier3A_58)
    "tpu.region"() ({
      %run_scoped3A_305 = tpu.sem_alloc : memref<!tpu.dma_semaphore, #tpu.memory_space<semaphore_mem>>
      tpu.enqueue_dma source(%arg15 : memref<10240xf32, #tpu.memory_space<vmem_shared>>) target(%arg10 : memref<10240xf32, #tpu.memory_space<vmem>>) target_semaphore(%run_scoped3A_305 : memref<!tpu.dma_semaphore, #tpu.memory_space<semaphore_mem>>)
      tpu.wait_dma2 semaphore(%run_scoped3A_305 : memref<!tpu.dma_semaphore, #tpu.memory_space<semaphore_mem>>) src(%arg15 : memref<10240xf32, #tpu.memory_space<vmem_shared>>) dst(%arg10 : memref<10240xf32, #tpu.memory_space<vmem>>)
      tpu.yield
    }) : () -> ()
    %parallel_loop3A = arith.constant 0 : i32
    %parallel_loop3A_59 = arith.constant 250 : i32
    %parallel_loop3A_60 = arith.constant 1 : i32
    scf.for %parallel_loop3A_305 = %parallel_loop3A to %parallel_loop3A_59 step %parallel_loop3A_60  : i32 {
      %parallel_loop3A_306 = arith.index_cast %parallel_loop3A_305 : i32 to index
      %parallel_loop3A_307 = arith.constant 0 : index
      %parallel_loop3A_308 = tpu.vector_load %arg7[%parallel_loop3A_306, %parallel_loop3A_307] {strides = array<i32>} : memref<250x80xi32, #tpu.memory_space<vmem>>, vector<16xi32>,
      %parallel_loop3A_309 = arith.constant 80 : i32
      %parallel_loop3A_310 = arith.muli %parallel_loop3A_305, %parallel_loop3A_309 : i32
      %parallel_loop3A_311 = arith.constant 0 : i32
      %parallel_loop3A_312 = arith.addi %parallel_loop3A_310, %parallel_loop3A_311 : i32
      %parallel_loop3A_313 = arith.index_cast %parallel_loop3A_312 : i32 to index
      %parallel_loop3A_314 = tpu.vector_load %arg9[%parallel_loop3A_313] {strides = array<i32>} : memref<20000xf32, #tpu.memory_space<vmem>>, vector<16xf32>,
      %parallel_loop3A_315 = tpu.vector_load_idx %arg10[%parallel_loop3A_308] : memref<10240xf32, #tpu.memory_space<vmem>>[vector<16xi32>], vector<16xf32>,
      %parallel_loop3A_316 = arith.mulf %parallel_loop3A_314, %parallel_loop3A_315 : vector<16xf32>
      %parallel_loop3A_317 = arith.index_cast %parallel_loop3A_312 : i32 to index
      %parallel_loop3A_318 = tpu.vector_load %arg9[%parallel_loop3A_317] {strides = array<i32>} : memref<20000xf32, #tpu.memory_space<vmem>>, vector<16xf32>,
      tpu.vector_store %arg9[%parallel_loop3A_317], %parallel_loop3A_316 {strides = array<i32>} : memref<20000xf32, #tpu.memory_space<vmem>>, vector<16xf32>,
      %parallel_loop3A_319 = arith.index_cast %parallel_loop3A_305 : i32 to index
      %parallel_loop3A_320 = arith.constant 16 : index
      %parallel_loop3A_321 = tpu.vector_load %arg7[%parallel_loop3A_319, %parallel_loop3A_320] {strides = array<i32>} : memref<250x80xi32, #tpu.memory_space<vmem>>, vector<16xi32>,
      %parallel_loop3A_322 = arith.constant 80 : i32
      %parallel_loop3A_323 = arith.muli %parallel_loop3A_305, %parallel_loop3A_322 : i32
      %parallel_loop3A_324 = arith.constant 16 : i32
      %parallel_loop3A_325 = arith.addi %parallel_loop3A_323, %parallel_loop3A_324 : i32
      %parallel_loop3A_326 = arith.index_cast %parallel_loop3A_325 : i32 to index
      %parallel_loop3A_327 = tpu.vector_load %arg9[%parallel_loop3A_326] {strides = array<i32>} : memref<20000xf32, #tpu.memory_space<vmem>>, vector<16xf32>,
      %parallel_loop3A_328 = tpu.vector_load_idx %arg10[%parallel_loop3A_321] : memref<10240xf32, #tpu.memory_space<vmem>>[vector<16xi32>], vector<16xf32>,
      %parallel_loop3A_329 = arith.mulf %parallel_loop3A_327, %parallel_loop3A_328 : vector<16xf32>
      %parallel_loop3A_330 = arith.index_cast %parallel_loop3A_325 : i32 to index
      %parallel_loop3A_331 = tpu.vector_load %arg9[%parallel_loop3A_330] {strides = array<i32>} : memref<20000xf32, #tpu.memory_space<vmem>>, vector<16xf32>,
      tpu.vector_store %arg9[%parallel_loop3A_330], %parallel_loop3A_329 {strides = array<i32>} : memref<20000xf32, #tpu.memory_space<vmem>>, vector<16xf32>,
      %parallel_loop3A_332 = arith.index_cast %parallel_loop3A_305 : i32 to index
      %parallel_loop3A_333 = arith.constant 32 : index
      %parallel_loop3A_334 = tpu.vector_load %arg7[%parallel_loop3A_332, %parallel_loop3A_333] {strides = array<i32>} : memref<250x80xi32, #tpu.memory_space<vmem>>, vector<16xi32>,
      %parallel_loop3A_335 = arith.constant 80 : i32
      %parallel_loop3A_336 = arith.muli %parallel_loop3A_305, %parallel_loop3A_335 : i32
      %parallel_loop3A_337 = arith.constant 32 : i32
      %parallel_loop3A_338 = arith.addi %parallel_loop3A_336, %parallel_loop3A_337 : i32
      %parallel_loop3A_339 = arith.index_cast %parallel_loop3A_338 : i32 to index
      %parallel_loop3A_340 = tpu.vector_load %arg9[%parallel_loop3A_339] {strides = array<i32>} : memref<20000xf32, #tpu.memory_space<vmem>>, vector<16xf32>,
      %parallel_loop3A_341 = tpu.vector_load_idx %arg10[%parallel_loop3A_334] : memref<10240xf32, #tpu.memory_space<vmem>>[vector<16xi32>], vector<16xf32>,
      %parallel_loop3A_342 = arith.mulf %parallel_loop3A_340, %parallel_loop3A_341 : vector<16xf32>
      %parallel_loop3A_343 = arith.index_cast %parallel_loop3A_338 : i32 to index
      %parallel_loop3A_344 = tpu.vector_load %arg9[%parallel_loop3A_343] {strides = array<i32>} : memref<20000xf32, #tpu.memory_space<vmem>>, vector<16xf32>,
      tpu.vector_store %arg9[%parallel_loop3A_343], %parallel_loop3A_342 {strides = array<i32>} : memref<20000xf32, #tpu.memory_space<vmem>>, vector<16xf32>,
      %parallel_loop3A_345 = arith.index_cast %parallel_loop3A_305 : i32 to index
      %parallel_loop3A_346 = arith.constant 48 : index
      %parallel_loop3A_347 = tpu.vector_load %arg7[%parallel_loop3A_345, %parallel_loop3A_346] {strides = array<i32>} : memref<250x80xi32, #tpu.memory_space<vmem>>, vector<16xi32>,
      %parallel_loop3A_348 = arith.constant 80 : i32
      %parallel_loop3A_349 = arith.muli %parallel_loop3A_305, %parallel_loop3A_348 : i32
      %parallel_loop3A_350 = arith.constant 48 : i32
      %parallel_loop3A_351 = arith.addi %parallel_loop3A_349, %parallel_loop3A_350 : i32
      %parallel_loop3A_352 = arith.index_cast %parallel_loop3A_351 : i32 to index
      %parallel_loop3A_353 = tpu.vector_load %arg9[%parallel_loop3A_352] {strides = array<i32>} : memref<20000xf32, #tpu.memory_space<vmem>>, vector<16xf32>,
      %parallel_loop3A_354 = tpu.vector_load_idx %arg10[%parallel_loop3A_347] : memref<10240xf32, #tpu.memory_space<vmem>>[vector<16xi32>], vector<16xf32>,
      %parallel_loop3A_355 = arith.mulf %parallel_loop3A_353, %parallel_loop3A_354 : vector<16xf32>
      %parallel_loop3A_356 = arith.index_cast %parallel_loop3A_351 : i32 to index
      %parallel_loop3A_357 = tpu.vector_load %arg9[%parallel_loop3A_356] {strides = array<i32>} : memref<20000xf32, #tpu.memory_space<vmem>>, vector<16xf32>,
      tpu.vector_store %arg9[%parallel_loop3A_356], %parallel_loop3A_355 {strides = array<i32>} : memref<20000xf32, #tpu.memory_space<vmem>>, vector<16xf32>,
      %parallel_loop3A_358 = arith.index_cast %parallel_loop3A_305 : i32 to index
      %parallel_loop3A_359 = arith.constant 64 : index
      %parallel_loop3A_360 = tpu.vector_load %arg7[%parallel_loop3A_358, %parallel_loop3A_359] {strides = array<i32>} : memref<250x80xi32, #tpu.memory_space<vmem>>, vector<16xi32>,
      %parallel_loop3A_361 = arith.constant 80 : i32
      %parallel_loop3A_362 = arith.muli %parallel_loop3A_305, %parallel_loop3A_361 : i32
      %parallel_loop3A_363 = arith.constant 64 : i32
      %parallel_loop3A_364 = arith.addi %parallel_loop3A_362, %parallel_loop3A_363 : i32
      %parallel_loop3A_365 = arith.index_cast %parallel_loop3A_364 : i32 to index
      %parallel_loop3A_366 = tpu.vector_load %arg9[%parallel_loop3A_365] {strides = array<i32>} : memref<20000xf32, #tpu.memory_space<vmem>>, vector<16xf32>,
      %parallel_loop3A_367 = tpu.vector_load_idx %arg10[%parallel_loop3A_360] : memref<10240xf32, #tpu.memory_space<vmem>>[vector<16xi32>], vector<16xf32>,
      %parallel_loop3A_368 = arith.mulf %parallel_loop3A_366, %parallel_loop3A_367 : vector<16xf32>
      %parallel_loop3A_369 = arith.index_cast %parallel_loop3A_364 : i32 to index
      %parallel_loop3A_370 = tpu.vector_load %arg9[%parallel_loop3A_369] {strides = array<i32>} : memref<20000xf32, #tpu.memory_space<vmem>>, vector<16xf32>,
      tpu.vector_store %arg9[%parallel_loop3A_369], %parallel_loop3A_368 {strides = array<i32>} : memref<20000xf32, #tpu.memory_space<vmem>>, vector<16xf32>,
    } {sc.loop_unroll_factor = 4 : i64, sc.parallel_access}
    %mul3A_61 = arith.constant 2 : i32
    %mul3A_62 = arith.muli %arg0, %mul3A_61 : i32
    %add3A_63 = arith.constant 0 : i32
    %add3A_64 = arith.addi %mul3A_62, %add3A_63 : i32
    %dma_start3A = arith.constant 0 : i32
    %dma_start3A_65 = arith.constant 0 : i32
    %dma_start3A_66 = arith.constant 0 : i32
    %dma_start3A_67 = arith.constant 0 : i32
    %dma_start3A_68 = arith.constant 0 : i32
    %dma_start3A_69 = arith.constant 0 : i32
    %dma_start3A_70 = tpu.memref_slice %arg13[%dma_start3A_65, %dma_start3A_68, %dma_start3A_69] : memref<2x400x32xf32, #tpu.memory_space<vmem>> -> memref<1x80x32xf32, #tpu.memory_space<vmem>>
    %dma_start3A_71 = tpu.memref_squeeze %dma_start3A_70 : memref<1x80x32xf32, #tpu.memory_space<vmem>> -> memref<80x32xf32, #tpu.memory_space<vmem>>
    %dma_start3A_72 = arith.constant 0 : i32
    %dma_start3A_73 = tpu.memref_slice %arg7[%dma_start3A, %dma_start3A_72] : memref<250x80xi32, #tpu.memory_space<vmem>> -> memref<1x80xi32, #tpu.memory_space<vmem>>
    %dma_start3A_74 = tpu.memref_squeeze %dma_start3A_73 : memref<1x80xi32, #tpu.memory_space<vmem>> -> memref<80xi32, #tpu.memory_space<vmem>>
    %dma_start3A_75 = arith.constant 0 : i32
    %dma_start3A_76 = arith.constant 0 : i32
    %dma_start3A_77 = tpu.memref_slice %arg4[%add3A_64, %dma_start3A_75, %dma_start3A_76] : memref<4x10240x32xf32, #tpu.memory_space<hbm>> -> memref<1x10240x32xf32, #tpu.memory_space<hbm>>
    %dma_start3A_78 = tpu.memref_squeeze %dma_start3A_77 : memref<1x10240x32xf32, #tpu.memory_space<hbm>> -> memref<10240x32xf32, #tpu.memory_space<hbm>>
    %dma_start3A_79 = arith.constant 0 : i32
    %dma_start3A_80 = arith.constant 0 : i32
    %dma_start3A_81 = tpu.memref_slice %dma_start3A_78[%dma_start3A_79, %dma_start3A_80] : memref<10240x32xf32, #tpu.memory_space<hbm>> -> memref<10240x32xf32, #tpu.memory_space<hbm>>
    %dma_start3A_82 = tpu.memref_slice %arg16[%dma_start3A_66, %dma_start3A_67] : memref<2x5x!tpu.dma_semaphore, #tpu.memory_space<semaphore_mem>> -> memref<1x1x!tpu.dma_semaphore, #tpu.memory_space<semaphore_mem>>
    %dma_start3A_83 = tpu.memref_squeeze %dma_start3A_82 : memref<1x1x!tpu.dma_semaphore, #tpu.memory_space<semaphore_mem>> -> memref<!tpu.dma_semaphore, #tpu.memory_space<semaphore_mem>>
    tpu.enqueue_indirect_dma source(%dma_start3A_81 : memref<10240x32xf32, #tpu.memory_space<hbm>>) target(%dma_start3A_71 : memref<80x32xf32, #tpu.memory_space<vmem>>) offsets(%dma_start3A_74 : memref<80xi32, #tpu.memory_space<vmem>>) semaphore(%dma_start3A_83 : memref<!tpu.dma_semaphore, #tpu.memory_space<semaphore_mem>>)
    %dma_start3A_84 = arith.constant 1 : i32
    %dma_start3A_85 = arith.constant 0 : i32
    %dma_start3A_86 = arith.constant 0 : i32
    %dma_start3A_87 = arith.constant 1 : i32
    %dma_start3A_88 = arith.constant 80 : i32
    %dma_start3A_89 = arith.constant 0 : i32
    %dma_start3A_90 = tpu.memref_slice %arg13[%dma_start3A_85, %dma_start3A_88, %dma_start3A_89] : memref<2x400x32xf32, #tpu.memory_space<vmem>> -> memref<1x80x32xf32, #tpu.memory_space<vmem>>
    %dma_start3A_91 = tpu.memref_squeeze %dma_start3A_90 : memref<1x80x32xf32, #tpu.memory_space<vmem>> -> memref<80x32xf32, #tpu.memory_space<vmem>>
    %dma_start3A_92 = arith.constant 0 : i32
    %dma_start3A_93 = tpu.memref_slice %arg7[%dma_start3A_84, %dma_start3A_92] : memref<250x80xi32, #tpu.memory_space<vmem>> -> memref<1x80xi32, #tpu.memory_space<vmem>>
    %dma_start3A_94 = tpu.memref_squeeze %dma_start3A_93 : memref<1x80xi32, #tpu.memory_space<vmem>> -> memref<80xi32, #tpu.memory_space<vmem>>
    %dma_start3A_95 = arith.constant 0 : i32
    %dma_start3A_96 = arith.constant 0 : i32
    %dma_start3A_97 = tpu.memref_slice %arg4[%add3A_64, %dma_start3A_95, %dma_start3A_96] : memref<4x10240x32xf32, #tpu.memory_space<hbm>> -> memref<1x10240x32xf32, #tpu.memory_space<hbm>>
    %dma_start3A_98 = tpu.memref_squeeze %dma_start3A_97 : memref<1x10240x32xf32, #tpu.memory_space<hbm>> -> memref<10240x32xf32, #tpu.memory_space<hbm>>
    %dma_start3A_99 = arith.constant 0 : i32
    %dma_start3A_100 = arith.constant 0 : i32
    %dma_start3A_101 = tpu.memref_slice %dma_start3A_98[%dma_start3A_99, %dma_start3A_100] : memref<10240x32xf32, #tpu.memory_space<hbm>> -> memref<10240x32xf32, #tpu.memory_space<hbm>>
    %dma_start3A_102 = tpu.memref_slice %arg16[%dma_start3A_86, %dma_start3A_87] : memref<2x5x!tpu.dma_semaphore, #tpu.memory_space<semaphore_mem>> -> memref<1x1x!tpu.dma_semaphore, #tpu.memory_space<semaphore_mem>>
    %dma_start3A_103 = tpu.memref_squeeze %dma_start3A_102 : memref<1x1x!tpu.dma_semaphore, #tpu.memory_space<semaphore_mem>> -> memref<!tpu.dma_semaphore, #tpu.memory_space<semaphore_mem>>
    tpu.enqueue_indirect_dma source(%dma_start3A_101 : memref<10240x32xf32, #tpu.memory_space<hbm>>) target(%dma_start3A_91 : memref<80x32xf32, #tpu.memory_space<vmem>>) offsets(%dma_start3A_94 : memref<80xi32, #tpu.memory_space<vmem>>) semaphore(%dma_start3A_103 : memref<!tpu.dma_semaphore, #tpu.memory_space<semaphore_mem>>)
    %dma_start3A_104 = arith.constant 2 : i32
    %dma_start3A_105 = arith.constant 0 : i32
    %dma_start3A_106 = arith.constant 0 : i32
    %dma_start3A_107 = arith.constant 2 : i32
    %dma_start3A_108 = arith.constant 160 : i32
    %dma_start3A_109 = arith.constant 0 : i32
    %dma_start3A_110 = tpu.memref_slice %arg13[%dma_start3A_105, %dma_start3A_108, %dma_start3A_109] : memref<2x400x32xf32, #tpu.memory_space<vmem>> -> memref<1x80x32xf32, #tpu.memory_space<vmem>>
    %dma_start3A_111 = tpu.memref_squeeze %dma_start3A_110 : memref<1x80x32xf32, #tpu.memory_space<vmem>> -> memref<80x32xf32, #tpu.memory_space<vmem>>
    %dma_start3A_112 = arith.constant 0 : i32
    %dma_start3A_113 = tpu.memref_slice %arg7[%dma_start3A_104, %dma_start3A_112] : memref<250x80xi32, #tpu.memory_space<vmem>> -> memref<1x80xi32, #tpu.memory_space<vmem>>
    %dma_start3A_114 = tpu.memref_squeeze %dma_start3A_113 : memref<1x80xi32, #tpu.memory_space<vmem>> -> memref<80xi32, #tpu.memory_space<vmem>>
    %dma_start3A_115 = arith.constant 0 : i32
    %dma_start3A_116 = arith.constant 0 : i32
    %dma_start3A_117 = tpu.memref_slice %arg4[%add3A_64, %dma_start3A_115, %dma_start3A_116] : memref<4x10240x32xf32, #tpu.memory_space<hbm>> -> memref<1x10240x32xf32, #tpu.memory_space<hbm>>
    %dma_start3A_118 = tpu.memref_squeeze %dma_start3A_117 : memref<1x10240x32xf32, #tpu.memory_space<hbm>> -> memref<10240x32xf32, #tpu.memory_space<hbm>>
    %dma_start3A_119 = arith.constant 0 : i32
    %dma_start3A_120 = arith.constant 0 : i32
    %dma_start3A_121 = tpu.memref_slice %dma_start3A_118[%dma_start3A_119, %dma_start3A_120] : memref<10240x32xf32, #tpu.memory_space<hbm>> -> memref<10240x32xf32, #tpu.memory_space<hbm>>
    %dma_start3A_122 = tpu.memref_slice %arg16[%dma_start3A_106, %dma_start3A_107] : memref<2x5x!tpu.dma_semaphore, #tpu.memory_space<semaphore_mem>> -> memref<1x1x!tpu.dma_semaphore, #tpu.memory_space<semaphore_mem>>
    %dma_start3A_123 = tpu.memref_squeeze %dma_start3A_122 : memref<1x1x!tpu.dma_semaphore, #tpu.memory_space<semaphore_mem>> -> memref<!tpu.dma_semaphore, #tpu.memory_space<semaphore_mem>>
    tpu.enqueue_indirect_dma source(%dma_start3A_121 : memref<10240x32xf32, #tpu.memory_space<hbm>>) target(%dma_start3A_111 : memref<80x32xf32, #tpu.memory_space<vmem>>) offsets(%dma_start3A_114 : memref<80xi32, #tpu.memory_space<vmem>>) semaphore(%dma_start3A_123 : memref<!tpu.dma_semaphore, #tpu.memory_space<semaphore_mem>>)
    %dma_start3A_124 = arith.constant 3 : i32
    %dma_start3A_125 = arith.constant 0 : i32
    %dma_start3A_126 = arith.constant 0 : i32
    %dma_start3A_127 = arith.constant 3 : i32
    %dma_start3A_128 = arith.constant 240 : i32
    %dma_start3A_129 = arith.constant 0 : i32
    %dma_start3A_130 = tpu.memref_slice %arg13[%dma_start3A_125, %dma_start3A_128, %dma_start3A_129] : memref<2x400x32xf32, #tpu.memory_space<vmem>> -> memref<1x80x32xf32, #tpu.memory_space<vmem>>
    %dma_start3A_131 = tpu.memref_squeeze %dma_start3A_130 : memref<1x80x32xf32, #tpu.memory_space<vmem>> -> memref<80x32xf32, #tpu.memory_space<vmem>>
    %dma_start3A_132 = arith.constant 0 : i32
    %dma_start3A_133 = tpu.memref_slice %arg7[%dma_start3A_124, %dma_start3A_132] : memref<250x80xi32, #tpu.memory_space<vmem>> -> memref<1x80xi32, #tpu.memory_space<vmem>>
    %dma_start3A_134 = tpu.memref_squeeze %dma_start3A_133 : memref<1x80xi32, #tpu.memory_space<vmem>> -> memref<80xi32, #tpu.memory_space<vmem>>
    %dma_start3A_135 = arith.constant 0 : i32
    %dma_start3A_136 = arith.constant 0 : i32
    %dma_start3A_137 = tpu.memref_slice %arg4[%add3A_64, %dma_start3A_135, %dma_start3A_136] : memref<4x10240x32xf32, #tpu.memory_space<hbm>> -> memref<1x10240x32xf32, #tpu.memory_space<hbm>>
    %dma_start3A_138 = tpu.memref_squeeze %dma_start3A_137 : memref<1x10240x32xf32, #tpu.memory_space<hbm>> -> memref<10240x32xf32, #tpu.memory_space<hbm>>
    %dma_start3A_139 = arith.constant 0 : i32
    %dma_start3A_140 = arith.constant 0 : i32
    %dma_start3A_141 = tpu.memref_slice %dma_start3A_138[%dma_start3A_139, %dma_start3A_140] : memref<10240x32xf32, #tpu.memory_space<hbm>> -> memref<10240x32xf32, #tpu.memory_space<hbm>>
    %dma_start3A_142 = tpu.memref_slice %arg16[%dma_start3A_126, %dma_start3A_127] : memref<2x5x!tpu.dma_semaphore, #tpu.memory_space<semaphore_mem>> -> memref<1x1x!tpu.dma_semaphore, #tpu.memory_space<semaphore_mem>>
    %dma_start3A_143 = tpu.memref_squeeze %dma_start3A_142 : memref<1x1x!tpu.dma_semaphore, #tpu.memory_space<semaphore_mem>> -> memref<!tpu.dma_semaphore, #tpu.memory_space<semaphore_mem>>
    tpu.enqueue_indirect_dma source(%dma_start3A_141 : memref<10240x32xf32, #tpu.memory_space<hbm>>) target(%dma_start3A_131 : memref<80x32xf32, #tpu.memory_space<vmem>>) offsets(%dma_start3A_134 : memref<80xi32, #tpu.memory_space<vmem>>) semaphore(%dma_start3A_143 : memref<!tpu.dma_semaphore, #tpu.memory_space<semaphore_mem>>)
    %dma_start3A_144 = arith.constant 4 : i32
    %dma_start3A_145 = arith.constant 0 : i32
    %dma_start3A_146 = arith.constant 0 : i32
    %dma_start3A_147 = arith.constant 4 : i32
    %dma_start3A_148 = arith.constant 320 : i32
    %dma_start3A_149 = arith.constant 0 : i32
    %dma_start3A_150 = tpu.memref_slice %arg13[%dma_start3A_145, %dma_start3A_148, %dma_start3A_149] : memref<2x400x32xf32, #tpu.memory_space<vmem>> -> memref<1x80x32xf32, #tpu.memory_space<vmem>>
    %dma_start3A_151 = tpu.memref_squeeze %dma_start3A_150 : memref<1x80x32xf32, #tpu.memory_space<vmem>> -> memref<80x32xf32, #tpu.memory_space<vmem>>
    %dma_start3A_152 = arith.constant 0 : i32
    %dma_start3A_153 = tpu.memref_slice %arg7[%dma_start3A_144, %dma_start3A_152] : memref<250x80xi32, #tpu.memory_space<vmem>> -> memref<1x80xi32, #tpu.memory_space<vmem>>
    %dma_start3A_154 = tpu.memref_squeeze %dma_start3A_153 : memref<1x80xi32, #tpu.memory_space<vmem>> -> memref<80xi32, #tpu.memory_space<vmem>>
    %dma_start3A_155 = arith.constant 0 : i32
    %dma_start3A_156 = arith.constant 0 : i32
    %dma_start3A_157 = tpu.memref_slice %arg4[%add3A_64, %dma_start3A_155, %dma_start3A_156] : memref<4x10240x32xf32, #tpu.memory_space<hbm>> -> memref<1x10240x32xf32, #tpu.memory_space<hbm>>
    %dma_start3A_158 = tpu.memref_squeeze %dma_start3A_157 : memref<1x10240x32xf32, #tpu.memory_space<hbm>> -> memref<10240x32xf32, #tpu.memory_space<hbm>>
    %dma_start3A_159 = arith.constant 0 : i32
    %dma_start3A_160 = arith.constant 0 : i32
    %dma_start3A_161 = tpu.memref_slice %dma_start3A_158[%dma_start3A_159, %dma_start3A_160] : memref<10240x32xf32, #tpu.memory_space<hbm>> -> memref<10240x32xf32, #tpu.memory_space<hbm>>
    %dma_start3A_162 = tpu.memref_slice %arg16[%dma_start3A_146, %dma_start3A_147] : memref<2x5x!tpu.dma_semaphore, #tpu.memory_space<semaphore_mem>> -> memref<1x1x!tpu.dma_semaphore, #tpu.memory_space<semaphore_mem>>
    %dma_start3A_163 = tpu.memref_squeeze %dma_start3A_162 : memref<1x1x!tpu.dma_semaphore, #tpu.memory_space<semaphore_mem>> -> memref<!tpu.dma_semaphore, #tpu.memory_space<semaphore_mem>>
    tpu.enqueue_indirect_dma source(%dma_start3A_161 : memref<10240x32xf32, #tpu.memory_space<hbm>>) target(%dma_start3A_151 : memref<80x32xf32, #tpu.memory_space<vmem>>) offsets(%dma_start3A_154 : memref<80xi32, #tpu.memory_space<vmem>>) semaphore(%dma_start3A_163 : memref<!tpu.dma_semaphore, #tpu.memory_space<semaphore_mem>>)
    %scan3A_164 = arith.constant 0 : i32
    %scan3A_165 = arith.constant 0 : i32
    %scan3A_166 = arith.constant 25 : i32
    %scan3A_167 = arith.addi %scan3A_165, %scan3A_166 : i32
    %scan3A_168 = arith.constant 1 : i32
    %scan3A_169 = scf.for %scan3A_305 = %scan3A_165 to %scan3A_167 step %scan3A_168 iter_args(%scan3A_306 = %scan3A_164) -> (i32)  : i32 {
      %mul3A_307 = arith.constant 2 : i32
      %mul3A_308 = arith.muli %scan3A_305, %mul3A_307 : i32
      %add3A_309 = arith.constant 1 : i32
      %add3A_310 = arith.addi %mul3A_308, %add3A_309 : i32
      %mul3A_311 = arith.constant 5 : i32
      %mul3A_312 = arith.muli %add3A_310, %mul3A_311 : i32
      %add3A_313 = arith.constant 0 : i32
      %add3A_314 = arith.addi %mul3A_312, %add3A_313 : i32
      %dma_start3A_315 = arith.constant 1 : i32
      %dma_start3A_316 = arith.constant 1 : i32
      %dma_start3A_317 = arith.constant 0 : i32
      %dma_start3A_318 = arith.constant 0 : i32
      %dma_start3A_319 = arith.constant 0 : i32
      %dma_start3A_320 = tpu.memref_slice %arg13[%dma_start3A_315, %dma_start3A_318, %dma_start3A_319] : memref<2x400x32xf32, #tpu.memory_space<vmem>> -> memref<1x80x32xf32, #tpu.memory_space<vmem>>
      %dma_start3A_321 = tpu.memref_squeeze %dma_start3A_320 : memref<1x80x32xf32, #tpu.memory_space<vmem>> -> memref<80x32xf32, #tpu.memory_space<vmem>>
      %dma_start3A_322 = arith.constant 0 : i32
      %dma_start3A_323 = tpu.memref_slice %arg7[%add3A_314, %dma_start3A_322] : memref<250x80xi32, #tpu.memory_space<vmem>> -> memref<1x80xi32, #tpu.memory_space<vmem>>
      %dma_start3A_324 = tpu.memref_squeeze %dma_start3A_323 : memref<1x80xi32, #tpu.memory_space<vmem>> -> memref<80xi32, #tpu.memory_space<vmem>>
      %dma_start3A_325 = arith.constant 0 : i32
      %dma_start3A_326 = arith.constant 0 : i32
      %dma_start3A_327 = tpu.memref_slice %arg4[%add3A_64, %dma_start3A_325, %dma_start3A_326] : memref<4x10240x32xf32, #tpu.memory_space<hbm>> -> memref<1x10240x32xf32, #tpu.memory_space<hbm>>
      %dma_start3A_328 = tpu.memref_squeeze %dma_start3A_327 : memref<1x10240x32xf32, #tpu.memory_space<hbm>> -> memref<10240x32xf32, #tpu.memory_space<hbm>>
      %dma_start3A_329 = arith.constant 0 : i32
      %dma_start3A_330 = arith.constant 0 : i32
      %dma_start3A_331 = tpu.memref_slice %dma_start3A_328[%dma_start3A_329, %dma_start3A_330] : memref<10240x32xf32, #tpu.memory_space<hbm>> -> memref<10240x32xf32, #tpu.memory_space<hbm>>
      %dma_start3A_332 = tpu.memref_slice %arg16[%dma_start3A_316, %dma_start3A_317] : memref<2x5x!tpu.dma_semaphore, #tpu.memory_space<semaphore_mem>> -> memref<1x1x!tpu.dma_semaphore, #tpu.memory_space<semaphore_mem>>
      %dma_start3A_333 = tpu.memref_squeeze %dma_start3A_332 : memref<1x1x!tpu.dma_semaphore, #tpu.memory_space<semaphore_mem>> -> memref<!tpu.dma_semaphore, #tpu.memory_space<semaphore_mem>>
      tpu.enqueue_indirect_dma source(%dma_start3A_331 : memref<10240x32xf32, #tpu.memory_space<hbm>>) target(%dma_start3A_321 : memref<80x32xf32, #tpu.memory_space<vmem>>) offsets(%dma_start3A_324 : memref<80xi32, #tpu.memory_space<vmem>>) semaphore(%dma_start3A_333 : memref<!tpu.dma_semaphore, #tpu.memory_space<semaphore_mem>>)
      %mul3A_334 = arith.constant 5 : i32
      %mul3A_335 = arith.muli %add3A_310, %mul3A_334 : i32
      %add3A_336 = arith.constant 1 : i32
      %add3A_337 = arith.addi %mul3A_335, %add3A_336 : i32
      %dma_start3A_338 = arith.constant 1 : i32
      %dma_start3A_339 = arith.constant 1 : i32
      %dma_start3A_340 = arith.constant 1 : i32
      %dma_start3A_341 = arith.constant 80 : i32
      %dma_start3A_342 = arith.constant 0 : i32
      %dma_start3A_343 = tpu.memref_slice %arg13[%dma_start3A_338, %dma_start3A_341, %dma_start3A_342] : memref<2x400x32xf32, #tpu.memory_space<vmem>> -> memref<1x80x32xf32, #tpu.memory_space<vmem>>
      %dma_start3A_344 = tpu.memref_squeeze %dma_start3A_343 : memref<1x80x32xf32, #tpu.memory_space<vmem>> -> memref<80x32xf32, #tpu.memory_space<vmem>>
      %dma_start3A_345 = arith.constant 0 : i32
      %dma_start3A_346 = tpu.memref_slice %arg7[%add3A_337, %dma_start3A_345] : memref<250x80xi32, #tpu.memory_space<vmem>> -> memref<1x80xi32, #tpu.memory_space<vmem>>
      %dma_start3A_347 = tpu.memref_squeeze %dma_start3A_346 : memref<1x80xi32, #tpu.memory_space<vmem>> -> memref<80xi32, #tpu.memory_space<vmem>>
      %dma_start3A_348 = arith.constant 0 : i32
      %dma_start3A_349 = arith.constant 0 : i32
      %dma_start3A_350 = tpu.memref_slice %arg4[%add3A_64, %dma_start3A_348, %dma_start3A_349] : memref<4x10240x32xf32, #tpu.memory_space<hbm>> -> memref<1x10240x32xf32, #tpu.memory_space<hbm>>
      %dma_start3A_351 = tpu.memref_squeeze %dma_start3A_350 : memref<1x10240x32xf32, #tpu.memory_space<hbm>> -> memref<10240x32xf32, #tpu.memory_space<hbm>>
      %dma_start3A_352 = arith.constant 0 : i32
      %dma_start3A_353 = arith.constant 0 : i32
      %dma_start3A_354 = tpu.memref_slice %dma_start3A_351[%dma_start3A_352, %dma_start3A_353] : memref<10240x32xf32, #tpu.memory_space<hbm>> -> memref<10240x32xf32, #tpu.memory_space<hbm>>
      %dma_start3A_355 = tpu.memref_slice %arg16[%dma_start3A_339, %dma_start3A_340] : memref<2x5x!tpu.dma_semaphore, #tpu.memory_space<semaphore_mem>> -> memref<1x1x!tpu.dma_semaphore, #tpu.memory_space<semaphore_mem>>
      %dma_start3A_356 = tpu.memref_squeeze %dma_start3A_355 : memref<1x1x!tpu.dma_semaphore, #tpu.memory_space<semaphore_mem>> -> memref<!tpu.dma_semaphore, #tpu.memory_space<semaphore_mem>>
      tpu.enqueue_indirect_dma source(%dma_start3A_354 : memref<10240x32xf32, #tpu.memory_space<hbm>>) target(%dma_start3A_344 : memref<80x32xf32, #tpu.memory_space<vmem>>) offsets(%dma_start3A_347 : memref<80xi32, #tpu.memory_space<vmem>>) semaphore(%dma_start3A_356 : memref<!tpu.dma_semaphore, #tpu.memory_space<semaphore_mem>>)
      %mul3A_357 = arith.constant 5 : i32
      %mul3A_358 = arith.muli %add3A_310, %mul3A_357 : i32
      %add3A_359 = arith.constant 2 : i32
      %add3A_360 = arith.addi %mul3A_358, %add3A_359 : i32
      %dma_start3A_361 = arith.constant 1 : i32
      %dma_start3A_362 = arith.constant 1 : i32
      %dma_start3A_363 = arith.constant 2 : i32
      %dma_start3A_364 = arith.constant 160 : i32
      %dma_start3A_365 = arith.constant 0 : i32
      %dma_start3A_366 = tpu.memref_slice %arg13[%dma_start3A_361, %dma_start3A_364, %dma_start3A_365] : memref<2x400x32xf32, #tpu.memory_space<vmem>> -> memref<1x80x32xf32, #tpu.memory_space<vmem>>
      %dma_start3A_367 = tpu.memref_squeeze %dma_start3A_366 : memref<1x80x32xf32, #tpu.memory_space<vmem>> -> memref<80x32xf32, #tpu.memory_space<vmem>>
      %dma_start3A_368 = arith.constant 0 : i32
      %dma_start3A_369 = tpu.memref_slice %arg7[%add3A_360, %dma_start3A_368] : memref<250x80xi32, #tpu.memory_space<vmem>> -> memref<1x80xi32, #tpu.memory_space<vmem>>
      %dma_start3A_370 = tpu.memref_squeeze %dma_start3A_369 : memref<1x80xi32, #tpu.memory_space<vmem>> -> memref<80xi32, #tpu.memory_space<vmem>>
      %dma_start3A_371 = arith.constant 0 : i32
      %dma_start3A_372 = arith.constant 0 : i32
      %dma_start3A_373 = tpu.memref_slice %arg4[%add3A_64, %dma_start3A_371, %dma_start3A_372] : memref<4x10240x32xf32, #tpu.memory_space<hbm>> -> memref<1x10240x32xf32, #tpu.memory_space<hbm>>
      %dma_start3A_374 = tpu.memref_squeeze %dma_start3A_373 : memref<1x10240x32xf32, #tpu.memory_space<hbm>> -> memref<10240x32xf32, #tpu.memory_space<hbm>>
      %dma_start3A_375 = arith.constant 0 : i32
      %dma_start3A_376 = arith.constant 0 : i32
      %dma_start3A_377 = tpu.memref_slice %dma_start3A_374[%dma_start3A_375, %dma_start3A_376] : memref<10240x32xf32, #tpu.memory_space<hbm>> -> memref<10240x32xf32, #tpu.memory_space<hbm>>
      %dma_start3A_378 = tpu.memref_slice %arg16[%dma_start3A_362, %dma_start3A_363] : memref<2x5x!tpu.dma_semaphore, #tpu.memory_space<semaphore_mem>> -> memref<1x1x!tpu.dma_semaphore, #tpu.memory_space<semaphore_mem>>
      %dma_start3A_379 = tpu.memref_squeeze %dma_start3A_378 : memref<1x1x!tpu.dma_semaphore, #tpu.memory_space<semaphore_mem>> -> memref<!tpu.dma_semaphore, #tpu.memory_space<semaphore_mem>>
      tpu.enqueue_indirect_dma source(%dma_start3A_377 : memref<10240x32xf32, #tpu.memory_space<hbm>>) target(%dma_start3A_367 : memref<80x32xf32, #tpu.memory_space<vmem>>) offsets(%dma_start3A_370 : memref<80xi32, #tpu.memory_space<vmem>>) semaphore(%dma_start3A_379 : memref<!tpu.dma_semaphore, #tpu.memory_space<semaphore_mem>>)
      %mul3A_380 = arith.constant 5 : i32
      %mul3A_381 = arith.muli %add3A_310, %mul3A_380 : i32
      %add3A_382 = arith.constant 3 : i32
      %add3A_383 = arith.addi %mul3A_381, %add3A_382 : i32
      %dma_start3A_384 = arith.constant 1 : i32
      %dma_start3A_385 = arith.constant 1 : i32
      %dma_start3A_386 = arith.constant 3 : i32
      %dma_start3A_387 = arith.constant 240 : i32
      %dma_start3A_388 = arith.constant 0 : i32
      %dma_start3A_389 = tpu.memref_slice %arg13[%dma_start3A_384, %dma_start3A_387, %dma_start3A_388] : memref<2x400x32xf32, #tpu.memory_space<vmem>> -> memref<1x80x32xf32, #tpu.memory_space<vmem>>
      %dma_start3A_390 = tpu.memref_squeeze %dma_start3A_389 : memref<1x80x32xf32, #tpu.memory_space<vmem>> -> memref<80x32xf32, #tpu.memory_space<vmem>>
      %dma_start3A_391 = arith.constant 0 : i32
      %dma_start3A_392 = tpu.memref_slice %arg7[%add3A_383, %dma_start3A_391] : memref<250x80xi32, #tpu.memory_space<vmem>> -> memref<1x80xi32, #tpu.memory_space<vmem>>
      %dma_start3A_393 = tpu.memref_squeeze %dma_start3A_392 : memref<1x80xi32, #tpu.memory_space<vmem>> -> memref<80xi32, #tpu.memory_space<vmem>>
      %dma_start3A_394 = arith.constant 0 : i32
      %dma_start3A_395 = arith.constant 0 : i32
      %dma_start3A_396 = tpu.memref_slice %arg4[%add3A_64, %dma_start3A_394, %dma_start3A_395] : memref<4x10240x32xf32, #tpu.memory_space<hbm>> -> memref<1x10240x32xf32, #tpu.memory_space<hbm>>
      %dma_start3A_397 = tpu.memref_squeeze %dma_start3A_396 : memref<1x10240x32xf32, #tpu.memory_space<hbm>> -> memref<10240x32xf32, #tpu.memory_space<hbm>>
      %dma_start3A_398 = arith.constant 0 : i32
      %dma_start3A_399 = arith.constant 0 : i32
      %dma_start3A_400 = tpu.memref_slice %dma_start3A_397[%dma_start3A_398, %dma_start3A_399] : memref<10240x32xf32, #tpu.memory_space<hbm>> -> memref<10240x32xf32, #tpu.memory_space<hbm>>
      %dma_start3A_401 = tpu.memref_slice %arg16[%dma_start3A_385, %dma_start3A_386] : memref<2x5x!tpu.dma_semaphore, #tpu.memory_space<semaphore_mem>> -> memref<1x1x!tpu.dma_semaphore, #tpu.memory_space<semaphore_mem>>
      %dma_start3A_402 = tpu.memref_squeeze %dma_start3A_401 : memref<1x1x!tpu.dma_semaphore, #tpu.memory_space<semaphore_mem>> -> memref<!tpu.dma_semaphore, #tpu.memory_space<semaphore_mem>>
      tpu.enqueue_indirect_dma source(%dma_start3A_400 : memref<10240x32xf32, #tpu.memory_space<hbm>>) target(%dma_start3A_390 : memref<80x32xf32, #tpu.memory_space<vmem>>) offsets(%dma_start3A_393 : memref<80xi32, #tpu.memory_space<vmem>>) semaphore(%dma_start3A_402 : memref<!tpu.dma_semaphore, #tpu.memory_space<semaphore_mem>>)
      %mul3A_403 = arith.constant 5 : i32
      %mul3A_404 = arith.muli %add3A_310, %mul3A_403 : i32
      %add3A_405 = arith.constant 4 : i32
      %add3A_406 = arith.addi %mul3A_404, %add3A_405 : i32
      %dma_start3A_407 = arith.constant 1 : i32
      %dma_start3A_408 = arith.constant 1 : i32
      %dma_start3A_409 = arith.constant 4 : i32
      %dma_start3A_410 = arith.constant 320 : i32
      %dma_start3A_411 = arith.constant 0 : i32
      %dma_start3A_412 = tpu.memref_slice %arg13[%dma_start3A_407, %dma_start3A_410, %dma_start3A_411] : memref<2x400x32xf32, #tpu.memory_space<vmem>> -> memref<1x80x32xf32, #tpu.memory_space<vmem>>
      %dma_start3A_413 = tpu.memref_squeeze %dma_start3A_412 : memref<1x80x32xf32, #tpu.memory_space<vmem>> -> memref<80x32xf32, #tpu.memory_space<vmem>>
      %dma_start3A_414 = arith.constant 0 : i32
      %dma_start3A_415 = tpu.memref_slice %arg7[%add3A_406, %dma_start3A_414] : memref<250x80xi32, #tpu.memory_space<vmem>> -> memref<1x80xi32, #tpu.memory_space<vmem>>
      %dma_start3A_416 = tpu.memref_squeeze %dma_start3A_415 : memref<1x80xi32, #tpu.memory_space<vmem>> -> memref<80xi32, #tpu.memory_space<vmem>>
      %dma_start3A_417 = arith.constant 0 : i32
      %dma_start3A_418 = arith.constant 0 : i32
      %dma_start3A_419 = tpu.memref_slice %arg4[%add3A_64, %dma_start3A_417, %dma_start3A_418] : memref<4x10240x32xf32, #tpu.memory_space<hbm>> -> memref<1x10240x32xf32, #tpu.memory_space<hbm>>
      %dma_start3A_420 = tpu.memref_squeeze %dma_start3A_419 : memref<1x10240x32xf32, #tpu.memory_space<hbm>> -> memref<10240x32xf32, #tpu.memory_space<hbm>>
      %dma_start3A_421 = arith.constant 0 : i32
      %dma_start3A_422 = arith.constant 0 : i32
      %dma_start3A_423 = tpu.memref_slice %dma_start3A_420[%dma_start3A_421, %dma_start3A_422] : memref<10240x32xf32, #tpu.memory_space<hbm>> -> memref<10240x32xf32, #tpu.memory_space<hbm>>
      %dma_start3A_424 = tpu.memref_slice %arg16[%dma_start3A_408, %dma_start3A_409] : memref<2x5x!tpu.dma_semaphore, #tpu.memory_space<semaphore_mem>> -> memref<1x1x!tpu.dma_semaphore, #tpu.memory_space<semaphore_mem>>
      %dma_start3A_425 = tpu.memref_squeeze %dma_start3A_424 : memref<1x1x!tpu.dma_semaphore, #tpu.memory_space<semaphore_mem>> -> memref<!tpu.dma_semaphore, #tpu.memory_space<semaphore_mem>>
      tpu.enqueue_indirect_dma source(%dma_start3A_423 : memref<10240x32xf32, #tpu.memory_space<hbm>>) target(%dma_start3A_413 : memref<80x32xf32, #tpu.memory_space<vmem>>) offsets(%dma_start3A_416 : memref<80xi32, #tpu.memory_space<vmem>>) semaphore(%dma_start3A_425 : memref<!tpu.dma_semaphore, #tpu.memory_space<semaphore_mem>>)
      %dma_wait3A = arith.constant 0 : i32
      %dma_wait3A_426 = arith.constant 0 : i32
      %dma_wait3A_427 = arith.constant 0 : i32
      %dma_wait3A_428 = arith.constant 0 : i32
      %dma_wait3A_429 = arith.constant 0 : i32
      %dma_wait3A_430 = tpu.memref_slice %arg13[%dma_wait3A, %dma_wait3A_428, %dma_wait3A_429] : memref<2x400x32xf32, #tpu.memory_space<vmem>> -> memref<1x80x32xf32, #tpu.memory_space<vmem>>
      %dma_wait3A_431 = tpu.memref_squeeze %dma_wait3A_430 : memref<1x80x32xf32, #tpu.memory_space<vmem>> -> memref<80x32xf32, #tpu.memory_space<vmem>>
      %dma_wait3A_432 = arith.constant 0 : i32
      %dma_wait3A_433 = arith.constant 0 : i32
      %dma_wait3A_434 = tpu.memref_slice %arg4[%add3A_64, %dma_wait3A_432, %dma_wait3A_433] : memref<4x10240x32xf32, #tpu.memory_space<hbm>> -> memref<1x10240x32xf32, #tpu.memory_space<hbm>>
      %dma_wait3A_435 = tpu.memref_squeeze %dma_wait3A_434 : memref<1x10240x32xf32, #tpu.memory_space<hbm>> -> memref<10240x32xf32, #tpu.memory_space<hbm>>
      %dma_wait3A_436 = arith.constant 0 : i32
      %dma_wait3A_437 = arith.constant 0 : i32
      %dma_wait3A_438 = tpu.memref_slice %dma_wait3A_435[%dma_wait3A_436, %dma_wait3A_437] : memref<10240x32xf32, #tpu.memory_space<hbm>> -> memref<80x32xf32, #tpu.memory_space<hbm>>
      %dma_wait3A_439 = tpu.memref_slice %arg16[%dma_wait3A_426, %dma_wait3A_427] : memref<2x5x!tpu.dma_semaphore, #tpu.memory_space<semaphore_mem>> -> memref<1x1x!tpu.dma_semaphore, #tpu.memory_space<semaphore_mem>>
      %dma_wait3A_440 = tpu.memref_squeeze %dma_wait3A_439 : memref<1x1x!tpu.dma_semaphore, #tpu.memory_space<semaphore_mem>> -> memref<!tpu.dma_semaphore, #tpu.memory_space<semaphore_mem>>
      %dma_wait3A_441 = arith.constant 0 : i32
      %dma_wait3A_442 = arith.constant 0 : i32
      %dma_wait3A_443 = tpu.memref_slice %arg13[%dma_wait3A, %dma_wait3A_441, %dma_wait3A_442] : memref<2x400x32xf32, #tpu.memory_space<vmem>> -> memref<1x80x32xf32, #tpu.memory_space<vmem>>
      %dma_wait3A_444 = tpu.memref_squeeze %dma_wait3A_443 : memref<1x80x32xf32, #tpu.memory_space<vmem>> -> memref<80x32xf32, #tpu.memory_space<vmem>>
      %dma_wait3A_445 = arith.constant 0 : i32
      %dma_wait3A_446 = arith.constant 0 : i32
      %dma_wait3A_447 = tpu.memref_slice %arg4[%add3A_64, %dma_wait3A_445, %dma_wait3A_446] : memref<4x10240x32xf32, #tpu.memory_space<hbm>> -> memref<1x10240x32xf32, #tpu.memory_space<hbm>>
      %dma_wait3A_448 = tpu.memref_squeeze %dma_wait3A_447 : memref<1x10240x32xf32, #tpu.memory_space<hbm>> -> memref<10240x32xf32, #tpu.memory_space<hbm>>
      %dma_wait3A_449 = arith.constant 0 : i32
      %dma_wait3A_450 = arith.constant 0 : i32
      %dma_wait3A_451 = tpu.memref_slice %dma_wait3A_448[%dma_wait3A_449, %dma_wait3A_450] : memref<10240x32xf32, #tpu.memory_space<hbm>> -> memref<80x32xf32, #tpu.memory_space<hbm>>
      tpu.wait_dma2 semaphore(%dma_wait3A_440 : memref<!tpu.dma_semaphore, #tpu.memory_space<semaphore_mem>>) src(%dma_wait3A_451 : memref<80x32xf32, #tpu.memory_space<hbm>>) dst(%dma_wait3A_444 : memref<80x32xf32, #tpu.memory_space<vmem>>)
      %dma_wait3A_452 = arith.constant 0 : i32
      %dma_wait3A_453 = arith.constant 0 : i32
      %dma_wait3A_454 = arith.constant 1 : i32
      %dma_wait3A_455 = arith.constant 80 : i32
      %dma_wait3A_456 = arith.constant 0 : i32
      %dma_wait3A_457 = tpu.memref_slice %arg13[%dma_wait3A_452, %dma_wait3A_455, %dma_wait3A_456] : memref<2x400x32xf32, #tpu.memory_space<vmem>> -> memref<1x80x32xf32, #tpu.memory_space<vmem>>
      %dma_wait3A_458 = tpu.memref_squeeze %dma_wait3A_457 : memref<1x80x32xf32, #tpu.memory_space<vmem>> -> memref<80x32xf32, #tpu.memory_space<vmem>>
      %dma_wait3A_459 = arith.constant 0 : i32
      %dma_wait3A_460 = arith.constant 0 : i32
      %dma_wait3A_461 = tpu.memref_slice %arg4[%add3A_64, %dma_wait3A_459, %dma_wait3A_460] : memref<4x10240x32xf32, #tpu.memory_space<hbm>> -> memref<1x10240x32xf32, #tpu.memory_space<hbm>>
      %dma_wait3A_462 = tpu.memref_squeeze %dma_wait3A_461 : memref<1x10240x32xf32, #tpu.memory_space<hbm>> -> memref<10240x32xf32, #tpu.memory_space<hbm>>
      %dma_wait3A_463 = arith.constant 0 : i32
      %dma_wait3A_464 = arith.constant 0 : i32
      %dma_wait3A_465 = tpu.memref_slice %dma_wait3A_462[%dma_wait3A_463, %dma_wait3A_464] : memref<10240x32xf32, #tpu.memory_space<hbm>> -> memref<80x32xf32, #tpu.memory_space<hbm>>
      %dma_wait3A_466 = tpu.memref_slice %arg16[%dma_wait3A_453, %dma_wait3A_454] : memref<2x5x!tpu.dma_semaphore, #tpu.memory_space<semaphore_mem>> -> memref<1x1x!tpu.dma_semaphore, #tpu.memory_space<semaphore_mem>>
      %dma_wait3A_467 = tpu.memref_squeeze %dma_wait3A_466 : memref<1x1x!tpu.dma_semaphore, #tpu.memory_space<semaphore_mem>> -> memref<!tpu.dma_semaphore, #tpu.memory_space<semaphore_mem>>
      %dma_wait3A_468 = arith.constant 80 : i32
      %dma_wait3A_469 = arith.constant 0 : i32
      %dma_wait3A_470 = tpu.memref_slice %arg13[%dma_wait3A_452, %dma_wait3A_468, %dma_wait3A_469] : memref<2x400x32xf32, #tpu.memory_space<vmem>> -> memref<1x80x32xf32, #tpu.memory_space<vmem>>
      %dma_wait3A_471 = tpu.memref_squeeze %dma_wait3A_470 : memref<1x80x32xf32, #tpu.memory_space<vmem>> -> memref<80x32xf32, #tpu.memory_space<vmem>>
      %dma_wait3A_472 = arith.constant 0 : i32
      %dma_wait3A_473 = arith.constant 0 : i32
      %dma_wait3A_474 = tpu.memref_slice %arg4[%add3A_64, %dma_wait3A_472, %dma_wait3A_473] : memref<4x10240x32xf32, #tpu.memory_space<hbm>> -> memref<1x10240x32xf32, #tpu.memory_space<hbm>>
      %dma_wait3A_475 = tpu.memref_squeeze %dma_wait3A_474 : memref<1x10240x32xf32, #tpu.memory_space<hbm>> -> memref<10240x32xf32, #tpu.memory_space<hbm>>
      %dma_wait3A_476 = arith.constant 0 : i32
      %dma_wait3A_477 = arith.constant 0 : i32
      %dma_wait3A_478 = tpu.memref_slice %dma_wait3A_475[%dma_wait3A_476, %dma_wait3A_477] : memref<10240x32xf32, #tpu.memory_space<hbm>> -> memref<80x32xf32, #tpu.memory_space<hbm>>
      tpu.wait_dma2 semaphore(%dma_wait3A_467 : memref<!tpu.dma_semaphore, #tpu.memory_space<semaphore_mem>>) src(%dma_wait3A_478 : memref<80x32xf32, #tpu.memory_space<hbm>>) dst(%dma_wait3A_471 : memref<80x32xf32, #tpu.memory_space<vmem>>)
      %dma_wait3A_479 = arith.constant 0 : i32
      %dma_wait3A_480 = arith.constant 0 : i32
      %dma_wait3A_481 = arith.constant 2 : i32
      %dma_wait3A_482 = arith.constant 160 : i32
      %dma_wait3A_483 = arith.constant 0 : i32
      %dma_wait3A_484 = tpu.memref_slice %arg13[%dma_wait3A_479, %dma_wait3A_482, %dma_wait3A_483] : memref<2x400x32xf32, #tpu.memory_space<vmem>> -> memref<1x80x32xf32, #tpu.memory_space<vmem>>
      %dma_wait3A_485 = tpu.memref_squeeze %dma_wait3A_484 : memref<1x80x32xf32, #tpu.memory_space<vmem>> -> memref<80x32xf32, #tpu.memory_space<vmem>>
      %dma_wait3A_486 = arith.constant 0 : i32
      %dma_wait3A_487 = arith.constant 0 : i32
      %dma_wait3A_488 = tpu.memref_slice %arg4[%add3A_64, %dma_wait3A_486, %dma_wait3A_487] : memref<4x10240x32xf32, #tpu.memory_space<hbm>> -> memref<1x10240x32xf32, #tpu.memory_space<hbm>>
      %dma_wait3A_489 = tpu.memref_squeeze %dma_wait3A_488 : memref<1x10240x32xf32, #tpu.memory_space<hbm>> -> memref<10240x32xf32, #tpu.memory_space<hbm>>
      %dma_wait3A_490 = arith.constant 0 : i32
      %dma_wait3A_491 = arith.constant 0 : i32
      %dma_wait3A_492 = tpu.memref_slice %dma_wait3A_489[%dma_wait3A_490, %dma_wait3A_491] : memref<10240x32xf32, #tpu.memory_space<hbm>> -> memref<80x32xf32, #tpu.memory_space<hbm>>
      %dma_wait3A_493 = tpu.memref_slice %arg16[%dma_wait3A_480, %dma_wait3A_481] : memref<2x5x!tpu.dma_semaphore, #tpu.memory_space<semaphore_mem>> -> memref<1x1x!tpu.dma_semaphore, #tpu.memory_space<semaphore_mem>>
      %dma_wait3A_494 = tpu.memref_squeeze %dma_wait3A_493 : memref<1x1x!tpu.dma_semaphore, #tpu.memory_space<semaphore_mem>> -> memref<!tpu.dma_semaphore, #tpu.memory_space<semaphore_mem>>
      %dma_wait3A_495 = arith.constant 160 : i32
      %dma_wait3A_496 = arith.constant 0 : i32
      %dma_wait3A_497 = tpu.memref_slice %arg13[%dma_wait3A_479, %dma_wait3A_495, %dma_wait3A_496] : memref<2x400x32xf32, #tpu.memory_space<vmem>> -> memref<1x80x32xf32, #tpu.memory_space<vmem>>
      %dma_wait3A_498 = tpu.memref_squeeze %dma_wait3A_497 : memref<1x80x32xf32, #tpu.memory_space<vmem>> -> memref<80x32xf32, #tpu.memory_space<vmem>>
      %dma_wait3A_499 = arith.constant 0 : i32
      %dma_wait3A_500 = arith.constant 0 : i32
      %dma_wait3A_501 = tpu.memref_slice %arg4[%add3A_64, %dma_wait3A_499, %dma_wait3A_500] : memref<4x10240x32xf32, #tpu.memory_space<hbm>> -> memref<1x10240x32xf32, #tpu.memory_space<hbm>>
      %dma_wait3A_502 = tpu.memref_squeeze %dma_wait3A_501 : memref<1x10240x32xf32, #tpu.memory_space<hbm>> -> memref<10240x32xf32, #tpu.memory_space<hbm>>
      %dma_wait3A_503 = arith.constant 0 : i32
      %dma_wait3A_504 = arith.constant 0 : i32
      %dma_wait3A_505 = tpu.memref_slice %dma_wait3A_502[%dma_wait3A_503, %dma_wait3A_504] : memref<10240x32xf32, #tpu.memory_space<hbm>> -> memref<80x32xf32, #tpu.memory_space<hbm>>
      tpu.wait_dma2 semaphore(%dma_wait3A_494 : memref<!tpu.dma_semaphore, #tpu.memory_space<semaphore_mem>>) src(%dma_wait3A_505 : memref<80x32xf32, #tpu.memory_space<hbm>>) dst(%dma_wait3A_498 : memref<80x32xf32, #tpu.memory_space<vmem>>)
      %dma_wait3A_506 = arith.constant 0 : i32
      %dma_wait3A_507 = arith.constant 0 : i32
      %dma_wait3A_508 = arith.constant 3 : i32
      %dma_wait3A_509 = arith.constant 240 : i32
      %dma_wait3A_510 = arith.constant 0 : i32
      %dma_wait3A_511 = tpu.memref_slice %arg13[%dma_wait3A_506, %dma_wait3A_509, %dma_wait3A_510] : memref<2x400x32xf32, #tpu.memory_space<vmem>> -> memref<1x80x32xf32, #tpu.memory_space<vmem>>
      %dma_wait3A_512 = tpu.memref_squeeze %dma_wait3A_511 : memref<1x80x32xf32, #tpu.memory_space<vmem>> -> memref<80x32xf32, #tpu.memory_space<vmem>>
      %dma_wait3A_513 = arith.constant 0 : i32
      %dma_wait3A_514 = arith.constant 0 : i32
      %dma_wait3A_515 = tpu.memref_slice %arg4[%add3A_64, %dma_wait3A_513, %dma_wait3A_514] : memref<4x10240x32xf32, #tpu.memory_space<hbm>> -> memref<1x10240x32xf32, #tpu.memory_space<hbm>>
      %dma_wait3A_516 = tpu.memref_squeeze %dma_wait3A_515 : memref<1x10240x32xf32, #tpu.memory_space<hbm>> -> memref<10240x32xf32, #tpu.memory_space<hbm>>
      %dma_wait3A_517 = arith.constant 0 : i32
      %dma_wait3A_518 = arith.constant 0 : i32
      %dma_wait3A_519 = tpu.memref_slice %dma_wait3A_516[%dma_wait3A_517, %dma_wait3A_518] : memref<10240x32xf32, #tpu.memory_space<hbm>> -> memref<80x32xf32, #tpu.memory_space<hbm>>
      %dma_wait3A_520 = tpu.memref_slice %arg16[%dma_wait3A_507, %dma_wait3A_508] : memref<2x5x!tpu.dma_semaphore, #tpu.memory_space<semaphore_mem>> -> memref<1x1x!tpu.dma_semaphore, #tpu.memory_space<semaphore_mem>>
      %dma_wait3A_521 = tpu.memref_squeeze %dma_wait3A_520 : memref<1x1x!tpu.dma_semaphore, #tpu.memory_space<semaphore_mem>> -> memref<!tpu.dma_semaphore, #tpu.memory_space<semaphore_mem>>
      %dma_wait3A_522 = arith.constant 240 : i32
      %dma_wait3A_523 = arith.constant 0 : i32
      %dma_wait3A_524 = tpu.memref_slice %arg13[%dma_wait3A_506, %dma_wait3A_522, %dma_wait3A_523] : memref<2x400x32xf32, #tpu.memory_space<vmem>> -> memref<1x80x32xf32, #tpu.memory_space<vmem>>
      %dma_wait3A_525 = tpu.memref_squeeze %dma_wait3A_524 : memref<1x80x32xf32, #tpu.memory_space<vmem>> -> memref<80x32xf32, #tpu.memory_space<vmem>>
      %dma_wait3A_526 = arith.constant 0 : i32
      %dma_wait3A_527 = arith.constant 0 : i32
      %dma_wait3A_528 = tpu.memref_slice %arg4[%add3A_64, %dma_wait3A_526, %dma_wait3A_527] : memref<4x10240x32xf32, #tpu.memory_space<hbm>> -> memref<1x10240x32xf32, #tpu.memory_space<hbm>>
      %dma_wait3A_529 = tpu.memref_squeeze %dma_wait3A_528 : memref<1x10240x32xf32, #tpu.memory_space<hbm>> -> memref<10240x32xf32, #tpu.memory_space<hbm>>
      %dma_wait3A_530 = arith.constant 0 : i32
      %dma_wait3A_531 = arith.constant 0 : i32
      %dma_wait3A_532 = tpu.memref_slice %dma_wait3A_529[%dma_wait3A_530, %dma_wait3A_531] : memref<10240x32xf32, #tpu.memory_space<hbm>> -> memref<80x32xf32, #tpu.memory_space<hbm>>
      tpu.wait_dma2 semaphore(%dma_wait3A_521 : memref<!tpu.dma_semaphore, #tpu.memory_space<semaphore_mem>>) src(%dma_wait3A_532 : memref<80x32xf32, #tpu.memory_space<hbm>>) dst(%dma_wait3A_525 : memref<80x32xf32, #tpu.memory_space<vmem>>)
      %dma_wait3A_533 = arith.constant 0 : i32
      %dma_wait3A_534 = arith.constant 0 : i32
      %dma_wait3A_535 = arith.constant 4 : i32
      %dma_wait3A_536 = arith.constant 320 : i32
      %dma_wait3A_537 = arith.constant 0 : i32
      %dma_wait3A_538 = tpu.memref_slice %arg13[%dma_wait3A_533, %dma_wait3A_536, %dma_wait3A_537] : memref<2x400x32xf32, #tpu.memory_space<vmem>> -> memref<1x80x32xf32, #tpu.memory_space<vmem>>
      %dma_wait3A_539 = tpu.memref_squeeze %dma_wait3A_538 : memref<1x80x32xf32, #tpu.memory_space<vmem>> -> memref<80x32xf32, #tpu.memory_space<vmem>>
      %dma_wait3A_540 = arith.constant 0 : i32
      %dma_wait3A_541 = arith.constant 0 : i32
      %dma_wait3A_542 = tpu.memref_slice %arg4[%add3A_64, %dma_wait3A_540, %dma_wait3A_541] : memref<4x10240x32xf32, #tpu.memory_space<hbm>> -> memref<1x10240x32xf32, #tpu.memory_space<hbm>>
      %dma_wait3A_543 = tpu.memref_squeeze %dma_wait3A_542 : memref<1x10240x32xf32, #tpu.memory_space<hbm>> -> memref<10240x32xf32, #tpu.memory_space<hbm>>
      %dma_wait3A_544 = arith.constant 0 : i32
      %dma_wait3A_545 = arith.constant 0 : i32
      %dma_wait3A_546 = tpu.memref_slice %dma_wait3A_543[%dma_wait3A_544, %dma_wait3A_545] : memref<10240x32xf32, #tpu.memory_space<hbm>> -> memref<80x32xf32, #tpu.memory_space<hbm>>
      %dma_wait3A_547 = tpu.memref_slice %arg16[%dma_wait3A_534, %dma_wait3A_535] : memref<2x5x!tpu.dma_semaphore, #tpu.memory_space<semaphore_mem>> -> memref<1x1x!tpu.dma_semaphore, #tpu.memory_space<semaphore_mem>>
      %dma_wait3A_548 = tpu.memref_squeeze %dma_wait3A_547 : memref<1x1x!tpu.dma_semaphore, #tpu.memory_space<semaphore_mem>> -> memref<!tpu.dma_semaphore, #tpu.memory_space<semaphore_mem>>
      %dma_wait3A_549 = arith.constant 320 : i32
      %dma_wait3A_550 = arith.constant 0 : i32
      %dma_wait3A_551 = tpu.memref_slice %arg13[%dma_wait3A_533, %dma_wait3A_549, %dma_wait3A_550] : memref<2x400x32xf32, #tpu.memory_space<vmem>> -> memref<1x80x32xf32, #tpu.memory_space<vmem>>
      %dma_wait3A_552 = tpu.memref_squeeze %dma_wait3A_551 : memref<1x80x32xf32, #tpu.memory_space<vmem>> -> memref<80x32xf32, #tpu.memory_space<vmem>>
      %dma_wait3A_553 = arith.constant 0 : i32
      %dma_wait3A_554 = arith.constant 0 : i32
      %dma_wait3A_555 = tpu.memref_slice %arg4[%add3A_64, %dma_wait3A_553, %dma_wait3A_554] : memref<4x10240x32xf32, #tpu.memory_space<hbm>> -> memref<1x10240x32xf32, #tpu.memory_space<hbm>>
      %dma_wait3A_556 = tpu.memref_squeeze %dma_wait3A_555 : memref<1x10240x32xf32, #tpu.memory_space<hbm>> -> memref<10240x32xf32, #tpu.memory_space<hbm>>
      %dma_wait3A_557 = arith.constant 0 : i32
      %dma_wait3A_558 = arith.constant 0 : i32
      %dma_wait3A_559 = tpu.memref_slice %dma_wait3A_556[%dma_wait3A_557, %dma_wait3A_558] : memref<10240x32xf32, #tpu.memory_space<hbm>> -> memref<80x32xf32, #tpu.memory_space<hbm>>
      tpu.wait_dma2 semaphore(%dma_wait3A_548 : memref<!tpu.dma_semaphore, #tpu.memory_space<semaphore_mem>>) src(%dma_wait3A_559 : memref<80x32xf32, #tpu.memory_space<hbm>>) dst(%dma_wait3A_552 : memref<80x32xf32, #tpu.memory_space<vmem>>)
      %mul3A_560 = arith.constant 5 : i32
      %mul3A_561 = arith.muli %mul3A_308, %mul3A_560 : i32
      %mul3A_562 = arith.constant 80 : i32
      %mul3A_563 = arith.muli %mul3A_561, %mul3A_562 : i32
      %parallel_loop3A_564 = arith.constant 0 : i32
      %parallel_loop3A_565 = arith.constant 400 : i32
      %parallel_loop3A_566 = arith.constant 1 : i32
      scf.for %parallel_loop3A_1096 = %parallel_loop3A_564 to %parallel_loop3A_565 step %parallel_loop3A_566  : i32 {
        %parallel_loop3A_1097 = arith.constant 0 : i32
        %parallel_loop3A_1098 = vector.broadcast %parallel_loop3A_1097 : i32 to vector<16xi32>
        %parallel_loop3A_1099 = arith.addi %mul3A_563, %parallel_loop3A_1096 : i32
        %parallel_loop3A_1100 = vector.broadcast %parallel_loop3A_1099 : i32 to vector<16xi32>
        %parallel_loop3A_1101 = arith.addi %parallel_loop3A_1098, %parallel_loop3A_1100 : vector<16xi32>
        %parallel_loop3A_1102 = tpu.vector_load_idx %arg9[%parallel_loop3A_1101] : memref<20000xf32, #tpu.memory_space<vmem>>[vector<16xi32>], vector<16xf32>,
        %parallel_loop3A_1103 = arith.constant 0 : i32
        %parallel_loop3A_1104 = arith.index_cast %parallel_loop3A_1103 : i32 to index
        %parallel_loop3A_1105 = arith.index_cast %parallel_loop3A_1096 : i32 to index
        %parallel_loop3A_1106 = arith.constant 0 : index
        %parallel_loop3A_1107 = tpu.vector_load %arg13[%parallel_loop3A_1104, %parallel_loop3A_1105, %parallel_loop3A_1106] {strides = array<i32>} : memref<2x400x32xf32, #tpu.memory_space<vmem>>, vector<16xf32>,
        %parallel_loop3A_1108 = arith.mulf %parallel_loop3A_1107, %parallel_loop3A_1102 : vector<16xf32>
        %parallel_loop3A_1109 = arith.constant 0 : i32
        %parallel_loop3A_1110 = arith.index_cast %parallel_loop3A_1109 : i32 to index
        %parallel_loop3A_1111 = arith.index_cast %parallel_loop3A_1096 : i32 to index
        %parallel_loop3A_1112 = arith.constant 0 : index
        %parallel_loop3A_1113 = tpu.vector_load %arg13[%parallel_loop3A_1110, %parallel_loop3A_1111, %parallel_loop3A_1112] {strides = array<i32>} : memref<2x400x32xf32, #tpu.memory_space<vmem>>, vector<16xf32>,
        tpu.vector_store %arg13[%parallel_loop3A_1110, %parallel_loop3A_1111, %parallel_loop3A_1112], %parallel_loop3A_1108 {strides = array<i32>} : memref<2x400x32xf32, #tpu.memory_space<vmem>>, vector<16xf32>,
        %parallel_loop3A_1114 = arith.constant 0 : i32
        %parallel_loop3A_1115 = arith.index_cast %parallel_loop3A_1114 : i32 to index
        %parallel_loop3A_1116 = arith.index_cast %parallel_loop3A_1096 : i32 to index
        %parallel_loop3A_1117 = arith.constant 16 : index
        %parallel_loop3A_1118 = tpu.vector_load %arg13[%parallel_loop3A_1115, %parallel_loop3A_1116, %parallel_loop3A_1117] {strides = array<i32>} : memref<2x400x32xf32, #tpu.memory_space<vmem>>, vector<16xf32>,
        %parallel_loop3A_1119 = arith.mulf %parallel_loop3A_1118, %parallel_loop3A_1102 : vector<16xf32>
        %parallel_loop3A_1120 = arith.constant 0 : i32
        %parallel_loop3A_1121 = arith.index_cast %parallel_loop3A_1120 : i32 to index
        %parallel_loop3A_1122 = arith.index_cast %parallel_loop3A_1096 : i32 to index
        %parallel_loop3A_1123 = arith.constant 16 : index
        %parallel_loop3A_1124 = tpu.vector_load %arg13[%parallel_loop3A_1121, %parallel_loop3A_1122, %parallel_loop3A_1123] {strides = array<i32>} : memref<2x400x32xf32, #tpu.memory_space<vmem>>, vector<16xf32>,
        tpu.vector_store %arg13[%parallel_loop3A_1121, %parallel_loop3A_1122, %parallel_loop3A_1123], %parallel_loop3A_1119 {strides = array<i32>} : memref<2x400x32xf32, #tpu.memory_space<vmem>>, vector<16xf32>,
      } {sc.loop_unroll_factor = 8 : i64, sc.parallel_access}
      %mul3A_567 = arith.constant 5 : i32
      %mul3A_568 = arith.muli %mul3A_308, %mul3A_567 : i32
      %add3A_569 = arith.constant 0 : i32
      %add3A_570 = arith.addi %mul3A_568, %add3A_569 : i32
      %dma_start3A_571 = arith.constant 0 : i32
      %dma_start3A_572 = arith.constant 0 : i32
      %dma_start3A_573 = arith.constant 0 : i32
      %dma_start3A_574 = arith.constant 0 : i32
      %dma_start3A_575 = arith.constant 0 : i32
      %dma_start3A_576 = tpu.memref_slice %arg13[%dma_start3A_571, %dma_start3A_574, %dma_start3A_575] : memref<2x400x32xf32, #tpu.memory_space<vmem>> -> memref<1x80x32xf32, #tpu.memory_space<vmem>>
      %dma_start3A_577 = tpu.memref_squeeze %dma_start3A_576 : memref<1x80x32xf32, #tpu.memory_space<vmem>> -> memref<80x32xf32, #tpu.memory_space<vmem>>
      %dma_start3A_578 = arith.constant 0 : i32
      %dma_start3A_579 = tpu.memref_slice %arg8[%add3A_570, %dma_start3A_578] : memref<250x80xi32, #tpu.memory_space<vmem>> -> memref<1x80xi32, #tpu.memory_space<vmem>>
      %dma_start3A_580 = tpu.memref_squeeze %dma_start3A_579 : memref<1x80xi32, #tpu.memory_space<vmem>> -> memref<80xi32, #tpu.memory_space<vmem>>
      %dma_start3A_581 = arith.constant 0 : i32
      %dma_start3A_582 = arith.constant 0 : i32
      %dma_start3A_583 = tpu.memref_slice %arg14[%dma_start3A_581, %dma_start3A_582] : memref<10240x32xf32, #tpu.memory_space<vmem_shared>> -> memref<10240x32xf32, #tpu.memory_space<vmem_shared>>
      %dma_start3A_584 = tpu.memref_slice %arg17[%dma_start3A_572, %dma_start3A_573] : memref<2x5x!tpu.dma_semaphore, #tpu.memory_space<semaphore_mem>> -> memref<1x1x!tpu.dma_semaphore, #tpu.memory_space<semaphore_mem>>
      %dma_start3A_585 = tpu.memref_squeeze %dma_start3A_584 : memref<1x1x!tpu.dma_semaphore, #tpu.memory_space<semaphore_mem>> -> memref<!tpu.dma_semaphore, #tpu.memory_space<semaphore_mem>>
      tpu.enqueue_indirect_dma source(%dma_start3A_577 : memref<80x32xf32, #tpu.memory_space<vmem>>) target(%dma_start3A_583 : memref<10240x32xf32, #tpu.memory_space<vmem_shared>>) offsets(%dma_start3A_580 : memref<80xi32, #tpu.memory_space<vmem>>) semaphore(%dma_start3A_585 : memref<!tpu.dma_semaphore, #tpu.memory_space<semaphore_mem>>) {add = true}
      %mul3A_586 = arith.constant 5 : i32
      %mul3A_587 = arith.muli %mul3A_308, %mul3A_586 : i32
      %add3A_588 = arith.constant 1 : i32
      %add3A_589 = arith.addi %mul3A_587, %add3A_588 : i32
      %dma_start3A_590 = arith.constant 0 : i32
      %dma_start3A_591 = arith.constant 0 : i32
      %dma_start3A_592 = arith.constant 1 : i32
      %dma_start3A_593 = arith.constant 80 : i32
      %dma_start3A_594 = arith.constant 0 : i32
      %dma_start3A_595 = tpu.memref_slice %arg13[%dma_start3A_590, %dma_start3A_593, %dma_start3A_594] : memref<2x400x32xf32, #tpu.memory_space<vmem>> -> memref<1x80x32xf32, #tpu.memory_space<vmem>>
      %dma_start3A_596 = tpu.memref_squeeze %dma_start3A_595 : memref<1x80x32xf32, #tpu.memory_space<vmem>> -> memref<80x32xf32, #tpu.memory_space<vmem>>
      %dma_start3A_597 = arith.constant 0 : i32
      %dma_start3A_598 = tpu.memref_slice %arg8[%add3A_589, %dma_start3A_597] : memref<250x80xi32, #tpu.memory_space<vmem>> -> memref<1x80xi32, #tpu.memory_space<vmem>>
      %dma_start3A_599 = tpu.memref_squeeze %dma_start3A_598 : memref<1x80xi32, #tpu.memory_space<vmem>> -> memref<80xi32, #tpu.memory_space<vmem>>
      %dma_start3A_600 = arith.constant 0 : i32
      %dma_start3A_601 = arith.constant 0 : i32
      %dma_start3A_602 = tpu.memref_slice %arg14[%dma_start3A_600, %dma_start3A_601] : memref<10240x32xf32, #tpu.memory_space<vmem_shared>> -> memref<10240x32xf32, #tpu.memory_space<vmem_shared>>
      %dma_start3A_603 = tpu.memref_slice %arg17[%dma_start3A_591, %dma_start3A_592] : memref<2x5x!tpu.dma_semaphore, #tpu.memory_space<semaphore_mem>> -> memref<1x1x!tpu.dma_semaphore, #tpu.memory_space<semaphore_mem>>
      %dma_start3A_604 = tpu.memref_squeeze %dma_start3A_603 : memref<1x1x!tpu.dma_semaphore, #tpu.memory_space<semaphore_mem>> -> memref<!tpu.dma_semaphore, #tpu.memory_space<semaphore_mem>>
      tpu.enqueue_indirect_dma source(%dma_start3A_596 : memref<80x32xf32, #tpu.memory_space<vmem>>) target(%dma_start3A_602 : memref<10240x32xf32, #tpu.memory_space<vmem_shared>>) offsets(%dma_start3A_599 : memref<80xi32, #tpu.memory_space<vmem>>) semaphore(%dma_start3A_604 : memref<!tpu.dma_semaphore, #tpu.memory_space<semaphore_mem>>) {add = true}
      %mul3A_605 = arith.constant 5 : i32
      %mul3A_606 = arith.muli %mul3A_308, %mul3A_605 : i32
      %add3A_607 = arith.constant 2 : i32
      %add3A_608 = arith.addi %mul3A_606, %add3A_607 : i32
      %dma_start3A_609 = arith.constant 0 : i32
      %dma_start3A_610 = arith.constant 0 : i32
      %dma_start3A_611 = arith.constant 2 : i32
      %dma_start3A_612 = arith.constant 160 : i32
      %dma_start3A_613 = arith.constant 0 : i32
      %dma_start3A_614 = tpu.memref_slice %arg13[%dma_start3A_609, %dma_start3A_612, %dma_start3A_613] : memref<2x400x32xf32, #tpu.memory_space<vmem>> -> memref<1x80x32xf32, #tpu.memory_space<vmem>>
      %dma_start3A_615 = tpu.memref_squeeze %dma_start3A_614 : memref<1x80x32xf32, #tpu.memory_space<vmem>> -> memref<80x32xf32, #tpu.memory_space<vmem>>
      %dma_start3A_616 = arith.constant 0 : i32
      %dma_start3A_617 = tpu.memref_slice %arg8[%add3A_608, %dma_start3A_616] : memref<250x80xi32, #tpu.memory_space<vmem>> -> memref<1x80xi32, #tpu.memory_space<vmem>>
      %dma_start3A_618 = tpu.memref_squeeze %dma_start3A_617 : memref<1x80xi32, #tpu.memory_space<vmem>> -> memref<80xi32, #tpu.memory_space<vmem>>
      %dma_start3A_619 = arith.constant 0 : i32
      %dma_start3A_620 = arith.constant 0 : i32
      %dma_start3A_621 = tpu.memref_slice %arg14[%dma_start3A_619, %dma_start3A_620] : memref<10240x32xf32, #tpu.memory_space<vmem_shared>> -> memref<10240x32xf32, #tpu.memory_space<vmem_shared>>
      %dma_start3A_622 = tpu.memref_slice %arg17[%dma_start3A_610, %dma_start3A_611] : memref<2x5x!tpu.dma_semaphore, #tpu.memory_space<semaphore_mem>> -> memref<1x1x!tpu.dma_semaphore, #tpu.memory_space<semaphore_mem>>
      %dma_start3A_623 = tpu.memref_squeeze %dma_start3A_622 : memref<1x1x!tpu.dma_semaphore, #tpu.memory_space<semaphore_mem>> -> memref<!tpu.dma_semaphore, #tpu.memory_space<semaphore_mem>>
      tpu.enqueue_indirect_dma source(%dma_start3A_615 : memref<80x32xf32, #tpu.memory_space<vmem>>) target(%dma_start3A_621 : memref<10240x32xf32, #tpu.memory_space<vmem_shared>>) offsets(%dma_start3A_618 : memref<80xi32, #tpu.memory_space<vmem>>) semaphore(%dma_start3A_623 : memref<!tpu.dma_semaphore, #tpu.memory_space<semaphore_mem>>) {add = true}
      %mul3A_624 = arith.constant 5 : i32
      %mul3A_625 = arith.muli %mul3A_308, %mul3A_624 : i32
      %add3A_626 = arith.constant 3 : i32
      %add3A_627 = arith.addi %mul3A_625, %add3A_626 : i32
      %dma_start3A_628 = arith.constant 0 : i32
      %dma_start3A_629 = arith.constant 0 : i32
      %dma_start3A_630 = arith.constant 3 : i32
      %dma_start3A_631 = arith.constant 240 : i32
      %dma_start3A_632 = arith.constant 0 : i32
      %dma_start3A_633 = tpu.memref_slice %arg13[%dma_start3A_628, %dma_start3A_631, %dma_start3A_632] : memref<2x400x32xf32, #tpu.memory_space<vmem>> -> memref<1x80x32xf32, #tpu.memory_space<vmem>>
      %dma_start3A_634 = tpu.memref_squeeze %dma_start3A_633 : memref<1x80x32xf32, #tpu.memory_space<vmem>> -> memref<80x32xf32, #tpu.memory_space<vmem>>
      %dma_start3A_635 = arith.constant 0 : i32
      %dma_start3A_636 = tpu.memref_slice %arg8[%add3A_627, %dma_start3A_635] : memref<250x80xi32, #tpu.memory_space<vmem>> -> memref<1x80xi32, #tpu.memory_space<vmem>>
      %dma_start3A_637 = tpu.memref_squeeze %dma_start3A_636 : memref<1x80xi32, #tpu.memory_space<vmem>> -> memref<80xi32, #tpu.memory_space<vmem>>
      %dma_start3A_638 = arith.constant 0 : i32
      %dma_start3A_639 = arith.constant 0 : i32
      %dma_start3A_640 = tpu.memref_slice %arg14[%dma_start3A_638, %dma_start3A_639] : memref<10240x32xf32, #tpu.memory_space<vmem_shared>> -> memref<10240x32xf32, #tpu.memory_space<vmem_shared>>
      %dma_start3A_641 = tpu.memref_slice %arg17[%dma_start3A_629, %dma_start3A_630] : memref<2x5x!tpu.dma_semaphore, #tpu.memory_space<semaphore_mem>> -> memref<1x1x!tpu.dma_semaphore, #tpu.memory_space<semaphore_mem>>
      %dma_start3A_642 = tpu.memref_squeeze %dma_start3A_641 : memref<1x1x!tpu.dma_semaphore, #tpu.memory_space<semaphore_mem>> -> memref<!tpu.dma_semaphore, #tpu.memory_space<semaphore_mem>>
      tpu.enqueue_indirect_dma source(%dma_start3A_634 : memref<80x32xf32, #tpu.memory_space<vmem>>) target(%dma_start3A_640 : memref<10240x32xf32, #tpu.memory_space<vmem_shared>>) offsets(%dma_start3A_637 : memref<80xi32, #tpu.memory_space<vmem>>) semaphore(%dma_start3A_642 : memref<!tpu.dma_semaphore, #tpu.memory_space<semaphore_mem>>) {add = true}
      %mul3A_643 = arith.constant 5 : i32
      %mul3A_644 = arith.muli %mul3A_308, %mul3A_643 : i32
      %add3A_645 = arith.constant 4 : i32
      %add3A_646 = arith.addi %mul3A_644, %add3A_645 : i32
      %dma_start3A_647 = arith.constant 0 : i32
      %dma_start3A_648 = arith.constant 0 : i32
      %dma_start3A_649 = arith.constant 4 : i32
      %dma_start3A_650 = arith.constant 320 : i32
      %dma_start3A_651 = arith.constant 0 : i32
      %dma_start3A_652 = tpu.memref_slice %arg13[%dma_start3A_647, %dma_start3A_650, %dma_start3A_651] : memref<2x400x32xf32, #tpu.memory_space<vmem>> -> memref<1x80x32xf32, #tpu.memory_space<vmem>>
      %dma_start3A_653 = tpu.memref_squeeze %dma_start3A_652 : memref<1x80x32xf32, #tpu.memory_space<vmem>> -> memref<80x32xf32, #tpu.memory_space<vmem>>
      %dma_start3A_654 = arith.constant 0 : i32
      %dma_start3A_655 = tpu.memref_slice %arg8[%add3A_646, %dma_start3A_654] : memref<250x80xi32, #tpu.memory_space<vmem>> -> memref<1x80xi32, #tpu.memory_space<vmem>>
      %dma_start3A_656 = tpu.memref_squeeze %dma_start3A_655 : memref<1x80xi32, #tpu.memory_space<vmem>> -> memref<80xi32, #tpu.memory_space<vmem>>
      %dma_start3A_657 = arith.constant 0 : i32
      %dma_start3A_658 = arith.constant 0 : i32
      %dma_start3A_659 = tpu.memref_slice %arg14[%dma_start3A_657, %dma_start3A_658] : memref<10240x32xf32, #tpu.memory_space<vmem_shared>> -> memref<10240x32xf32, #tpu.memory_space<vmem_shared>>
      %dma_start3A_660 = tpu.memref_slice %arg17[%dma_start3A_648, %dma_start3A_649] : memref<2x5x!tpu.dma_semaphore, #tpu.memory_space<semaphore_mem>> -> memref<1x1x!tpu.dma_semaphore, #tpu.memory_space<semaphore_mem>>
      %dma_start3A_661 = tpu.memref_squeeze %dma_start3A_660 : memref<1x1x!tpu.dma_semaphore, #tpu.memory_space<semaphore_mem>> -> memref<!tpu.dma_semaphore, #tpu.memory_space<semaphore_mem>>
      tpu.enqueue_indirect_dma source(%dma_start3A_653 : memref<80x32xf32, #tpu.memory_space<vmem>>) target(%dma_start3A_659 : memref<10240x32xf32, #tpu.memory_space<vmem_shared>>) offsets(%dma_start3A_656 : memref<80xi32, #tpu.memory_space<vmem>>) semaphore(%dma_start3A_661 : memref<!tpu.dma_semaphore, #tpu.memory_space<semaphore_mem>>) {add = true}
      %dma_wait3A_662 = arith.constant 0 : i32
      %dma_wait3A_663 = arith.constant 0 : i32
      %dma_wait3A_664 = arith.constant 0 : i32
      %dma_wait3A_665 = arith.constant 0 : i32
      %dma_wait3A_666 = arith.constant 0 : i32
      %dma_wait3A_667 = tpu.memref_slice %arg13[%dma_wait3A_662, %dma_wait3A_665, %dma_wait3A_666] : memref<2x400x32xf32, #tpu.memory_space<vmem>> -> memref<1x80x32xf32, #tpu.memory_space<vmem>>
      %dma_wait3A_668 = tpu.memref_squeeze %dma_wait3A_667 : memref<1x80x32xf32, #tpu.memory_space<vmem>> -> memref<80x32xf32, #tpu.memory_space<vmem>>
      %dma_wait3A_669 = arith.constant 0 : i32
      %dma_wait3A_670 = arith.constant 0 : i32
      %dma_wait3A_671 = tpu.memref_slice %arg14[%dma_wait3A_669, %dma_wait3A_670] : memref<10240x32xf32, #tpu.memory_space<vmem_shared>> -> memref<80x32xf32, #tpu.memory_space<vmem_shared>>
      %dma_wait3A_672 = tpu.memref_slice %arg17[%dma_wait3A_663, %dma_wait3A_664] : memref<2x5x!tpu.dma_semaphore, #tpu.memory_space<semaphore_mem>> -> memref<1x1x!tpu.dma_semaphore, #tpu.memory_space<semaphore_mem>>
      %dma_wait3A_673 = tpu.memref_squeeze %dma_wait3A_672 : memref<1x1x!tpu.dma_semaphore, #tpu.memory_space<semaphore_mem>> -> memref<!tpu.dma_semaphore, #tpu.memory_space<semaphore_mem>>
      %dma_wait3A_674 = arith.constant 0 : i32
      %dma_wait3A_675 = arith.constant 0 : i32
      %dma_wait3A_676 = tpu.memref_slice %arg14[%dma_wait3A_674, %dma_wait3A_675] : memref<10240x32xf32, #tpu.memory_space<vmem_shared>> -> memref<80x32xf32, #tpu.memory_space<vmem_shared>>
      %dma_wait3A_677 = arith.constant 0 : i32
      %dma_wait3A_678 = arith.constant 0 : i32
      %dma_wait3A_679 = tpu.memref_slice %arg13[%dma_wait3A_662, %dma_wait3A_677, %dma_wait3A_678] : memref<2x400x32xf32, #tpu.memory_space<vmem>> -> memref<1x80x32xf32, #tpu.memory_space<vmem>>
      %dma_wait3A_680 = tpu.memref_squeeze %dma_wait3A_679 : memref<1x80x32xf32, #tpu.memory_space<vmem>> -> memref<80x32xf32, #tpu.memory_space<vmem>>
      tpu.wait_dma2 semaphore(%dma_wait3A_673 : memref<!tpu.dma_semaphore, #tpu.memory_space<semaphore_mem>>) src(%dma_wait3A_680 : memref<80x32xf32, #tpu.memory_space<vmem>>) dst(%dma_wait3A_676 : memref<80x32xf32, #tpu.memory_space<vmem_shared>>)
      %dma_wait3A_681 = arith.constant 0 : i32
      %dma_wait3A_682 = arith.constant 0 : i32
      %dma_wait3A_683 = arith.constant 1 : i32
      %dma_wait3A_684 = arith.constant 80 : i32
      %dma_wait3A_685 = arith.constant 0 : i32
      %dma_wait3A_686 = tpu.memref_slice %arg13[%dma_wait3A_681, %dma_wait3A_684, %dma_wait3A_685] : memref<2x400x32xf32, #tpu.memory_space<vmem>> -> memref<1x80x32xf32, #tpu.memory_space<vmem>>
      %dma_wait3A_687 = tpu.memref_squeeze %dma_wait3A_686 : memref<1x80x32xf32, #tpu.memory_space<vmem>> -> memref<80x32xf32, #tpu.memory_space<vmem>>
      %dma_wait3A_688 = arith.constant 0 : i32
      %dma_wait3A_689 = arith.constant 0 : i32
      %dma_wait3A_690 = tpu.memref_slice %arg14[%dma_wait3A_688, %dma_wait3A_689] : memref<10240x32xf32, #tpu.memory_space<vmem_shared>> -> memref<80x32xf32, #tpu.memory_space<vmem_shared>>
      %dma_wait3A_691 = tpu.memref_slice %arg17[%dma_wait3A_682, %dma_wait3A_683] : memref<2x5x!tpu.dma_semaphore, #tpu.memory_space<semaphore_mem>> -> memref<1x1x!tpu.dma_semaphore, #tpu.memory_space<semaphore_mem>>
      %dma_wait3A_692 = tpu.memref_squeeze %dma_wait3A_691 : memref<1x1x!tpu.dma_semaphore, #tpu.memory_space<semaphore_mem>> -> memref<!tpu.dma_semaphore, #tpu.memory_space<semaphore_mem>>
      %dma_wait3A_693 = arith.constant 0 : i32
      %dma_wait3A_694 = arith.constant 0 : i32
      %dma_wait3A_695 = tpu.memref_slice %arg14[%dma_wait3A_693, %dma_wait3A_694] : memref<10240x32xf32, #tpu.memory_space<vmem_shared>> -> memref<80x32xf32, #tpu.memory_space<vmem_shared>>
      %dma_wait3A_696 = arith.constant 80 : i32
      %dma_wait3A_697 = arith.constant 0 : i32
      %dma_wait3A_698 = tpu.memref_slice %arg13[%dma_wait3A_681, %dma_wait3A_696, %dma_wait3A_697] : memref<2x400x32xf32, #tpu.memory_space<vmem>> -> memref<1x80x32xf32, #tpu.memory_space<vmem>>
      %dma_wait3A_699 = tpu.memref_squeeze %dma_wait3A_698 : memref<1x80x32xf32, #tpu.memory_space<vmem>> -> memref<80x32xf32, #tpu.memory_space<vmem>>
      tpu.wait_dma2 semaphore(%dma_wait3A_692 : memref<!tpu.dma_semaphore, #tpu.memory_space<semaphore_mem>>) src(%dma_wait3A_699 : memref<80x32xf32, #tpu.memory_space<vmem>>) dst(%dma_wait3A_695 : memref<80x32xf32, #tpu.memory_space<vmem_shared>>)
      %dma_wait3A_700 = arith.constant 0 : i32
      %dma_wait3A_701 = arith.constant 0 : i32
      %dma_wait3A_702 = arith.constant 2 : i32
      %dma_wait3A_703 = arith.constant 160 : i32
      %dma_wait3A_704 = arith.constant 0 : i32
      %dma_wait3A_705 = tpu.memref_slice %arg13[%dma_wait3A_700, %dma_wait3A_703, %dma_wait3A_704] : memref<2x400x32xf32, #tpu.memory_space<vmem>> -> memref<1x80x32xf32, #tpu.memory_space<vmem>>
      %dma_wait3A_706 = tpu.memref_squeeze %dma_wait3A_705 : memref<1x80x32xf32, #tpu.memory_space<vmem>> -> memref<80x32xf32, #tpu.memory_space<vmem>>
      %dma_wait3A_707 = arith.constant 0 : i32
      %dma_wait3A_708 = arith.constant 0 : i32
      %dma_wait3A_709 = tpu.memref_slice %arg14[%dma_wait3A_707, %dma_wait3A_708] : memref<10240x32xf32, #tpu.memory_space<vmem_shared>> -> memref<80x32xf32, #tpu.memory_space<vmem_shared>>
      %dma_wait3A_710 = tpu.memref_slice %arg17[%dma_wait3A_701, %dma_wait3A_702] : memref<2x5x!tpu.dma_semaphore, #tpu.memory_space<semaphore_mem>> -> memref<1x1x!tpu.dma_semaphore, #tpu.memory_space<semaphore_mem>>
      %dma_wait3A_711 = tpu.memref_squeeze %dma_wait3A_710 : memref<1x1x!tpu.dma_semaphore, #tpu.memory_space<semaphore_mem>> -> memref<!tpu.dma_semaphore, #tpu.memory_space<semaphore_mem>>
      %dma_wait3A_712 = arith.constant 0 : i32
      %dma_wait3A_713 = arith.constant 0 : i32
      %dma_wait3A_714 = tpu.memref_slice %arg14[%dma_wait3A_712, %dma_wait3A_713] : memref<10240x32xf32, #tpu.memory_space<vmem_shared>> -> memref<80x32xf32, #tpu.memory_space<vmem_shared>>
      %dma_wait3A_715 = arith.constant 160 : i32
      %dma_wait3A_716 = arith.constant 0 : i32
      %dma_wait3A_717 = tpu.memref_slice %arg13[%dma_wait3A_700, %dma_wait3A_715, %dma_wait3A_716] : memref<2x400x32xf32, #tpu.memory_space<vmem>> -> memref<1x80x32xf32, #tpu.memory_space<vmem>>
      %dma_wait3A_718 = tpu.memref_squeeze %dma_wait3A_717 : memref<1x80x32xf32, #tpu.memory_space<vmem>> -> memref<80x32xf32, #tpu.memory_space<vmem>>
      tpu.wait_dma2 semaphore(%dma_wait3A_711 : memref<!tpu.dma_semaphore, #tpu.memory_space<semaphore_mem>>) src(%dma_wait3A_718 : memref<80x32xf32, #tpu.memory_space<vmem>>) dst(%dma_wait3A_714 : memref<80x32xf32, #tpu.memory_space<vmem_shared>>)
      %dma_wait3A_719 = arith.constant 0 : i32
      %dma_wait3A_720 = arith.constant 0 : i32
      %dma_wait3A_721 = arith.constant 3 : i32
      %dma_wait3A_722 = arith.constant 240 : i32
      %dma_wait3A_723 = arith.constant 0 : i32
      %dma_wait3A_724 = tpu.memref_slice %arg13[%dma_wait3A_719, %dma_wait3A_722, %dma_wait3A_723] : memref<2x400x32xf32, #tpu.memory_space<vmem>> -> memref<1x80x32xf32, #tpu.memory_space<vmem>>
      %dma_wait3A_725 = tpu.memref_squeeze %dma_wait3A_724 : memref<1x80x32xf32, #tpu.memory_space<vmem>> -> memref<80x32xf32, #tpu.memory_space<vmem>>
      %dma_wait3A_726 = arith.constant 0 : i32
      %dma_wait3A_727 = arith.constant 0 : i32
      %dma_wait3A_728 = tpu.memref_slice %arg14[%dma_wait3A_726, %dma_wait3A_727] : memref<10240x32xf32, #tpu.memory_space<vmem_shared>> -> memref<80x32xf32, #tpu.memory_space<vmem_shared>>
      %dma_wait3A_729 = tpu.memref_slice %arg17[%dma_wait3A_720, %dma_wait3A_721] : memref<2x5x!tpu.dma_semaphore, #tpu.memory_space<semaphore_mem>> -> memref<1x1x!tpu.dma_semaphore, #tpu.memory_space<semaphore_mem>>
      %dma_wait3A_730 = tpu.memref_squeeze %dma_wait3A_729 : memref<1x1x!tpu.dma_semaphore, #tpu.memory_space<semaphore_mem>> -> memref<!tpu.dma_semaphore, #tpu.memory_space<semaphore_mem>>
      %dma_wait3A_731 = arith.constant 0 : i32
      %dma_wait3A_732 = arith.constant 0 : i32
      %dma_wait3A_733 = tpu.memref_slice %arg14[%dma_wait3A_731, %dma_wait3A_732] : memref<10240x32xf32, #tpu.memory_space<vmem_shared>> -> memref<80x32xf32, #tpu.memory_space<vmem_shared>>
      %dma_wait3A_734 = arith.constant 240 : i32
      %dma_wait3A_735 = arith.constant 0 : i32
      %dma_wait3A_736 = tpu.memref_slice %arg13[%dma_wait3A_719, %dma_wait3A_734, %dma_wait3A_735] : memref<2x400x32xf32, #tpu.memory_space<vmem>> -> memref<1x80x32xf32, #tpu.memory_space<vmem>>
      %dma_wait3A_737 = tpu.memref_squeeze %dma_wait3A_736 : memref<1x80x32xf32, #tpu.memory_space<vmem>> -> memref<80x32xf32, #tpu.memory_space<vmem>>
      tpu.wait_dma2 semaphore(%dma_wait3A_730 : memref<!tpu.dma_semaphore, #tpu.memory_space<semaphore_mem>>) src(%dma_wait3A_737 : memref<80x32xf32, #tpu.memory_space<vmem>>) dst(%dma_wait3A_733 : memref<80x32xf32, #tpu.memory_space<vmem_shared>>)
      %dma_wait3A_738 = arith.constant 0 : i32
      %dma_wait3A_739 = arith.constant 0 : i32
      %dma_wait3A_740 = arith.constant 4 : i32
      %dma_wait3A_741 = arith.constant 320 : i32
      %dma_wait3A_742 = arith.constant 0 : i32
      %dma_wait3A_743 = tpu.memref_slice %arg13[%dma_wait3A_738, %dma_wait3A_741, %dma_wait3A_742] : memref<2x400x32xf32, #tpu.memory_space<vmem>> -> memref<1x80x32xf32, #tpu.memory_space<vmem>>
      %dma_wait3A_744 = tpu.memref_squeeze %dma_wait3A_743 : memref<1x80x32xf32, #tpu.memory_space<vmem>> -> memref<80x32xf32, #tpu.memory_space<vmem>>
      %dma_wait3A_745 = arith.constant 0 : i32
      %dma_wait3A_746 = arith.constant 0 : i32
      %dma_wait3A_747 = tpu.memref_slice %arg14[%dma_wait3A_745, %dma_wait3A_746] : memref<10240x32xf32, #tpu.memory_space<vmem_shared>> -> memref<80x32xf32, #tpu.memory_space<vmem_shared>>
      %dma_wait3A_748 = tpu.memref_slice %arg17[%dma_wait3A_739, %dma_wait3A_740] : memref<2x5x!tpu.dma_semaphore, #tpu.memory_space<semaphore_mem>> -> memref<1x1x!tpu.dma_semaphore, #tpu.memory_space<semaphore_mem>>
      %dma_wait3A_749 = tpu.memref_squeeze %dma_wait3A_748 : memref<1x1x!tpu.dma_semaphore, #tpu.memory_space<semaphore_mem>> -> memref<!tpu.dma_semaphore, #tpu.memory_space<semaphore_mem>>
      %dma_wait3A_750 = arith.constant 0 : i32
      %dma_wait3A_751 = arith.constant 0 : i32
      %dma_wait3A_752 = tpu.memref_slice %arg14[%dma_wait3A_750, %dma_wait3A_751] : memref<10240x32xf32, #tpu.memory_space<vmem_shared>> -> memref<80x32xf32, #tpu.memory_space<vmem_shared>>
      %dma_wait3A_753 = arith.constant 320 : i32
      %dma_wait3A_754 = arith.constant 0 : i32
      %dma_wait3A_755 = tpu.memref_slice %arg13[%dma_wait3A_738, %dma_wait3A_753, %dma_wait3A_754] : memref<2x400x32xf32, #tpu.memory_space<vmem>> -> memref<1x80x32xf32, #tpu.memory_space<vmem>>
      %dma_wait3A_756 = tpu.memref_squeeze %dma_wait3A_755 : memref<1x80x32xf32, #tpu.memory_space<vmem>> -> memref<80x32xf32, #tpu.memory_space<vmem>>
      tpu.wait_dma2 semaphore(%dma_wait3A_749 : memref<!tpu.dma_semaphore, #tpu.memory_space<semaphore_mem>>) src(%dma_wait3A_756 : memref<80x32xf32, #tpu.memory_space<vmem>>) dst(%dma_wait3A_752 : memref<80x32xf32, #tpu.memory_space<vmem_shared>>)
      %add3A_757 = arith.constant 2 : i32
      %add3A_758 = arith.addi %mul3A_308, %add3A_757 : i32
      %lt3A = arith.constant 50 : i32
      %lt3A_759 = arith.cmpi slt, %add3A_758, %lt3A : i32
      %convert_element_type3A_760 = arith.extui %lt3A_759 : i1 to i32
      %cond3A_761 = arith.constant 0 : i32
      %cond3A_762 = arith.cmpi ne, %convert_element_type3A_760, %cond3A_761 : i32
      scf.if %cond3A_762 {
        %add3A_1096 = arith.constant 2 : i32
        %add3A_1097 = arith.addi %mul3A_308, %add3A_1096 : i32
        %mul3A_1098 = arith.constant 5 : i32
        %mul3A_1099 = arith.muli %add3A_1097, %mul3A_1098 : i32
        %add3A_1100 = arith.constant 0 : i32
        %add3A_1101 = arith.addi %mul3A_1099, %add3A_1100 : i32
        %dma_start3A_1102 = arith.constant 0 : i32
        %dma_start3A_1103 = arith.constant 0 : i32
        %dma_start3A_1104 = arith.constant 0 : i32
        %dma_start3A_1105 = arith.constant 0 : i32
        %dma_start3A_1106 = arith.constant 0 : i32
        %dma_start3A_1107 = tpu.memref_slice %arg13[%dma_start3A_1102, %dma_start3A_1105, %dma_start3A_1106] : memref<2x400x32xf32, #tpu.memory_space<vmem>> -> memref<1x80x32xf32, #tpu.memory_space<vmem>>
        %dma_start3A_1108 = tpu.memref_squeeze %dma_start3A_1107 : memref<1x80x32xf32, #tpu.memory_space<vmem>> -> memref<80x32xf32, #tpu.memory_space<vmem>>
        %dma_start3A_1109 = arith.constant 0 : i32
        %dma_start3A_1110 = tpu.memref_slice %arg7[%add3A_1101, %dma_start3A_1109] : memref<250x80xi32, #tpu.memory_space<vmem>> -> memref<1x80xi32, #tpu.memory_space<vmem>>
        %dma_start3A_1111 = tpu.memref_squeeze %dma_start3A_1110 : memref<1x80xi32, #tpu.memory_space<vmem>> -> memref<80xi32, #tpu.memory_space<vmem>>
        %dma_start3A_1112 = arith.constant 0 : i32
        %dma_start3A_1113 = arith.constant 0 : i32
        %dma_start3A_1114 = tpu.memref_slice %arg4[%add3A_64, %dma_start3A_1112, %dma_start3A_1113] : memref<4x10240x32xf32, #tpu.memory_space<hbm>> -> memref<1x10240x32xf32, #tpu.memory_space<hbm>>
        %dma_start3A_1115 = tpu.memref_squeeze %dma_start3A_1114 : memref<1x10240x32xf32, #tpu.memory_space<hbm>> -> memref<10240x32xf32, #tpu.memory_space<hbm>>
        %dma_start3A_1116 = arith.constant 0 : i32
        %dma_start3A_1117 = arith.constant 0 : i32
        %dma_start3A_1118 = tpu.memref_slice %dma_start3A_1115[%dma_start3A_1116, %dma_start3A_1117] : memref<10240x32xf32, #tpu.memory_space<hbm>> -> memref<10240x32xf32, #tpu.memory_space<hbm>>
        %dma_start3A_1119 = tpu.memref_slice %arg16[%dma_start3A_1103, %dma_start3A_1104] : memref<2x5x!tpu.dma_semaphore, #tpu.memory_space<semaphore_mem>> -> memref<1x1x!tpu.dma_semaphore, #tpu.memory_space<semaphore_mem>>
        %dma_start3A_1120 = tpu.memref_squeeze %dma_start3A_1119 : memref<1x1x!tpu.dma_semaphore, #tpu.memory_space<semaphore_mem>> -> memref<!tpu.dma_semaphore, #tpu.memory_space<semaphore_mem>>
        tpu.enqueue_indirect_dma source(%dma_start3A_1118 : memref<10240x32xf32, #tpu.memory_space<hbm>>) target(%dma_start3A_1108 : memref<80x32xf32, #tpu.memory_space<vmem>>) offsets(%dma_start3A_1111 : memref<80xi32, #tpu.memory_space<vmem>>) semaphore(%dma_start3A_1120 : memref<!tpu.dma_semaphore, #tpu.memory_space<semaphore_mem>>)
        %mul3A_1121 = arith.constant 5 : i32
        %mul3A_1122 = arith.muli %add3A_1097, %mul3A_1121 : i32
        %add3A_1123 = arith.constant 1 : i32
        %add3A_1124 = arith.addi %mul3A_1122, %add3A_1123 : i32
        %dma_start3A_1125 = arith.constant 0 : i32
        %dma_start3A_1126 = arith.constant 0 : i32
        %dma_start3A_1127 = arith.constant 1 : i32
        %dma_start3A_1128 = arith.constant 80 : i32
        %dma_start3A_1129 = arith.constant 0 : i32
        %dma_start3A_1130 = tpu.memref_slice %arg13[%dma_start3A_1125, %dma_start3A_1128, %dma_start3A_1129] : memref<2x400x32xf32, #tpu.memory_space<vmem>> -> memref<1x80x32xf32, #tpu.memory_space<vmem>>
        %dma_start3A_1131 = tpu.memref_squeeze %dma_start3A_1130 : memref<1x80x32xf32, #tpu.memory_space<vmem>> -> memref<80x32xf32, #tpu.memory_space<vmem>>
        %dma_start3A_1132 = arith.constant 0 : i32
        %dma_start3A_1133 = tpu.memref_slice %arg7[%add3A_1124, %dma_start3A_1132] : memref<250x80xi32, #tpu.memory_space<vmem>> -> memref<1x80xi32, #tpu.memory_space<vmem>>
        %dma_start3A_1134 = tpu.memref_squeeze %dma_start3A_1133 : memref<1x80xi32, #tpu.memory_space<vmem>> -> memref<80xi32, #tpu.memory_space<vmem>>
        %dma_start3A_1135 = arith.constant 0 : i32
        %dma_start3A_1136 = arith.constant 0 : i32
        %dma_start3A_1137 = tpu.memref_slice %arg4[%add3A_64, %dma_start3A_1135, %dma_start3A_1136] : memref<4x10240x32xf32, #tpu.memory_space<hbm>> -> memref<1x10240x32xf32, #tpu.memory_space<hbm>>
        %dma_start3A_1138 = tpu.memref_squeeze %dma_start3A_1137 : memref<1x10240x32xf32, #tpu.memory_space<hbm>> -> memref<10240x32xf32, #tpu.memory_space<hbm>>
        %dma_start3A_1139 = arith.constant 0 : i32
        %dma_start3A_1140 = arith.constant 0 : i32
        %dma_start3A_1141 = tpu.memref_slice %dma_start3A_1138[%dma_start3A_1139, %dma_start3A_1140] : memref<10240x32xf32, #tpu.memory_space<hbm>> -> memref<10240x32xf32, #tpu.memory_space<hbm>>
        %dma_start3A_1142 = tpu.memref_slice %arg16[%dma_start3A_1126, %dma_start3A_1127] : memref<2x5x!tpu.dma_semaphore, #tpu.memory_space<semaphore_mem>> -> memref<1x1x!tpu.dma_semaphore, #tpu.memory_space<semaphore_mem>>
        %dma_start3A_1143 = tpu.memref_squeeze %dma_start3A_1142 : memref<1x1x!tpu.dma_semaphore, #tpu.memory_space<semaphore_mem>> -> memref<!tpu.dma_semaphore, #tpu.memory_space<semaphore_mem>>
        tpu.enqueue_indirect_dma source(%dma_start3A_1141 : memref<10240x32xf32, #tpu.memory_space<hbm>>) target(%dma_start3A_1131 : memref<80x32xf32, #tpu.memory_space<vmem>>) offsets(%dma_start3A_1134 : memref<80xi32, #tpu.memory_space<vmem>>) semaphore(%dma_start3A_1143 : memref<!tpu.dma_semaphore, #tpu.memory_space<semaphore_mem>>)
        %mul3A_1144 = arith.constant 5 : i32
        %mul3A_1145 = arith.muli %add3A_1097, %mul3A_1144 : i32
        %add3A_1146 = arith.constant 2 : i32
        %add3A_1147 = arith.addi %mul3A_1145, %add3A_1146 : i32
        %dma_start3A_1148 = arith.constant 0 : i32
        %dma_start3A_1149 = arith.constant 0 : i32
        %dma_start3A_1150 = arith.constant 2 : i32
        %dma_start3A_1151 = arith.constant 160 : i32
        %dma_start3A_1152 = arith.constant 0 : i32
        %dma_start3A_1153 = tpu.memref_slice %arg13[%dma_start3A_1148, %dma_start3A_1151, %dma_start3A_1152] : memref<2x400x32xf32, #tpu.memory_space<vmem>> -> memref<1x80x32xf32, #tpu.memory_space<vmem>>
        %dma_start3A_1154 = tpu.memref_squeeze %dma_start3A_1153 : memref<1x80x32xf32, #tpu.memory_space<vmem>> -> memref<80x32xf32, #tpu.memory_space<vmem>>
        %dma_start3A_1155 = arith.constant 0 : i32
        %dma_start3A_1156 = tpu.memref_slice %arg7[%add3A_1147, %dma_start3A_1155] : memref<250x80xi32, #tpu.memory_space<vmem>> -> memref<1x80xi32, #tpu.memory_space<vmem>>
        %dma_start3A_1157 = tpu.memref_squeeze %dma_start3A_1156 : memref<1x80xi32, #tpu.memory_space<vmem>> -> memref<80xi32, #tpu.memory_space<vmem>>
        %dma_start3A_1158 = arith.constant 0 : i32
        %dma_start3A_1159 = arith.constant 0 : i32
        %dma_start3A_1160 = tpu.memref_slice %arg4[%add3A_64, %dma_start3A_1158, %dma_start3A_1159] : memref<4x10240x32xf32, #tpu.memory_space<hbm>> -> memref<1x10240x32xf32, #tpu.memory_space<hbm>>
        %dma_start3A_1161 = tpu.memref_squeeze %dma_start3A_1160 : memref<1x10240x32xf32, #tpu.memory_space<hbm>> -> memref<10240x32xf32, #tpu.memory_space<hbm>>
        %dma_start3A_1162 = arith.constant 0 : i32
        %dma_start3A_1163 = arith.constant 0 : i32
        %dma_start3A_1164 = tpu.memref_slice %dma_start3A_1161[%dma_start3A_1162, %dma_start3A_1163] : memref<10240x32xf32, #tpu.memory_space<hbm>> -> memref<10240x32xf32, #tpu.memory_space<hbm>>
        %dma_start3A_1165 = tpu.memref_slice %arg16[%dma_start3A_1149, %dma_start3A_1150] : memref<2x5x!tpu.dma_semaphore, #tpu.memory_space<semaphore_mem>> -> memref<1x1x!tpu.dma_semaphore, #tpu.memory_space<semaphore_mem>>
        %dma_start3A_1166 = tpu.memref_squeeze %dma_start3A_1165 : memref<1x1x!tpu.dma_semaphore, #tpu.memory_space<semaphore_mem>> -> memref<!tpu.dma_semaphore, #tpu.memory_space<semaphore_mem>>
        tpu.enqueue_indirect_dma source(%dma_start3A_1164 : memref<10240x32xf32, #tpu.memory_space<hbm>>) target(%dma_start3A_1154 : memref<80x32xf32, #tpu.memory_space<vmem>>) offsets(%dma_start3A_1157 : memref<80xi32, #tpu.memory_space<vmem>>) semaphore(%dma_start3A_1166 : memref<!tpu.dma_semaphore, #tpu.memory_space<semaphore_mem>>)
        %mul3A_1167 = arith.constant 5 : i32
        %mul3A_1168 = arith.muli %add3A_1097, %mul3A_1167 : i32
        %add3A_1169 = arith.constant 3 : i32
        %add3A_1170 = arith.addi %mul3A_1168, %add3A_1169 : i32
        %dma_start3A_1171 = arith.constant 0 : i32
        %dma_start3A_1172 = arith.constant 0 : i32
        %dma_start3A_1173 = arith.constant 3 : i32
        %dma_start3A_1174 = arith.constant 240 : i32
        %dma_start3A_1175 = arith.constant 0 : i32
        %dma_start3A_1176 = tpu.memref_slice %arg13[%dma_start3A_1171, %dma_start3A_1174, %dma_start3A_1175] : memref<2x400x32xf32, #tpu.memory_space<vmem>> -> memref<1x80x32xf32, #tpu.memory_space<vmem>>
        %dma_start3A_1177 = tpu.memref_squeeze %dma_start3A_1176 : memref<1x80x32xf32, #tpu.memory_space<vmem>> -> memref<80x32xf32, #tpu.memory_space<vmem>>
        %dma_start3A_1178 = arith.constant 0 : i32
        %dma_start3A_1179 = tpu.memref_slice %arg7[%add3A_1170, %dma_start3A_1178] : memref<250x80xi32, #tpu.memory_space<vmem>> -> memref<1x80xi32, #tpu.memory_space<vmem>>
        %dma_start3A_1180 = tpu.memref_squeeze %dma_start3A_1179 : memref<1x80xi32, #tpu.memory_space<vmem>> -> memref<80xi32, #tpu.memory_space<vmem>>
        %dma_start3A_1181 = arith.constant 0 : i32
        %dma_start3A_1182 = arith.constant 0 : i32
        %dma_start3A_1183 = tpu.memref_slice %arg4[%add3A_64, %dma_start3A_1181, %dma_start3A_1182] : memref<4x10240x32xf32, #tpu.memory_space<hbm>> -> memref<1x10240x32xf32, #tpu.memory_space<hbm>>
        %dma_start3A_1184 = tpu.memref_squeeze %dma_start3A_1183 : memref<1x10240x32xf32, #tpu.memory_space<hbm>> -> memref<10240x32xf32, #tpu.memory_space<hbm>>
        %dma_start3A_1185 = arith.constant 0 : i32
        %dma_start3A_1186 = arith.constant 0 : i32
        %dma_start3A_1187 = tpu.memref_slice %dma_start3A_1184[%dma_start3A_1185, %dma_start3A_1186] : memref<10240x32xf32, #tpu.memory_space<hbm>> -> memref<10240x32xf32, #tpu.memory_space<hbm>>
        %dma_start3A_1188 = tpu.memref_slice %arg16[%dma_start3A_1172, %dma_start3A_1173] : memref<2x5x!tpu.dma_semaphore, #tpu.memory_space<semaphore_mem>> -> memref<1x1x!tpu.dma_semaphore, #tpu.memory_space<semaphore_mem>>
        %dma_start3A_1189 = tpu.memref_squeeze %dma_start3A_1188 : memref<1x1x!tpu.dma_semaphore, #tpu.memory_space<semaphore_mem>> -> memref<!tpu.dma_semaphore, #tpu.memory_space<semaphore_mem>>
        tpu.enqueue_indirect_dma source(%dma_start3A_1187 : memref<10240x32xf32, #tpu.memory_space<hbm>>) target(%dma_start3A_1177 : memref<80x32xf32, #tpu.memory_space<vmem>>) offsets(%dma_start3A_1180 : memref<80xi32, #tpu.memory_space<vmem>>) semaphore(%dma_start3A_1189 : memref<!tpu.dma_semaphore, #tpu.memory_space<semaphore_mem>>)
        %mul3A_1190 = arith.constant 5 : i32
        %mul3A_1191 = arith.muli %add3A_1097, %mul3A_1190 : i32
        %add3A_1192 = arith.constant 4 : i32
        %add3A_1193 = arith.addi %mul3A_1191, %add3A_1192 : i32
        %dma_start3A_1194 = arith.constant 0 : i32
        %dma_start3A_1195 = arith.constant 0 : i32
        %dma_start3A_1196 = arith.constant 4 : i32
        %dma_start3A_1197 = arith.constant 320 : i32
        %dma_start3A_1198 = arith.constant 0 : i32
        %dma_start3A_1199 = tpu.memref_slice %arg13[%dma_start3A_1194, %dma_start3A_1197, %dma_start3A_1198] : memref<2x400x32xf32, #tpu.memory_space<vmem>> -> memref<1x80x32xf32, #tpu.memory_space<vmem>>
        %dma_start3A_1200 = tpu.memref_squeeze %dma_start3A_1199 : memref<1x80x32xf32, #tpu.memory_space<vmem>> -> memref<80x32xf32, #tpu.memory_space<vmem>>
        %dma_start3A_1201 = arith.constant 0 : i32
        %dma_start3A_1202 = tpu.memref_slice %arg7[%add3A_1193, %dma_start3A_1201] : memref<250x80xi32, #tpu.memory_space<vmem>> -> memref<1x80xi32, #tpu.memory_space<vmem>>
        %dma_start3A_1203 = tpu.memref_squeeze %dma_start3A_1202 : memref<1x80xi32, #tpu.memory_space<vmem>> -> memref<80xi32, #tpu.memory_space<vmem>>
        %dma_start3A_1204 = arith.constant 0 : i32
        %dma_start3A_1205 = arith.constant 0 : i32
        %dma_start3A_1206 = tpu.memref_slice %arg4[%add3A_64, %dma_start3A_1204, %dma_start3A_1205] : memref<4x10240x32xf32, #tpu.memory_space<hbm>> -> memref<1x10240x32xf32, #tpu.memory_space<hbm>>
        %dma_start3A_1207 = tpu.memref_squeeze %dma_start3A_1206 : memref<1x10240x32xf32, #tpu.memory_space<hbm>> -> memref<10240x32xf32, #tpu.memory_space<hbm>>
        %dma_start3A_1208 = arith.constant 0 : i32
        %dma_start3A_1209 = arith.constant 0 : i32
        %dma_start3A_1210 = tpu.memref_slice %dma_start3A_1207[%dma_start3A_1208, %dma_start3A_1209] : memref<10240x32xf32, #tpu.memory_space<hbm>> -> memref<10240x32xf32, #tpu.memory_space<hbm>>
        %dma_start3A_1211 = tpu.memref_slice %arg16[%dma_start3A_1195, %dma_start3A_1196] : memref<2x5x!tpu.dma_semaphore, #tpu.memory_space<semaphore_mem>> -> memref<1x1x!tpu.dma_semaphore, #tpu.memory_space<semaphore_mem>>
        %dma_start3A_1212 = tpu.memref_squeeze %dma_start3A_1211 : memref<1x1x!tpu.dma_semaphore, #tpu.memory_space<semaphore_mem>> -> memref<!tpu.dma_semaphore, #tpu.memory_space<semaphore_mem>>
        tpu.enqueue_indirect_dma source(%dma_start3A_1210 : memref<10240x32xf32, #tpu.memory_space<hbm>>) target(%dma_start3A_1200 : memref<80x32xf32, #tpu.memory_space<vmem>>) offsets(%dma_start3A_1203 : memref<80xi32, #tpu.memory_space<vmem>>) semaphore(%dma_start3A_1212 : memref<!tpu.dma_semaphore, #tpu.memory_space<semaphore_mem>>)
      } else {
      }
      %dma_wait3A_763 = arith.constant 1 : i32
      %dma_wait3A_764 = arith.constant 1 : i32
      %dma_wait3A_765 = arith.constant 0 : i32
      %dma_wait3A_766 = arith.constant 0 : i32
      %dma_wait3A_767 = arith.constant 0 : i32
      %dma_wait3A_768 = tpu.memref_slice %arg13[%dma_wait3A_763, %dma_wait3A_766, %dma_wait3A_767] : memref<2x400x32xf32, #tpu.memory_space<vmem>> -> memref<1x80x32xf32, #tpu.memory_space<vmem>>
      %dma_wait3A_769 = tpu.memref_squeeze %dma_wait3A_768 : memref<1x80x32xf32, #tpu.memory_space<vmem>> -> memref<80x32xf32, #tpu.memory_space<vmem>>
      %dma_wait3A_770 = arith.constant 0 : i32
      %dma_wait3A_771 = arith.constant 0 : i32
      %dma_wait3A_772 = tpu.memref_slice %arg4[%add3A_64, %dma_wait3A_770, %dma_wait3A_771] : memref<4x10240x32xf32, #tpu.memory_space<hbm>> -> memref<1x10240x32xf32, #tpu.memory_space<hbm>>
      %dma_wait3A_773 = tpu.memref_squeeze %dma_wait3A_772 : memref<1x10240x32xf32, #tpu.memory_space<hbm>> -> memref<10240x32xf32, #tpu.memory_space<hbm>>
      %dma_wait3A_774 = arith.constant 0 : i32
      %dma_wait3A_775 = arith.constant 0 : i32
      %dma_wait3A_776 = tpu.memref_slice %dma_wait3A_773[%dma_wait3A_774, %dma_wait3A_775] : memref<10240x32xf32, #tpu.memory_space<hbm>> -> memref<80x32xf32, #tpu.memory_space<hbm>>
      %dma_wait3A_777 = tpu.memref_slice %arg16[%dma_wait3A_764, %dma_wait3A_765] : memref<2x5x!tpu.dma_semaphore, #tpu.memory_space<semaphore_mem>> -> memref<1x1x!tpu.dma_semaphore, #tpu.memory_space<semaphore_mem>>
      %dma_wait3A_778 = tpu.memref_squeeze %dma_wait3A_777 : memref<1x1x!tpu.dma_semaphore, #tpu.memory_space<semaphore_mem>> -> memref<!tpu.dma_semaphore, #tpu.memory_space<semaphore_mem>>
      %dma_wait3A_779 = arith.constant 0 : i32
      %dma_wait3A_780 = arith.constant 0 : i32
      %dma_wait3A_781 = tpu.memref_slice %arg13[%dma_wait3A_763, %dma_wait3A_779, %dma_wait3A_780] : memref<2x400x32xf32, #tpu.memory_space<vmem>> -> memref<1x80x32xf32, #tpu.memory_space<vmem>>
      %dma_wait3A_782 = tpu.memref_squeeze %dma_wait3A_781 : memref<1x80x32xf32, #tpu.memory_space<vmem>> -> memref<80x32xf32, #tpu.memory_space<vmem>>
      %dma_wait3A_783 = arith.constant 0 : i32
      %dma_wait3A_784 = arith.constant 0 : i32
      %dma_wait3A_785 = tpu.memref_slice %arg4[%add3A_64, %dma_wait3A_783, %dma_wait3A_784] : memref<4x10240x32xf32, #tpu.memory_space<hbm>> -> memref<1x10240x32xf32, #tpu.memory_space<hbm>>
      %dma_wait3A_786 = tpu.memref_squeeze %dma_wait3A_785 : memref<1x10240x32xf32, #tpu.memory_space<hbm>> -> memref<10240x32xf32, #tpu.memory_space<hbm>>
      %dma_wait3A_787 = arith.constant 0 : i32
      %dma_wait3A_788 = arith.constant 0 : i32
      %dma_wait3A_789 = tpu.memref_slice %dma_wait3A_786[%dma_wait3A_787, %dma_wait3A_788] : memref<10240x32xf32, #tpu.memory_space<hbm>> -> memref<80x32xf32, #tpu.memory_space<hbm>>
      tpu.wait_dma2 semaphore(%dma_wait3A_778 : memref<!tpu.dma_semaphore, #tpu.memory_space<semaphore_mem>>) src(%dma_wait3A_789 : memref<80x32xf32, #tpu.memory_space<hbm>>) dst(%dma_wait3A_782 : memref<80x32xf32, #tpu.memory_space<vmem>>)
      %dma_wait3A_790 = arith.constant 1 : i32
      %dma_wait3A_791 = arith.constant 1 : i32
      %dma_wait3A_792 = arith.constant 1 : i32
      %dma_wait3A_793 = arith.constant 80 : i32
      %dma_wait3A_794 = arith.constant 0 : i32
      %dma_wait3A_795 = tpu.memref_slice %arg13[%dma_wait3A_790, %dma_wait3A_793, %dma_wait3A_794] : memref<2x400x32xf32, #tpu.memory_space<vmem>> -> memref<1x80x32xf32, #tpu.memory_space<vmem>>
      %dma_wait3A_796 = tpu.memref_squeeze %dma_wait3A_795 : memref<1x80x32xf32, #tpu.memory_space<vmem>> -> memref<80x32xf32, #tpu.memory_space<vmem>>
      %dma_wait3A_797 = arith.constant 0 : i32
      %dma_wait3A_798 = arith.constant 0 : i32
      %dma_wait3A_799 = tpu.memref_slice %arg4[%add3A_64, %dma_wait3A_797, %dma_wait3A_798] : memref<4x10240x32xf32, #tpu.memory_space<hbm>> -> memref<1x10240x32xf32, #tpu.memory_space<hbm>>
      %dma_wait3A_800 = tpu.memref_squeeze %dma_wait3A_799 : memref<1x10240x32xf32, #tpu.memory_space<hbm>> -> memref<10240x32xf32, #tpu.memory_space<hbm>>
      %dma_wait3A_801 = arith.constant 0 : i32
      %dma_wait3A_802 = arith.constant 0 : i32
      %dma_wait3A_803 = tpu.memref_slice %dma_wait3A_800[%dma_wait3A_801, %dma_wait3A_802] : memref<10240x32xf32, #tpu.memory_space<hbm>> -> memref<80x32xf32, #tpu.memory_space<hbm>>
      %dma_wait3A_804 = tpu.memref_slice %arg16[%dma_wait3A_791, %dma_wait3A_792] : memref<2x5x!tpu.dma_semaphore, #tpu.memory_space<semaphore_mem>> -> memref<1x1x!tpu.dma_semaphore, #tpu.memory_space<semaphore_mem>>
      %dma_wait3A_805 = tpu.memref_squeeze %dma_wait3A_804 : memref<1x1x!tpu.dma_semaphore, #tpu.memory_space<semaphore_mem>> -> memref<!tpu.dma_semaphore, #tpu.memory_space<semaphore_mem>>
      %dma_wait3A_806 = arith.constant 80 : i32
      %dma_wait3A_807 = arith.constant 0 : i32
      %dma_wait3A_808 = tpu.memref_slice %arg13[%dma_wait3A_790, %dma_wait3A_806, %dma_wait3A_807] : memref<2x400x32xf32, #tpu.memory_space<vmem>> -> memref<1x80x32xf32, #tpu.memory_space<vmem>>
      %dma_wait3A_809 = tpu.memref_squeeze %dma_wait3A_808 : memref<1x80x32xf32, #tpu.memory_space<vmem>> -> memref<80x32xf32, #tpu.memory_space<vmem>>
      %dma_wait3A_810 = arith.constant 0 : i32
      %dma_wait3A_811 = arith.constant 0 : i32
      %dma_wait3A_812 = tpu.memref_slice %arg4[%add3A_64, %dma_wait3A_810, %dma_wait3A_811] : memref<4x10240x32xf32, #tpu.memory_space<hbm>> -> memref<1x10240x32xf32, #tpu.memory_space<hbm>>
      %dma_wait3A_813 = tpu.memref_squeeze %dma_wait3A_812 : memref<1x10240x32xf32, #tpu.memory_space<hbm>> -> memref<10240x32xf32, #tpu.memory_space<hbm>>
      %dma_wait3A_814 = arith.constant 0 : i32
      %dma_wait3A_815 = arith.constant 0 : i32
      %dma_wait3A_816 = tpu.memref_slice %dma_wait3A_813[%dma_wait3A_814, %dma_wait3A_815] : memref<10240x32xf32, #tpu.memory_space<hbm>> -> memref<80x32xf32, #tpu.memory_space<hbm>>
      tpu.wait_dma2 semaphore(%dma_wait3A_805 : memref<!tpu.dma_semaphore, #tpu.memory_space<semaphore_mem>>) src(%dma_wait3A_816 : memref<80x32xf32, #tpu.memory_space<hbm>>) dst(%dma_wait3A_809 : memref<80x32xf32, #tpu.memory_space<vmem>>)
      %dma_wait3A_817 = arith.constant 1 : i32
      %dma_wait3A_818 = arith.constant 1 : i32
      %dma_wait3A_819 = arith.constant 2 : i32
      %dma_wait3A_820 = arith.constant 160 : i32
      %dma_wait3A_821 = arith.constant 0 : i32
      %dma_wait3A_822 = tpu.memref_slice %arg13[%dma_wait3A_817, %dma_wait3A_820, %dma_wait3A_821] : memref<2x400x32xf32, #tpu.memory_space<vmem>> -> memref<1x80x32xf32, #tpu.memory_space<vmem>>
      %dma_wait3A_823 = tpu.memref_squeeze %dma_wait3A_822 : memref<1x80x32xf32, #tpu.memory_space<vmem>> -> memref<80x32xf32, #tpu.memory_space<vmem>>
      %dma_wait3A_824 = arith.constant 0 : i32
      %dma_wait3A_825 = arith.constant 0 : i32
      %dma_wait3A_826 = tpu.memref_slice %arg4[%add3A_64, %dma_wait3A_824, %dma_wait3A_825] : memref<4x10240x32xf32, #tpu.memory_space<hbm>> -> memref<1x10240x32xf32, #tpu.memory_space<hbm>>
      %dma_wait3A_827 = tpu.memref_squeeze %dma_wait3A_826 : memref<1x10240x32xf32, #tpu.memory_space<hbm>> -> memref<10240x32xf32, #tpu.memory_space<hbm>>
      %dma_wait3A_828 = arith.constant 0 : i32
      %dma_wait3A_829 = arith.constant 0 : i32
      %dma_wait3A_830 = tpu.memref_slice %dma_wait3A_827[%dma_wait3A_828, %dma_wait3A_829] : memref<10240x32xf32, #tpu.memory_space<hbm>> -> memref<80x32xf32, #tpu.memory_space<hbm>>
      %dma_wait3A_831 = tpu.memref_slice %arg16[%dma_wait3A_818, %dma_wait3A_819] : memref<2x5x!tpu.dma_semaphore, #tpu.memory_space<semaphore_mem>> -> memref<1x1x!tpu.dma_semaphore, #tpu.memory_space<semaphore_mem>>
      %dma_wait3A_832 = tpu.memref_squeeze %dma_wait3A_831 : memref<1x1x!tpu.dma_semaphore, #tpu.memory_space<semaphore_mem>> -> memref<!tpu.dma_semaphore, #tpu.memory_space<semaphore_mem>>
      %dma_wait3A_833 = arith.constant 160 : i32
      %dma_wait3A_834 = arith.constant 0 : i32
      %dma_wait3A_835 = tpu.memref_slice %arg13[%dma_wait3A_817, %dma_wait3A_833, %dma_wait3A_834] : memref<2x400x32xf32, #tpu.memory_space<vmem>> -> memref<1x80x32xf32, #tpu.memory_space<vmem>>
      %dma_wait3A_836 = tpu.memref_squeeze %dma_wait3A_835 : memref<1x80x32xf32, #tpu.memory_space<vmem>> -> memref<80x32xf32, #tpu.memory_space<vmem>>
      %dma_wait3A_837 = arith.constant 0 : i32
      %dma_wait3A_838 = arith.constant 0 : i32
      %dma_wait3A_839 = tpu.memref_slice %arg4[%add3A_64, %dma_wait3A_837, %dma_wait3A_838] : memref<4x10240x32xf32, #tpu.memory_space<hbm>> -> memref<1x10240x32xf32, #tpu.memory_space<hbm>>
      %dma_wait3A_840 = tpu.memref_squeeze %dma_wait3A_839 : memref<1x10240x32xf32, #tpu.memory_space<hbm>> -> memref<10240x32xf32, #tpu.memory_space<hbm>>
      %dma_wait3A_841 = arith.constant 0 : i32
      %dma_wait3A_842 = arith.constant 0 : i32
      %dma_wait3A_843 = tpu.memref_slice %dma_wait3A_840[%dma_wait3A_841, %dma_wait3A_842] : memref<10240x32xf32, #tpu.memory_space<hbm>> -> memref<80x32xf32, #tpu.memory_space<hbm>>
      tpu.wait_dma2 semaphore(%dma_wait3A_832 : memref<!tpu.dma_semaphore, #tpu.memory_space<semaphore_mem>>) src(%dma_wait3A_843 : memref<80x32xf32, #tpu.memory_space<hbm>>) dst(%dma_wait3A_836 : memref<80x32xf32, #tpu.memory_space<vmem>>)
      %dma_wait3A_844 = arith.constant 1 : i32
      %dma_wait3A_845 = arith.constant 1 : i32
      %dma_wait3A_846 = arith.constant 3 : i32
      %dma_wait3A_847 = arith.constant 240 : i32
      %dma_wait3A_848 = arith.constant 0 : i32
      %dma_wait3A_849 = tpu.memref_slice %arg13[%dma_wait3A_844, %dma_wait3A_847, %dma_wait3A_848] : memref<2x400x32xf32, #tpu.memory_space<vmem>> -> memref<1x80x32xf32, #tpu.memory_space<vmem>>
      %dma_wait3A_850 = tpu.memref_squeeze %dma_wait3A_849 : memref<1x80x32xf32, #tpu.memory_space<vmem>> -> memref<80x32xf32, #tpu.memory_space<vmem>>
      %dma_wait3A_851 = arith.constant 0 : i32
      %dma_wait3A_852 = arith.constant 0 : i32
      %dma_wait3A_853 = tpu.memref_slice %arg4[%add3A_64, %dma_wait3A_851, %dma_wait3A_852] : memref<4x10240x32xf32, #tpu.memory_space<hbm>> -> memref<1x10240x32xf32, #tpu.memory_space<hbm>>
      %dma_wait3A_854 = tpu.memref_squeeze %dma_wait3A_853 : memref<1x10240x32xf32, #tpu.memory_space<hbm>> -> memref<10240x32xf32, #tpu.memory_space<hbm>>
      %dma_wait3A_855 = arith.constant 0 : i32
      %dma_wait3A_856 = arith.constant 0 : i32
      %dma_wait3A_857 = tpu.memref_slice %dma_wait3A_854[%dma_wait3A_855, %dma_wait3A_856] : memref<10240x32xf32, #tpu.memory_space<hbm>> -> memref<80x32xf32, #tpu.memory_space<hbm>>
      %dma_wait3A_858 = tpu.memref_slice %arg16[%dma_wait3A_845, %dma_wait3A_846] : memref<2x5x!tpu.dma_semaphore, #tpu.memory_space<semaphore_mem>> -> memref<1x1x!tpu.dma_semaphore, #tpu.memory_space<semaphore_mem>>
      %dma_wait3A_859 = tpu.memref_squeeze %dma_wait3A_858 : memref<1x1x!tpu.dma_semaphore, #tpu.memory_space<semaphore_mem>> -> memref<!tpu.dma_semaphore, #tpu.memory_space<semaphore_mem>>
      %dma_wait3A_860 = arith.constant 240 : i32
      %dma_wait3A_861 = arith.constant 0 : i32
      %dma_wait3A_862 = tpu.memref_slice %arg13[%dma_wait3A_844, %dma_wait3A_860, %dma_wait3A_861] : memref<2x400x32xf32, #tpu.memory_space<vmem>> -> memref<1x80x32xf32, #tpu.memory_space<vmem>>
      %dma_wait3A_863 = tpu.memref_squeeze %dma_wait3A_862 : memref<1x80x32xf32, #tpu.memory_space<vmem>> -> memref<80x32xf32, #tpu.memory_space<vmem>>
      %dma_wait3A_864 = arith.constant 0 : i32
      %dma_wait3A_865 = arith.constant 0 : i32
      %dma_wait3A_866 = tpu.memref_slice %arg4[%add3A_64, %dma_wait3A_864, %dma_wait3A_865] : memref<4x10240x32xf32, #tpu.memory_space<hbm>> -> memref<1x10240x32xf32, #tpu.memory_space<hbm>>
      %dma_wait3A_867 = tpu.memref_squeeze %dma_wait3A_866 : memref<1x10240x32xf32, #tpu.memory_space<hbm>> -> memref<10240x32xf32, #tpu.memory_space<hbm>>
      %dma_wait3A_868 = arith.constant 0 : i32
      %dma_wait3A_869 = arith.constant 0 : i32
      %dma_wait3A_870 = tpu.memref_slice %dma_wait3A_867[%dma_wait3A_868, %dma_wait3A_869] : memref<10240x32xf32, #tpu.memory_space<hbm>> -> memref<80x32xf32, #tpu.memory_space<hbm>>
      tpu.wait_dma2 semaphore(%dma_wait3A_859 : memref<!tpu.dma_semaphore, #tpu.memory_space<semaphore_mem>>) src(%dma_wait3A_870 : memref<80x32xf32, #tpu.memory_space<hbm>>) dst(%dma_wait3A_863 : memref<80x32xf32, #tpu.memory_space<vmem>>)
      %dma_wait3A_871 = arith.constant 1 : i32
      %dma_wait3A_872 = arith.constant 1 : i32
      %dma_wait3A_873 = arith.constant 4 : i32
      %dma_wait3A_874 = arith.constant 320 : i32
      %dma_wait3A_875 = arith.constant 0 : i32
      %dma_wait3A_876 = tpu.memref_slice %arg13[%dma_wait3A_871, %dma_wait3A_874, %dma_wait3A_875] : memref<2x400x32xf32, #tpu.memory_space<vmem>> -> memref<1x80x32xf32, #tpu.memory_space<vmem>>
      %dma_wait3A_877 = tpu.memref_squeeze %dma_wait3A_876 : memref<1x80x32xf32, #tpu.memory_space<vmem>> -> memref<80x32xf32, #tpu.memory_space<vmem>>
      %dma_wait3A_878 = arith.constant 0 : i32
      %dma_wait3A_879 = arith.constant 0 : i32
      %dma_wait3A_880 = tpu.memref_slice %arg4[%add3A_64, %dma_wait3A_878, %dma_wait3A_879] : memref<4x10240x32xf32, #tpu.memory_space<hbm>> -> memref<1x10240x32xf32, #tpu.memory_space<hbm>>
      %dma_wait3A_881 = tpu.memref_squeeze %dma_wait3A_880 : memref<1x10240x32xf32, #tpu.memory_space<hbm>> -> memref<10240x32xf32, #tpu.memory_space<hbm>>
      %dma_wait3A_882 = arith.constant 0 : i32
      %dma_wait3A_883 = arith.constant 0 : i32
      %dma_wait3A_884 = tpu.memref_slice %dma_wait3A_881[%dma_wait3A_882, %dma_wait3A_883] : memref<10240x32xf32, #tpu.memory_space<hbm>> -> memref<80x32xf32, #tpu.memory_space<hbm>>
      %dma_wait3A_885 = tpu.memref_slice %arg16[%dma_wait3A_872, %dma_wait3A_873] : memref<2x5x!tpu.dma_semaphore, #tpu.memory_space<semaphore_mem>> -> memref<1x1x!tpu.dma_semaphore, #tpu.memory_space<semaphore_mem>>
      %dma_wait3A_886 = tpu.memref_squeeze %dma_wait3A_885 : memref<1x1x!tpu.dma_semaphore, #tpu.memory_space<semaphore_mem>> -> memref<!tpu.dma_semaphore, #tpu.memory_space<semaphore_mem>>
      %dma_wait3A_887 = arith.constant 320 : i32
      %dma_wait3A_888 = arith.constant 0 : i32
      %dma_wait3A_889 = tpu.memref_slice %arg13[%dma_wait3A_871, %dma_wait3A_887, %dma_wait3A_888] : memref<2x400x32xf32, #tpu.memory_space<vmem>> -> memref<1x80x32xf32, #tpu.memory_space<vmem>>
      %dma_wait3A_890 = tpu.memref_squeeze %dma_wait3A_889 : memref<1x80x32xf32, #tpu.memory_space<vmem>> -> memref<80x32xf32, #tpu.memory_space<vmem>>
      %dma_wait3A_891 = arith.constant 0 : i32
      %dma_wait3A_892 = arith.constant 0 : i32
      %dma_wait3A_893 = tpu.memref_slice %arg4[%add3A_64, %dma_wait3A_891, %dma_wait3A_892] : memref<4x10240x32xf32, #tpu.memory_space<hbm>> -> memref<1x10240x32xf32, #tpu.memory_space<hbm>>
      %dma_wait3A_894 = tpu.memref_squeeze %dma_wait3A_893 : memref<1x10240x32xf32, #tpu.memory_space<hbm>> -> memref<10240x32xf32, #tpu.memory_space<hbm>>
      %dma_wait3A_895 = arith.constant 0 : i32
      %dma_wait3A_896 = arith.constant 0 : i32
      %dma_wait3A_897 = tpu.memref_slice %dma_wait3A_894[%dma_wait3A_895, %dma_wait3A_896] : memref<10240x32xf32, #tpu.memory_space<hbm>> -> memref<80x32xf32, #tpu.memory_space<hbm>>
      tpu.wait_dma2 semaphore(%dma_wait3A_886 : memref<!tpu.dma_semaphore, #tpu.memory_space<semaphore_mem>>) src(%dma_wait3A_897 : memref<80x32xf32, #tpu.memory_space<hbm>>) dst(%dma_wait3A_890 : memref<80x32xf32, #tpu.memory_space<vmem>>)
      %mul3A_898 = arith.constant 5 : i32
      %mul3A_899 = arith.muli %add3A_310, %mul3A_898 : i32
      %mul3A_900 = arith.constant 80 : i32
      %mul3A_901 = arith.muli %mul3A_899, %mul3A_900 : i32
      %parallel_loop3A_902 = arith.constant 0 : i32
      %parallel_loop3A_903 = arith.constant 400 : i32
      %parallel_loop3A_904 = arith.constant 1 : i32
      scf.for %parallel_loop3A_1096 = %parallel_loop3A_902 to %parallel_loop3A_903 step %parallel_loop3A_904  : i32 {
        %parallel_loop3A_1097 = arith.constant 0 : i32
        %parallel_loop3A_1098 = vector.broadcast %parallel_loop3A_1097 : i32 to vector<16xi32>
        %parallel_loop3A_1099 = arith.addi %mul3A_901, %parallel_loop3A_1096 : i32
        %parallel_loop3A_1100 = vector.broadcast %parallel_loop3A_1099 : i32 to vector<16xi32>
        %parallel_loop3A_1101 = arith.addi %parallel_loop3A_1098, %parallel_loop3A_1100 : vector<16xi32>
        %parallel_loop3A_1102 = tpu.vector_load_idx %arg9[%parallel_loop3A_1101] : memref<20000xf32, #tpu.memory_space<vmem>>[vector<16xi32>], vector<16xf32>,
        %parallel_loop3A_1103 = arith.constant 1 : i32
        %parallel_loop3A_1104 = arith.index_cast %parallel_loop3A_1103 : i32 to index
        %parallel_loop3A_1105 = arith.index_cast %parallel_loop3A_1096 : i32 to index
        %parallel_loop3A_1106 = arith.constant 0 : index
        %parallel_loop3A_1107 = tpu.vector_load %arg13[%parallel_loop3A_1104, %parallel_loop3A_1105, %parallel_loop3A_1106] {strides = array<i32>} : memref<2x400x32xf32, #tpu.memory_space<vmem>>, vector<16xf32>,
        %parallel_loop3A_1108 = arith.mulf %parallel_loop3A_1107, %parallel_loop3A_1102 : vector<16xf32>
        %parallel_loop3A_1109 = arith.constant 1 : i32
        %parallel_loop3A_1110 = arith.index_cast %parallel_loop3A_1109 : i32 to index
        %parallel_loop3A_1111 = arith.index_cast %parallel_loop3A_1096 : i32 to index
        %parallel_loop3A_1112 = arith.constant 0 : index
        %parallel_loop3A_1113 = tpu.vector_load %arg13[%parallel_loop3A_1110, %parallel_loop3A_1111, %parallel_loop3A_1112] {strides = array<i32>} : memref<2x400x32xf32, #tpu.memory_space<vmem>>, vector<16xf32>,
        tpu.vector_store %arg13[%parallel_loop3A_1110, %parallel_loop3A_1111, %parallel_loop3A_1112], %parallel_loop3A_1108 {strides = array<i32>} : memref<2x400x32xf32, #tpu.memory_space<vmem>>, vector<16xf32>,
        %parallel_loop3A_1114 = arith.constant 1 : i32
        %parallel_loop3A_1115 = arith.index_cast %parallel_loop3A_1114 : i32 to index
        %parallel_loop3A_1116 = arith.index_cast %parallel_loop3A_1096 : i32 to index
        %parallel_loop3A_1117 = arith.constant 16 : index
        %parallel_loop3A_1118 = tpu.vector_load %arg13[%parallel_loop3A_1115, %parallel_loop3A_1116, %parallel_loop3A_1117] {strides = array<i32>} : memref<2x400x32xf32, #tpu.memory_space<vmem>>, vector<16xf32>,
        %parallel_loop3A_1119 = arith.mulf %parallel_loop3A_1118, %parallel_loop3A_1102 : vector<16xf32>
        %parallel_loop3A_1120 = arith.constant 1 : i32
        %parallel_loop3A_1121 = arith.index_cast %parallel_loop3A_1120 : i32 to index
        %parallel_loop3A_1122 = arith.index_cast %parallel_loop3A_1096 : i32 to index
        %parallel_loop3A_1123 = arith.constant 16 : index
        %parallel_loop3A_1124 = tpu.vector_load %arg13[%parallel_loop3A_1121, %parallel_loop3A_1122, %parallel_loop3A_1123] {strides = array<i32>} : memref<2x400x32xf32, #tpu.memory_space<vmem>>, vector<16xf32>,
        tpu.vector_store %arg13[%parallel_loop3A_1121, %parallel_loop3A_1122, %parallel_loop3A_1123], %parallel_loop3A_1119 {strides = array<i32>} : memref<2x400x32xf32, #tpu.memory_space<vmem>>, vector<16xf32>,
      } {sc.loop_unroll_factor = 8 : i64, sc.parallel_access}
      %mul3A_905 = arith.constant 5 : i32
      %mul3A_906 = arith.muli %add3A_310, %mul3A_905 : i32
      %add3A_907 = arith.constant 0 : i32
      %add3A_908 = arith.addi %mul3A_906, %add3A_907 : i32
      %dma_start3A_909 = arith.constant 1 : i32
      %dma_start3A_910 = arith.constant 1 : i32
      %dma_start3A_911 = arith.constant 0 : i32
      %dma_start3A_912 = arith.constant 0 : i32
      %dma_start3A_913 = arith.constant 0 : i32
      %dma_start3A_914 = tpu.memref_slice %arg13[%dma_start3A_909, %dma_start3A_912, %dma_start3A_913] : memref<2x400x32xf32, #tpu.memory_space<vmem>> -> memref<1x80x32xf32, #tpu.memory_space<vmem>>
      %dma_start3A_915 = tpu.memref_squeeze %dma_start3A_914 : memref<1x80x32xf32, #tpu.memory_space<vmem>> -> memref<80x32xf32, #tpu.memory_space<vmem>>
      %dma_start3A_916 = arith.constant 0 : i32
      %dma_start3A_917 = tpu.memref_slice %arg8[%add3A_908, %dma_start3A_916] : memref<250x80xi32, #tpu.memory_space<vmem>> -> memref<1x80xi32, #tpu.memory_space<vmem>>
      %dma_start3A_918 = tpu.memref_squeeze %dma_start3A_917 : memref<1x80xi32, #tpu.memory_space<vmem>> -> memref<80xi32, #tpu.memory_space<vmem>>
      %dma_start3A_919 = arith.constant 0 : i32
      %dma_start3A_920 = arith.constant 0 : i32
      %dma_start3A_921 = tpu.memref_slice %arg14[%dma_start3A_919, %dma_start3A_920] : memref<10240x32xf32, #tpu.memory_space<vmem_shared>> -> memref<10240x32xf32, #tpu.memory_space<vmem_shared>>
      %dma_start3A_922 = tpu.memref_slice %arg17[%dma_start3A_910, %dma_start3A_911] : memref<2x5x!tpu.dma_semaphore, #tpu.memory_space<semaphore_mem>> -> memref<1x1x!tpu.dma_semaphore, #tpu.memory_space<semaphore_mem>>
      %dma_start3A_923 = tpu.memref_squeeze %dma_start3A_922 : memref<1x1x!tpu.dma_semaphore, #tpu.memory_space<semaphore_mem>> -> memref<!tpu.dma_semaphore, #tpu.memory_space<semaphore_mem>>
      tpu.enqueue_indirect_dma source(%dma_start3A_915 : memref<80x32xf32, #tpu.memory_space<vmem>>) target(%dma_start3A_921 : memref<10240x32xf32, #tpu.memory_space<vmem_shared>>) offsets(%dma_start3A_918 : memref<80xi32, #tpu.memory_space<vmem>>) semaphore(%dma_start3A_923 : memref<!tpu.dma_semaphore, #tpu.memory_space<semaphore_mem>>) {add = true}
      %mul3A_924 = arith.constant 5 : i32
      %mul3A_925 = arith.muli %add3A_310, %mul3A_924 : i32
      %add3A_926 = arith.constant 1 : i32
      %add3A_927 = arith.addi %mul3A_925, %add3A_926 : i32
      %dma_start3A_928 = arith.constant 1 : i32
      %dma_start3A_929 = arith.constant 1 : i32
      %dma_start3A_930 = arith.constant 1 : i32
      %dma_start3A_931 = arith.constant 80 : i32
      %dma_start3A_932 = arith.constant 0 : i32
      %dma_start3A_933 = tpu.memref_slice %arg13[%dma_start3A_928, %dma_start3A_931, %dma_start3A_932] : memref<2x400x32xf32, #tpu.memory_space<vmem>> -> memref<1x80x32xf32, #tpu.memory_space<vmem>>
      %dma_start3A_934 = tpu.memref_squeeze %dma_start3A_933 : memref<1x80x32xf32, #tpu.memory_space<vmem>> -> memref<80x32xf32, #tpu.memory_space<vmem>>
      %dma_start3A_935 = arith.constant 0 : i32
      %dma_start3A_936 = tpu.memref_slice %arg8[%add3A_927, %dma_start3A_935] : memref<250x80xi32, #tpu.memory_space<vmem>> -> memref<1x80xi32, #tpu.memory_space<vmem>>
      %dma_start3A_937 = tpu.memref_squeeze %dma_start3A_936 : memref<1x80xi32, #tpu.memory_space<vmem>> -> memref<80xi32, #tpu.memory_space<vmem>>
      %dma_start3A_938 = arith.constant 0 : i32
      %dma_start3A_939 = arith.constant 0 : i32
      %dma_start3A_940 = tpu.memref_slice %arg14[%dma_start3A_938, %dma_start3A_939] : memref<10240x32xf32, #tpu.memory_space<vmem_shared>> -> memref<10240x32xf32, #tpu.memory_space<vmem_shared>>
      %dma_start3A_941 = tpu.memref_slice %arg17[%dma_start3A_929, %dma_start3A_930] : memref<2x5x!tpu.dma_semaphore, #tpu.memory_space<semaphore_mem>> -> memref<1x1x!tpu.dma_semaphore, #tpu.memory_space<semaphore_mem>>
      %dma_start3A_942 = tpu.memref_squeeze %dma_start3A_941 : memref<1x1x!tpu.dma_semaphore, #tpu.memory_space<semaphore_mem>> -> memref<!tpu.dma_semaphore, #tpu.memory_space<semaphore_mem>>
      tpu.enqueue_indirect_dma source(%dma_start3A_934 : memref<80x32xf32, #tpu.memory_space<vmem>>) target(%dma_start3A_940 : memref<10240x32xf32, #tpu.memory_space<vmem_shared>>) offsets(%dma_start3A_937 : memref<80xi32, #tpu.memory_space<vmem>>) semaphore(%dma_start3A_942 : memref<!tpu.dma_semaphore, #tpu.memory_space<semaphore_mem>>) {add = true}
      %mul3A_943 = arith.constant 5 : i32
      %mul3A_944 = arith.muli %add3A_310, %mul3A_943 : i32
      %add3A_945 = arith.constant 2 : i32
      %add3A_946 = arith.addi %mul3A_944, %add3A_945 : i32
      %dma_start3A_947 = arith.constant 1 : i32
      %dma_start3A_948 = arith.constant 1 : i32
      %dma_start3A_949 = arith.constant 2 : i32
      %dma_start3A_950 = arith.constant 160 : i32
      %dma_start3A_951 = arith.constant 0 : i32
      %dma_start3A_952 = tpu.memref_slice %arg13[%dma_start3A_947, %dma_start3A_950, %dma_start3A_951] : memref<2x400x32xf32, #tpu.memory_space<vmem>> -> memref<1x80x32xf32, #tpu.memory_space<vmem>>
      %dma_start3A_953 = tpu.memref_squeeze %dma_start3A_952 : memref<1x80x32xf32, #tpu.memory_space<vmem>> -> memref<80x32xf32, #tpu.memory_space<vmem>>
      %dma_start3A_954 = arith.constant 0 : i32
      %dma_start3A_955 = tpu.memref_slice %arg8[%add3A_946, %dma_start3A_954] : memref<250x80xi32, #tpu.memory_space<vmem>> -> memref<1x80xi32, #tpu.memory_space<vmem>>
      %dma_start3A_956 = tpu.memref_squeeze %dma_start3A_955 : memref<1x80xi32, #tpu.memory_space<vmem>> -> memref<80xi32, #tpu.memory_space<vmem>>
      %dma_start3A_957 = arith.constant 0 : i32
      %dma_start3A_958 = arith.constant 0 : i32
      %dma_start3A_959 = tpu.memref_slice %arg14[%dma_start3A_957, %dma_start3A_958] : memref<10240x32xf32, #tpu.memory_space<vmem_shared>> -> memref<10240x32xf32, #tpu.memory_space<vmem_shared>>
      %dma_start3A_960 = tpu.memref_slice %arg17[%dma_start3A_948, %dma_start3A_949] : memref<2x5x!tpu.dma_semaphore, #tpu.memory_space<semaphore_mem>> -> memref<1x1x!tpu.dma_semaphore, #tpu.memory_space<semaphore_mem>>
      %dma_start3A_961 = tpu.memref_squeeze %dma_start3A_960 : memref<1x1x!tpu.dma_semaphore, #tpu.memory_space<semaphore_mem>> -> memref<!tpu.dma_semaphore, #tpu.memory_space<semaphore_mem>>
      tpu.enqueue_indirect_dma source(%dma_start3A_953 : memref<80x32xf32, #tpu.memory_space<vmem>>) target(%dma_start3A_959 : memref<10240x32xf32, #tpu.memory_space<vmem_shared>>) offsets(%dma_start3A_956 : memref<80xi32, #tpu.memory_space<vmem>>) semaphore(%dma_start3A_961 : memref<!tpu.dma_semaphore, #tpu.memory_space<semaphore_mem>>) {add = true}
      %mul3A_962 = arith.constant 5 : i32
      %mul3A_963 = arith.muli %add3A_310, %mul3A_962 : i32
      %add3A_964 = arith.constant 3 : i32
      %add3A_965 = arith.addi %mul3A_963, %add3A_964 : i32
      %dma_start3A_966 = arith.constant 1 : i32
      %dma_start3A_967 = arith.constant 1 : i32
      %dma_start3A_968 = arith.constant 3 : i32
      %dma_start3A_969 = arith.constant 240 : i32
      %dma_start3A_970 = arith.constant 0 : i32
      %dma_start3A_971 = tpu.memref_slice %arg13[%dma_start3A_966, %dma_start3A_969, %dma_start3A_970] : memref<2x400x32xf32, #tpu.memory_space<vmem>> -> memref<1x80x32xf32, #tpu.memory_space<vmem>>
      %dma_start3A_972 = tpu.memref_squeeze %dma_start3A_971 : memref<1x80x32xf32, #tpu.memory_space<vmem>> -> memref<80x32xf32, #tpu.memory_space<vmem>>
      %dma_start3A_973 = arith.constant 0 : i32
      %dma_start3A_974 = tpu.memref_slice %arg8[%add3A_965, %dma_start3A_973] : memref<250x80xi32, #tpu.memory_space<vmem>> -> memref<1x80xi32, #tpu.memory_space<vmem>>
      %dma_start3A_975 = tpu.memref_squeeze %dma_start3A_974 : memref<1x80xi32, #tpu.memory_space<vmem>> -> memref<80xi32, #tpu.memory_space<vmem>>
      %dma_start3A_976 = arith.constant 0 : i32
      %dma_start3A_977 = arith.constant 0 : i32
      %dma_start3A_978 = tpu.memref_slice %arg14[%dma_start3A_976, %dma_start3A_977] : memref<10240x32xf32, #tpu.memory_space<vmem_shared>> -> memref<10240x32xf32, #tpu.memory_space<vmem_shared>>
      %dma_start3A_979 = tpu.memref_slice %arg17[%dma_start3A_967, %dma_start3A_968] : memref<2x5x!tpu.dma_semaphore, #tpu.memory_space<semaphore_mem>> -> memref<1x1x!tpu.dma_semaphore, #tpu.memory_space<semaphore_mem>>
      %dma_start3A_980 = tpu.memref_squeeze %dma_start3A_979 : memref<1x1x!tpu.dma_semaphore, #tpu.memory_space<semaphore_mem>> -> memref<!tpu.dma_semaphore, #tpu.memory_space<semaphore_mem>>
      tpu.enqueue_indirect_dma source(%dma_start3A_972 : memref<80x32xf32, #tpu.memory_space<vmem>>) target(%dma_start3A_978 : memref<10240x32xf32, #tpu.memory_space<vmem_shared>>) offsets(%dma_start3A_975 : memref<80xi32, #tpu.memory_space<vmem>>) semaphore(%dma_start3A_980 : memref<!tpu.dma_semaphore, #tpu.memory_space<semaphore_mem>>) {add = true}
      %mul3A_981 = arith.constant 5 : i32
      %mul3A_982 = arith.muli %add3A_310, %mul3A_981 : i32
      %add3A_983 = arith.constant 4 : i32
      %add3A_984 = arith.addi %mul3A_982, %add3A_983 : i32
      %dma_start3A_985 = arith.constant 1 : i32
      %dma_start3A_986 = arith.constant 1 : i32
      %dma_start3A_987 = arith.constant 4 : i32
      %dma_start3A_988 = arith.constant 320 : i32
      %dma_start3A_989 = arith.constant 0 : i32
      %dma_start3A_990 = tpu.memref_slice %arg13[%dma_start3A_985, %dma_start3A_988, %dma_start3A_989] : memref<2x400x32xf32, #tpu.memory_space<vmem>> -> memref<1x80x32xf32, #tpu.memory_space<vmem>>
      %dma_start3A_991 = tpu.memref_squeeze %dma_start3A_990 : memref<1x80x32xf32, #tpu.memory_space<vmem>> -> memref<80x32xf32, #tpu.memory_space<vmem>>
      %dma_start3A_992 = arith.constant 0 : i32
      %dma_start3A_993 = tpu.memref_slice %arg8[%add3A_984, %dma_start3A_992] : memref<250x80xi32, #tpu.memory_space<vmem>> -> memref<1x80xi32, #tpu.memory_space<vmem>>
      %dma_start3A_994 = tpu.memref_squeeze %dma_start3A_993 : memref<1x80xi32, #tpu.memory_space<vmem>> -> memref<80xi32, #tpu.memory_space<vmem>>
      %dma_start3A_995 = arith.constant 0 : i32
      %dma_start3A_996 = arith.constant 0 : i32
      %dma_start3A_997 = tpu.memref_slice %arg14[%dma_start3A_995, %dma_start3A_996] : memref<10240x32xf32, #tpu.memory_space<vmem_shared>> -> memref<10240x32xf32, #tpu.memory_space<vmem_shared>>
      %dma_start3A_998 = tpu.memref_slice %arg17[%dma_start3A_986, %dma_start3A_987] : memref<2x5x!tpu.dma_semaphore, #tpu.memory_space<semaphore_mem>> -> memref<1x1x!tpu.dma_semaphore, #tpu.memory_space<semaphore_mem>>
      %dma_start3A_999 = tpu.memref_squeeze %dma_start3A_998 : memref<1x1x!tpu.dma_semaphore, #tpu.memory_space<semaphore_mem>> -> memref<!tpu.dma_semaphore, #tpu.memory_space<semaphore_mem>>
      tpu.enqueue_indirect_dma source(%dma_start3A_991 : memref<80x32xf32, #tpu.memory_space<vmem>>) target(%dma_start3A_997 : memref<10240x32xf32, #tpu.memory_space<vmem_shared>>) offsets(%dma_start3A_994 : memref<80xi32, #tpu.memory_space<vmem>>) semaphore(%dma_start3A_999 : memref<!tpu.dma_semaphore, #tpu.memory_space<semaphore_mem>>) {add = true}
      %dma_wait3A_1000 = arith.constant 1 : i32
      %dma_wait3A_1001 = arith.constant 1 : i32
      %dma_wait3A_1002 = arith.constant 0 : i32
      %dma_wait3A_1003 = arith.constant 0 : i32
      %dma_wait3A_1004 = arith.constant 0 : i32
      %dma_wait3A_1005 = tpu.memref_slice %arg13[%dma_wait3A_1000, %dma_wait3A_1003, %dma_wait3A_1004] : memref<2x400x32xf32, #tpu.memory_space<vmem>> -> memref<1x80x32xf32, #tpu.memory_space<vmem>>
      %dma_wait3A_1006 = tpu.memref_squeeze %dma_wait3A_1005 : memref<1x80x32xf32, #tpu.memory_space<vmem>> -> memref<80x32xf32, #tpu.memory_space<vmem>>
      %dma_wait3A_1007 = arith.constant 0 : i32
      %dma_wait3A_1008 = arith.constant 0 : i32
      %dma_wait3A_1009 = tpu.memref_slice %arg14[%dma_wait3A_1007, %dma_wait3A_1008] : memref<10240x32xf32, #tpu.memory_space<vmem_shared>> -> memref<80x32xf32, #tpu.memory_space<vmem_shared>>
      %dma_wait3A_1010 = tpu.memref_slice %arg17[%dma_wait3A_1001, %dma_wait3A_1002] : memref<2x5x!tpu.dma_semaphore, #tpu.memory_space<semaphore_mem>> -> memref<1x1x!tpu.dma_semaphore, #tpu.memory_space<semaphore_mem>>
      %dma_wait3A_1011 = tpu.memref_squeeze %dma_wait3A_1010 : memref<1x1x!tpu.dma_semaphore, #tpu.memory_space<semaphore_mem>> -> memref<!tpu.dma_semaphore, #tpu.memory_space<semaphore_mem>>
      %dma_wait3A_1012 = arith.constant 0 : i32
      %dma_wait3A_1013 = arith.constant 0 : i32
      %dma_wait3A_1014 = tpu.memref_slice %arg14[%dma_wait3A_1012, %dma_wait3A_1013] : memref<10240x32xf32, #tpu.memory_space<vmem_shared>> -> memref<80x32xf32, #tpu.memory_space<vmem_shared>>
      %dma_wait3A_1015 = arith.constant 0 : i32
      %dma_wait3A_1016 = arith.constant 0 : i32
      %dma_wait3A_1017 = tpu.memref_slice %arg13[%dma_wait3A_1000, %dma_wait3A_1015, %dma_wait3A_1016] : memref<2x400x32xf32, #tpu.memory_space<vmem>> -> memref<1x80x32xf32, #tpu.memory_space<vmem>>
      %dma_wait3A_1018 = tpu.memref_squeeze %dma_wait3A_1017 : memref<1x80x32xf32, #tpu.memory_space<vmem>> -> memref<80x32xf32, #tpu.memory_space<vmem>>
      tpu.wait_dma2 semaphore(%dma_wait3A_1011 : memref<!tpu.dma_semaphore, #tpu.memory_space<semaphore_mem>>) src(%dma_wait3A_1018 : memref<80x32xf32, #tpu.memory_space<vmem>>) dst(%dma_wait3A_1014 : memref<80x32xf32, #tpu.memory_space<vmem_shared>>)
      %dma_wait3A_1019 = arith.constant 1 : i32
      %dma_wait3A_1020 = arith.constant 1 : i32
      %dma_wait3A_1021 = arith.constant 1 : i32
      %dma_wait3A_1022 = arith.constant 80 : i32
      %dma_wait3A_1023 = arith.constant 0 : i32
      %dma_wait3A_1024 = tpu.memref_slice %arg13[%dma_wait3A_1019, %dma_wait3A_1022, %dma_wait3A_1023] : memref<2x400x32xf32, #tpu.memory_space<vmem>> -> memref<1x80x32xf32, #tpu.memory_space<vmem>>
      %dma_wait3A_1025 = tpu.memref_squeeze %dma_wait3A_1024 : memref<1x80x32xf32, #tpu.memory_space<vmem>> -> memref<80x32xf32, #tpu.memory_space<vmem>>
      %dma_wait3A_1026 = arith.constant 0 : i32
      %dma_wait3A_1027 = arith.constant 0 : i32
      %dma_wait3A_1028 = tpu.memref_slice %arg14[%dma_wait3A_1026, %dma_wait3A_1027] : memref<10240x32xf32, #tpu.memory_space<vmem_shared>> -> memref<80x32xf32, #tpu.memory_space<vmem_shared>>
      %dma_wait3A_1029 = tpu.memref_slice %arg17[%dma_wait3A_1020, %dma_wait3A_1021] : memref<2x5x!tpu.dma_semaphore, #tpu.memory_space<semaphore_mem>> -> memref<1x1x!tpu.dma_semaphore, #tpu.memory_space<semaphore_mem>>
      %dma_wait3A_1030 = tpu.memref_squeeze %dma_wait3A_1029 : memref<1x1x!tpu.dma_semaphore, #tpu.memory_space<semaphore_mem>> -> memref<!tpu.dma_semaphore, #tpu.memory_space<semaphore_mem>>
      %dma_wait3A_1031 = arith.constant 0 : i32
      %dma_wait3A_1032 = arith.constant 0 : i32
      %dma_wait3A_1033 = tpu.memref_slice %arg14[%dma_wait3A_1031, %dma_wait3A_1032] : memref<10240x32xf32, #tpu.memory_space<vmem_shared>> -> memref<80x32xf32, #tpu.memory_space<vmem_shared>>
      %dma_wait3A_1034 = arith.constant 80 : i32
      %dma_wait3A_1035 = arith.constant 0 : i32
      %dma_wait3A_1036 = tpu.memref_slice %arg13[%dma_wait3A_1019, %dma_wait3A_1034, %dma_wait3A_1035] : memref<2x400x32xf32, #tpu.memory_space<vmem>> -> memref<1x80x32xf32, #tpu.memory_space<vmem>>
      %dma_wait3A_1037 = tpu.memref_squeeze %dma_wait3A_1036 : memref<1x80x32xf32, #tpu.memory_space<vmem>> -> memref<80x32xf32, #tpu.memory_space<vmem>>
      tpu.wait_dma2 semaphore(%dma_wait3A_1030 : memref<!tpu.dma_semaphore, #tpu.memory_space<semaphore_mem>>) src(%dma_wait3A_1037 : memref<80x32xf32, #tpu.memory_space<vmem>>) dst(%dma_wait3A_1033 : memref<80x32xf32, #tpu.memory_space<vmem_shared>>)
      %dma_wait3A_1038 = arith.constant 1 : i32
      %dma_wait3A_1039 = arith.constant 1 : i32
      %dma_wait3A_1040 = arith.constant 2 : i32
      %dma_wait3A_1041 = arith.constant 160 : i32
      %dma_wait3A_1042 = arith.constant 0 : i32
      %dma_wait3A_1043 = tpu.memref_slice %arg13[%dma_wait3A_1038, %dma_wait3A_1041, %dma_wait3A_1042] : memref<2x400x32xf32, #tpu.memory_space<vmem>> -> memref<1x80x32xf32, #tpu.memory_space<vmem>>
      %dma_wait3A_1044 = tpu.memref_squeeze %dma_wait3A_1043 : memref<1x80x32xf32, #tpu.memory_space<vmem>> -> memref<80x32xf32, #tpu.memory_space<vmem>>
      %dma_wait3A_1045 = arith.constant 0 : i32
      %dma_wait3A_1046 = arith.constant 0 : i32
      %dma_wait3A_1047 = tpu.memref_slice %arg14[%dma_wait3A_1045, %dma_wait3A_1046] : memref<10240x32xf32, #tpu.memory_space<vmem_shared>> -> memref<80x32xf32, #tpu.memory_space<vmem_shared>>
      %dma_wait3A_1048 = tpu.memref_slice %arg17[%dma_wait3A_1039, %dma_wait3A_1040] : memref<2x5x!tpu.dma_semaphore, #tpu.memory_space<semaphore_mem>> -> memref<1x1x!tpu.dma_semaphore, #tpu.memory_space<semaphore_mem>>
      %dma_wait3A_1049 = tpu.memref_squeeze %dma_wait3A_1048 : memref<1x1x!tpu.dma_semaphore, #tpu.memory_space<semaphore_mem>> -> memref<!tpu.dma_semaphore, #tpu.memory_space<semaphore_mem>>
      %dma_wait3A_1050 = arith.constant 0 : i32
      %dma_wait3A_1051 = arith.constant 0 : i32
      %dma_wait3A_1052 = tpu.memref_slice %arg14[%dma_wait3A_1050, %dma_wait3A_1051] : memref<10240x32xf32, #tpu.memory_space<vmem_shared>> -> memref<80x32xf32, #tpu.memory_space<vmem_shared>>
      %dma_wait3A_1053 = arith.constant 160 : i32
      %dma_wait3A_1054 = arith.constant 0 : i32
      %dma_wait3A_1055 = tpu.memref_slice %arg13[%dma_wait3A_1038, %dma_wait3A_1053, %dma_wait3A_1054] : memref<2x400x32xf32, #tpu.memory_space<vmem>> -> memref<1x80x32xf32, #tpu.memory_space<vmem>>
      %dma_wait3A_1056 = tpu.memref_squeeze %dma_wait3A_1055 : memref<1x80x32xf32, #tpu.memory_space<vmem>> -> memref<80x32xf32, #tpu.memory_space<vmem>>
      tpu.wait_dma2 semaphore(%dma_wait3A_1049 : memref<!tpu.dma_semaphore, #tpu.memory_space<semaphore_mem>>) src(%dma_wait3A_1056 : memref<80x32xf32, #tpu.memory_space<vmem>>) dst(%dma_wait3A_1052 : memref<80x32xf32, #tpu.memory_space<vmem_shared>>)
      %dma_wait3A_1057 = arith.constant 1 : i32
      %dma_wait3A_1058 = arith.constant 1 : i32
      %dma_wait3A_1059 = arith.constant 3 : i32
      %dma_wait3A_1060 = arith.constant 240 : i32
      %dma_wait3A_1061 = arith.constant 0 : i32
      %dma_wait3A_1062 = tpu.memref_slice %arg13[%dma_wait3A_1057, %dma_wait3A_1060, %dma_wait3A_1061] : memref<2x400x32xf32, #tpu.memory_space<vmem>> -> memref<1x80x32xf32, #tpu.memory_space<vmem>>
      %dma_wait3A_1063 = tpu.memref_squeeze %dma_wait3A_1062 : memref<1x80x32xf32, #tpu.memory_space<vmem>> -> memref<80x32xf32, #tpu.memory_space<vmem>>
      %dma_wait3A_1064 = arith.constant 0 : i32
      %dma_wait3A_1065 = arith.constant 0 : i32
      %dma_wait3A_1066 = tpu.memref_slice %arg14[%dma_wait3A_1064, %dma_wait3A_1065] : memref<10240x32xf32, #tpu.memory_space<vmem_shared>> -> memref<80x32xf32, #tpu.memory_space<vmem_shared>>
      %dma_wait3A_1067 = tpu.memref_slice %arg17[%dma_wait3A_1058, %dma_wait3A_1059] : memref<2x5x!tpu.dma_semaphore, #tpu.memory_space<semaphore_mem>> -> memref<1x1x!tpu.dma_semaphore, #tpu.memory_space<semaphore_mem>>
      %dma_wait3A_1068 = tpu.memref_squeeze %dma_wait3A_1067 : memref<1x1x!tpu.dma_semaphore, #tpu.memory_space<semaphore_mem>> -> memref<!tpu.dma_semaphore, #tpu.memory_space<semaphore_mem>>
      %dma_wait3A_1069 = arith.constant 0 : i32
      %dma_wait3A_1070 = arith.constant 0 : i32
      %dma_wait3A_1071 = tpu.memref_slice %arg14[%dma_wait3A_1069, %dma_wait3A_1070] : memref<10240x32xf32, #tpu.memory_space<vmem_shared>> -> memref<80x32xf32, #tpu.memory_space<vmem_shared>>
      %dma_wait3A_1072 = arith.constant 240 : i32
      %dma_wait3A_1073 = arith.constant 0 : i32
      %dma_wait3A_1074 = tpu.memref_slice %arg13[%dma_wait3A_1057, %dma_wait3A_1072, %dma_wait3A_1073] : memref<2x400x32xf32, #tpu.memory_space<vmem>> -> memref<1x80x32xf32, #tpu.memory_space<vmem>>
      %dma_wait3A_1075 = tpu.memref_squeeze %dma_wait3A_1074 : memref<1x80x32xf32, #tpu.memory_space<vmem>> -> memref<80x32xf32, #tpu.memory_space<vmem>>
      tpu.wait_dma2 semaphore(%dma_wait3A_1068 : memref<!tpu.dma_semaphore, #tpu.memory_space<semaphore_mem>>) src(%dma_wait3A_1075 : memref<80x32xf32, #tpu.memory_space<vmem>>) dst(%dma_wait3A_1071 : memref<80x32xf32, #tpu.memory_space<vmem_shared>>)
      %dma_wait3A_1076 = arith.constant 1 : i32
      %dma_wait3A_1077 = arith.constant 1 : i32
      %dma_wait3A_1078 = arith.constant 4 : i32
      %dma_wait3A_1079 = arith.constant 320 : i32
      %dma_wait3A_1080 = arith.constant 0 : i32
      %dma_wait3A_1081 = tpu.memref_slice %arg13[%dma_wait3A_1076, %dma_wait3A_1079, %dma_wait3A_1080] : memref<2x400x32xf32, #tpu.memory_space<vmem>> -> memref<1x80x32xf32, #tpu.memory_space<vmem>>
      %dma_wait3A_1082 = tpu.memref_squeeze %dma_wait3A_1081 : memref<1x80x32xf32, #tpu.memory_space<vmem>> -> memref<80x32xf32, #tpu.memory_space<vmem>>
      %dma_wait3A_1083 = arith.constant 0 : i32
      %dma_wait3A_1084 = arith.constant 0 : i32
      %dma_wait3A_1085 = tpu.memref_slice %arg14[%dma_wait3A_1083, %dma_wait3A_1084] : memref<10240x32xf32, #tpu.memory_space<vmem_shared>> -> memref<80x32xf32, #tpu.memory_space<vmem_shared>>
      %dma_wait3A_1086 = tpu.memref_slice %arg17[%dma_wait3A_1077, %dma_wait3A_1078] : memref<2x5x!tpu.dma_semaphore, #tpu.memory_space<semaphore_mem>> -> memref<1x1x!tpu.dma_semaphore, #tpu.memory_space<semaphore_mem>>
      %dma_wait3A_1087 = tpu.memref_squeeze %dma_wait3A_1086 : memref<1x1x!tpu.dma_semaphore, #tpu.memory_space<semaphore_mem>> -> memref<!tpu.dma_semaphore, #tpu.memory_space<semaphore_mem>>
      %dma_wait3A_1088 = arith.constant 0 : i32
      %dma_wait3A_1089 = arith.constant 0 : i32
      %dma_wait3A_1090 = tpu.memref_slice %arg14[%dma_wait3A_1088, %dma_wait3A_1089] : memref<10240x32xf32, #tpu.memory_space<vmem_shared>> -> memref<80x32xf32, #tpu.memory_space<vmem_shared>>
      %dma_wait3A_1091 = arith.constant 320 : i32
      %dma_wait3A_1092 = arith.constant 0 : i32
      %dma_wait3A_1093 = tpu.memref_slice %arg13[%dma_wait3A_1076, %dma_wait3A_1091, %dma_wait3A_1092] : memref<2x400x32xf32, #tpu.memory_space<vmem>> -> memref<1x80x32xf32, #tpu.memory_space<vmem>>
      %dma_wait3A_1094 = tpu.memref_squeeze %dma_wait3A_1093 : memref<1x80x32xf32, #tpu.memory_space<vmem>> -> memref<80x32xf32, #tpu.memory_space<vmem>>
      tpu.wait_dma2 semaphore(%dma_wait3A_1087 : memref<!tpu.dma_semaphore, #tpu.memory_space<semaphore_mem>>) src(%dma_wait3A_1094 : memref<80x32xf32, #tpu.memory_space<vmem>>) dst(%dma_wait3A_1090 : memref<80x32xf32, #tpu.memory_space<vmem_shared>>)
      %scan3A_1095 = arith.constant 0 : i32
      scf.yield %scan3A_1095 : i32
    }
    %scan3A_170 = arith.constant 25 : i32
    %barrier3A_171 = arith.constant 0 : index
    tpu.barrier barrier_id(%barrier3A_171)
    "tpu.region"() ({
      %run_scoped3A_305 = tpu.sem_alloc : memref<!tpu.dma_semaphore, #tpu.memory_space<semaphore_mem>>
      %dma_start3A_306 = arith.constant 0 : i32
      %dma_start3A_307 = tpu.memref_slice %arg5[%add3A_64, %mul3A_0, %dma_start3A_306] : memref<4x10240x32xf32, #tpu.memory_space<hbm>> -> memref<1x640x32xf32, #tpu.memory_space<hbm>>
      %dma_start3A_308 = tpu.memref_squeeze %dma_start3A_307 : memref<1x640x32xf32, #tpu.memory_space<hbm>> -> memref<640x32xf32, #tpu.memory_space<hbm>>
      %dma_start3A_309 = arith.constant 0 : i32
      %dma_start3A_310 = tpu.memref_slice %arg14[%mul3A_0, %dma_start3A_309] : memref<10240x32xf32, #tpu.memory_space<vmem_shared>> -> memref<640x32xf32, #tpu.memory_space<vmem_shared>>
      tpu.enqueue_dma source(%dma_start3A_310 : memref<640x32xf32, #tpu.memory_space<vmem_shared>>) target(%dma_start3A_308 : memref<640x32xf32, #tpu.memory_space<hbm>>) target_semaphore(%run_scoped3A_305 : memref<!tpu.dma_semaphore, #tpu.memory_space<semaphore_mem>>)
      %dma_wait3A = arith.constant 0 : i32
      %dma_wait3A_311 = tpu.memref_slice %arg5[%add3A_64, %mul3A_0, %dma_wait3A] : memref<4x10240x32xf32, #tpu.memory_space<hbm>> -> memref<1x640x32xf32, #tpu.memory_space<hbm>>
      %dma_wait3A_312 = tpu.memref_squeeze %dma_wait3A_311 : memref<1x640x32xf32, #tpu.memory_space<hbm>> -> memref<640x32xf32, #tpu.memory_space<hbm>>
      %dma_wait3A_313 = arith.constant 0 : i32
      %dma_wait3A_314 = tpu.memref_slice %arg14[%mul3A_0, %dma_wait3A_313] : memref<10240x32xf32, #tpu.memory_space<vmem_shared>> -> memref<640x32xf32, #tpu.memory_space<vmem_shared>>
      tpu.wait_dma2 semaphore(%run_scoped3A_305 : memref<!tpu.dma_semaphore, #tpu.memory_space<semaphore_mem>>) src(%dma_wait3A_314 : memref<640x32xf32, #tpu.memory_space<vmem_shared>>) dst(%dma_wait3A_312 : memref<640x32xf32, #tpu.memory_space<hbm>>)
      tpu.yield
    }) : () -> ()
    %add3A_172 = arith.constant 0 : i32
    %add3A_173 = arith.addi %mul3A_0, %add3A_172 : i32
    "tpu.region"() ({
      %run_scoped3A_305 = tpu.sem_alloc : memref<!tpu.dma_semaphore, #tpu.memory_space<semaphore_mem>>
      %dma_start3A_306 = arith.constant 0 : i32
      %dma_start3A_307 = tpu.memref_slice %arg14[%add3A_173, %dma_start3A_306] : memref<10240x32xf32, #tpu.memory_space<vmem_shared>> -> memref<64x32xf32, #tpu.memory_space<vmem_shared>>
      %dma_start3A_308 = arith.constant 0 : i32
      %dma_start3A_309 = tpu.memref_slice %arg14[%add3A_173, %dma_start3A_308] : memref<10240x32xf32, #tpu.memory_space<vmem_shared>> -> memref<64x32xf32, #tpu.memory_space<vmem_shared>>
      tpu.enqueue_dma source(%arg11 : memref<64x32xf32, #tpu.memory_space<vmem>>) target(%dma_start3A_309 : memref<64x32xf32, #tpu.memory_space<vmem_shared>>) target_semaphore(%run_scoped3A_305 : memref<!tpu.dma_semaphore, #tpu.memory_space<semaphore_mem>>)
      %dma_wait3A = arith.constant 0 : i32
      %dma_wait3A_310 = tpu.memref_slice %arg14[%add3A_173, %dma_wait3A] : memref<10240x32xf32, #tpu.memory_space<vmem_shared>> -> memref<64x32xf32, #tpu.memory_space<vmem_shared>>
      %dma_wait3A_311 = arith.constant 0 : i32
      %dma_wait3A_312 = tpu.memref_slice %arg14[%add3A_173, %dma_wait3A_311] : memref<10240x32xf32, #tpu.memory_space<vmem_shared>> -> memref<64x32xf32, #tpu.memory_space<vmem_shared>>
      tpu.wait_dma2 semaphore(%run_scoped3A_305 : memref<!tpu.dma_semaphore, #tpu.memory_space<semaphore_mem>>) src(%arg11 : memref<64x32xf32, #tpu.memory_space<vmem>>) dst(%dma_wait3A_312 : memref<64x32xf32, #tpu.memory_space<vmem_shared>>)
      tpu.yield
    }) : () -> ()
    %add3A_174 = arith.constant 64 : i32
    %add3A_175 = arith.addi %mul3A_0, %add3A_174 : i32
    "tpu.region"() ({
      %run_scoped3A_305 = tpu.sem_alloc : memref<!tpu.dma_semaphore, #tpu.memory_space<semaphore_mem>>
      %dma_start3A_306 = arith.constant 0 : i32
      %dma_start3A_307 = tpu.memref_slice %arg14[%add3A_175, %dma_start3A_306] : memref<10240x32xf32, #tpu.memory_space<vmem_shared>> -> memref<64x32xf32, #tpu.memory_space<vmem_shared>>
      %dma_start3A_308 = arith.constant 0 : i32
      %dma_start3A_309 = tpu.memref_slice %arg14[%add3A_175, %dma_start3A_308] : memref<10240x32xf32, #tpu.memory_space<vmem_shared>> -> memref<64x32xf32, #tpu.memory_space<vmem_shared>>
      tpu.enqueue_dma source(%arg11 : memref<64x32xf32, #tpu.memory_space<vmem>>) target(%dma_start3A_309 : memref<64x32xf32, #tpu.memory_space<vmem_shared>>) target_semaphore(%run_scoped3A_305 : memref<!tpu.dma_semaphore, #tpu.memory_space<semaphore_mem>>)
      %dma_wait3A = arith.constant 0 : i32
      %dma_wait3A_310 = tpu.memref_slice %arg14[%add3A_175, %dma_wait3A] : memref<10240x32xf32, #tpu.memory_space<vmem_shared>> -> memref<64x32xf32, #tpu.memory_space<vmem_shared>>
      %dma_wait3A_311 = arith.constant 0 : i32
      %dma_wait3A_312 = tpu.memref_slice %arg14[%add3A_175, %dma_wait3A_311] : memref<10240x32xf32, #tpu.memory_space<vmem_shared>> -> memref<64x32xf32, #tpu.memory_space<vmem_shared>>
      tpu.wait_dma2 semaphore(%run_scoped3A_305 : memref<!tpu.dma_semaphore, #tpu.memory_space<semaphore_mem>>) src(%arg11 : memref<64x32xf32, #tpu.memory_space<vmem>>) dst(%dma_wait3A_312 : memref<64x32xf32, #tpu.memory_space<vmem_shared>>)
      tpu.yield
    }) : () -> ()
    %add3A_176 = arith.constant 128 : i32
    %add3A_177 = arith.addi %mul3A_0, %add3A_176 : i32
    "tpu.region"() ({
      %run_scoped3A_305 = tpu.sem_alloc : memref<!tpu.dma_semaphore, #tpu.memory_space<semaphore_mem>>
      %dma_start3A_306 = arith.constant 0 : i32
      %dma_start3A_307 = tpu.memref_slice %arg14[%add3A_177, %dma_start3A_306] : memref<10240x32xf32, #tpu.memory_space<vmem_shared>> -> memref<64x32xf32, #tpu.memory_space<vmem_shared>>
      %dma_start3A_308 = arith.constant 0 : i32
      %dma_start3A_309 = tpu.memref_slice %arg14[%add3A_177, %dma_start3A_308] : memref<10240x32xf32, #tpu.memory_space<vmem_shared>> -> memref<64x32xf32, #tpu.memory_space<vmem_shared>>
      tpu.enqueue_dma source(%arg11 : memref<64x32xf32, #tpu.memory_space<vmem>>) target(%dma_start3A_309 : memref<64x32xf32, #tpu.memory_space<vmem_shared>>) target_semaphore(%run_scoped3A_305 : memref<!tpu.dma_semaphore, #tpu.memory_space<semaphore_mem>>)
      %dma_wait3A = arith.constant 0 : i32
      %dma_wait3A_310 = tpu.memref_slice %arg14[%add3A_177, %dma_wait3A] : memref<10240x32xf32, #tpu.memory_space<vmem_shared>> -> memref<64x32xf32, #tpu.memory_space<vmem_shared>>
      %dma_wait3A_311 = arith.constant 0 : i32
      %dma_wait3A_312 = tpu.memref_slice %arg14[%add3A_177, %dma_wait3A_311] : memref<10240x32xf32, #tpu.memory_space<vmem_shared>> -> memref<64x32xf32, #tpu.memory_space<vmem_shared>>
      tpu.wait_dma2 semaphore(%run_scoped3A_305 : memref<!tpu.dma_semaphore, #tpu.memory_space<semaphore_mem>>) src(%arg11 : memref<64x32xf32, #tpu.memory_space<vmem>>) dst(%dma_wait3A_312 : memref<64x32xf32, #tpu.memory_space<vmem_shared>>)
      tpu.yield
    }) : () -> ()
    %add3A_178 = arith.constant 192 : i32
    %add3A_179 = arith.addi %mul3A_0, %add3A_178 : i32
    "tpu.region"() ({
      %run_scoped3A_305 = tpu.sem_alloc : memref<!tpu.dma_semaphore, #tpu.memory_space<semaphore_mem>>
      %dma_start3A_306 = arith.constant 0 : i32
      %dma_start3A_307 = tpu.memref_slice %arg14[%add3A_179, %dma_start3A_306] : memref<10240x32xf32, #tpu.memory_space<vmem_shared>> -> memref<64x32xf32, #tpu.memory_space<vmem_shared>>
      %dma_start3A_308 = arith.constant 0 : i32
      %dma_start3A_309 = tpu.memref_slice %arg14[%add3A_179, %dma_start3A_308] : memref<10240x32xf32, #tpu.memory_space<vmem_shared>> -> memref<64x32xf32, #tpu.memory_space<vmem_shared>>
      tpu.enqueue_dma source(%arg11 : memref<64x32xf32, #tpu.memory_space<vmem>>) target(%dma_start3A_309 : memref<64x32xf32, #tpu.memory_space<vmem_shared>>) target_semaphore(%run_scoped3A_305 : memref<!tpu.dma_semaphore, #tpu.memory_space<semaphore_mem>>)
      %dma_wait3A = arith.constant 0 : i32
      %dma_wait3A_310 = tpu.memref_slice %arg14[%add3A_179, %dma_wait3A] : memref<10240x32xf32, #tpu.memory_space<vmem_shared>> -> memref<64x32xf32, #tpu.memory_space<vmem_shared>>
      %dma_wait3A_311 = arith.constant 0 : i32
      %dma_wait3A_312 = tpu.memref_slice %arg14[%add3A_179, %dma_wait3A_311] : memref<10240x32xf32, #tpu.memory_space<vmem_shared>> -> memref<64x32xf32, #tpu.memory_space<vmem_shared>>
      tpu.wait_dma2 semaphore(%run_scoped3A_305 : memref<!tpu.dma_semaphore, #tpu.memory_space<semaphore_mem>>) src(%arg11 : memref<64x32xf32, #tpu.memory_space<vmem>>) dst(%dma_wait3A_312 : memref<64x32xf32, #tpu.memory_space<vmem_shared>>)
      tpu.yield
    }) : () -> ()
    %add3A_180 = arith.constant 256 : i32
    %add3A_181 = arith.addi %mul3A_0, %add3A_180 : i32
    "tpu.region"() ({
      %run_scoped3A_305 = tpu.sem_alloc : memref<!tpu.dma_semaphore, #tpu.memory_space<semaphore_mem>>
      %dma_start3A_306 = arith.constant 0 : i32
      %dma_start3A_307 = tpu.memref_slice %arg14[%add3A_181, %dma_start3A_306] : memref<10240x32xf32, #tpu.memory_space<vmem_shared>> -> memref<64x32xf32, #tpu.memory_space<vmem_shared>>
      %dma_start3A_308 = arith.constant 0 : i32
      %dma_start3A_309 = tpu.memref_slice %arg14[%add3A_181, %dma_start3A_308] : memref<10240x32xf32, #tpu.memory_space<vmem_shared>> -> memref<64x32xf32, #tpu.memory_space<vmem_shared>>
      tpu.enqueue_dma source(%arg11 : memref<64x32xf32, #tpu.memory_space<vmem>>) target(%dma_start3A_309 : memref<64x32xf32, #tpu.memory_space<vmem_shared>>) target_semaphore(%run_scoped3A_305 : memref<!tpu.dma_semaphore, #tpu.memory_space<semaphore_mem>>)
      %dma_wait3A = arith.constant 0 : i32
      %dma_wait3A_310 = tpu.memref_slice %arg14[%add3A_181, %dma_wait3A] : memref<10240x32xf32, #tpu.memory_space<vmem_shared>> -> memref<64x32xf32, #tpu.memory_space<vmem_shared>>
      %dma_wait3A_311 = arith.constant 0 : i32
      %dma_wait3A_312 = tpu.memref_slice %arg14[%add3A_181, %dma_wait3A_311] : memref<10240x32xf32, #tpu.memory_space<vmem_shared>> -> memref<64x32xf32, #tpu.memory_space<vmem_shared>>
      tpu.wait_dma2 semaphore(%run_scoped3A_305 : memref<!tpu.dma_semaphore, #tpu.memory_space<semaphore_mem>>) src(%arg11 : memref<64x32xf32, #tpu.memory_space<vmem>>) dst(%dma_wait3A_312 : memref<64x32xf32, #tpu.memory_space<vmem_shared>>)
      tpu.yield
    }) : () -> ()
    %add3A_182 = arith.constant 320 : i32
    %add3A_183 = arith.addi %mul3A_0, %add3A_182 : i32
    "tpu.region"() ({
      %run_scoped3A_305 = tpu.sem_alloc : memref<!tpu.dma_semaphore, #tpu.memory_space<semaphore_mem>>
      %dma_start3A_306 = arith.constant 0 : i32
      %dma_start3A_307 = tpu.memref_slice %arg14[%add3A_183, %dma_start3A_306] : memref<10240x32xf32, #tpu.memory_space<vmem_shared>> -> memref<64x32xf32, #tpu.memory_space<vmem_shared>>
      %dma_start3A_308 = arith.constant 0 : i32
      %dma_start3A_309 = tpu.memref_slice %arg14[%add3A_183, %dma_start3A_308] : memref<10240x32xf32, #tpu.memory_space<vmem_shared>> -> memref<64x32xf32, #tpu.memory_space<vmem_shared>>
      tpu.enqueue_dma source(%arg11 : memref<64x32xf32, #tpu.memory_space<vmem>>) target(%dma_start3A_309 : memref<64x32xf32, #tpu.memory_space<vmem_shared>>) target_semaphore(%run_scoped3A_305 : memref<!tpu.dma_semaphore, #tpu.memory_space<semaphore_mem>>)
      %dma_wait3A = arith.constant 0 : i32
      %dma_wait3A_310 = tpu.memref_slice %arg14[%add3A_183, %dma_wait3A] : memref<10240x32xf32, #tpu.memory_space<vmem_shared>> -> memref<64x32xf32, #tpu.memory_space<vmem_shared>>
      %dma_wait3A_311 = arith.constant 0 : i32
      %dma_wait3A_312 = tpu.memref_slice %arg14[%add3A_183, %dma_wait3A_311] : memref<10240x32xf32, #tpu.memory_space<vmem_shared>> -> memref<64x32xf32, #tpu.memory_space<vmem_shared>>
      tpu.wait_dma2 semaphore(%run_scoped3A_305 : memref<!tpu.dma_semaphore, #tpu.memory_space<semaphore_mem>>) src(%arg11 : memref<64x32xf32, #tpu.memory_space<vmem>>) dst(%dma_wait3A_312 : memref<64x32xf32, #tpu.memory_space<vmem_shared>>)
      tpu.yield
    }) : () -> ()
    %add3A_184 = arith.constant 384 : i32
    %add3A_185 = arith.addi %mul3A_0, %add3A_184 : i32
    "tpu.region"() ({
      %run_scoped3A_305 = tpu.sem_alloc : memref<!tpu.dma_semaphore, #tpu.memory_space<semaphore_mem>>
      %dma_start3A_306 = arith.constant 0 : i32
      %dma_start3A_307 = tpu.memref_slice %arg14[%add3A_185, %dma_start3A_306] : memref<10240x32xf32, #tpu.memory_space<vmem_shared>> -> memref<64x32xf32, #tpu.memory_space<vmem_shared>>
      %dma_start3A_308 = arith.constant 0 : i32
      %dma_start3A_309 = tpu.memref_slice %arg14[%add3A_185, %dma_start3A_308] : memref<10240x32xf32, #tpu.memory_space<vmem_shared>> -> memref<64x32xf32, #tpu.memory_space<vmem_shared>>
      tpu.enqueue_dma source(%arg11 : memref<64x32xf32, #tpu.memory_space<vmem>>) target(%dma_start3A_309 : memref<64x32xf32, #tpu.memory_space<vmem_shared>>) target_semaphore(%run_scoped3A_305 : memref<!tpu.dma_semaphore, #tpu.memory_space<semaphore_mem>>)
      %dma_wait3A = arith.constant 0 : i32
      %dma_wait3A_310 = tpu.memref_slice %arg14[%add3A_185, %dma_wait3A] : memref<10240x32xf32, #tpu.memory_space<vmem_shared>> -> memref<64x32xf32, #tpu.memory_space<vmem_shared>>
      %dma_wait3A_311 = arith.constant 0 : i32
      %dma_wait3A_312 = tpu.memref_slice %arg14[%add3A_185, %dma_wait3A_311] : memref<10240x32xf32, #tpu.memory_space<vmem_shared>> -> memref<64x32xf32, #tpu.memory_space<vmem_shared>>
      tpu.wait_dma2 semaphore(%run_scoped3A_305 : memref<!tpu.dma_semaphore, #tpu.memory_space<semaphore_mem>>) src(%arg11 : memref<64x32xf32, #tpu.memory_space<vmem>>) dst(%dma_wait3A_312 : memref<64x32xf32, #tpu.memory_space<vmem_shared>>)
      tpu.yield
    }) : () -> ()
    %add3A_186 = arith.constant 448 : i32
    %add3A_187 = arith.addi %mul3A_0, %add3A_186 : i32
    "tpu.region"() ({
      %run_scoped3A_305 = tpu.sem_alloc : memref<!tpu.dma_semaphore, #tpu.memory_space<semaphore_mem>>
      %dma_start3A_306 = arith.constant 0 : i32
      %dma_start3A_307 = tpu.memref_slice %arg14[%add3A_187, %dma_start3A_306] : memref<10240x32xf32, #tpu.memory_space<vmem_shared>> -> memref<64x32xf32, #tpu.memory_space<vmem_shared>>
      %dma_start3A_308 = arith.constant 0 : i32
      %dma_start3A_309 = tpu.memref_slice %arg14[%add3A_187, %dma_start3A_308] : memref<10240x32xf32, #tpu.memory_space<vmem_shared>> -> memref<64x32xf32, #tpu.memory_space<vmem_shared>>
      tpu.enqueue_dma source(%arg11 : memref<64x32xf32, #tpu.memory_space<vmem>>) target(%dma_start3A_309 : memref<64x32xf32, #tpu.memory_space<vmem_shared>>) target_semaphore(%run_scoped3A_305 : memref<!tpu.dma_semaphore, #tpu.memory_space<semaphore_mem>>)
      %dma_wait3A = arith.constant 0 : i32
      %dma_wait3A_310 = tpu.memref_slice %arg14[%add3A_187, %dma_wait3A] : memref<10240x32xf32, #tpu.memory_space<vmem_shared>> -> memref<64x32xf32, #tpu.memory_space<vmem_shared>>
      %dma_wait3A_311 = arith.constant 0 : i32
      %dma_wait3A_312 = tpu.memref_slice %arg14[%add3A_187, %dma_wait3A_311] : memref<10240x32xf32, #tpu.memory_space<vmem_shared>> -> memref<64x32xf32, #tpu.memory_space<vmem_shared>>
      tpu.wait_dma2 semaphore(%run_scoped3A_305 : memref<!tpu.dma_semaphore, #tpu.memory_space<semaphore_mem>>) src(%arg11 : memref<64x32xf32, #tpu.memory_space<vmem>>) dst(%dma_wait3A_312 : memref<64x32xf32, #tpu.memory_space<vmem_shared>>)
      tpu.yield
    }) : () -> ()
    %add3A_188 = arith.constant 512 : i32
    %add3A_189 = arith.addi %mul3A_0, %add3A_188 : i32
    "tpu.region"() ({
      %run_scoped3A_305 = tpu.sem_alloc : memref<!tpu.dma_semaphore, #tpu.memory_space<semaphore_mem>>
      %dma_start3A_306 = arith.constant 0 : i32
      %dma_start3A_307 = tpu.memref_slice %arg14[%add3A_189, %dma_start3A_306] : memref<10240x32xf32, #tpu.memory_space<vmem_shared>> -> memref<64x32xf32, #tpu.memory_space<vmem_shared>>
      %dma_start3A_308 = arith.constant 0 : i32
      %dma_start3A_309 = tpu.memref_slice %arg14[%add3A_189, %dma_start3A_308] : memref<10240x32xf32, #tpu.memory_space<vmem_shared>> -> memref<64x32xf32, #tpu.memory_space<vmem_shared>>
      tpu.enqueue_dma source(%arg11 : memref<64x32xf32, #tpu.memory_space<vmem>>) target(%dma_start3A_309 : memref<64x32xf32, #tpu.memory_space<vmem_shared>>) target_semaphore(%run_scoped3A_305 : memref<!tpu.dma_semaphore, #tpu.memory_space<semaphore_mem>>)
      %dma_wait3A = arith.constant 0 : i32
      %dma_wait3A_310 = tpu.memref_slice %arg14[%add3A_189, %dma_wait3A] : memref<10240x32xf32, #tpu.memory_space<vmem_shared>> -> memref<64x32xf32, #tpu.memory_space<vmem_shared>>
      %dma_wait3A_311 = arith.constant 0 : i32
      %dma_wait3A_312 = tpu.memref_slice %arg14[%add3A_189, %dma_wait3A_311] : memref<10240x32xf32, #tpu.memory_space<vmem_shared>> -> memref<64x32xf32, #tpu.memory_space<vmem_shared>>
      tpu.wait_dma2 semaphore(%run_scoped3A_305 : memref<!tpu.dma_semaphore, #tpu.memory_space<semaphore_mem>>) src(%arg11 : memref<64x32xf32, #tpu.memory_space<vmem>>) dst(%dma_wait3A_312 : memref<64x32xf32, #tpu.memory_space<vmem_shared>>)
      tpu.yield
    }) : () -> ()
    %add3A_190 = arith.constant 576 : i32
    %add3A_191 = arith.addi %mul3A_0, %add3A_190 : i32
    "tpu.region"() ({
      %run_scoped3A_305 = tpu.sem_alloc : memref<!tpu.dma_semaphore, #tpu.memory_space<semaphore_mem>>
      %dma_start3A_306 = arith.constant 0 : i32
      %dma_start3A_307 = tpu.memref_slice %arg14[%add3A_191, %dma_start3A_306] : memref<10240x32xf32, #tpu.memory_space<vmem_shared>> -> memref<64x32xf32, #tpu.memory_space<vmem_shared>>
      %dma_start3A_308 = arith.constant 0 : i32
      %dma_start3A_309 = tpu.memref_slice %arg14[%add3A_191, %dma_start3A_308] : memref<10240x32xf32, #tpu.memory_space<vmem_shared>> -> memref<64x32xf32, #tpu.memory_space<vmem_shared>>
      tpu.enqueue_dma source(%arg11 : memref<64x32xf32, #tpu.memory_space<vmem>>) target(%dma_start3A_309 : memref<64x32xf32, #tpu.memory_space<vmem_shared>>) target_semaphore(%run_scoped3A_305 : memref<!tpu.dma_semaphore, #tpu.memory_space<semaphore_mem>>)
      %dma_wait3A = arith.constant 0 : i32
      %dma_wait3A_310 = tpu.memref_slice %arg14[%add3A_191, %dma_wait3A] : memref<10240x32xf32, #tpu.memory_space<vmem_shared>> -> memref<64x32xf32, #tpu.memory_space<vmem_shared>>
      %dma_wait3A_311 = arith.constant 0 : i32
      %dma_wait3A_312 = tpu.memref_slice %arg14[%add3A_191, %dma_wait3A_311] : memref<10240x32xf32, #tpu.memory_space<vmem_shared>> -> memref<64x32xf32, #tpu.memory_space<vmem_shared>>
      tpu.wait_dma2 semaphore(%run_scoped3A_305 : memref<!tpu.dma_semaphore, #tpu.memory_space<semaphore_mem>>) src(%arg11 : memref<64x32xf32, #tpu.memory_space<vmem>>) dst(%dma_wait3A_312 : memref<64x32xf32, #tpu.memory_space<vmem_shared>>)
      tpu.yield
    }) : () -> ()
    %barrier3A_192 = arith.constant 0 : index
    tpu.barrier barrier_id(%barrier3A_192)
    %mul3A_193 = arith.constant 2 : i32
    %mul3A_194 = arith.muli %arg0, %mul3A_193 : i32
    %add3A_195 = arith.constant 1 : i32
    %add3A_196 = arith.addi %mul3A_194, %add3A_195 : i32
    %dma_start3A_197 = arith.constant 0 : i32
    %dma_start3A_198 = arith.constant 0 : i32
    %dma_start3A_199 = arith.constant 0 : i32
    %dma_start3A_200 = arith.constant 0 : i32
    %dma_start3A_201 = arith.constant 0 : i32
    %dma_start3A_202 = arith.constant 0 : i32
    %dma_start3A_203 = tpu.memref_slice %arg13[%dma_start3A_198, %dma_start3A_201, %dma_start3A_202] : memref<2x400x32xf32, #tpu.memory_space<vmem>> -> memref<1x80x32xf32, #tpu.memory_space<vmem>>
    %dma_start3A_204 = tpu.memref_squeeze %dma_start3A_203 : memref<1x80x32xf32, #tpu.memory_space<vmem>> -> memref<80x32xf32, #tpu.memory_space<vmem>>
    %dma_start3A_205 = arith.constant 0 : i32
    %dma_start3A_206 = tpu.memref_slice %arg7[%dma_start3A_197, %dma_start3A_205] : memref<250x80xi32, #tpu.memory_space<vmem>> -> memref<1x80xi32, #tpu.memory_space<vmem>>
    %dma_start3A_207 = tpu.memref_squeeze %dma_start3A_206 : memref<1x80xi32, #tpu.memory_space<vmem>> -> memref<80xi32, #tpu.memory_space<vmem>>
    %dma_start3A_208 = arith.constant 0 : i32
    %dma_start3A_209 = arith.constant 0 : i32
    %dma_start3A_210 = tpu.memref_slice %arg4[%add3A_196, %dma_start3A_208, %dma_start3A_209] : memref<4x10240x32xf32, #tpu.memory_space<hbm>> -> memref<1x10240x32xf32, #tpu.memory_space<hbm>>
    %dma_start3A_211 = tpu.memref_squeeze %dma_start3A_210 : memref<1x10240x32xf32, #tpu.memory_space<hbm>> -> memref<10240x32xf32, #tpu.memory_space<hbm>>
    %dma_start3A_212 = arith.constant 0 : i32
    %dma_start3A_213 = arith.constant 0 : i32
    %dma_start3A_214 = tpu.memref_slice %dma_start3A_211[%dma_start3A_212, %dma_start3A_213] : memref<10240x32xf32, #tpu.memory_space<hbm>> -> memref<10240x32xf32, #tpu.memory_space<hbm>>
    %dma_start3A_215 = tpu.memref_slice %arg16[%dma_start3A_199, %dma_start3A_200] : memref<2x5x!tpu.dma_semaphore, #tpu.memory_space<semaphore_mem>> -> memref<1x1x!tpu.dma_semaphore, #tpu.memory_space<semaphore_mem>>
    %dma_start3A_216 = tpu.memref_squeeze %dma_start3A_215 : memref<1x1x!tpu.dma_semaphore, #tpu.memory_space<semaphore_mem>> -> memref<!tpu.dma_semaphore, #tpu.memory_space<semaphore_mem>>
    tpu.enqueue_indirect_dma source(%dma_start3A_214 : memref<10240x32xf32, #tpu.memory_space<hbm>>) target(%dma_start3A_204 : memref<80x32xf32, #tpu.memory_space<vmem>>) offsets(%dma_start3A_207 : memref<80xi32, #tpu.memory_space<vmem>>) semaphore(%dma_start3A_216 : memref<!tpu.dma_semaphore, #tpu.memory_space<semaphore_mem>>)
    %dma_start3A_217 = arith.constant 1 : i32
    %dma_start3A_218 = arith.constant 0 : i32
    %dma_start3A_219 = arith.constant 0 : i32
    %dma_start3A_220 = arith.constant 1 : i32
    %dma_start3A_221 = arith.constant 80 : i32
    %dma_start3A_222 = arith.constant 0 : i32
    %dma_start3A_223 = tpu.memref_slice %arg13[%dma_start3A_218, %dma_start3A_221, %dma_start3A_222] : memref<2x400x32xf32, #tpu.memory_space<vmem>> -> memref<1x80x32xf32, #tpu.memory_space<vmem>>
    %dma_start3A_224 = tpu.memref_squeeze %dma_start3A_223 : memref<1x80x32xf32, #tpu.memory_space<vmem>> -> memref<80x32xf32, #tpu.memory_space<vmem>>
    %dma_start3A_225 = arith.constant 0 : i32
    %dma_start3A_226 = tpu.memref_slice %arg7[%dma_start3A_217, %dma_start3A_225] : memref<250x80xi32, #tpu.memory_space<vmem>> -> memref<1x80xi32, #tpu.memory_space<vmem>>
    %dma_start3A_227 = tpu.memref_squeeze %dma_start3A_226 : memref<1x80xi32, #tpu.memory_space<vmem>> -> memref<80xi32, #tpu.memory_space<vmem>>
    %dma_start3A_228 = arith.constant 0 : i32
    %dma_start3A_229 = arith.constant 0 : i32
    %dma_start3A_230 = tpu.memref_slice %arg4[%add3A_196, %dma_start3A_228, %dma_start3A_229] : memref<4x10240x32xf32, #tpu.memory_space<hbm>> -> memref<1x10240x32xf32, #tpu.memory_space<hbm>>
    %dma_start3A_231 = tpu.memref_squeeze %dma_start3A_230 : memref<1x10240x32xf32, #tpu.memory_space<hbm>> -> memref<10240x32xf32, #tpu.memory_space<hbm>>
    %dma_start3A_232 = arith.constant 0 : i32
    %dma_start3A_233 = arith.constant 0 : i32
    %dma_start3A_234 = tpu.memref_slice %dma_start3A_231[%dma_start3A_232, %dma_start3A_233] : memref<10240x32xf32, #tpu.memory_space<hbm>> -> memref<10240x32xf32, #tpu.memory_space<hbm>>
    %dma_start3A_235 = tpu.memref_slice %arg16[%dma_start3A_219, %dma_start3A_220] : memref<2x5x!tpu.dma_semaphore, #tpu.memory_space<semaphore_mem>> -> memref<1x1x!tpu.dma_semaphore, #tpu.memory_space<semaphore_mem>>
    %dma_start3A_236 = tpu.memref_squeeze %dma_start3A_235 : memref<1x1x!tpu.dma_semaphore, #tpu.memory_space<semaphore_mem>> -> memref<!tpu.dma_semaphore, #tpu.memory_space<semaphore_mem>>
    tpu.enqueue_indirect_dma source(%dma_start3A_234 : memref<10240x32xf32, #tpu.memory_space<hbm>>) target(%dma_start3A_224 : memref<80x32xf32, #tpu.memory_space<vmem>>) offsets(%dma_start3A_227 : memref<80xi32, #tpu.memory_space<vmem>>) semaphore(%dma_start3A_236 : memref<!tpu.dma_semaphore, #tpu.memory_space<semaphore_mem>>)
    %dma_start3A_237 = arith.constant 2 : i32
    %dma_start3A_238 = arith.constant 0 : i32
    %dma_start3A_239 = arith.constant 0 : i32
    %dma_start3A_240 = arith.constant 2 : i32
    %dma_start3A_241 = arith.constant 160 : i32
    %dma_start3A_242 = arith.constant 0 : i32
    %dma_start3A_243 = tpu.memref_slice %arg13[%dma_start3A_238, %dma_start3A_241, %dma_start3A_242] : memref<2x400x32xf32, #tpu.memory_space<vmem>> -> memref<1x80x32xf32, #tpu.memory_space<vmem>>
    %dma_start3A_244 = tpu.memref_squeeze %dma_start3A_243 : memref<1x80x32xf32, #tpu.memory_space<vmem>> -> memref<80x32xf32, #tpu.memory_space<vmem>>
    %dma_start3A_245 = arith.constant 0 : i32
    %dma_start3A_246 = tpu.memref_slice %arg7[%dma_start3A_237, %dma_start3A_245] : memref<250x80xi32, #tpu.memory_space<vmem>> -> memref<1x80xi32, #tpu.memory_space<vmem>>
    %dma_start3A_247 = tpu.memref_squeeze %dma_start3A_246 : memref<1x80xi32, #tpu.memory_space<vmem>> -> memref<80xi32, #tpu.memory_space<vmem>>
    %dma_start3A_248 = arith.constant 0 : i32
    %dma_start3A_249 = arith.constant 0 : i32
    %dma_start3A_250 = tpu.memref_slice %arg4[%add3A_196, %dma_start3A_248, %dma_start3A_249] : memref<4x10240x32xf32, #tpu.memory_space<hbm>> -> memref<1x10240x32xf32, #tpu.memory_space<hbm>>
    %dma_start3A_251 = tpu.memref_squeeze %dma_start3A_250 : memref<1x10240x32xf32, #tpu.memory_space<hbm>> -> memref<10240x32xf32, #tpu.memory_space<hbm>>
    %dma_start3A_252 = arith.constant 0 : i32
    %dma_start3A_253 = arith.constant 0 : i32
    %dma_start3A_254 = tpu.memref_slice %dma_start3A_251[%dma_start3A_252, %dma_start3A_253] : memref<10240x32xf32, #tpu.memory_space<hbm>> -> memref<10240x32xf32, #tpu.memory_space<hbm>>
    %dma_start3A_255 = tpu.memref_slice %arg16[%dma_start3A_239, %dma_start3A_240] : memref<2x5x!tpu.dma_semaphore, #tpu.memory_space<semaphore_mem>> -> memref<1x1x!tpu.dma_semaphore, #tpu.memory_space<semaphore_mem>>
    %dma_start3A_256 = tpu.memref_squeeze %dma_start3A_255 : memref<1x1x!tpu.dma_semaphore, #tpu.memory_space<semaphore_mem>> -> memref<!tpu.dma_semaphore, #tpu.memory_space<semaphore_mem>>
    tpu.enqueue_indirect_dma source(%dma_start3A_254 : memref<10240x32xf32, #tpu.memory_space<hbm>>) target(%dma_start3A_244 : memref<80x32xf32, #tpu.memory_space<vmem>>) offsets(%dma_start3A_247 : memref<80xi32, #tpu.memory_space<vmem>>) semaphore(%dma_start3A_256 : memref<!tpu.dma_semaphore, #tpu.memory_space<semaphore_mem>>)
    %dma_start3A_257 = arith.constant 3 : i32
    %dma_start3A_258 = arith.constant 0 : i32
    %dma_start3A_259 = arith.constant 0 : i32
    %dma_start3A_260 = arith.constant 3 : i32
    %dma_start3A_261 = arith.constant 240 : i32
    %dma_start3A_262 = arith.constant 0 : i32
    %dma_start3A_263 = tpu.memref_slice %arg13[%dma_start3A_258, %dma_start3A_261, %dma_start3A_262] : memref<2x400x32xf32, #tpu.memory_space<vmem>> -> memref<1x80x32xf32, #tpu.memory_space<vmem>>
    %dma_start3A_264 = tpu.memref_squeeze %dma_start3A_263 : memref<1x80x32xf32, #tpu.memory_space<vmem>> -> memref<80x32xf32, #tpu.memory_space<vmem>>
    %dma_start3A_265 = arith.constant 0 : i32
    %dma_start3A_266 = tpu.memref_slice %arg7[%dma_start3A_257, %dma_start3A_265] : memref<250x80xi32, #tpu.memory_space<vmem>> -> memref<1x80xi32, #tpu.memory_space<vmem>>
    %dma_start3A_267 = tpu.memref_squeeze %dma_start3A_266 : memref<1x80xi32, #tpu.memory_space<vmem>> -> memref<80xi32, #tpu.memory_space<vmem>>
    %dma_start3A_268 = arith.constant 0 : i32
    %dma_start3A_269 = arith.constant 0 : i32
    %dma_start3A_270 = tpu.memref_slice %arg4[%add3A_196, %dma_start3A_268, %dma_start3A_269] : memref<4x10240x32xf32, #tpu.memory_space<hbm>> -> memref<1x10240x32xf32, #tpu.memory_space<hbm>>
    %dma_start3A_271 = tpu.memref_squeeze %dma_start3A_270 : memref<1x10240x32xf32, #tpu.memory_space<hbm>> -> memref<10240x32xf32, #tpu.memory_space<hbm>>
    %dma_start3A_272 = arith.constant 0 : i32
    %dma_start3A_273 = arith.constant 0 : i32
    %dma_start3A_274 = tpu.memref_slice %dma_start3A_271[%dma_start3A_272, %dma_start3A_273] : memref<10240x32xf32, #tpu.memory_space<hbm>> -> memref<10240x32xf32, #tpu.memory_space<hbm>>
    %dma_start3A_275 = tpu.memref_slice %arg16[%dma_start3A_259, %dma_start3A_260] : memref<2x5x!tpu.dma_semaphore, #tpu.memory_space<semaphore_mem>> -> memref<1x1x!tpu.dma_semaphore, #tpu.memory_space<semaphore_mem>>
    %dma_start3A_276 = tpu.memref_squeeze %dma_start3A_275 : memref<1x1x!tpu.dma_semaphore, #tpu.memory_space<semaphore_mem>> -> memref<!tpu.dma_semaphore, #tpu.memory_space<semaphore_mem>>
    tpu.enqueue_indirect_dma source(%dma_start3A_274 : memref<10240x32xf32, #tpu.memory_space<hbm>>) target(%dma_start3A_264 : memref<80x32xf32, #tpu.memory_space<vmem>>) offsets(%dma_start3A_267 : memref<80xi32, #tpu.memory_space<vmem>>) semaphore(%dma_start3A_276 : memref<!tpu.dma_semaphore, #tpu.memory_space<semaphore_mem>>)
    %dma_start3A_277 = arith.constant 4 : i32
    %dma_start3A_278 = arith.constant 0 : i32
    %dma_start3A_279 = arith.constant 0 : i32
    %dma_start3A_280 = arith.constant 4 : i32
    %dma_start3A_281 = arith.constant 320 : i32
    %dma_start3A_282 = arith.constant 0 : i32
    %dma_start3A_283 = tpu.memref_slice %arg13[%dma_start3A_278, %dma_start3A_281, %dma_start3A_282] : memref<2x400x32xf32, #tpu.memory_space<vmem>> -> memref<1x80x32xf32, #tpu.memory_space<vmem>>
    %dma_start3A_284 = tpu.memref_squeeze %dma_start3A_283 : memref<1x80x32xf32, #tpu.memory_space<vmem>> -> memref<80x32xf32, #tpu.memory_space<vmem>>
    %dma_start3A_285 = arith.constant 0 : i32
    %dma_start3A_286 = tpu.memref_slice %arg7[%dma_start3A_277, %dma_start3A_285] : memref<250x80xi32, #tpu.memory_space<vmem>> -> memref<1x80xi32, #tpu.memory_space<vmem>>
    %dma_start3A_287 = tpu.memref_squeeze %dma_start3A_286 : memref<1x80xi32, #tpu.memory_space<vmem>> -> memref<80xi32, #tpu.memory_space<vmem>>
    %dma_start3A_288 = arith.constant 0 : i32
    %dma_start3A_289 = arith.constant 0 : i32
    %dma_start3A_290 = tpu.memref_slice %arg4[%add3A_196, %dma_start3A_288, %dma_start3A_289] : memref<4x10240x32xf32, #tpu.memory_space<hbm>> -> memref<1x10240x32xf32, #tpu.memory_space<hbm>>
    %dma_start3A_291 = tpu.memref_squeeze %dma_start3A_290 : memref<1x10240x32xf32, #tpu.memory_space<hbm>> -> memref<10240x32xf32, #tpu.memory_space<hbm>>
    %dma_start3A_292 = arith.constant 0 : i32
    %dma_start3A_293 = arith.constant 0 : i32
    %dma_start3A_294 = tpu.memref_slice %dma_start3A_291[%dma_start3A_292, %dma_start3A_293] : memref<10240x32xf32, #tpu.memory_space<hbm>> -> memref<10240x32xf32, #tpu.memory_space<hbm>>
    %dma_start3A_295 = tpu.memref_slice %arg16[%dma_start3A_279, %dma_start3A_280] : memref<2x5x!tpu.dma_semaphore, #tpu.memory_space<semaphore_mem>> -> memref<1x1x!tpu.dma_semaphore, #tpu.memory_space<semaphore_mem>>
    %dma_start3A_296 = tpu.memref_squeeze %dma_start3A_295 : memref<1x1x!tpu.dma_semaphore, #tpu.memory_space<semaphore_mem>> -> memref<!tpu.dma_semaphore, #tpu.memory_space<semaphore_mem>>
    tpu.enqueue_indirect_dma source(%dma_start3A_294 : memref<10240x32xf32, #tpu.memory_space<hbm>>) target(%dma_start3A_284 : memref<80x32xf32, #tpu.memory_space<vmem>>) offsets(%dma_start3A_287 : memref<80xi32, #tpu.memory_space<vmem>>) semaphore(%dma_start3A_296 : memref<!tpu.dma_semaphore, #tpu.memory_space<semaphore_mem>>)
    %scan3A_297 = arith.constant 0 : i32
    %scan3A_298 = arith.constant 0 : i32
    %scan3A_299 = arith.constant 25 : i32
    %scan3A_300 = arith.addi %scan3A_298, %scan3A_299 : i32
    %scan3A_301 = arith.constant 1 : i32
    %scan3A_302 = scf.for %scan3A_305 = %scan3A_298 to %scan3A_300 step %scan3A_301 iter_args(%scan3A_306 = %scan3A_297) -> (i32)  : i32 {
      %mul3A_307 = arith.constant 2 : i32
      %mul3A_308 = arith.muli %scan3A_305, %mul3A_307 : i32
      %add3A_309 = arith.constant 1 : i32
      %add3A_310 = arith.addi %mul3A_308, %add3A_309 : i32
      %mul3A_311 = arith.constant 5 : i32
      %mul3A_312 = arith.muli %add3A_310, %mul3A_311 : i32
      %add3A_313 = arith.constant 0 : i32
      %add3A_314 = arith.addi %mul3A_312, %add3A_313 : i32
      %dma_start3A_315 = arith.constant 1 : i32
      %dma_start3A_316 = arith.constant 1 : i32
      %dma_start3A_317 = arith.constant 0 : i32
      %dma_start3A_318 = arith.constant 0 : i32
      %dma_start3A_319 = arith.constant 0 : i32
      %dma_start3A_320 = tpu.memref_slice %arg13[%dma_start3A_315, %dma_start3A_318, %dma_start3A_319] : memref<2x400x32xf32, #tpu.memory_space<vmem>> -> memref<1x80x32xf32, #tpu.memory_space<vmem>>
      %dma_start3A_321 = tpu.memref_squeeze %dma_start3A_320 : memref<1x80x32xf32, #tpu.memory_space<vmem>> -> memref<80x32xf32, #tpu.memory_space<vmem>>
      %dma_start3A_322 = arith.constant 0 : i32
      %dma_start3A_323 = tpu.memref_slice %arg7[%add3A_314, %dma_start3A_322] : memref<250x80xi32, #tpu.memory_space<vmem>> -> memref<1x80xi32, #tpu.memory_space<vmem>>
      %dma_start3A_324 = tpu.memref_squeeze %dma_start3A_323 : memref<1x80xi32, #tpu.memory_space<vmem>> -> memref<80xi32, #tpu.memory_space<vmem>>
      %dma_start3A_325 = arith.constant 0 : i32
      %dma_start3A_326 = arith.constant 0 : i32
      %dma_start3A_327 = tpu.memref_slice %arg4[%add3A_196, %dma_start3A_325, %dma_start3A_326] : memref<4x10240x32xf32, #tpu.memory_space<hbm>> -> memref<1x10240x32xf32, #tpu.memory_space<hbm>>
      %dma_start3A_328 = tpu.memref_squeeze %dma_start3A_327 : memref<1x10240x32xf32, #tpu.memory_space<hbm>> -> memref<10240x32xf32, #tpu.memory_space<hbm>>
      %dma_start3A_329 = arith.constant 0 : i32
      %dma_start3A_330 = arith.constant 0 : i32
      %dma_start3A_331 = tpu.memref_slice %dma_start3A_328[%dma_start3A_329, %dma_start3A_330] : memref<10240x32xf32, #tpu.memory_space<hbm>> -> memref<10240x32xf32, #tpu.memory_space<hbm>>
      %dma_start3A_332 = tpu.memref_slice %arg16[%dma_start3A_316, %dma_start3A_317] : memref<2x5x!tpu.dma_semaphore, #tpu.memory_space<semaphore_mem>> -> memref<1x1x!tpu.dma_semaphore, #tpu.memory_space<semaphore_mem>>
      %dma_start3A_333 = tpu.memref_squeeze %dma_start3A_332 : memref<1x1x!tpu.dma_semaphore, #tpu.memory_space<semaphore_mem>> -> memref<!tpu.dma_semaphore, #tpu.memory_space<semaphore_mem>>
      tpu.enqueue_indirect_dma source(%dma_start3A_331 : memref<10240x32xf32, #tpu.memory_space<hbm>>) target(%dma_start3A_321 : memref<80x32xf32, #tpu.memory_space<vmem>>) offsets(%dma_start3A_324 : memref<80xi32, #tpu.memory_space<vmem>>) semaphore(%dma_start3A_333 : memref<!tpu.dma_semaphore, #tpu.memory_space<semaphore_mem>>)
      %mul3A_334 = arith.constant 5 : i32
      %mul3A_335 = arith.muli %add3A_310, %mul3A_334 : i32
      %add3A_336 = arith.constant 1 : i32
      %add3A_337 = arith.addi %mul3A_335, %add3A_336 : i32
      %dma_start3A_338 = arith.constant 1 : i32
      %dma_start3A_339 = arith.constant 1 : i32
      %dma_start3A_340 = arith.constant 1 : i32
      %dma_start3A_341 = arith.constant 80 : i32
      %dma_start3A_342 = arith.constant 0 : i32
      %dma_start3A_343 = tpu.memref_slice %arg13[%dma_start3A_338, %dma_start3A_341, %dma_start3A_342] : memref<2x400x32xf32, #tpu.memory_space<vmem>> -> memref<1x80x32xf32, #tpu.memory_space<vmem>>
      %dma_start3A_344 = tpu.memref_squeeze %dma_start3A_343 : memref<1x80x32xf32, #tpu.memory_space<vmem>> -> memref<80x32xf32, #tpu.memory_space<vmem>>
      %dma_start3A_345 = arith.constant 0 : i32
      %dma_start3A_346 = tpu.memref_slice %arg7[%add3A_337, %dma_start3A_345] : memref<250x80xi32, #tpu.memory_space<vmem>> -> memref<1x80xi32, #tpu.memory_space<vmem>>
      %dma_start3A_347 = tpu.memref_squeeze %dma_start3A_346 : memref<1x80xi32, #tpu.memory_space<vmem>> -> memref<80xi32, #tpu.memory_space<vmem>>
      %dma_start3A_348 = arith.constant 0 : i32
      %dma_start3A_349 = arith.constant 0 : i32
      %dma_start3A_350 = tpu.memref_slice %arg4[%add3A_196, %dma_start3A_348, %dma_start3A_349] : memref<4x10240x32xf32, #tpu.memory_space<hbm>> -> memref<1x10240x32xf32, #tpu.memory_space<hbm>>
      %dma_start3A_351 = tpu.memref_squeeze %dma_start3A_350 : memref<1x10240x32xf32, #tpu.memory_space<hbm>> -> memref<10240x32xf32, #tpu.memory_space<hbm>>
      %dma_start3A_352 = arith.constant 0 : i32
      %dma_start3A_353 = arith.constant 0 : i32
      %dma_start3A_354 = tpu.memref_slice %dma_start3A_351[%dma_start3A_352, %dma_start3A_353] : memref<10240x32xf32, #tpu.memory_space<hbm>> -> memref<10240x32xf32, #tpu.memory_space<hbm>>
      %dma_start3A_355 = tpu.memref_slice %arg16[%dma_start3A_339, %dma_start3A_340] : memref<2x5x!tpu.dma_semaphore, #tpu.memory_space<semaphore_mem>> -> memref<1x1x!tpu.dma_semaphore, #tpu.memory_space<semaphore_mem>>
      %dma_start3A_356 = tpu.memref_squeeze %dma_start3A_355 : memref<1x1x!tpu.dma_semaphore, #tpu.memory_space<semaphore_mem>> -> memref<!tpu.dma_semaphore, #tpu.memory_space<semaphore_mem>>
      tpu.enqueue_indirect_dma source(%dma_start3A_354 : memref<10240x32xf32, #tpu.memory_space<hbm>>) target(%dma_start3A_344 : memref<80x32xf32, #tpu.memory_space<vmem>>) offsets(%dma_start3A_347 : memref<80xi32, #tpu.memory_space<vmem>>) semaphore(%dma_start3A_356 : memref<!tpu.dma_semaphore, #tpu.memory_space<semaphore_mem>>)
      %mul3A_357 = arith.constant 5 : i32
      %mul3A_358 = arith.muli %add3A_310, %mul3A_357 : i32
      %add3A_359 = arith.constant 2 : i32
      %add3A_360 = arith.addi %mul3A_358, %add3A_359 : i32
      %dma_start3A_361 = arith.constant 1 : i32
      %dma_start3A_362 = arith.constant 1 : i32
      %dma_start3A_363 = arith.constant 2 : i32
      %dma_start3A_364 = arith.constant 160 : i32
      %dma_start3A_365 = arith.constant 0 : i32
      %dma_start3A_366 = tpu.memref_slice %arg13[%dma_start3A_361, %dma_start3A_364, %dma_start3A_365] : memref<2x400x32xf32, #tpu.memory_space<vmem>> -> memref<1x80x32xf32, #tpu.memory_space<vmem>>
      %dma_start3A_367 = tpu.memref_squeeze %dma_start3A_366 : memref<1x80x32xf32, #tpu.memory_space<vmem>> -> memref<80x32xf32, #tpu.memory_space<vmem>>
      %dma_start3A_368 = arith.constant 0 : i32
      %dma_start3A_369 = tpu.memref_slice %arg7[%add3A_360, %dma_start3A_368] : memref<250x80xi32, #tpu.memory_space<vmem>> -> memref<1x80xi32, #tpu.memory_space<vmem>>
      %dma_start3A_370 = tpu.memref_squeeze %dma_start3A_369 : memref<1x80xi32, #tpu.memory_space<vmem>> -> memref<80xi32, #tpu.memory_space<vmem>>
      %dma_start3A_371 = arith.constant 0 : i32
      %dma_start3A_372 = arith.constant 0 : i32
      %dma_start3A_373 = tpu.memref_slice %arg4[%add3A_196, %dma_start3A_371, %dma_start3A_372] : memref<4x10240x32xf32, #tpu.memory_space<hbm>> -> memref<1x10240x32xf32, #tpu.memory_space<hbm>>
      %dma_start3A_374 = tpu.memref_squeeze %dma_start3A_373 : memref<1x10240x32xf32, #tpu.memory_space<hbm>> -> memref<10240x32xf32, #tpu.memory_space<hbm>>
      %dma_start3A_375 = arith.constant 0 : i32
      %dma_start3A_376 = arith.constant 0 : i32
      %dma_start3A_377 = tpu.memref_slice %dma_start3A_374[%dma_start3A_375, %dma_start3A_376] : memref<10240x32xf32, #tpu.memory_space<hbm>> -> memref<10240x32xf32, #tpu.memory_space<hbm>>
      %dma_start3A_378 = tpu.memref_slice %arg16[%dma_start3A_362, %dma_start3A_363] : memref<2x5x!tpu.dma_semaphore, #tpu.memory_space<semaphore_mem>> -> memref<1x1x!tpu.dma_semaphore, #tpu.memory_space<semaphore_mem>>
      %dma_start3A_379 = tpu.memref_squeeze %dma_start3A_378 : memref<1x1x!tpu.dma_semaphore, #tpu.memory_space<semaphore_mem>> -> memref<!tpu.dma_semaphore, #tpu.memory_space<semaphore_mem>>
      tpu.enqueue_indirect_dma source(%dma_start3A_377 : memref<10240x32xf32, #tpu.memory_space<hbm>>) target(%dma_start3A_367 : memref<80x32xf32, #tpu.memory_space<vmem>>) offsets(%dma_start3A_370 : memref<80xi32, #tpu.memory_space<vmem>>) semaphore(%dma_start3A_379 : memref<!tpu.dma_semaphore, #tpu.memory_space<semaphore_mem>>)
      %mul3A_380 = arith.constant 5 : i32
      %mul3A_381 = arith.muli %add3A_310, %mul3A_380 : i32
      %add3A_382 = arith.constant 3 : i32
      %add3A_383 = arith.addi %mul3A_381, %add3A_382 : i32
      %dma_start3A_384 = arith.constant 1 : i32
      %dma_start3A_385 = arith.constant 1 : i32
      %dma_start3A_386 = arith.constant 3 : i32
      %dma_start3A_387 = arith.constant 240 : i32
      %dma_start3A_388 = arith.constant 0 : i32
      %dma_start3A_389 = tpu.memref_slice %arg13[%dma_start3A_384, %dma_start3A_387, %dma_start3A_388] : memref<2x400x32xf32, #tpu.memory_space<vmem>> -> memref<1x80x32xf32, #tpu.memory_space<vmem>>
      %dma_start3A_390 = tpu.memref_squeeze %dma_start3A_389 : memref<1x80x32xf32, #tpu.memory_space<vmem>> -> memref<80x32xf32, #tpu.memory_space<vmem>>
      %dma_start3A_391 = arith.constant 0 : i32
      %dma_start3A_392 = tpu.memref_slice %arg7[%add3A_383, %dma_start3A_391] : memref<250x80xi32, #tpu.memory_space<vmem>> -> memref<1x80xi32, #tpu.memory_space<vmem>>
      %dma_start3A_393 = tpu.memref_squeeze %dma_start3A_392 : memref<1x80xi32, #tpu.memory_space<vmem>> -> memref<80xi32, #tpu.memory_space<vmem>>
      %dma_start3A_394 = arith.constant 0 : i32
      %dma_start3A_395 = arith.constant 0 : i32
      %dma_start3A_396 = tpu.memref_slice %arg4[%add3A_196, %dma_start3A_394, %dma_start3A_395] : memref<4x10240x32xf32, #tpu.memory_space<hbm>> -> memref<1x10240x32xf32, #tpu.memory_space<hbm>>
      %dma_start3A_397 = tpu.memref_squeeze %dma_start3A_396 : memref<1x10240x32xf32, #tpu.memory_space<hbm>> -> memref<10240x32xf32, #tpu.memory_space<hbm>>
      %dma_start3A_398 = arith.constant 0 : i32
      %dma_start3A_399 = arith.constant 0 : i32
      %dma_start3A_400 = tpu.memref_slice %dma_start3A_397[%dma_start3A_398, %dma_start3A_399] : memref<10240x32xf32, #tpu.memory_space<hbm>> -> memref<10240x32xf32, #tpu.memory_space<hbm>>
      %dma_start3A_401 = tpu.memref_slice %arg16[%dma_start3A_385, %dma_start3A_386] : memref<2x5x!tpu.dma_semaphore, #tpu.memory_space<semaphore_mem>> -> memref<1x1x!tpu.dma_semaphore, #tpu.memory_space<semaphore_mem>>
      %dma_start3A_402 = tpu.memref_squeeze %dma_start3A_401 : memref<1x1x!tpu.dma_semaphore, #tpu.memory_space<semaphore_mem>> -> memref<!tpu.dma_semaphore, #tpu.memory_space<semaphore_mem>>
      tpu.enqueue_indirect_dma source(%dma_start3A_400 : memref<10240x32xf32, #tpu.memory_space<hbm>>) target(%dma_start3A_390 : memref<80x32xf32, #tpu.memory_space<vmem>>) offsets(%dma_start3A_393 : memref<80xi32, #tpu.memory_space<vmem>>) semaphore(%dma_start3A_402 : memref<!tpu.dma_semaphore, #tpu.memory_space<semaphore_mem>>)
      %mul3A_403 = arith.constant 5 : i32
      %mul3A_404 = arith.muli %add3A_310, %mul3A_403 : i32
      %add3A_405 = arith.constant 4 : i32
      %add3A_406 = arith.addi %mul3A_404, %add3A_405 : i32
      %dma_start3A_407 = arith.constant 1 : i32
      %dma_start3A_408 = arith.constant 1 : i32
      %dma_start3A_409 = arith.constant 4 : i32
      %dma_start3A_410 = arith.constant 320 : i32
      %dma_start3A_411 = arith.constant 0 : i32
      %dma_start3A_412 = tpu.memref_slice %arg13[%dma_start3A_407, %dma_start3A_410, %dma_start3A_411] : memref<2x400x32xf32, #tpu.memory_space<vmem>> -> memref<1x80x32xf32, #tpu.memory_space<vmem>>
      %dma_start3A_413 = tpu.memref_squeeze %dma_start3A_412 : memref<1x80x32xf32, #tpu.memory_space<vmem>> -> memref<80x32xf32, #tpu.memory_space<vmem>>
      %dma_start3A_414 = arith.constant 0 : i32
      %dma_start3A_415 = tpu.memref_slice %arg7[%add3A_406, %dma_start3A_414] : memref<250x80xi32, #tpu.memory_space<vmem>> -> memref<1x80xi32, #tpu.memory_space<vmem>>
      %dma_start3A_416 = tpu.memref_squeeze %dma_start3A_415 : memref<1x80xi32, #tpu.memory_space<vmem>> -> memref<80xi32, #tpu.memory_space<vmem>>
      %dma_start3A_417 = arith.constant 0 : i32
      %dma_start3A_418 = arith.constant 0 : i32
      %dma_start3A_419 = tpu.memref_slice %arg4[%add3A_196, %dma_start3A_417, %dma_start3A_418] : memref<4x10240x32xf32, #tpu.memory_space<hbm>> -> memref<1x10240x32xf32, #tpu.memory_space<hbm>>
      %dma_start3A_420 = tpu.memref_squeeze %dma_start3A_419 : memref<1x10240x32xf32, #tpu.memory_space<hbm>> -> memref<10240x32xf32, #tpu.memory_space<hbm>>
      %dma_start3A_421 = arith.constant 0 : i32
      %dma_start3A_422 = arith.constant 0 : i32
      %dma_start3A_423 = tpu.memref_slice %dma_start3A_420[%dma_start3A_421, %dma_start3A_422] : memref<10240x32xf32, #tpu.memory_space<hbm>> -> memref<10240x32xf32, #tpu.memory_space<hbm>>
      %dma_start3A_424 = tpu.memref_slice %arg16[%dma_start3A_408, %dma_start3A_409] : memref<2x5x!tpu.dma_semaphore, #tpu.memory_space<semaphore_mem>> -> memref<1x1x!tpu.dma_semaphore, #tpu.memory_space<semaphore_mem>>
      %dma_start3A_425 = tpu.memref_squeeze %dma_start3A_424 : memref<1x1x!tpu.dma_semaphore, #tpu.memory_space<semaphore_mem>> -> memref<!tpu.dma_semaphore, #tpu.memory_space<semaphore_mem>>
      tpu.enqueue_indirect_dma source(%dma_start3A_423 : memref<10240x32xf32, #tpu.memory_space<hbm>>) target(%dma_start3A_413 : memref<80x32xf32, #tpu.memory_space<vmem>>) offsets(%dma_start3A_416 : memref<80xi32, #tpu.memory_space<vmem>>) semaphore(%dma_start3A_425 : memref<!tpu.dma_semaphore, #tpu.memory_space<semaphore_mem>>)
      %dma_wait3A = arith.constant 0 : i32
      %dma_wait3A_426 = arith.constant 0 : i32
      %dma_wait3A_427 = arith.constant 0 : i32
      %dma_wait3A_428 = arith.constant 0 : i32
      %dma_wait3A_429 = arith.constant 0 : i32
      %dma_wait3A_430 = tpu.memref_slice %arg13[%dma_wait3A, %dma_wait3A_428, %dma_wait3A_429] : memref<2x400x32xf32, #tpu.memory_space<vmem>> -> memref<1x80x32xf32, #tpu.memory_space<vmem>>
      %dma_wait3A_431 = tpu.memref_squeeze %dma_wait3A_430 : memref<1x80x32xf32, #tpu.memory_space<vmem>> -> memref<80x32xf32, #tpu.memory_space<vmem>>
      %dma_wait3A_432 = arith.constant 0 : i32
      %dma_wait3A_433 = arith.constant 0 : i32
      %dma_wait3A_434 = tpu.memref_slice %arg4[%add3A_196, %dma_wait3A_432, %dma_wait3A_433] : memref<4x10240x32xf32, #tpu.memory_space<hbm>> -> memref<1x10240x32xf32, #tpu.memory_space<hbm>>
      %dma_wait3A_435 = tpu.memref_squeeze %dma_wait3A_434 : memref<1x10240x32xf32, #tpu.memory_space<hbm>> -> memref<10240x32xf32, #tpu.memory_space<hbm>>
      %dma_wait3A_436 = arith.constant 0 : i32
      %dma_wait3A_437 = arith.constant 0 : i32
      %dma_wait3A_438 = tpu.memref_slice %dma_wait3A_435[%dma_wait3A_436, %dma_wait3A_437] : memref<10240x32xf32, #tpu.memory_space<hbm>> -> memref<80x32xf32, #tpu.memory_space<hbm>>
      %dma_wait3A_439 = tpu.memref_slice %arg16[%dma_wait3A_426, %dma_wait3A_427] : memref<2x5x!tpu.dma_semaphore, #tpu.memory_space<semaphore_mem>> -> memref<1x1x!tpu.dma_semaphore, #tpu.memory_space<semaphore_mem>>
      %dma_wait3A_440 = tpu.memref_squeeze %dma_wait3A_439 : memref<1x1x!tpu.dma_semaphore, #tpu.memory_space<semaphore_mem>> -> memref<!tpu.dma_semaphore, #tpu.memory_space<semaphore_mem>>
      %dma_wait3A_441 = arith.constant 0 : i32
      %dma_wait3A_442 = arith.constant 0 : i32
      %dma_wait3A_443 = tpu.memref_slice %arg13[%dma_wait3A, %dma_wait3A_441, %dma_wait3A_442] : memref<2x400x32xf32, #tpu.memory_space<vmem>> -> memref<1x80x32xf32, #tpu.memory_space<vmem>>
      %dma_wait3A_444 = tpu.memref_squeeze %dma_wait3A_443 : memref<1x80x32xf32, #tpu.memory_space<vmem>> -> memref<80x32xf32, #tpu.memory_space<vmem>>
      %dma_wait3A_445 = arith.constant 0 : i32
      %dma_wait3A_446 = arith.constant 0 : i32
      %dma_wait3A_447 = tpu.memref_slice %arg4[%add3A_196, %dma_wait3A_445, %dma_wait3A_446] : memref<4x10240x32xf32, #tpu.memory_space<hbm>> -> memref<1x10240x32xf32, #tpu.memory_space<hbm>>
      %dma_wait3A_448 = tpu.memref_squeeze %dma_wait3A_447 : memref<1x10240x32xf32, #tpu.memory_space<hbm>> -> memref<10240x32xf32, #tpu.memory_space<hbm>>
      %dma_wait3A_449 = arith.constant 0 : i32
      %dma_wait3A_450 = arith.constant 0 : i32
      %dma_wait3A_451 = tpu.memref_slice %dma_wait3A_448[%dma_wait3A_449, %dma_wait3A_450] : memref<10240x32xf32, #tpu.memory_space<hbm>> -> memref<80x32xf32, #tpu.memory_space<hbm>>
      tpu.wait_dma2 semaphore(%dma_wait3A_440 : memref<!tpu.dma_semaphore, #tpu.memory_space<semaphore_mem>>) src(%dma_wait3A_451 : memref<80x32xf32, #tpu.memory_space<hbm>>) dst(%dma_wait3A_444 : memref<80x32xf32, #tpu.memory_space<vmem>>)
      %dma_wait3A_452 = arith.constant 0 : i32
      %dma_wait3A_453 = arith.constant 0 : i32
      %dma_wait3A_454 = arith.constant 1 : i32
      %dma_wait3A_455 = arith.constant 80 : i32
      %dma_wait3A_456 = arith.constant 0 : i32
      %dma_wait3A_457 = tpu.memref_slice %arg13[%dma_wait3A_452, %dma_wait3A_455, %dma_wait3A_456] : memref<2x400x32xf32, #tpu.memory_space<vmem>> -> memref<1x80x32xf32, #tpu.memory_space<vmem>>
      %dma_wait3A_458 = tpu.memref_squeeze %dma_wait3A_457 : memref<1x80x32xf32, #tpu.memory_space<vmem>> -> memref<80x32xf32, #tpu.memory_space<vmem>>
      %dma_wait3A_459 = arith.constant 0 : i32
      %dma_wait3A_460 = arith.constant 0 : i32
      %dma_wait3A_461 = tpu.memref_slice %arg4[%add3A_196, %dma_wait3A_459, %dma_wait3A_460] : memref<4x10240x32xf32, #tpu.memory_space<hbm>> -> memref<1x10240x32xf32, #tpu.memory_space<hbm>>
      %dma_wait3A_462 = tpu.memref_squeeze %dma_wait3A_461 : memref<1x10240x32xf32, #tpu.memory_space<hbm>> -> memref<10240x32xf32, #tpu.memory_space<hbm>>
      %dma_wait3A_463 = arith.constant 0 : i32
      %dma_wait3A_464 = arith.constant 0 : i32
      %dma_wait3A_465 = tpu.memref_slice %dma_wait3A_462[%dma_wait3A_463, %dma_wait3A_464] : memref<10240x32xf32, #tpu.memory_space<hbm>> -> memref<80x32xf32, #tpu.memory_space<hbm>>
      %dma_wait3A_466 = tpu.memref_slice %arg16[%dma_wait3A_453, %dma_wait3A_454] : memref<2x5x!tpu.dma_semaphore, #tpu.memory_space<semaphore_mem>> -> memref<1x1x!tpu.dma_semaphore, #tpu.memory_space<semaphore_mem>>
      %dma_wait3A_467 = tpu.memref_squeeze %dma_wait3A_466 : memref<1x1x!tpu.dma_semaphore, #tpu.memory_space<semaphore_mem>> -> memref<!tpu.dma_semaphore, #tpu.memory_space<semaphore_mem>>
      %dma_wait3A_468 = arith.constant 80 : i32
      %dma_wait3A_469 = arith.constant 0 : i32
      %dma_wait3A_470 = tpu.memref_slice %arg13[%dma_wait3A_452, %dma_wait3A_468, %dma_wait3A_469] : memref<2x400x32xf32, #tpu.memory_space<vmem>> -> memref<1x80x32xf32, #tpu.memory_space<vmem>>
      %dma_wait3A_471 = tpu.memref_squeeze %dma_wait3A_470 : memref<1x80x32xf32, #tpu.memory_space<vmem>> -> memref<80x32xf32, #tpu.memory_space<vmem>>
      %dma_wait3A_472 = arith.constant 0 : i32
      %dma_wait3A_473 = arith.constant 0 : i32
      %dma_wait3A_474 = tpu.memref_slice %arg4[%add3A_196, %dma_wait3A_472, %dma_wait3A_473] : memref<4x10240x32xf32, #tpu.memory_space<hbm>> -> memref<1x10240x32xf32, #tpu.memory_space<hbm>>
      %dma_wait3A_475 = tpu.memref_squeeze %dma_wait3A_474 : memref<1x10240x32xf32, #tpu.memory_space<hbm>> -> memref<10240x32xf32, #tpu.memory_space<hbm>>
      %dma_wait3A_476 = arith.constant 0 : i32
      %dma_wait3A_477 = arith.constant 0 : i32
      %dma_wait3A_478 = tpu.memref_slice %dma_wait3A_475[%dma_wait3A_476, %dma_wait3A_477] : memref<10240x32xf32, #tpu.memory_space<hbm>> -> memref<80x32xf32, #tpu.memory_space<hbm>>
      tpu.wait_dma2 semaphore(%dma_wait3A_467 : memref<!tpu.dma_semaphore, #tpu.memory_space<semaphore_mem>>) src(%dma_wait3A_478 : memref<80x32xf32, #tpu.memory_space<hbm>>) dst(%dma_wait3A_471 : memref<80x32xf32, #tpu.memory_space<vmem>>)
      %dma_wait3A_479 = arith.constant 0 : i32
      %dma_wait3A_480 = arith.constant 0 : i32
      %dma_wait3A_481 = arith.constant 2 : i32
      %dma_wait3A_482 = arith.constant 160 : i32
      %dma_wait3A_483 = arith.constant 0 : i32
      %dma_wait3A_484 = tpu.memref_slice %arg13[%dma_wait3A_479, %dma_wait3A_482, %dma_wait3A_483] : memref<2x400x32xf32, #tpu.memory_space<vmem>> -> memref<1x80x32xf32, #tpu.memory_space<vmem>>
      %dma_wait3A_485 = tpu.memref_squeeze %dma_wait3A_484 : memref<1x80x32xf32, #tpu.memory_space<vmem>> -> memref<80x32xf32, #tpu.memory_space<vmem>>
      %dma_wait3A_486 = arith.constant 0 : i32
      %dma_wait3A_487 = arith.constant 0 : i32
      %dma_wait3A_488 = tpu.memref_slice %arg4[%add3A_196, %dma_wait3A_486, %dma_wait3A_487] : memref<4x10240x32xf32, #tpu.memory_space<hbm>> -> memref<1x10240x32xf32, #tpu.memory_space<hbm>>
      %dma_wait3A_489 = tpu.memref_squeeze %dma_wait3A_488 : memref<1x10240x32xf32, #tpu.memory_space<hbm>> -> memref<10240x32xf32, #tpu.memory_space<hbm>>
      %dma_wait3A_490 = arith.constant 0 : i32
      %dma_wait3A_491 = arith.constant 0 : i32
      %dma_wait3A_492 = tpu.memref_slice %dma_wait3A_489[%dma_wait3A_490, %dma_wait3A_491] : memref<10240x32xf32, #tpu.memory_space<hbm>> -> memref<80x32xf32, #tpu.memory_space<hbm>>
      %dma_wait3A_493 = tpu.memref_slice %arg16[%dma_wait3A_480, %dma_wait3A_481] : memref<2x5x!tpu.dma_semaphore, #tpu.memory_space<semaphore_mem>> -> memref<1x1x!tpu.dma_semaphore, #tpu.memory_space<semaphore_mem>>
      %dma_wait3A_494 = tpu.memref_squeeze %dma_wait3A_493 : memref<1x1x!tpu.dma_semaphore, #tpu.memory_space<semaphore_mem>> -> memref<!tpu.dma_semaphore, #tpu.memory_space<semaphore_mem>>
      %dma_wait3A_495 = arith.constant 160 : i32
      %dma_wait3A_496 = arith.constant 0 : i32
      %dma_wait3A_497 = tpu.memref_slice %arg13[%dma_wait3A_479, %dma_wait3A_495, %dma_wait3A_496] : memref<2x400x32xf32, #tpu.memory_space<vmem>> -> memref<1x80x32xf32, #tpu.memory_space<vmem>>
      %dma_wait3A_498 = tpu.memref_squeeze %dma_wait3A_497 : memref<1x80x32xf32, #tpu.memory_space<vmem>> -> memref<80x32xf32, #tpu.memory_space<vmem>>
      %dma_wait3A_499 = arith.constant 0 : i32
      %dma_wait3A_500 = arith.constant 0 : i32
      %dma_wait3A_501 = tpu.memref_slice %arg4[%add3A_196, %dma_wait3A_499, %dma_wait3A_500] : memref<4x10240x32xf32, #tpu.memory_space<hbm>> -> memref<1x10240x32xf32, #tpu.memory_space<hbm>>
      %dma_wait3A_502 = tpu.memref_squeeze %dma_wait3A_501 : memref<1x10240x32xf32, #tpu.memory_space<hbm>> -> memref<10240x32xf32, #tpu.memory_space<hbm>>
      %dma_wait3A_503 = arith.constant 0 : i32
      %dma_wait3A_504 = arith.constant 0 : i32
      %dma_wait3A_505 = tpu.memref_slice %dma_wait3A_502[%dma_wait3A_503, %dma_wait3A_504] : memref<10240x32xf32, #tpu.memory_space<hbm>> -> memref<80x32xf32, #tpu.memory_space<hbm>>
      tpu.wait_dma2 semaphore(%dma_wait3A_494 : memref<!tpu.dma_semaphore, #tpu.memory_space<semaphore_mem>>) src(%dma_wait3A_505 : memref<80x32xf32, #tpu.memory_space<hbm>>) dst(%dma_wait3A_498 : memref<80x32xf32, #tpu.memory_space<vmem>>)
      %dma_wait3A_506 = arith.constant 0 : i32
      %dma_wait3A_507 = arith.constant 0 : i32
      %dma_wait3A_508 = arith.constant 3 : i32
      %dma_wait3A_509 = arith.constant 240 : i32
      %dma_wait3A_510 = arith.constant 0 : i32
      %dma_wait3A_511 = tpu.memref_slice %arg13[%dma_wait3A_506, %dma_wait3A_509, %dma_wait3A_510] : memref<2x400x32xf32, #tpu.memory_space<vmem>> -> memref<1x80x32xf32, #tpu.memory_space<vmem>>
      %dma_wait3A_512 = tpu.memref_squeeze %dma_wait3A_511 : memref<1x80x32xf32, #tpu.memory_space<vmem>> -> memref<80x32xf32, #tpu.memory_space<vmem>>
      %dma_wait3A_513 = arith.constant 0 : i32
      %dma_wait3A_514 = arith.constant 0 : i32
      %dma_wait3A_515 = tpu.memref_slice %arg4[%add3A_196, %dma_wait3A_513, %dma_wait3A_514] : memref<4x10240x32xf32, #tpu.memory_space<hbm>> -> memref<1x10240x32xf32, #tpu.memory_space<hbm>>
      %dma_wait3A_516 = tpu.memref_squeeze %dma_wait3A_515 : memref<1x10240x32xf32, #tpu.memory_space<hbm>> -> memref<10240x32xf32, #tpu.memory_space<hbm>>
      %dma_wait3A_517 = arith.constant 0 : i32
      %dma_wait3A_518 = arith.constant 0 : i32
      %dma_wait3A_519 = tpu.memref_slice %dma_wait3A_516[%dma_wait3A_517, %dma_wait3A_518] : memref<10240x32xf32, #tpu.memory_space<hbm>> -> memref<80x32xf32, #tpu.memory_space<hbm>>
      %dma_wait3A_520 = tpu.memref_slice %arg16[%dma_wait3A_507, %dma_wait3A_508] : memref<2x5x!tpu.dma_semaphore, #tpu.memory_space<semaphore_mem>> -> memref<1x1x!tpu.dma_semaphore, #tpu.memory_space<semaphore_mem>>
      %dma_wait3A_521 = tpu.memref_squeeze %dma_wait3A_520 : memref<1x1x!tpu.dma_semaphore, #tpu.memory_space<semaphore_mem>> -> memref<!tpu.dma_semaphore, #tpu.memory_space<semaphore_mem>>
      %dma_wait3A_522 = arith.constant 240 : i32
      %dma_wait3A_523 = arith.constant 0 : i32
      %dma_wait3A_524 = tpu.memref_slice %arg13[%dma_wait3A_506, %dma_wait3A_522, %dma_wait3A_523] : memref<2x400x32xf32, #tpu.memory_space<vmem>> -> memref<1x80x32xf32, #tpu.memory_space<vmem>>
      %dma_wait3A_525 = tpu.memref_squeeze %dma_wait3A_524 : memref<1x80x32xf32, #tpu.memory_space<vmem>> -> memref<80x32xf32, #tpu.memory_space<vmem>>
      %dma_wait3A_526 = arith.constant 0 : i32
      %dma_wait3A_527 = arith.constant 0 : i32
      %dma_wait3A_528 = tpu.memref_slice %arg4[%add3A_196, %dma_wait3A_526, %dma_wait3A_527] : memref<4x10240x32xf32, #tpu.memory_space<hbm>> -> memref<1x10240x32xf32, #tpu.memory_space<hbm>>
      %dma_wait3A_529 = tpu.memref_squeeze %dma_wait3A_528 : memref<1x10240x32xf32, #tpu.memory_space<hbm>> -> memref<10240x32xf32, #tpu.memory_space<hbm>>
      %dma_wait3A_530 = arith.constant 0 : i32
      %dma_wait3A_531 = arith.constant 0 : i32
      %dma_wait3A_532 = tpu.memref_slice %dma_wait3A_529[%dma_wait3A_530, %dma_wait3A_531] : memref<10240x32xf32, #tpu.memory_space<hbm>> -> memref<80x32xf32, #tpu.memory_space<hbm>>
      tpu.wait_dma2 semaphore(%dma_wait3A_521 : memref<!tpu.dma_semaphore, #tpu.memory_space<semaphore_mem>>) src(%dma_wait3A_532 : memref<80x32xf32, #tpu.memory_space<hbm>>) dst(%dma_wait3A_525 : memref<80x32xf32, #tpu.memory_space<vmem>>)
      %dma_wait3A_533 = arith.constant 0 : i32
      %dma_wait3A_534 = arith.constant 0 : i32
      %dma_wait3A_535 = arith.constant 4 : i32
      %dma_wait3A_536 = arith.constant 320 : i32
      %dma_wait3A_537 = arith.constant 0 : i32
      %dma_wait3A_538 = tpu.memref_slice %arg13[%dma_wait3A_533, %dma_wait3A_536, %dma_wait3A_537] : memref<2x400x32xf32, #tpu.memory_space<vmem>> -> memref<1x80x32xf32, #tpu.memory_space<vmem>>
      %dma_wait3A_539 = tpu.memref_squeeze %dma_wait3A_538 : memref<1x80x32xf32, #tpu.memory_space<vmem>> -> memref<80x32xf32, #tpu.memory_space<vmem>>
      %dma_wait3A_540 = arith.constant 0 : i32
      %dma_wait3A_541 = arith.constant 0 : i32
      %dma_wait3A_542 = tpu.memref_slice %arg4[%add3A_196, %dma_wait3A_540, %dma_wait3A_541] : memref<4x10240x32xf32, #tpu.memory_space<hbm>> -> memref<1x10240x32xf32, #tpu.memory_space<hbm>>
      %dma_wait3A_543 = tpu.memref_squeeze %dma_wait3A_542 : memref<1x10240x32xf32, #tpu.memory_space<hbm>> -> memref<10240x32xf32, #tpu.memory_space<hbm>>
      %dma_wait3A_544 = arith.constant 0 : i32
      %dma_wait3A_545 = arith.constant 0 : i32
      %dma_wait3A_546 = tpu.memref_slice %dma_wait3A_543[%dma_wait3A_544, %dma_wait3A_545] : memref<10240x32xf32, #tpu.memory_space<hbm>> -> memref<80x32xf32, #tpu.memory_space<hbm>>
      %dma_wait3A_547 = tpu.memref_slice %arg16[%dma_wait3A_534, %dma_wait3A_535] : memref<2x5x!tpu.dma_semaphore, #tpu.memory_space<semaphore_mem>> -> memref<1x1x!tpu.dma_semaphore, #tpu.memory_space<semaphore_mem>>
      %dma_wait3A_548 = tpu.memref_squeeze %dma_wait3A_547 : memref<1x1x!tpu.dma_semaphore, #tpu.memory_space<semaphore_mem>> -> memref<!tpu.dma_semaphore, #tpu.memory_space<semaphore_mem>>
      %dma_wait3A_549 = arith.constant 320 : i32
      %dma_wait3A_550 = arith.constant 0 : i32
      %dma_wait3A_551 = tpu.memref_slice %arg13[%dma_wait3A_533, %dma_wait3A_549, %dma_wait3A_550] : memref<2x400x32xf32, #tpu.memory_space<vmem>> -> memref<1x80x32xf32, #tpu.memory_space<vmem>>
      %dma_wait3A_552 = tpu.memref_squeeze %dma_wait3A_551 : memref<1x80x32xf32, #tpu.memory_space<vmem>> -> memref<80x32xf32, #tpu.memory_space<vmem>>
      %dma_wait3A_553 = arith.constant 0 : i32
      %dma_wait3A_554 = arith.constant 0 : i32
      %dma_wait3A_555 = tpu.memref_slice %arg4[%add3A_196, %dma_wait3A_553, %dma_wait3A_554] : memref<4x10240x32xf32, #tpu.memory_space<hbm>> -> memref<1x10240x32xf32, #tpu.memory_space<hbm>>
      %dma_wait3A_556 = tpu.memref_squeeze %dma_wait3A_555 : memref<1x10240x32xf32, #tpu.memory_space<hbm>> -> memref<10240x32xf32, #tpu.memory_space<hbm>>
      %dma_wait3A_557 = arith.constant 0 : i32
      %dma_wait3A_558 = arith.constant 0 : i32
      %dma_wait3A_559 = tpu.memref_slice %dma_wait3A_556[%dma_wait3A_557, %dma_wait3A_558] : memref<10240x32xf32, #tpu.memory_space<hbm>> -> memref<80x32xf32, #tpu.memory_space<hbm>>
      tpu.wait_dma2 semaphore(%dma_wait3A_548 : memref<!tpu.dma_semaphore, #tpu.memory_space<semaphore_mem>>) src(%dma_wait3A_559 : memref<80x32xf32, #tpu.memory_space<hbm>>) dst(%dma_wait3A_552 : memref<80x32xf32, #tpu.memory_space<vmem>>)
      %mul3A_560 = arith.constant 5 : i32
      %mul3A_561 = arith.muli %mul3A_308, %mul3A_560 : i32
      %mul3A_562 = arith.constant 80 : i32
      %mul3A_563 = arith.muli %mul3A_561, %mul3A_562 : i32
      %parallel_loop3A_564 = arith.constant 0 : i32
      %parallel_loop3A_565 = arith.constant 400 : i32
      %parallel_loop3A_566 = arith.constant 1 : i32
      scf.for %parallel_loop3A_1096 = %parallel_loop3A_564 to %parallel_loop3A_565 step %parallel_loop3A_566  : i32 {
        %parallel_loop3A_1097 = arith.constant 0 : i32
        %parallel_loop3A_1098 = vector.broadcast %parallel_loop3A_1097 : i32 to vector<16xi32>
        %parallel_loop3A_1099 = arith.addi %mul3A_563, %parallel_loop3A_1096 : i32
        %parallel_loop3A_1100 = vector.broadcast %parallel_loop3A_1099 : i32 to vector<16xi32>
        %parallel_loop3A_1101 = arith.addi %parallel_loop3A_1098, %parallel_loop3A_1100 : vector<16xi32>
        %parallel_loop3A_1102 = tpu.vector_load_idx %arg9[%parallel_loop3A_1101] : memref<20000xf32, #tpu.memory_space<vmem>>[vector<16xi32>], vector<16xf32>,
        %parallel_loop3A_1103 = arith.constant 0 : i32
        %parallel_loop3A_1104 = arith.index_cast %parallel_loop3A_1103 : i32 to index
        %parallel_loop3A_1105 = arith.index_cast %parallel_loop3A_1096 : i32 to index
        %parallel_loop3A_1106 = arith.constant 0 : index
        %parallel_loop3A_1107 = tpu.vector_load %arg13[%parallel_loop3A_1104, %parallel_loop3A_1105, %parallel_loop3A_1106] {strides = array<i32>} : memref<2x400x32xf32, #tpu.memory_space<vmem>>, vector<16xf32>,
        %parallel_loop3A_1108 = arith.mulf %parallel_loop3A_1107, %parallel_loop3A_1102 : vector<16xf32>
        %parallel_loop3A_1109 = arith.constant 0 : i32
        %parallel_loop3A_1110 = arith.index_cast %parallel_loop3A_1109 : i32 to index
        %parallel_loop3A_1111 = arith.index_cast %parallel_loop3A_1096 : i32 to index
        %parallel_loop3A_1112 = arith.constant 0 : index
        %parallel_loop3A_1113 = tpu.vector_load %arg13[%parallel_loop3A_1110, %parallel_loop3A_1111, %parallel_loop3A_1112] {strides = array<i32>} : memref<2x400x32xf32, #tpu.memory_space<vmem>>, vector<16xf32>,
        tpu.vector_store %arg13[%parallel_loop3A_1110, %parallel_loop3A_1111, %parallel_loop3A_1112], %parallel_loop3A_1108 {strides = array<i32>} : memref<2x400x32xf32, #tpu.memory_space<vmem>>, vector<16xf32>,
        %parallel_loop3A_1114 = arith.constant 0 : i32
        %parallel_loop3A_1115 = arith.index_cast %parallel_loop3A_1114 : i32 to index
        %parallel_loop3A_1116 = arith.index_cast %parallel_loop3A_1096 : i32 to index
        %parallel_loop3A_1117 = arith.constant 16 : index
        %parallel_loop3A_1118 = tpu.vector_load %arg13[%parallel_loop3A_1115, %parallel_loop3A_1116, %parallel_loop3A_1117] {strides = array<i32>} : memref<2x400x32xf32, #tpu.memory_space<vmem>>, vector<16xf32>,
        %parallel_loop3A_1119 = arith.mulf %parallel_loop3A_1118, %parallel_loop3A_1102 : vector<16xf32>
        %parallel_loop3A_1120 = arith.constant 0 : i32
        %parallel_loop3A_1121 = arith.index_cast %parallel_loop3A_1120 : i32 to index
        %parallel_loop3A_1122 = arith.index_cast %parallel_loop3A_1096 : i32 to index
        %parallel_loop3A_1123 = arith.constant 16 : index
        %parallel_loop3A_1124 = tpu.vector_load %arg13[%parallel_loop3A_1121, %parallel_loop3A_1122, %parallel_loop3A_1123] {strides = array<i32>} : memref<2x400x32xf32, #tpu.memory_space<vmem>>, vector<16xf32>,
        tpu.vector_store %arg13[%parallel_loop3A_1121, %parallel_loop3A_1122, %parallel_loop3A_1123], %parallel_loop3A_1119 {strides = array<i32>} : memref<2x400x32xf32, #tpu.memory_space<vmem>>, vector<16xf32>,
      } {sc.loop_unroll_factor = 8 : i64, sc.parallel_access}
      %mul3A_567 = arith.constant 5 : i32
      %mul3A_568 = arith.muli %mul3A_308, %mul3A_567 : i32
      %add3A_569 = arith.constant 0 : i32
      %add3A_570 = arith.addi %mul3A_568, %add3A_569 : i32
      %dma_start3A_571 = arith.constant 0 : i32
      %dma_start3A_572 = arith.constant 0 : i32
      %dma_start3A_573 = arith.constant 0 : i32
      %dma_start3A_574 = arith.constant 0 : i32
      %dma_start3A_575 = arith.constant 0 : i32
      %dma_start3A_576 = tpu.memref_slice %arg13[%dma_start3A_571, %dma_start3A_574, %dma_start3A_575] : memref<2x400x32xf32, #tpu.memory_space<vmem>> -> memref<1x80x32xf32, #tpu.memory_space<vmem>>
      %dma_start3A_577 = tpu.memref_squeeze %dma_start3A_576 : memref<1x80x32xf32, #tpu.memory_space<vmem>> -> memref<80x32xf32, #tpu.memory_space<vmem>>
      %dma_start3A_578 = arith.constant 0 : i32
      %dma_start3A_579 = tpu.memref_slice %arg8[%add3A_570, %dma_start3A_578] : memref<250x80xi32, #tpu.memory_space<vmem>> -> memref<1x80xi32, #tpu.memory_space<vmem>>
      %dma_start3A_580 = tpu.memref_squeeze %dma_start3A_579 : memref<1x80xi32, #tpu.memory_space<vmem>> -> memref<80xi32, #tpu.memory_space<vmem>>
      %dma_start3A_581 = arith.constant 0 : i32
      %dma_start3A_582 = arith.constant 0 : i32
      %dma_start3A_583 = tpu.memref_slice %arg14[%dma_start3A_581, %dma_start3A_582] : memref<10240x32xf32, #tpu.memory_space<vmem_shared>> -> memref<10240x32xf32, #tpu.memory_space<vmem_shared>>
      %dma_start3A_584 = tpu.memref_slice %arg17[%dma_start3A_572, %dma_start3A_573] : memref<2x5x!tpu.dma_semaphore, #tpu.memory_space<semaphore_mem>> -> memref<1x1x!tpu.dma_semaphore, #tpu.memory_space<semaphore_mem>>
      %dma_start3A_585 = tpu.memref_squeeze %dma_start3A_584 : memref<1x1x!tpu.dma_semaphore, #tpu.memory_space<semaphore_mem>> -> memref<!tpu.dma_semaphore, #tpu.memory_space<semaphore_mem>>
      tpu.enqueue_indirect_dma source(%dma_start3A_577 : memref<80x32xf32, #tpu.memory_space<vmem>>) target(%dma_start3A_583 : memref<10240x32xf32, #tpu.memory_space<vmem_shared>>) offsets(%dma_start3A_580 : memref<80xi32, #tpu.memory_space<vmem>>) semaphore(%dma_start3A_585 : memref<!tpu.dma_semaphore, #tpu.memory_space<semaphore_mem>>) {add = true}
      %mul3A_586 = arith.constant 5 : i32
      %mul3A_587 = arith.muli %mul3A_308, %mul3A_586 : i32
      %add3A_588 = arith.constant 1 : i32
      %add3A_589 = arith.addi %mul3A_587, %add3A_588 : i32
      %dma_start3A_590 = arith.constant 0 : i32
      %dma_start3A_591 = arith.constant 0 : i32
      %dma_start3A_592 = arith.constant 1 : i32
      %dma_start3A_593 = arith.constant 80 : i32
      %dma_start3A_594 = arith.constant 0 : i32
      %dma_start3A_595 = tpu.memref_slice %arg13[%dma_start3A_590, %dma_start3A_593, %dma_start3A_594] : memref<2x400x32xf32, #tpu.memory_space<vmem>> -> memref<1x80x32xf32, #tpu.memory_space<vmem>>
      %dma_start3A_596 = tpu.memref_squeeze %dma_start3A_595 : memref<1x80x32xf32, #tpu.memory_space<vmem>> -> memref<80x32xf32, #tpu.memory_space<vmem>>
      %dma_start3A_597 = arith.constant 0 : i32
      %dma_start3A_598 = tpu.memref_slice %arg8[%add3A_589, %dma_start3A_597] : memref<250x80xi32, #tpu.memory_space<vmem>> -> memref<1x80xi32, #tpu.memory_space<vmem>>
      %dma_start3A_599 = tpu.memref_squeeze %dma_start3A_598 : memref<1x80xi32, #tpu.memory_space<vmem>> -> memref<80xi32, #tpu.memory_space<vmem>>
      %dma_start3A_600 = arith.constant 0 : i32
      %dma_start3A_601 = arith.constant 0 : i32
      %dma_start3A_602 = tpu.memref_slice %arg14[%dma_start3A_600, %dma_start3A_601] : memref<10240x32xf32, #tpu.memory_space<vmem_shared>> -> memref<10240x32xf32, #tpu.memory_space<vmem_shared>>
      %dma_start3A_603 = tpu.memref_slice %arg17[%dma_start3A_591, %dma_start3A_592] : memref<2x5x!tpu.dma_semaphore, #tpu.memory_space<semaphore_mem>> -> memref<1x1x!tpu.dma_semaphore, #tpu.memory_space<semaphore_mem>>
      %dma_start3A_604 = tpu.memref_squeeze %dma_start3A_603 : memref<1x1x!tpu.dma_semaphore, #tpu.memory_space<semaphore_mem>> -> memref<!tpu.dma_semaphore, #tpu.memory_space<semaphore_mem>>
      tpu.enqueue_indirect_dma source(%dma_start3A_596 : memref<80x32xf32, #tpu.memory_space<vmem>>) target(%dma_start3A_602 : memref<10240x32xf32, #tpu.memory_space<vmem_shared>>) offsets(%dma_start3A_599 : memref<80xi32, #tpu.memory_space<vmem>>) semaphore(%dma_start3A_604 : memref<!tpu.dma_semaphore, #tpu.memory_space<semaphore_mem>>) {add = true}
      %mul3A_605 = arith.constant 5 : i32
      %mul3A_606 = arith.muli %mul3A_308, %mul3A_605 : i32
      %add3A_607 = arith.constant 2 : i32
      %add3A_608 = arith.addi %mul3A_606, %add3A_607 : i32
      %dma_start3A_609 = arith.constant 0 : i32
      %dma_start3A_610 = arith.constant 0 : i32
      %dma_start3A_611 = arith.constant 2 : i32
      %dma_start3A_612 = arith.constant 160 : i32
      %dma_start3A_613 = arith.constant 0 : i32
      %dma_start3A_614 = tpu.memref_slice %arg13[%dma_start3A_609, %dma_start3A_612, %dma_start3A_613] : memref<2x400x32xf32, #tpu.memory_space<vmem>> -> memref<1x80x32xf32, #tpu.memory_space<vmem>>
      %dma_start3A_615 = tpu.memref_squeeze %dma_start3A_614 : memref<1x80x32xf32, #tpu.memory_space<vmem>> -> memref<80x32xf32, #tpu.memory_space<vmem>>
      %dma_start3A_616 = arith.constant 0 : i32
      %dma_start3A_617 = tpu.memref_slice %arg8[%add3A_608, %dma_start3A_616] : memref<250x80xi32, #tpu.memory_space<vmem>> -> memref<1x80xi32, #tpu.memory_space<vmem>>
      %dma_start3A_618 = tpu.memref_squeeze %dma_start3A_617 : memref<1x80xi32, #tpu.memory_space<vmem>> -> memref<80xi32, #tpu.memory_space<vmem>>
      %dma_start3A_619 = arith.constant 0 : i32
      %dma_start3A_620 = arith.constant 0 : i32
      %dma_start3A_621 = tpu.memref_slice %arg14[%dma_start3A_619, %dma_start3A_620] : memref<10240x32xf32, #tpu.memory_space<vmem_shared>> -> memref<10240x32xf32, #tpu.memory_space<vmem_shared>>
      %dma_start3A_622 = tpu.memref_slice %arg17[%dma_start3A_610, %dma_start3A_611] : memref<2x5x!tpu.dma_semaphore, #tpu.memory_space<semaphore_mem>> -> memref<1x1x!tpu.dma_semaphore, #tpu.memory_space<semaphore_mem>>
      %dma_start3A_623 = tpu.memref_squeeze %dma_start3A_622 : memref<1x1x!tpu.dma_semaphore, #tpu.memory_space<semaphore_mem>> -> memref<!tpu.dma_semaphore, #tpu.memory_space<semaphore_mem>>
      tpu.enqueue_indirect_dma source(%dma_start3A_615 : memref<80x32xf32, #tpu.memory_space<vmem>>) target(%dma_start3A_621 : memref<10240x32xf32, #tpu.memory_space<vmem_shared>>) offsets(%dma_start3A_618 : memref<80xi32, #tpu.memory_space<vmem>>) semaphore(%dma_start3A_623 : memref<!tpu.dma_semaphore, #tpu.memory_space<semaphore_mem>>) {add = true}
      %mul3A_624 = arith.constant 5 : i32
      %mul3A_625 = arith.muli %mul3A_308, %mul3A_624 : i32
      %add3A_626 = arith.constant 3 : i32
      %add3A_627 = arith.addi %mul3A_625, %add3A_626 : i32
      %dma_start3A_628 = arith.constant 0 : i32
      %dma_start3A_629 = arith.constant 0 : i32
      %dma_start3A_630 = arith.constant 3 : i32
      %dma_start3A_631 = arith.constant 240 : i32
      %dma_start3A_632 = arith.constant 0 : i32
      %dma_start3A_633 = tpu.memref_slice %arg13[%dma_start3A_628, %dma_start3A_631, %dma_start3A_632] : memref<2x400x32xf32, #tpu.memory_space<vmem>> -> memref<1x80x32xf32, #tpu.memory_space<vmem>>
      %dma_start3A_634 = tpu.memref_squeeze %dma_start3A_633 : memref<1x80x32xf32, #tpu.memory_space<vmem>> -> memref<80x32xf32, #tpu.memory_space<vmem>>
      %dma_start3A_635 = arith.constant 0 : i32
      %dma_start3A_636 = tpu.memref_slice %arg8[%add3A_627, %dma_start3A_635] : memref<250x80xi32, #tpu.memory_space<vmem>> -> memref<1x80xi32, #tpu.memory_space<vmem>>
      %dma_start3A_637 = tpu.memref_squeeze %dma_start3A_636 : memref<1x80xi32, #tpu.memory_space<vmem>> -> memref<80xi32, #tpu.memory_space<vmem>>
      %dma_start3A_638 = arith.constant 0 : i32
      %dma_start3A_639 = arith.constant 0 : i32
      %dma_start3A_640 = tpu.memref_slice %arg14[%dma_start3A_638, %dma_start3A_639] : memref<10240x32xf32, #tpu.memory_space<vmem_shared>> -> memref<10240x32xf32, #tpu.memory_space<vmem_shared>>
      %dma_start3A_641 = tpu.memref_slice %arg17[%dma_start3A_629, %dma_start3A_630] : memref<2x5x!tpu.dma_semaphore, #tpu.memory_space<semaphore_mem>> -> memref<1x1x!tpu.dma_semaphore, #tpu.memory_space<semaphore_mem>>
      %dma_start3A_642 = tpu.memref_squeeze %dma_start3A_641 : memref<1x1x!tpu.dma_semaphore, #tpu.memory_space<semaphore_mem>> -> memref<!tpu.dma_semaphore, #tpu.memory_space<semaphore_mem>>
      tpu.enqueue_indirect_dma source(%dma_start3A_634 : memref<80x32xf32, #tpu.memory_space<vmem>>) target(%dma_start3A_640 : memref<10240x32xf32, #tpu.memory_space<vmem_shared>>) offsets(%dma_start3A_637 : memref<80xi32, #tpu.memory_space<vmem>>) semaphore(%dma_start3A_642 : memref<!tpu.dma_semaphore, #tpu.memory_space<semaphore_mem>>) {add = true}
      %mul3A_643 = arith.constant 5 : i32
      %mul3A_644 = arith.muli %mul3A_308, %mul3A_643 : i32
      %add3A_645 = arith.constant 4 : i32
      %add3A_646 = arith.addi %mul3A_644, %add3A_645 : i32
      %dma_start3A_647 = arith.constant 0 : i32
      %dma_start3A_648 = arith.constant 0 : i32
      %dma_start3A_649 = arith.constant 4 : i32
      %dma_start3A_650 = arith.constant 320 : i32
      %dma_start3A_651 = arith.constant 0 : i32
      %dma_start3A_652 = tpu.memref_slice %arg13[%dma_start3A_647, %dma_start3A_650, %dma_start3A_651] : memref<2x400x32xf32, #tpu.memory_space<vmem>> -> memref<1x80x32xf32, #tpu.memory_space<vmem>>
      %dma_start3A_653 = tpu.memref_squeeze %dma_start3A_652 : memref<1x80x32xf32, #tpu.memory_space<vmem>> -> memref<80x32xf32, #tpu.memory_space<vmem>>
      %dma_start3A_654 = arith.constant 0 : i32
      %dma_start3A_655 = tpu.memref_slice %arg8[%add3A_646, %dma_start3A_654] : memref<250x80xi32, #tpu.memory_space<vmem>> -> memref<1x80xi32, #tpu.memory_space<vmem>>
      %dma_start3A_656 = tpu.memref_squeeze %dma_start3A_655 : memref<1x80xi32, #tpu.memory_space<vmem>> -> memref<80xi32, #tpu.memory_space<vmem>>
      %dma_start3A_657 = arith.constant 0 : i32
      %dma_start3A_658 = arith.constant 0 : i32
      %dma_start3A_659 = tpu.memref_slice %arg14[%dma_start3A_657, %dma_start3A_658] : memref<10240x32xf32, #tpu.memory_space<vmem_shared>> -> memref<10240x32xf32, #tpu.memory_space<vmem_shared>>
      %dma_start3A_660 = tpu.memref_slice %arg17[%dma_start3A_648, %dma_start3A_649] : memref<2x5x!tpu.dma_semaphore, #tpu.memory_space<semaphore_mem>> -> memref<1x1x!tpu.dma_semaphore, #tpu.memory_space<semaphore_mem>>
      %dma_start3A_661 = tpu.memref_squeeze %dma_start3A_660 : memref<1x1x!tpu.dma_semaphore, #tpu.memory_space<semaphore_mem>> -> memref<!tpu.dma_semaphore, #tpu.memory_space<semaphore_mem>>
      tpu.enqueue_indirect_dma source(%dma_start3A_653 : memref<80x32xf32, #tpu.memory_space<vmem>>) target(%dma_start3A_659 : memref<10240x32xf32, #tpu.memory_space<vmem_shared>>) offsets(%dma_start3A_656 : memref<80xi32, #tpu.memory_space<vmem>>) semaphore(%dma_start3A_661 : memref<!tpu.dma_semaphore, #tpu.memory_space<semaphore_mem>>) {add = true}
      %dma_wait3A_662 = arith.constant 0 : i32
      %dma_wait3A_663 = arith.constant 0 : i32
      %dma_wait3A_664 = arith.constant 0 : i32
      %dma_wait3A_665 = arith.constant 0 : i32
      %dma_wait3A_666 = arith.constant 0 : i32
      %dma_wait3A_667 = tpu.memref_slice %arg13[%dma_wait3A_662, %dma_wait3A_665, %dma_wait3A_666] : memref<2x400x32xf32, #tpu.memory_space<vmem>> -> memref<1x80x32xf32, #tpu.memory_space<vmem>>
      %dma_wait3A_668 = tpu.memref_squeeze %dma_wait3A_667 : memref<1x80x32xf32, #tpu.memory_space<vmem>> -> memref<80x32xf32, #tpu.memory_space<vmem>>
      %dma_wait3A_669 = arith.constant 0 : i32
      %dma_wait3A_670 = arith.constant 0 : i32
      %dma_wait3A_671 = tpu.memref_slice %arg14[%dma_wait3A_669, %dma_wait3A_670] : memref<10240x32xf32, #tpu.memory_space<vmem_shared>> -> memref<80x32xf32, #tpu.memory_space<vmem_shared>>
      %dma_wait3A_672 = tpu.memref_slice %arg17[%dma_wait3A_663, %dma_wait3A_664] : memref<2x5x!tpu.dma_semaphore, #tpu.memory_space<semaphore_mem>> -> memref<1x1x!tpu.dma_semaphore, #tpu.memory_space<semaphore_mem>>
      %dma_wait3A_673 = tpu.memref_squeeze %dma_wait3A_672 : memref<1x1x!tpu.dma_semaphore, #tpu.memory_space<semaphore_mem>> -> memref<!tpu.dma_semaphore, #tpu.memory_space<semaphore_mem>>
      %dma_wait3A_674 = arith.constant 0 : i32
      %dma_wait3A_675 = arith.constant 0 : i32
      %dma_wait3A_676 = tpu.memref_slice %arg14[%dma_wait3A_674, %dma_wait3A_675] : memref<10240x32xf32, #tpu.memory_space<vmem_shared>> -> memref<80x32xf32, #tpu.memory_space<vmem_shared>>
      %dma_wait3A_677 = arith.constant 0 : i32
      %dma_wait3A_678 = arith.constant 0 : i32
      %dma_wait3A_679 = tpu.memref_slice %arg13[%dma_wait3A_662, %dma_wait3A_677, %dma_wait3A_678] : memref<2x400x32xf32, #tpu.memory_space<vmem>> -> memref<1x80x32xf32, #tpu.memory_space<vmem>>
      %dma_wait3A_680 = tpu.memref_squeeze %dma_wait3A_679 : memref<1x80x32xf32, #tpu.memory_space<vmem>> -> memref<80x32xf32, #tpu.memory_space<vmem>>
      tpu.wait_dma2 semaphore(%dma_wait3A_673 : memref<!tpu.dma_semaphore, #tpu.memory_space<semaphore_mem>>) src(%dma_wait3A_680 : memref<80x32xf32, #tpu.memory_space<vmem>>) dst(%dma_wait3A_676 : memref<80x32xf32, #tpu.memory_space<vmem_shared>>)
      %dma_wait3A_681 = arith.constant 0 : i32
      %dma_wait3A_682 = arith.constant 0 : i32
      %dma_wait3A_683 = arith.constant 1 : i32
      %dma_wait3A_684 = arith.constant 80 : i32
      %dma_wait3A_685 = arith.constant 0 : i32
      %dma_wait3A_686 = tpu.memref_slice %arg13[%dma_wait3A_681, %dma_wait3A_684, %dma_wait3A_685] : memref<2x400x32xf32, #tpu.memory_space<vmem>> -> memref<1x80x32xf32, #tpu.memory_space<vmem>>
      %dma_wait3A_687 = tpu.memref_squeeze %dma_wait3A_686 : memref<1x80x32xf32, #tpu.memory_space<vmem>> -> memref<80x32xf32, #tpu.memory_space<vmem>>
      %dma_wait3A_688 = arith.constant 0 : i32
      %dma_wait3A_689 = arith.constant 0 : i32
      %dma_wait3A_690 = tpu.memref_slice %arg14[%dma_wait3A_688, %dma_wait3A_689] : memref<10240x32xf32, #tpu.memory_space<vmem_shared>> -> memref<80x32xf32, #tpu.memory_space<vmem_shared>>
      %dma_wait3A_691 = tpu.memref_slice %arg17[%dma_wait3A_682, %dma_wait3A_683] : memref<2x5x!tpu.dma_semaphore, #tpu.memory_space<semaphore_mem>> -> memref<1x1x!tpu.dma_semaphore, #tpu.memory_space<semaphore_mem>>
      %dma_wait3A_692 = tpu.memref_squeeze %dma_wait3A_691 : memref<1x1x!tpu.dma_semaphore, #tpu.memory_space<semaphore_mem>> -> memref<!tpu.dma_semaphore, #tpu.memory_space<semaphore_mem>>
      %dma_wait3A_693 = arith.constant 0 : i32
      %dma_wait3A_694 = arith.constant 0 : i32
      %dma_wait3A_695 = tpu.memref_slice %arg14[%dma_wait3A_693, %dma_wait3A_694] : memref<10240x32xf32, #tpu.memory_space<vmem_shared>> -> memref<80x32xf32, #tpu.memory_space<vmem_shared>>
      %dma_wait3A_696 = arith.constant 80 : i32
      %dma_wait3A_697 = arith.constant 0 : i32
      %dma_wait3A_698 = tpu.memref_slice %arg13[%dma_wait3A_681, %dma_wait3A_696, %dma_wait3A_697] : memref<2x400x32xf32, #tpu.memory_space<vmem>> -> memref<1x80x32xf32, #tpu.memory_space<vmem>>
      %dma_wait3A_699 = tpu.memref_squeeze %dma_wait3A_698 : memref<1x80x32xf32, #tpu.memory_space<vmem>> -> memref<80x32xf32, #tpu.memory_space<vmem>>
      tpu.wait_dma2 semaphore(%dma_wait3A_692 : memref<!tpu.dma_semaphore, #tpu.memory_space<semaphore_mem>>) src(%dma_wait3A_699 : memref<80x32xf32, #tpu.memory_space<vmem>>) dst(%dma_wait3A_695 : memref<80x32xf32, #tpu.memory_space<vmem_shared>>)
      %dma_wait3A_700 = arith.constant 0 : i32
      %dma_wait3A_701 = arith.constant 0 : i32
      %dma_wait3A_702 = arith.constant 2 : i32
      %dma_wait3A_703 = arith.constant 160 : i32
      %dma_wait3A_704 = arith.constant 0 : i32
      %dma_wait3A_705 = tpu.memref_slice %arg13[%dma_wait3A_700, %dma_wait3A_703, %dma_wait3A_704] : memref<2x400x32xf32, #tpu.memory_space<vmem>> -> memref<1x80x32xf32, #tpu.memory_space<vmem>>
      %dma_wait3A_706 = tpu.memref_squeeze %dma_wait3A_705 : memref<1x80x32xf32, #tpu.memory_space<vmem>> -> memref<80x32xf32, #tpu.memory_space<vmem>>
      %dma_wait3A_707 = arith.constant 0 : i32
      %dma_wait3A_708 = arith.constant 0 : i32
      %dma_wait3A_709 = tpu.memref_slice %arg14[%dma_wait3A_707, %dma_wait3A_708] : memref<10240x32xf32, #tpu.memory_space<vmem_shared>> -> memref<80x32xf32, #tpu.memory_space<vmem_shared>>
      %dma_wait3A_710 = tpu.memref_slice %arg17[%dma_wait3A_701, %dma_wait3A_702] : memref<2x5x!tpu.dma_semaphore, #tpu.memory_space<semaphore_mem>> -> memref<1x1x!tpu.dma_semaphore, #tpu.memory_space<semaphore_mem>>
      %dma_wait3A_711 = tpu.memref_squeeze %dma_wait3A_710 : memref<1x1x!tpu.dma_semaphore, #tpu.memory_space<semaphore_mem>> -> memref<!tpu.dma_semaphore, #tpu.memory_space<semaphore_mem>>
      %dma_wait3A_712 = arith.constant 0 : i32
      %dma_wait3A_713 = arith.constant 0 : i32
      %dma_wait3A_714 = tpu.memref_slice %arg14[%dma_wait3A_712, %dma_wait3A_713] : memref<10240x32xf32, #tpu.memory_space<vmem_shared>> -> memref<80x32xf32, #tpu.memory_space<vmem_shared>>
      %dma_wait3A_715 = arith.constant 160 : i32
      %dma_wait3A_716 = arith.constant 0 : i32
      %dma_wait3A_717 = tpu.memref_slice %arg13[%dma_wait3A_700, %dma_wait3A_715, %dma_wait3A_716] : memref<2x400x32xf32, #tpu.memory_space<vmem>> -> memref<1x80x32xf32, #tpu.memory_space<vmem>>
      %dma_wait3A_718 = tpu.memref_squeeze %dma_wait3A_717 : memref<1x80x32xf32, #tpu.memory_space<vmem>> -> memref<80x32xf32, #tpu.memory_space<vmem>>
      tpu.wait_dma2 semaphore(%dma_wait3A_711 : memref<!tpu.dma_semaphore, #tpu.memory_space<semaphore_mem>>) src(%dma_wait3A_718 : memref<80x32xf32, #tpu.memory_space<vmem>>) dst(%dma_wait3A_714 : memref<80x32xf32, #tpu.memory_space<vmem_shared>>)
      %dma_wait3A_719 = arith.constant 0 : i32
      %dma_wait3A_720 = arith.constant 0 : i32
      %dma_wait3A_721 = arith.constant 3 : i32
      %dma_wait3A_722 = arith.constant 240 : i32
      %dma_wait3A_723 = arith.constant 0 : i32
      %dma_wait3A_724 = tpu.memref_slice %arg13[%dma_wait3A_719, %dma_wait3A_722, %dma_wait3A_723] : memref<2x400x32xf32, #tpu.memory_space<vmem>> -> memref<1x80x32xf32, #tpu.memory_space<vmem>>
      %dma_wait3A_725 = tpu.memref_squeeze %dma_wait3A_724 : memref<1x80x32xf32, #tpu.memory_space<vmem>> -> memref<80x32xf32, #tpu.memory_space<vmem>>
      %dma_wait3A_726 = arith.constant 0 : i32
      %dma_wait3A_727 = arith.constant 0 : i32
      %dma_wait3A_728 = tpu.memref_slice %arg14[%dma_wait3A_726, %dma_wait3A_727] : memref<10240x32xf32, #tpu.memory_space<vmem_shared>> -> memref<80x32xf32, #tpu.memory_space<vmem_shared>>
      %dma_wait3A_729 = tpu.memref_slice %arg17[%dma_wait3A_720, %dma_wait3A_721] : memref<2x5x!tpu.dma_semaphore, #tpu.memory_space<semaphore_mem>> -> memref<1x1x!tpu.dma_semaphore, #tpu.memory_space<semaphore_mem>>
      %dma_wait3A_730 = tpu.memref_squeeze %dma_wait3A_729 : memref<1x1x!tpu.dma_semaphore, #tpu.memory_space<semaphore_mem>> -> memref<!tpu.dma_semaphore, #tpu.memory_space<semaphore_mem>>
      %dma_wait3A_731 = arith.constant 0 : i32
      %dma_wait3A_732 = arith.constant 0 : i32
      %dma_wait3A_733 = tpu.memref_slice %arg14[%dma_wait3A_731, %dma_wait3A_732] : memref<10240x32xf32, #tpu.memory_space<vmem_shared>> -> memref<80x32xf32, #tpu.memory_space<vmem_shared>>
      %dma_wait3A_734 = arith.constant 240 : i32
      %dma_wait3A_735 = arith.constant 0 : i32
      %dma_wait3A_736 = tpu.memref_slice %arg13[%dma_wait3A_719, %dma_wait3A_734, %dma_wait3A_735] : memref<2x400x32xf32, #tpu.memory_space<vmem>> -> memref<1x80x32xf32, #tpu.memory_space<vmem>>
      %dma_wait3A_737 = tpu.memref_squeeze %dma_wait3A_736 : memref<1x80x32xf32, #tpu.memory_space<vmem>> -> memref<80x32xf32, #tpu.memory_space<vmem>>
      tpu.wait_dma2 semaphore(%dma_wait3A_730 : memref<!tpu.dma_semaphore, #tpu.memory_space<semaphore_mem>>) src(%dma_wait3A_737 : memref<80x32xf32, #tpu.memory_space<vmem>>) dst(%dma_wait3A_733 : memref<80x32xf32, #tpu.memory_space<vmem_shared>>)
      %dma_wait3A_738 = arith.constant 0 : i32
      %dma_wait3A_739 = arith.constant 0 : i32
      %dma_wait3A_740 = arith.constant 4 : i32
      %dma_wait3A_741 = arith.constant 320 : i32
      %dma_wait3A_742 = arith.constant 0 : i32
      %dma_wait3A_743 = tpu.memref_slice %arg13[%dma_wait3A_738, %dma_wait3A_741, %dma_wait3A_742] : memref<2x400x32xf32, #tpu.memory_space<vmem>> -> memref<1x80x32xf32, #tpu.memory_space<vmem>>
      %dma_wait3A_744 = tpu.memref_squeeze %dma_wait3A_743 : memref<1x80x32xf32, #tpu.memory_space<vmem>> -> memref<80x32xf32, #tpu.memory_space<vmem>>
      %dma_wait3A_745 = arith.constant 0 : i32
      %dma_wait3A_746 = arith.constant 0 : i32
      %dma_wait3A_747 = tpu.memref_slice %arg14[%dma_wait3A_745, %dma_wait3A_746] : memref<10240x32xf32, #tpu.memory_space<vmem_shared>> -> memref<80x32xf32, #tpu.memory_space<vmem_shared>>
      %dma_wait3A_748 = tpu.memref_slice %arg17[%dma_wait3A_739, %dma_wait3A_740] : memref<2x5x!tpu.dma_semaphore, #tpu.memory_space<semaphore_mem>> -> memref<1x1x!tpu.dma_semaphore, #tpu.memory_space<semaphore_mem>>
      %dma_wait3A_749 = tpu.memref_squeeze %dma_wait3A_748 : memref<1x1x!tpu.dma_semaphore, #tpu.memory_space<semaphore_mem>> -> memref<!tpu.dma_semaphore, #tpu.memory_space<semaphore_mem>>
      %dma_wait3A_750 = arith.constant 0 : i32
      %dma_wait3A_751 = arith.constant 0 : i32
      %dma_wait3A_752 = tpu.memref_slice %arg14[%dma_wait3A_750, %dma_wait3A_751] : memref<10240x32xf32, #tpu.memory_space<vmem_shared>> -> memref<80x32xf32, #tpu.memory_space<vmem_shared>>
      %dma_wait3A_753 = arith.constant 320 : i32
      %dma_wait3A_754 = arith.constant 0 : i32
      %dma_wait3A_755 = tpu.memref_slice %arg13[%dma_wait3A_738, %dma_wait3A_753, %dma_wait3A_754] : memref<2x400x32xf32, #tpu.memory_space<vmem>> -> memref<1x80x32xf32, #tpu.memory_space<vmem>>
      %dma_wait3A_756 = tpu.memref_squeeze %dma_wait3A_755 : memref<1x80x32xf32, #tpu.memory_space<vmem>> -> memref<80x32xf32, #tpu.memory_space<vmem>>
      tpu.wait_dma2 semaphore(%dma_wait3A_749 : memref<!tpu.dma_semaphore, #tpu.memory_space<semaphore_mem>>) src(%dma_wait3A_756 : memref<80x32xf32, #tpu.memory_space<vmem>>) dst(%dma_wait3A_752 : memref<80x32xf32, #tpu.memory_space<vmem_shared>>)
      %add3A_757 = arith.constant 2 : i32
      %add3A_758 = arith.addi %mul3A_308, %add3A_757 : i32
      %lt3A = arith.constant 50 : i32
      %lt3A_759 = arith.cmpi slt, %add3A_758, %lt3A : i32
      %convert_element_type3A_760 = arith.extui %lt3A_759 : i1 to i32
      %cond3A_761 = arith.constant 0 : i32
      %cond3A_762 = arith.cmpi ne, %convert_element_type3A_760, %cond3A_761 : i32
      scf.if %cond3A_762 {
        %add3A_1096 = arith.constant 2 : i32
        %add3A_1097 = arith.addi %mul3A_308, %add3A_1096 : i32
        %mul3A_1098 = arith.constant 5 : i32
        %mul3A_1099 = arith.muli %add3A_1097, %mul3A_1098 : i32
        %add3A_1100 = arith.constant 0 : i32
        %add3A_1101 = arith.addi %mul3A_1099, %add3A_1100 : i32
        %dma_start3A_1102 = arith.constant 0 : i32
        %dma_start3A_1103 = arith.constant 0 : i32
        %dma_start3A_1104 = arith.constant 0 : i32
        %dma_start3A_1105 = arith.constant 0 : i32
        %dma_start3A_1106 = arith.constant 0 : i32
        %dma_start3A_1107 = tpu.memref_slice %arg13[%dma_start3A_1102, %dma_start3A_1105, %dma_start3A_1106] : memref<2x400x32xf32, #tpu.memory_space<vmem>> -> memref<1x80x32xf32, #tpu.memory_space<vmem>>
        %dma_start3A_1108 = tpu.memref_squeeze %dma_start3A_1107 : memref<1x80x32xf32, #tpu.memory_space<vmem>> -> memref<80x32xf32, #tpu.memory_space<vmem>>
        %dma_start3A_1109 = arith.constant 0 : i32
        %dma_start3A_1110 = tpu.memref_slice %arg7[%add3A_1101, %dma_start3A_1109] : memref<250x80xi32, #tpu.memory_space<vmem>> -> memref<1x80xi32, #tpu.memory_space<vmem>>
        %dma_start3A_1111 = tpu.memref_squeeze %dma_start3A_1110 : memref<1x80xi32, #tpu.memory_space<vmem>> -> memref<80xi32, #tpu.memory_space<vmem>>
        %dma_start3A_1112 = arith.constant 0 : i32
        %dma_start3A_1113 = arith.constant 0 : i32
        %dma_start3A_1114 = tpu.memref_slice %arg4[%add3A_196, %dma_start3A_1112, %dma_start3A_1113] : memref<4x10240x32xf32, #tpu.memory_space<hbm>> -> memref<1x10240x32xf32, #tpu.memory_space<hbm>>
        %dma_start3A_1115 = tpu.memref_squeeze %dma_start3A_1114 : memref<1x10240x32xf32, #tpu.memory_space<hbm>> -> memref<10240x32xf32, #tpu.memory_space<hbm>>
        %dma_start3A_1116 = arith.constant 0 : i32
        %dma_start3A_1117 = arith.constant 0 : i32
        %dma_start3A_1118 = tpu.memref_slice %dma_start3A_1115[%dma_start3A_1116, %dma_start3A_1117] : memref<10240x32xf32, #tpu.memory_space<hbm>> -> memref<10240x32xf32, #tpu.memory_space<hbm>>
        %dma_start3A_1119 = tpu.memref_slice %arg16[%dma_start3A_1103, %dma_start3A_1104] : memref<2x5x!tpu.dma_semaphore, #tpu.memory_space<semaphore_mem>> -> memref<1x1x!tpu.dma_semaphore, #tpu.memory_space<semaphore_mem>>
        %dma_start3A_1120 = tpu.memref_squeeze %dma_start3A_1119 : memref<1x1x!tpu.dma_semaphore, #tpu.memory_space<semaphore_mem>> -> memref<!tpu.dma_semaphore, #tpu.memory_space<semaphore_mem>>
        tpu.enqueue_indirect_dma source(%dma_start3A_1118 : memref<10240x32xf32, #tpu.memory_space<hbm>>) target(%dma_start3A_1108 : memref<80x32xf32, #tpu.memory_space<vmem>>) offsets(%dma_start3A_1111 : memref<80xi32, #tpu.memory_space<vmem>>) semaphore(%dma_start3A_1120 : memref<!tpu.dma_semaphore, #tpu.memory_space<semaphore_mem>>)
        %mul3A_1121 = arith.constant 5 : i32
        %mul3A_1122 = arith.muli %add3A_1097, %mul3A_1121 : i32
        %add3A_1123 = arith.constant 1 : i32
        %add3A_1124 = arith.addi %mul3A_1122, %add3A_1123 : i32
        %dma_start3A_1125 = arith.constant 0 : i32
        %dma_start3A_1126 = arith.constant 0 : i32
        %dma_start3A_1127 = arith.constant 1 : i32
        %dma_start3A_1128 = arith.constant 80 : i32
        %dma_start3A_1129 = arith.constant 0 : i32
        %dma_start3A_1130 = tpu.memref_slice %arg13[%dma_start3A_1125, %dma_start3A_1128, %dma_start3A_1129] : memref<2x400x32xf32, #tpu.memory_space<vmem>> -> memref<1x80x32xf32, #tpu.memory_space<vmem>>
        %dma_start3A_1131 = tpu.memref_squeeze %dma_start3A_1130 : memref<1x80x32xf32, #tpu.memory_space<vmem>> -> memref<80x32xf32, #tpu.memory_space<vmem>>
        %dma_start3A_1132 = arith.constant 0 : i32
        %dma_start3A_1133 = tpu.memref_slice %arg7[%add3A_1124, %dma_start3A_1132] : memref<250x80xi32, #tpu.memory_space<vmem>> -> memref<1x80xi32, #tpu.memory_space<vmem>>
        %dma_start3A_1134 = tpu.memref_squeeze %dma_start3A_1133 : memref<1x80xi32, #tpu.memory_space<vmem>> -> memref<80xi32, #tpu.memory_space<vmem>>
        %dma_start3A_1135 = arith.constant 0 : i32
        %dma_start3A_1136 = arith.constant 0 : i32
        %dma_start3A_1137 = tpu.memref_slice %arg4[%add3A_196, %dma_start3A_1135, %dma_start3A_1136] : memref<4x10240x32xf32, #tpu.memory_space<hbm>> -> memref<1x10240x32xf32, #tpu.memory_space<hbm>>
        %dma_start3A_1138 = tpu.memref_squeeze %dma_start3A_1137 : memref<1x10240x32xf32, #tpu.memory_space<hbm>> -> memref<10240x32xf32, #tpu.memory_space<hbm>>
        %dma_start3A_1139 = arith.constant 0 : i32
        %dma_start3A_1140 = arith.constant 0 : i32
        %dma_start3A_1141 = tpu.memref_slice %dma_start3A_1138[%dma_start3A_1139, %dma_start3A_1140] : memref<10240x32xf32, #tpu.memory_space<hbm>> -> memref<10240x32xf32, #tpu.memory_space<hbm>>
        %dma_start3A_1142 = tpu.memref_slice %arg16[%dma_start3A_1126, %dma_start3A_1127] : memref<2x5x!tpu.dma_semaphore, #tpu.memory_space<semaphore_mem>> -> memref<1x1x!tpu.dma_semaphore, #tpu.memory_space<semaphore_mem>>
        %dma_start3A_1143 = tpu.memref_squeeze %dma_start3A_1142 : memref<1x1x!tpu.dma_semaphore, #tpu.memory_space<semaphore_mem>> -> memref<!tpu.dma_semaphore, #tpu.memory_space<semaphore_mem>>
        tpu.enqueue_indirect_dma source(%dma_start3A_1141 : memref<10240x32xf32, #tpu.memory_space<hbm>>) target(%dma_start3A_1131 : memref<80x32xf32, #tpu.memory_space<vmem>>) offsets(%dma_start3A_1134 : memref<80xi32, #tpu.memory_space<vmem>>) semaphore(%dma_start3A_1143 : memref<!tpu.dma_semaphore, #tpu.memory_space<semaphore_mem>>)
        %mul3A_1144 = arith.constant 5 : i32
        %mul3A_1145 = arith.muli %add3A_1097, %mul3A_1144 : i32
        %add3A_1146 = arith.constant 2 : i32
        %add3A_1147 = arith.addi %mul3A_1145, %add3A_1146 : i32
        %dma_start3A_1148 = arith.constant 0 : i32
        %dma_start3A_1149 = arith.constant 0 : i32
        %dma_start3A_1150 = arith.constant 2 : i32
        %dma_start3A_1151 = arith.constant 160 : i32
        %dma_start3A_1152 = arith.constant 0 : i32
        %dma_start3A_1153 = tpu.memref_slice %arg13[%dma_start3A_1148, %dma_start3A_1151, %dma_start3A_1152] : memref<2x400x32xf32, #tpu.memory_space<vmem>> -> memref<1x80x32xf32, #tpu.memory_space<vmem>>
        %dma_start3A_1154 = tpu.memref_squeeze %dma_start3A_1153 : memref<1x80x32xf32, #tpu.memory_space<vmem>> -> memref<80x32xf32, #tpu.memory_space<vmem>>
        %dma_start3A_1155 = arith.constant 0 : i32
        %dma_start3A_1156 = tpu.memref_slice %arg7[%add3A_1147, %dma_start3A_1155] : memref<250x80xi32, #tpu.memory_space<vmem>> -> memref<1x80xi32, #tpu.memory_space<vmem>>
        %dma_start3A_1157 = tpu.memref_squeeze %dma_start3A_1156 : memref<1x80xi32, #tpu.memory_space<vmem>> -> memref<80xi32, #tpu.memory_space<vmem>>
        %dma_start3A_1158 = arith.constant 0 : i32
        %dma_start3A_1159 = arith.constant 0 : i32
        %dma_start3A_1160 = tpu.memref_slice %arg4[%add3A_196, %dma_start3A_1158, %dma_start3A_1159] : memref<4x10240x32xf32, #tpu.memory_space<hbm>> -> memref<1x10240x32xf32, #tpu.memory_space<hbm>>
        %dma_start3A_1161 = tpu.memref_squeeze %dma_start3A_1160 : memref<1x10240x32xf32, #tpu.memory_space<hbm>> -> memref<10240x32xf32, #tpu.memory_space<hbm>>
        %dma_start3A_1162 = arith.constant 0 : i32
        %dma_start3A_1163 = arith.constant 0 : i32
        %dma_start3A_1164 = tpu.memref_slice %dma_start3A_1161[%dma_start3A_1162, %dma_start3A_1163] : memref<10240x32xf32, #tpu.memory_space<hbm>> -> memref<10240x32xf32, #tpu.memory_space<hbm>>
        %dma_start3A_1165 = tpu.memref_slice %arg16[%dma_start3A_1149, %dma_start3A_1150] : memref<2x5x!tpu.dma_semaphore, #tpu.memory_space<semaphore_mem>> -> memref<1x1x!tpu.dma_semaphore, #tpu.memory_space<semaphore_mem>>
        %dma_start3A_1166 = tpu.memref_squeeze %dma_start3A_1165 : memref<1x1x!tpu.dma_semaphore, #tpu.memory_space<semaphore_mem>> -> memref<!tpu.dma_semaphore, #tpu.memory_space<semaphore_mem>>
        tpu.enqueue_indirect_dma source(%dma_start3A_1164 : memref<10240x32xf32, #tpu.memory_space<hbm>>) target(%dma_start3A_1154 : memref<80x32xf32, #tpu.memory_space<vmem>>) offsets(%dma_start3A_1157 : memref<80xi32, #tpu.memory_space<vmem>>) semaphore(%dma_start3A_1166 : memref<!tpu.dma_semaphore, #tpu.memory_space<semaphore_mem>>)
        %mul3A_1167 = arith.constant 5 : i32
        %mul3A_1168 = arith.muli %add3A_1097, %mul3A_1167 : i32
        %add3A_1169 = arith.constant 3 : i32
        %add3A_1170 = arith.addi %mul3A_1168, %add3A_1169 : i32
        %dma_start3A_1171 = arith.constant 0 : i32
        %dma_start3A_1172 = arith.constant 0 : i32
        %dma_start3A_1173 = arith.constant 3 : i32
        %dma_start3A_1174 = arith.constant 240 : i32
        %dma_start3A_1175 = arith.constant 0 : i32
        %dma_start3A_1176 = tpu.memref_slice %arg13[%dma_start3A_1171, %dma_start3A_1174, %dma_start3A_1175] : memref<2x400x32xf32, #tpu.memory_space<vmem>> -> memref<1x80x32xf32, #tpu.memory_space<vmem>>
        %dma_start3A_1177 = tpu.memref_squeeze %dma_start3A_1176 : memref<1x80x32xf32, #tpu.memory_space<vmem>> -> memref<80x32xf32, #tpu.memory_space<vmem>>
        %dma_start3A_1178 = arith.constant 0 : i32
        %dma_start3A_1179 = tpu.memref_slice %arg7[%add3A_1170, %dma_start3A_1178] : memref<250x80xi32, #tpu.memory_space<vmem>> -> memref<1x80xi32, #tpu.memory_space<vmem>>
        %dma_start3A_1180 = tpu.memref_squeeze %dma_start3A_1179 : memref<1x80xi32, #tpu.memory_space<vmem>> -> memref<80xi32, #tpu.memory_space<vmem>>
        %dma_start3A_1181 = arith.constant 0 : i32
        %dma_start3A_1182 = arith.constant 0 : i32
        %dma_start3A_1183 = tpu.memref_slice %arg4[%add3A_196, %dma_start3A_1181, %dma_start3A_1182] : memref<4x10240x32xf32, #tpu.memory_space<hbm>> -> memref<1x10240x32xf32, #tpu.memory_space<hbm>>
        %dma_start3A_1184 = tpu.memref_squeeze %dma_start3A_1183 : memref<1x10240x32xf32, #tpu.memory_space<hbm>> -> memref<10240x32xf32, #tpu.memory_space<hbm>>
        %dma_start3A_1185 = arith.constant 0 : i32
        %dma_start3A_1186 = arith.constant 0 : i32
        %dma_start3A_1187 = tpu.memref_slice %dma_start3A_1184[%dma_start3A_1185, %dma_start3A_1186] : memref<10240x32xf32, #tpu.memory_space<hbm>> -> memref<10240x32xf32, #tpu.memory_space<hbm>>
        %dma_start3A_1188 = tpu.memref_slice %arg16[%dma_start3A_1172, %dma_start3A_1173] : memref<2x5x!tpu.dma_semaphore, #tpu.memory_space<semaphore_mem>> -> memref<1x1x!tpu.dma_semaphore, #tpu.memory_space<semaphore_mem>>
        %dma_start3A_1189 = tpu.memref_squeeze %dma_start3A_1188 : memref<1x1x!tpu.dma_semaphore, #tpu.memory_space<semaphore_mem>> -> memref<!tpu.dma_semaphore, #tpu.memory_space<semaphore_mem>>
        tpu.enqueue_indirect_dma source(%dma_start3A_1187 : memref<10240x32xf32, #tpu.memory_space<hbm>>) target(%dma_start3A_1177 : memref<80x32xf32, #tpu.memory_space<vmem>>) offsets(%dma_start3A_1180 : memref<80xi32, #tpu.memory_space<vmem>>) semaphore(%dma_start3A_1189 : memref<!tpu.dma_semaphore, #tpu.memory_space<semaphore_mem>>)
        %mul3A_1190 = arith.constant 5 : i32
        %mul3A_1191 = arith.muli %add3A_1097, %mul3A_1190 : i32
        %add3A_1192 = arith.constant 4 : i32
        %add3A_1193 = arith.addi %mul3A_1191, %add3A_1192 : i32
        %dma_start3A_1194 = arith.constant 0 : i32
        %dma_start3A_1195 = arith.constant 0 : i32
        %dma_start3A_1196 = arith.constant 4 : i32
        %dma_start3A_1197 = arith.constant 320 : i32
        %dma_start3A_1198 = arith.constant 0 : i32
        %dma_start3A_1199 = tpu.memref_slice %arg13[%dma_start3A_1194, %dma_start3A_1197, %dma_start3A_1198] : memref<2x400x32xf32, #tpu.memory_space<vmem>> -> memref<1x80x32xf32, #tpu.memory_space<vmem>>
        %dma_start3A_1200 = tpu.memref_squeeze %dma_start3A_1199 : memref<1x80x32xf32, #tpu.memory_space<vmem>> -> memref<80x32xf32, #tpu.memory_space<vmem>>
        %dma_start3A_1201 = arith.constant 0 : i32
        %dma_start3A_1202 = tpu.memref_slice %arg7[%add3A_1193, %dma_start3A_1201] : memref<250x80xi32, #tpu.memory_space<vmem>> -> memref<1x80xi32, #tpu.memory_space<vmem>>
        %dma_start3A_1203 = tpu.memref_squeeze %dma_start3A_1202 : memref<1x80xi32, #tpu.memory_space<vmem>> -> memref<80xi32, #tpu.memory_space<vmem>>
        %dma_start3A_1204 = arith.constant 0 : i32
        %dma_start3A_1205 = arith.constant 0 : i32
        %dma_start3A_1206 = tpu.memref_slice %arg4[%add3A_196, %dma_start3A_1204, %dma_start3A_1205] : memref<4x10240x32xf32, #tpu.memory_space<hbm>> -> memref<1x10240x32xf32, #tpu.memory_space<hbm>>
        %dma_start3A_1207 = tpu.memref_squeeze %dma_start3A_1206 : memref<1x10240x32xf32, #tpu.memory_space<hbm>> -> memref<10240x32xf32, #tpu.memory_space<hbm>>
        %dma_start3A_1208 = arith.constant 0 : i32
        %dma_start3A_1209 = arith.constant 0 : i32
        %dma_start3A_1210 = tpu.memref_slice %dma_start3A_1207[%dma_start3A_1208, %dma_start3A_1209] : memref<10240x32xf32, #tpu.memory_space<hbm>> -> memref<10240x32xf32, #tpu.memory_space<hbm>>
        %dma_start3A_1211 = tpu.memref_slice %arg16[%dma_start3A_1195, %dma_start3A_1196] : memref<2x5x!tpu.dma_semaphore, #tpu.memory_space<semaphore_mem>> -> memref<1x1x!tpu.dma_semaphore, #tpu.memory_space<semaphore_mem>>
        %dma_start3A_1212 = tpu.memref_squeeze %dma_start3A_1211 : memref<1x1x!tpu.dma_semaphore, #tpu.memory_space<semaphore_mem>> -> memref<!tpu.dma_semaphore, #tpu.memory_space<semaphore_mem>>
        tpu.enqueue_indirect_dma source(%dma_start3A_1210 : memref<10240x32xf32, #tpu.memory_space<hbm>>) target(%dma_start3A_1200 : memref<80x32xf32, #tpu.memory_space<vmem>>) offsets(%dma_start3A_1203 : memref<80xi32, #tpu.memory_space<vmem>>) semaphore(%dma_start3A_1212 : memref<!tpu.dma_semaphore, #tpu.memory_space<semaphore_mem>>)
      } else {
      }
      %dma_wait3A_763 = arith.constant 1 : i32
      %dma_wait3A_764 = arith.constant 1 : i32
      %dma_wait3A_765 = arith.constant 0 : i32
      %dma_wait3A_766 = arith.constant 0 : i32
      %dma_wait3A_767 = arith.constant 0 : i32
      %dma_wait3A_768 = tpu.memref_slice %arg13[%dma_wait3A_763, %dma_wait3A_766, %dma_wait3A_767] : memref<2x400x32xf32, #tpu.memory_space<vmem>> -> memref<1x80x32xf32, #tpu.memory_space<vmem>>
      %dma_wait3A_769 = tpu.memref_squeeze %dma_wait3A_768 : memref<1x80x32xf32, #tpu.memory_space<vmem>> -> memref<80x32xf32, #tpu.memory_space<vmem>>
      %dma_wait3A_770 = arith.constant 0 : i32
      %dma_wait3A_771 = arith.constant 0 : i32
      %dma_wait3A_772 = tpu.memref_slice %arg4[%add3A_196, %dma_wait3A_770, %dma_wait3A_771] : memref<4x10240x32xf32, #tpu.memory_space<hbm>> -> memref<1x10240x32xf32, #tpu.memory_space<hbm>>
      %dma_wait3A_773 = tpu.memref_squeeze %dma_wait3A_772 : memref<1x10240x32xf32, #tpu.memory_space<hbm>> -> memref<10240x32xf32, #tpu.memory_space<hbm>>
      %dma_wait3A_774 = arith.constant 0 : i32
      %dma_wait3A_775 = arith.constant 0 : i32
      %dma_wait3A_776 = tpu.memref_slice %dma_wait3A_773[%dma_wait3A_774, %dma_wait3A_775] : memref<10240x32xf32, #tpu.memory_space<hbm>> -> memref<80x32xf32, #tpu.memory_space<hbm>>
      %dma_wait3A_777 = tpu.memref_slice %arg16[%dma_wait3A_764, %dma_wait3A_765] : memref<2x5x!tpu.dma_semaphore, #tpu.memory_space<semaphore_mem>> -> memref<1x1x!tpu.dma_semaphore, #tpu.memory_space<semaphore_mem>>
      %dma_wait3A_778 = tpu.memref_squeeze %dma_wait3A_777 : memref<1x1x!tpu.dma_semaphore, #tpu.memory_space<semaphore_mem>> -> memref<!tpu.dma_semaphore, #tpu.memory_space<semaphore_mem>>
      %dma_wait3A_779 = arith.constant 0 : i32
      %dma_wait3A_780 = arith.constant 0 : i32
      %dma_wait3A_781 = tpu.memref_slice %arg13[%dma_wait3A_763, %dma_wait3A_779, %dma_wait3A_780] : memref<2x400x32xf32, #tpu.memory_space<vmem>> -> memref<1x80x32xf32, #tpu.memory_space<vmem>>
      %dma_wait3A_782 = tpu.memref_squeeze %dma_wait3A_781 : memref<1x80x32xf32, #tpu.memory_space<vmem>> -> memref<80x32xf32, #tpu.memory_space<vmem>>
      %dma_wait3A_783 = arith.constant 0 : i32
      %dma_wait3A_784 = arith.constant 0 : i32
      %dma_wait3A_785 = tpu.memref_slice %arg4[%add3A_196, %dma_wait3A_783, %dma_wait3A_784] : memref<4x10240x32xf32, #tpu.memory_space<hbm>> -> memref<1x10240x32xf32, #tpu.memory_space<hbm>>
      %dma_wait3A_786 = tpu.memref_squeeze %dma_wait3A_785 : memref<1x10240x32xf32, #tpu.memory_space<hbm>> -> memref<10240x32xf32, #tpu.memory_space<hbm>>
      %dma_wait3A_787 = arith.constant 0 : i32
      %dma_wait3A_788 = arith.constant 0 : i32
      %dma_wait3A_789 = tpu.memref_slice %dma_wait3A_786[%dma_wait3A_787, %dma_wait3A_788] : memref<10240x32xf32, #tpu.memory_space<hbm>> -> memref<80x32xf32, #tpu.memory_space<hbm>>
      tpu.wait_dma2 semaphore(%dma_wait3A_778 : memref<!tpu.dma_semaphore, #tpu.memory_space<semaphore_mem>>) src(%dma_wait3A_789 : memref<80x32xf32, #tpu.memory_space<hbm>>) dst(%dma_wait3A_782 : memref<80x32xf32, #tpu.memory_space<vmem>>)
      %dma_wait3A_790 = arith.constant 1 : i32
      %dma_wait3A_791 = arith.constant 1 : i32
      %dma_wait3A_792 = arith.constant 1 : i32
      %dma_wait3A_793 = arith.constant 80 : i32
      %dma_wait3A_794 = arith.constant 0 : i32
      %dma_wait3A_795 = tpu.memref_slice %arg13[%dma_wait3A_790, %dma_wait3A_793, %dma_wait3A_794] : memref<2x400x32xf32, #tpu.memory_space<vmem>> -> memref<1x80x32xf32, #tpu.memory_space<vmem>>
      %dma_wait3A_796 = tpu.memref_squeeze %dma_wait3A_795 : memref<1x80x32xf32, #tpu.memory_space<vmem>> -> memref<80x32xf32, #tpu.memory_space<vmem>>
      %dma_wait3A_797 = arith.constant 0 : i32
      %dma_wait3A_798 = arith.constant 0 : i32
      %dma_wait3A_799 = tpu.memref_slice %arg4[%add3A_196, %dma_wait3A_797, %dma_wait3A_798] : memref<4x10240x32xf32, #tpu.memory_space<hbm>> -> memref<1x10240x32xf32, #tpu.memory_space<hbm>>
      %dma_wait3A_800 = tpu.memref_squeeze %dma_wait3A_799 : memref<1x10240x32xf32, #tpu.memory_space<hbm>> -> memref<10240x32xf32, #tpu.memory_space<hbm>>
      %dma_wait3A_801 = arith.constant 0 : i32
      %dma_wait3A_802 = arith.constant 0 : i32
      %dma_wait3A_803 = tpu.memref_slice %dma_wait3A_800[%dma_wait3A_801, %dma_wait3A_802] : memref<10240x32xf32, #tpu.memory_space<hbm>> -> memref<80x32xf32, #tpu.memory_space<hbm>>
      %dma_wait3A_804 = tpu.memref_slice %arg16[%dma_wait3A_791, %dma_wait3A_792] : memref<2x5x!tpu.dma_semaphore, #tpu.memory_space<semaphore_mem>> -> memref<1x1x!tpu.dma_semaphore, #tpu.memory_space<semaphore_mem>>
      %dma_wait3A_805 = tpu.memref_squeeze %dma_wait3A_804 : memref<1x1x!tpu.dma_semaphore, #tpu.memory_space<semaphore_mem>> -> memref<!tpu.dma_semaphore, #tpu.memory_space<semaphore_mem>>
      %dma_wait3A_806 = arith.constant 80 : i32
      %dma_wait3A_807 = arith.constant 0 : i32
      %dma_wait3A_808 = tpu.memref_slice %arg13[%dma_wait3A_790, %dma_wait3A_806, %dma_wait3A_807] : memref<2x400x32xf32, #tpu.memory_space<vmem>> -> memref<1x80x32xf32, #tpu.memory_space<vmem>>
      %dma_wait3A_809 = tpu.memref_squeeze %dma_wait3A_808 : memref<1x80x32xf32, #tpu.memory_space<vmem>> -> memref<80x32xf32, #tpu.memory_space<vmem>>
      %dma_wait3A_810 = arith.constant 0 : i32
      %dma_wait3A_811 = arith.constant 0 : i32
      %dma_wait3A_812 = tpu.memref_slice %arg4[%add3A_196, %dma_wait3A_810, %dma_wait3A_811] : memref<4x10240x32xf32, #tpu.memory_space<hbm>> -> memref<1x10240x32xf32, #tpu.memory_space<hbm>>
      %dma_wait3A_813 = tpu.memref_squeeze %dma_wait3A_812 : memref<1x10240x32xf32, #tpu.memory_space<hbm>> -> memref<10240x32xf32, #tpu.memory_space<hbm>>
      %dma_wait3A_814 = arith.constant 0 : i32
      %dma_wait3A_815 = arith.constant 0 : i32
      %dma_wait3A_816 = tpu.memref_slice %dma_wait3A_813[%dma_wait3A_814, %dma_wait3A_815] : memref<10240x32xf32, #tpu.memory_space<hbm>> -> memref<80x32xf32, #tpu.memory_space<hbm>>
      tpu.wait_dma2 semaphore(%dma_wait3A_805 : memref<!tpu.dma_semaphore, #tpu.memory_space<semaphore_mem>>) src(%dma_wait3A_816 : memref<80x32xf32, #tpu.memory_space<hbm>>) dst(%dma_wait3A_809 : memref<80x32xf32, #tpu.memory_space<vmem>>)
      %dma_wait3A_817 = arith.constant 1 : i32
      %dma_wait3A_818 = arith.constant 1 : i32
      %dma_wait3A_819 = arith.constant 2 : i32
      %dma_wait3A_820 = arith.constant 160 : i32
      %dma_wait3A_821 = arith.constant 0 : i32
      %dma_wait3A_822 = tpu.memref_slice %arg13[%dma_wait3A_817, %dma_wait3A_820, %dma_wait3A_821] : memref<2x400x32xf32, #tpu.memory_space<vmem>> -> memref<1x80x32xf32, #tpu.memory_space<vmem>>
      %dma_wait3A_823 = tpu.memref_squeeze %dma_wait3A_822 : memref<1x80x32xf32, #tpu.memory_space<vmem>> -> memref<80x32xf32, #tpu.memory_space<vmem>>
      %dma_wait3A_824 = arith.constant 0 : i32
      %dma_wait3A_825 = arith.constant 0 : i32
      %dma_wait3A_826 = tpu.memref_slice %arg4[%add3A_196, %dma_wait3A_824, %dma_wait3A_825] : memref<4x10240x32xf32, #tpu.memory_space<hbm>> -> memref<1x10240x32xf32, #tpu.memory_space<hbm>>
      %dma_wait3A_827 = tpu.memref_squeeze %dma_wait3A_826 : memref<1x10240x32xf32, #tpu.memory_space<hbm>> -> memref<10240x32xf32, #tpu.memory_space<hbm>>
      %dma_wait3A_828 = arith.constant 0 : i32
      %dma_wait3A_829 = arith.constant 0 : i32
      %dma_wait3A_830 = tpu.memref_slice %dma_wait3A_827[%dma_wait3A_828, %dma_wait3A_829] : memref<10240x32xf32, #tpu.memory_space<hbm>> -> memref<80x32xf32, #tpu.memory_space<hbm>>
      %dma_wait3A_831 = tpu.memref_slice %arg16[%dma_wait3A_818, %dma_wait3A_819] : memref<2x5x!tpu.dma_semaphore, #tpu.memory_space<semaphore_mem>> -> memref<1x1x!tpu.dma_semaphore, #tpu.memory_space<semaphore_mem>>
      %dma_wait3A_832 = tpu.memref_squeeze %dma_wait3A_831 : memref<1x1x!tpu.dma_semaphore, #tpu.memory_space<semaphore_mem>> -> memref<!tpu.dma_semaphore, #tpu.memory_space<semaphore_mem>>
      %dma_wait3A_833 = arith.constant 160 : i32
      %dma_wait3A_834 = arith.constant 0 : i32
      %dma_wait3A_835 = tpu.memref_slice %arg13[%dma_wait3A_817, %dma_wait3A_833, %dma_wait3A_834] : memref<2x400x32xf32, #tpu.memory_space<vmem>> -> memref<1x80x32xf32, #tpu.memory_space<vmem>>
      %dma_wait3A_836 = tpu.memref_squeeze %dma_wait3A_835 : memref<1x80x32xf32, #tpu.memory_space<vmem>> -> memref<80x32xf32, #tpu.memory_space<vmem>>
      %dma_wait3A_837 = arith.constant 0 : i32
      %dma_wait3A_838 = arith.constant 0 : i32
      %dma_wait3A_839 = tpu.memref_slice %arg4[%add3A_196, %dma_wait3A_837, %dma_wait3A_838] : memref<4x10240x32xf32, #tpu.memory_space<hbm>> -> memref<1x10240x32xf32, #tpu.memory_space<hbm>>
      %dma_wait3A_840 = tpu.memref_squeeze %dma_wait3A_839 : memref<1x10240x32xf32, #tpu.memory_space<hbm>> -> memref<10240x32xf32, #tpu.memory_space<hbm>>
      %dma_wait3A_841 = arith.constant 0 : i32
      %dma_wait3A_842 = arith.constant 0 : i32
      %dma_wait3A_843 = tpu.memref_slice %dma_wait3A_840[%dma_wait3A_841, %dma_wait3A_842] : memref<10240x32xf32, #tpu.memory_space<hbm>> -> memref<80x32xf32, #tpu.memory_space<hbm>>
      tpu.wait_dma2 semaphore(%dma_wait3A_832 : memref<!tpu.dma_semaphore, #tpu.memory_space<semaphore_mem>>) src(%dma_wait3A_843 : memref<80x32xf32, #tpu.memory_space<hbm>>) dst(%dma_wait3A_836 : memref<80x32xf32, #tpu.memory_space<vmem>>)
      %dma_wait3A_844 = arith.constant 1 : i32
      %dma_wait3A_845 = arith.constant 1 : i32
      %dma_wait3A_846 = arith.constant 3 : i32
      %dma_wait3A_847 = arith.constant 240 : i32
      %dma_wait3A_848 = arith.constant 0 : i32
      %dma_wait3A_849 = tpu.memref_slice %arg13[%dma_wait3A_844, %dma_wait3A_847, %dma_wait3A_848] : memref<2x400x32xf32, #tpu.memory_space<vmem>> -> memref<1x80x32xf32, #tpu.memory_space<vmem>>
      %dma_wait3A_850 = tpu.memref_squeeze %dma_wait3A_849 : memref<1x80x32xf32, #tpu.memory_space<vmem>> -> memref<80x32xf32, #tpu.memory_space<vmem>>
      %dma_wait3A_851 = arith.constant 0 : i32
      %dma_wait3A_852 = arith.constant 0 : i32
      %dma_wait3A_853 = tpu.memref_slice %arg4[%add3A_196, %dma_wait3A_851, %dma_wait3A_852] : memref<4x10240x32xf32, #tpu.memory_space<hbm>> -> memref<1x10240x32xf32, #tpu.memory_space<hbm>>
      %dma_wait3A_854 = tpu.memref_squeeze %dma_wait3A_853 : memref<1x10240x32xf32, #tpu.memory_space<hbm>> -> memref<10240x32xf32, #tpu.memory_space<hbm>>
      %dma_wait3A_855 = arith.constant 0 : i32
      %dma_wait3A_856 = arith.constant 0 : i32
      %dma_wait3A_857 = tpu.memref_slice %dma_wait3A_854[%dma_wait3A_855, %dma_wait3A_856] : memref<10240x32xf32, #tpu.memory_space<hbm>> -> memref<80x32xf32, #tpu.memory_space<hbm>>
      %dma_wait3A_858 = tpu.memref_slice %arg16[%dma_wait3A_845, %dma_wait3A_846] : memref<2x5x!tpu.dma_semaphore, #tpu.memory_space<semaphore_mem>> -> memref<1x1x!tpu.dma_semaphore, #tpu.memory_space<semaphore_mem>>
      %dma_wait3A_859 = tpu.memref_squeeze %dma_wait3A_858 : memref<1x1x!tpu.dma_semaphore, #tpu.memory_space<semaphore_mem>> -> memref<!tpu.dma_semaphore, #tpu.memory_space<semaphore_mem>>
      %dma_wait3A_860 = arith.constant 240 : i32
      %dma_wait3A_861 = arith.constant 0 : i32
      %dma_wait3A_862 = tpu.memref_slice %arg13[%dma_wait3A_844, %dma_wait3A_860, %dma_wait3A_861] : memref<2x400x32xf32, #tpu.memory_space<vmem>> -> memref<1x80x32xf32, #tpu.memory_space<vmem>>
      %dma_wait3A_863 = tpu.memref_squeeze %dma_wait3A_862 : memref<1x80x32xf32, #tpu.memory_space<vmem>> -> memref<80x32xf32, #tpu.memory_space<vmem>>
      %dma_wait3A_864 = arith.constant 0 : i32
      %dma_wait3A_865 = arith.constant 0 : i32
      %dma_wait3A_866 = tpu.memref_slice %arg4[%add3A_196, %dma_wait3A_864, %dma_wait3A_865] : memref<4x10240x32xf32, #tpu.memory_space<hbm>> -> memref<1x10240x32xf32, #tpu.memory_space<hbm>>
      %dma_wait3A_867 = tpu.memref_squeeze %dma_wait3A_866 : memref<1x10240x32xf32, #tpu.memory_space<hbm>> -> memref<10240x32xf32, #tpu.memory_space<hbm>>
      %dma_wait3A_868 = arith.constant 0 : i32
      %dma_wait3A_869 = arith.constant 0 : i32
      %dma_wait3A_870 = tpu.memref_slice %dma_wait3A_867[%dma_wait3A_868, %dma_wait3A_869] : memref<10240x32xf32, #tpu.memory_space<hbm>> -> memref<80x32xf32, #tpu.memory_space<hbm>>
      tpu.wait_dma2 semaphore(%dma_wait3A_859 : memref<!tpu.dma_semaphore, #tpu.memory_space<semaphore_mem>>) src(%dma_wait3A_870 : memref<80x32xf32, #tpu.memory_space<hbm>>) dst(%dma_wait3A_863 : memref<80x32xf32, #tpu.memory_space<vmem>>)
      %dma_wait3A_871 = arith.constant 1 : i32
      %dma_wait3A_872 = arith.constant 1 : i32
      %dma_wait3A_873 = arith.constant 4 : i32
      %dma_wait3A_874 = arith.constant 320 : i32
      %dma_wait3A_875 = arith.constant 0 : i32
      %dma_wait3A_876 = tpu.memref_slice %arg13[%dma_wait3A_871, %dma_wait3A_874, %dma_wait3A_875] : memref<2x400x32xf32, #tpu.memory_space<vmem>> -> memref<1x80x32xf32, #tpu.memory_space<vmem>>
      %dma_wait3A_877 = tpu.memref_squeeze %dma_wait3A_876 : memref<1x80x32xf32, #tpu.memory_space<vmem>> -> memref<80x32xf32, #tpu.memory_space<vmem>>
      %dma_wait3A_878 = arith.constant 0 : i32
      %dma_wait3A_879 = arith.constant 0 : i32
      %dma_wait3A_880 = tpu.memref_slice %arg4[%add3A_196, %dma_wait3A_878, %dma_wait3A_879] : memref<4x10240x32xf32, #tpu.memory_space<hbm>> -> memref<1x10240x32xf32, #tpu.memory_space<hbm>>
      %dma_wait3A_881 = tpu.memref_squeeze %dma_wait3A_880 : memref<1x10240x32xf32, #tpu.memory_space<hbm>> -> memref<10240x32xf32, #tpu.memory_space<hbm>>
      %dma_wait3A_882 = arith.constant 0 : i32
      %dma_wait3A_883 = arith.constant 0 : i32
      %dma_wait3A_884 = tpu.memref_slice %dma_wait3A_881[%dma_wait3A_882, %dma_wait3A_883] : memref<10240x32xf32, #tpu.memory_space<hbm>> -> memref<80x32xf32, #tpu.memory_space<hbm>>
      %dma_wait3A_885 = tpu.memref_slice %arg16[%dma_wait3A_872, %dma_wait3A_873] : memref<2x5x!tpu.dma_semaphore, #tpu.memory_space<semaphore_mem>> -> memref<1x1x!tpu.dma_semaphore, #tpu.memory_space<semaphore_mem>>
      %dma_wait3A_886 = tpu.memref_squeeze %dma_wait3A_885 : memref<1x1x!tpu.dma_semaphore, #tpu.memory_space<semaphore_mem>> -> memref<!tpu.dma_semaphore, #tpu.memory_space<semaphore_mem>>
      %dma_wait3A_887 = arith.constant 320 : i32
      %dma_wait3A_888 = arith.constant 0 : i32
      %dma_wait3A_889 = tpu.memref_slice %arg13[%dma_wait3A_871, %dma_wait3A_887, %dma_wait3A_888] : memref<2x400x32xf32, #tpu.memory_space<vmem>> -> memref<1x80x32xf32, #tpu.memory_space<vmem>>
      %dma_wait3A_890 = tpu.memref_squeeze %dma_wait3A_889 : memref<1x80x32xf32, #tpu.memory_space<vmem>> -> memref<80x32xf32, #tpu.memory_space<vmem>>
      %dma_wait3A_891 = arith.constant 0 : i32
      %dma_wait3A_892 = arith.constant 0 : i32
      %dma_wait3A_893 = tpu.memref_slice %arg4[%add3A_196, %dma_wait3A_891, %dma_wait3A_892] : memref<4x10240x32xf32, #tpu.memory_space<hbm>> -> memref<1x10240x32xf32, #tpu.memory_space<hbm>>
      %dma_wait3A_894 = tpu.memref_squeeze %dma_wait3A_893 : memref<1x10240x32xf32, #tpu.memory_space<hbm>> -> memref<10240x32xf32, #tpu.memory_space<hbm>>
      %dma_wait3A_895 = arith.constant 0 : i32
      %dma_wait3A_896 = arith.constant 0 : i32
      %dma_wait3A_897 = tpu.memref_slice %dma_wait3A_894[%dma_wait3A_895, %dma_wait3A_896] : memref<10240x32xf32, #tpu.memory_space<hbm>> -> memref<80x32xf32, #tpu.memory_space<hbm>>
      tpu.wait_dma2 semaphore(%dma_wait3A_886 : memref<!tpu.dma_semaphore, #tpu.memory_space<semaphore_mem>>) src(%dma_wait3A_897 : memref<80x32xf32, #tpu.memory_space<hbm>>) dst(%dma_wait3A_890 : memref<80x32xf32, #tpu.memory_space<vmem>>)
      %mul3A_898 = arith.constant 5 : i32
      %mul3A_899 = arith.muli %add3A_310, %mul3A_898 : i32
      %mul3A_900 = arith.constant 80 : i32
      %mul3A_901 = arith.muli %mul3A_899, %mul3A_900 : i32
      %parallel_loop3A_902 = arith.constant 0 : i32
      %parallel_loop3A_903 = arith.constant 400 : i32
      %parallel_loop3A_904 = arith.constant 1 : i32
      scf.for %parallel_loop3A_1096 = %parallel_loop3A_902 to %parallel_loop3A_903 step %parallel_loop3A_904  : i32 {
        %parallel_loop3A_1097 = arith.constant 0 : i32
        %parallel_loop3A_1098 = vector.broadcast %parallel_loop3A_1097 : i32 to vector<16xi32>
        %parallel_loop3A_1099 = arith.addi %mul3A_901, %parallel_loop3A_1096 : i32
        %parallel_loop3A_1100 = vector.broadcast %parallel_loop3A_1099 : i32 to vector<16xi32>
        %parallel_loop3A_1101 = arith.addi %parallel_loop3A_1098, %parallel_loop3A_1100 : vector<16xi32>
        %parallel_loop3A_1102 = tpu.vector_load_idx %arg9[%parallel_loop3A_1101] : memref<20000xf32, #tpu.memory_space<vmem>>[vector<16xi32>], vector<16xf32>,
        %parallel_loop3A_1103 = arith.constant 1 : i32
        %parallel_loop3A_1104 = arith.index_cast %parallel_loop3A_1103 : i32 to index
        %parallel_loop3A_1105 = arith.index_cast %parallel_loop3A_1096 : i32 to index
        %parallel_loop3A_1106 = arith.constant 0 : index
        %parallel_loop3A_1107 = tpu.vector_load %arg13[%parallel_loop3A_1104, %parallel_loop3A_1105, %parallel_loop3A_1106] {strides = array<i32>} : memref<2x400x32xf32, #tpu.memory_space<vmem>>, vector<16xf32>,
        %parallel_loop3A_1108 = arith.mulf %parallel_loop3A_1107, %parallel_loop3A_1102 : vector<16xf32>
        %parallel_loop3A_1109 = arith.constant 1 : i32
        %parallel_loop3A_1110 = arith.index_cast %parallel_loop3A_1109 : i32 to index
        %parallel_loop3A_1111 = arith.index_cast %parallel_loop3A_1096 : i32 to index
        %parallel_loop3A_1112 = arith.constant 0 : index
        %parallel_loop3A_1113 = tpu.vector_load %arg13[%parallel_loop3A_1110, %parallel_loop3A_1111, %parallel_loop3A_1112] {strides = array<i32>} : memref<2x400x32xf32, #tpu.memory_space<vmem>>, vector<16xf32>,
        tpu.vector_store %arg13[%parallel_loop3A_1110, %parallel_loop3A_1111, %parallel_loop3A_1112], %parallel_loop3A_1108 {strides = array<i32>} : memref<2x400x32xf32, #tpu.memory_space<vmem>>, vector<16xf32>,
        %parallel_loop3A_1114 = arith.constant 1 : i32
        %parallel_loop3A_1115 = arith.index_cast %parallel_loop3A_1114 : i32 to index
        %parallel_loop3A_1116 = arith.index_cast %parallel_loop3A_1096 : i32 to index
        %parallel_loop3A_1117 = arith.constant 16 : index
        %parallel_loop3A_1118 = tpu.vector_load %arg13[%parallel_loop3A_1115, %parallel_loop3A_1116, %parallel_loop3A_1117] {strides = array<i32>} : memref<2x400x32xf32, #tpu.memory_space<vmem>>, vector<16xf32>,
        %parallel_loop3A_1119 = arith.mulf %parallel_loop3A_1118, %parallel_loop3A_1102 : vector<16xf32>
        %parallel_loop3A_1120 = arith.constant 1 : i32
        %parallel_loop3A_1121 = arith.index_cast %parallel_loop3A_1120 : i32 to index
        %parallel_loop3A_1122 = arith.index_cast %parallel_loop3A_1096 : i32 to index
        %parallel_loop3A_1123 = arith.constant 16 : index
        %parallel_loop3A_1124 = tpu.vector_load %arg13[%parallel_loop3A_1121, %parallel_loop3A_1122, %parallel_loop3A_1123] {strides = array<i32>} : memref<2x400x32xf32, #tpu.memory_space<vmem>>, vector<16xf32>,
        tpu.vector_store %arg13[%parallel_loop3A_1121, %parallel_loop3A_1122, %parallel_loop3A_1123], %parallel_loop3A_1119 {strides = array<i32>} : memref<2x400x32xf32, #tpu.memory_space<vmem>>, vector<16xf32>,
      } {sc.loop_unroll_factor = 8 : i64, sc.parallel_access}
      %mul3A_905 = arith.constant 5 : i32
      %mul3A_906 = arith.muli %add3A_310, %mul3A_905 : i32
      %add3A_907 = arith.constant 0 : i32
      %add3A_908 = arith.addi %mul3A_906, %add3A_907 : i32
      %dma_start3A_909 = arith.constant 1 : i32
      %dma_start3A_910 = arith.constant 1 : i32
      %dma_start3A_911 = arith.constant 0 : i32
      %dma_start3A_912 = arith.constant 0 : i32
      %dma_start3A_913 = arith.constant 0 : i32
      %dma_start3A_914 = tpu.memref_slice %arg13[%dma_start3A_909, %dma_start3A_912, %dma_start3A_913] : memref<2x400x32xf32, #tpu.memory_space<vmem>> -> memref<1x80x32xf32, #tpu.memory_space<vmem>>
      %dma_start3A_915 = tpu.memref_squeeze %dma_start3A_914 : memref<1x80x32xf32, #tpu.memory_space<vmem>> -> memref<80x32xf32, #tpu.memory_space<vmem>>
      %dma_start3A_916 = arith.constant 0 : i32
      %dma_start3A_917 = tpu.memref_slice %arg8[%add3A_908, %dma_start3A_916] : memref<250x80xi32, #tpu.memory_space<vmem>> -> memref<1x80xi32, #tpu.memory_space<vmem>>
      %dma_start3A_918 = tpu.memref_squeeze %dma_start3A_917 : memref<1x80xi32, #tpu.memory_space<vmem>> -> memref<80xi32, #tpu.memory_space<vmem>>
      %dma_start3A_919 = arith.constant 0 : i32
      %dma_start3A_920 = arith.constant 0 : i32
      %dma_start3A_921 = tpu.memref_slice %arg14[%dma_start3A_919, %dma_start3A_920] : memref<10240x32xf32, #tpu.memory_space<vmem_shared>> -> memref<10240x32xf32, #tpu.memory_space<vmem_shared>>
      %dma_start3A_922 = tpu.memref_slice %arg17[%dma_start3A_910, %dma_start3A_911] : memref<2x5x!tpu.dma_semaphore, #tpu.memory_space<semaphore_mem>> -> memref<1x1x!tpu.dma_semaphore, #tpu.memory_space<semaphore_mem>>
      %dma_start3A_923 = tpu.memref_squeeze %dma_start3A_922 : memref<1x1x!tpu.dma_semaphore, #tpu.memory_space<semaphore_mem>> -> memref<!tpu.dma_semaphore, #tpu.memory_space<semaphore_mem>>
      tpu.enqueue_indirect_dma source(%dma_start3A_915 : memref<80x32xf32, #tpu.memory_space<vmem>>) target(%dma_start3A_921 : memref<10240x32xf32, #tpu.memory_space<vmem_shared>>) offsets(%dma_start3A_918 : memref<80xi32, #tpu.memory_space<vmem>>) semaphore(%dma_start3A_923 : memref<!tpu.dma_semaphore, #tpu.memory_space<semaphore_mem>>) {add = true}
      %mul3A_924 = arith.constant 5 : i32
      %mul3A_925 = arith.muli %add3A_310, %mul3A_924 : i32
      %add3A_926 = arith.constant 1 : i32
      %add3A_927 = arith.addi %mul3A_925, %add3A_926 : i32
      %dma_start3A_928 = arith.constant 1 : i32
      %dma_start3A_929 = arith.constant 1 : i32
      %dma_start3A_930 = arith.constant 1 : i32
      %dma_start3A_931 = arith.constant 80 : i32
      %dma_start3A_932 = arith.constant 0 : i32
      %dma_start3A_933 = tpu.memref_slice %arg13[%dma_start3A_928, %dma_start3A_931, %dma_start3A_932] : memref<2x400x32xf32, #tpu.memory_space<vmem>> -> memref<1x80x32xf32, #tpu.memory_space<vmem>>
      %dma_start3A_934 = tpu.memref_squeeze %dma_start3A_933 : memref<1x80x32xf32, #tpu.memory_space<vmem>> -> memref<80x32xf32, #tpu.memory_space<vmem>>
      %dma_start3A_935 = arith.constant 0 : i32
      %dma_start3A_936 = tpu.memref_slice %arg8[%add3A_927, %dma_start3A_935] : memref<250x80xi32, #tpu.memory_space<vmem>> -> memref<1x80xi32, #tpu.memory_space<vmem>>
      %dma_start3A_937 = tpu.memref_squeeze %dma_start3A_936 : memref<1x80xi32, #tpu.memory_space<vmem>> -> memref<80xi32, #tpu.memory_space<vmem>>
      %dma_start3A_938 = arith.constant 0 : i32
      %dma_start3A_939 = arith.constant 0 : i32
      %dma_start3A_940 = tpu.memref_slice %arg14[%dma_start3A_938, %dma_start3A_939] : memref<10240x32xf32, #tpu.memory_space<vmem_shared>> -> memref<10240x32xf32, #tpu.memory_space<vmem_shared>>
      %dma_start3A_941 = tpu.memref_slice %arg17[%dma_start3A_929, %dma_start3A_930] : memref<2x5x!tpu.dma_semaphore, #tpu.memory_space<semaphore_mem>> -> memref<1x1x!tpu.dma_semaphore, #tpu.memory_space<semaphore_mem>>
      %dma_start3A_942 = tpu.memref_squeeze %dma_start3A_941 : memref<1x1x!tpu.dma_semaphore, #tpu.memory_space<semaphore_mem>> -> memref<!tpu.dma_semaphore, #tpu.memory_space<semaphore_mem>>
      tpu.enqueue_indirect_dma source(%dma_start3A_934 : memref<80x32xf32, #tpu.memory_space<vmem>>) target(%dma_start3A_940 : memref<10240x32xf32, #tpu.memory_space<vmem_shared>>) offsets(%dma_start3A_937 : memref<80xi32, #tpu.memory_space<vmem>>) semaphore(%dma_start3A_942 : memref<!tpu.dma_semaphore, #tpu.memory_space<semaphore_mem>>) {add = true}
      %mul3A_943 = arith.constant 5 : i32
      %mul3A_944 = arith.muli %add3A_310, %mul3A_943 : i32
      %add3A_945 = arith.constant 2 : i32
      %add3A_946 = arith.addi %mul3A_944, %add3A_945 : i32
      %dma_start3A_947 = arith.constant 1 : i32
      %dma_start3A_948 = arith.constant 1 : i32
      %dma_start3A_949 = arith.constant 2 : i32
      %dma_start3A_950 = arith.constant 160 : i32
      %dma_start3A_951 = arith.constant 0 : i32
      %dma_start3A_952 = tpu.memref_slice %arg13[%dma_start3A_947, %dma_start3A_950, %dma_start3A_951] : memref<2x400x32xf32, #tpu.memory_space<vmem>> -> memref<1x80x32xf32, #tpu.memory_space<vmem>>
      %dma_start3A_953 = tpu.memref_squeeze %dma_start3A_952 : memref<1x80x32xf32, #tpu.memory_space<vmem>> -> memref<80x32xf32, #tpu.memory_space<vmem>>
      %dma_start3A_954 = arith.constant 0 : i32
      %dma_start3A_955 = tpu.memref_slice %arg8[%add3A_946, %dma_start3A_954] : memref<250x80xi32, #tpu.memory_space<vmem>> -> memref<1x80xi32, #tpu.memory_space<vmem>>
      %dma_start3A_956 = tpu.memref_squeeze %dma_start3A_955 : memref<1x80xi32, #tpu.memory_space<vmem>> -> memref<80xi32, #tpu.memory_space<vmem>>
      %dma_start3A_957 = arith.constant 0 : i32
      %dma_start3A_958 = arith.constant 0 : i32
      %dma_start3A_959 = tpu.memref_slice %arg14[%dma_start3A_957, %dma_start3A_958] : memref<10240x32xf32, #tpu.memory_space<vmem_shared>> -> memref<10240x32xf32, #tpu.memory_space<vmem_shared>>
      %dma_start3A_960 = tpu.memref_slice %arg17[%dma_start3A_948, %dma_start3A_949] : memref<2x5x!tpu.dma_semaphore, #tpu.memory_space<semaphore_mem>> -> memref<1x1x!tpu.dma_semaphore, #tpu.memory_space<semaphore_mem>>
      %dma_start3A_961 = tpu.memref_squeeze %dma_start3A_960 : memref<1x1x!tpu.dma_semaphore, #tpu.memory_space<semaphore_mem>> -> memref<!tpu.dma_semaphore, #tpu.memory_space<semaphore_mem>>
      tpu.enqueue_indirect_dma source(%dma_start3A_953 : memref<80x32xf32, #tpu.memory_space<vmem>>) target(%dma_start3A_959 : memref<10240x32xf32, #tpu.memory_space<vmem_shared>>) offsets(%dma_start3A_956 : memref<80xi32, #tpu.memory_space<vmem>>) semaphore(%dma_start3A_961 : memref<!tpu.dma_semaphore, #tpu.memory_space<semaphore_mem>>) {add = true}
      %mul3A_962 = arith.constant 5 : i32
      %mul3A_963 = arith.muli %add3A_310, %mul3A_962 : i32
      %add3A_964 = arith.constant 3 : i32
      %add3A_965 = arith.addi %mul3A_963, %add3A_964 : i32
      %dma_start3A_966 = arith.constant 1 : i32
      %dma_start3A_967 = arith.constant 1 : i32
      %dma_start3A_968 = arith.constant 3 : i32
      %dma_start3A_969 = arith.constant 240 : i32
      %dma_start3A_970 = arith.constant 0 : i32
      %dma_start3A_971 = tpu.memref_slice %arg13[%dma_start3A_966, %dma_start3A_969, %dma_start3A_970] : memref<2x400x32xf32, #tpu.memory_space<vmem>> -> memref<1x80x32xf32, #tpu.memory_space<vmem>>
      %dma_start3A_972 = tpu.memref_squeeze %dma_start3A_971 : memref<1x80x32xf32, #tpu.memory_space<vmem>> -> memref<80x32xf32, #tpu.memory_space<vmem>>
      %dma_start3A_973 = arith.constant 0 : i32
      %dma_start3A_974 = tpu.memref_slice %arg8[%add3A_965, %dma_start3A_973] : memref<250x80xi32, #tpu.memory_space<vmem>> -> memref<1x80xi32, #tpu.memory_space<vmem>>
      %dma_start3A_975 = tpu.memref_squeeze %dma_start3A_974 : memref<1x80xi32, #tpu.memory_space<vmem>> -> memref<80xi32, #tpu.memory_space<vmem>>
      %dma_start3A_976 = arith.constant 0 : i32
      %dma_start3A_977 = arith.constant 0 : i32
      %dma_start3A_978 = tpu.memref_slice %arg14[%dma_start3A_976, %dma_start3A_977] : memref<10240x32xf32, #tpu.memory_space<vmem_shared>> -> memref<10240x32xf32, #tpu.memory_space<vmem_shared>>
      %dma_start3A_979 = tpu.memref_slice %arg17[%dma_start3A_967, %dma_start3A_968] : memref<2x5x!tpu.dma_semaphore, #tpu.memory_space<semaphore_mem>> -> memref<1x1x!tpu.dma_semaphore, #tpu.memory_space<semaphore_mem>>
      %dma_start3A_980 = tpu.memref_squeeze %dma_start3A_979 : memref<1x1x!tpu.dma_semaphore, #tpu.memory_space<semaphore_mem>> -> memref<!tpu.dma_semaphore, #tpu.memory_space<semaphore_mem>>
      tpu.enqueue_indirect_dma source(%dma_start3A_972 : memref<80x32xf32, #tpu.memory_space<vmem>>) target(%dma_start3A_978 : memref<10240x32xf32, #tpu.memory_space<vmem_shared>>) offsets(%dma_start3A_975 : memref<80xi32, #tpu.memory_space<vmem>>) semaphore(%dma_start3A_980 : memref<!tpu.dma_semaphore, #tpu.memory_space<semaphore_mem>>) {add = true}
      %mul3A_981 = arith.constant 5 : i32
      %mul3A_982 = arith.muli %add3A_310, %mul3A_981 : i32
      %add3A_983 = arith.constant 4 : i32
      %add3A_984 = arith.addi %mul3A_982, %add3A_983 : i32
      %dma_start3A_985 = arith.constant 1 : i32
      %dma_start3A_986 = arith.constant 1 : i32
      %dma_start3A_987 = arith.constant 4 : i32
      %dma_start3A_988 = arith.constant 320 : i32
      %dma_start3A_989 = arith.constant 0 : i32
      %dma_start3A_990 = tpu.memref_slice %arg13[%dma_start3A_985, %dma_start3A_988, %dma_start3A_989] : memref<2x400x32xf32, #tpu.memory_space<vmem>> -> memref<1x80x32xf32, #tpu.memory_space<vmem>>
      %dma_start3A_991 = tpu.memref_squeeze %dma_start3A_990 : memref<1x80x32xf32, #tpu.memory_space<vmem>> -> memref<80x32xf32, #tpu.memory_space<vmem>>
      %dma_start3A_992 = arith.constant 0 : i32
      %dma_start3A_993 = tpu.memref_slice %arg8[%add3A_984, %dma_start3A_992] : memref<250x80xi32, #tpu.memory_space<vmem>> -> memref<1x80xi32, #tpu.memory_space<vmem>>
      %dma_start3A_994 = tpu.memref_squeeze %dma_start3A_993 : memref<1x80xi32, #tpu.memory_space<vmem>> -> memref<80xi32, #tpu.memory_space<vmem>>
      %dma_start3A_995 = arith.constant 0 : i32
      %dma_start3A_996 = arith.constant 0 : i32
      %dma_start3A_997 = tpu.memref_slice %arg14[%dma_start3A_995, %dma_start3A_996] : memref<10240x32xf32, #tpu.memory_space<vmem_shared>> -> memref<10240x32xf32, #tpu.memory_space<vmem_shared>>
      %dma_start3A_998 = tpu.memref_slice %arg17[%dma_start3A_986, %dma_start3A_987] : memref<2x5x!tpu.dma_semaphore, #tpu.memory_space<semaphore_mem>> -> memref<1x1x!tpu.dma_semaphore, #tpu.memory_space<semaphore_mem>>
      %dma_start3A_999 = tpu.memref_squeeze %dma_start3A_998 : memref<1x1x!tpu.dma_semaphore, #tpu.memory_space<semaphore_mem>> -> memref<!tpu.dma_semaphore, #tpu.memory_space<semaphore_mem>>
      tpu.enqueue_indirect_dma source(%dma_start3A_991 : memref<80x32xf32, #tpu.memory_space<vmem>>) target(%dma_start3A_997 : memref<10240x32xf32, #tpu.memory_space<vmem_shared>>) offsets(%dma_start3A_994 : memref<80xi32, #tpu.memory_space<vmem>>) semaphore(%dma_start3A_999 : memref<!tpu.dma_semaphore, #tpu.memory_space<semaphore_mem>>) {add = true}
      %dma_wait3A_1000 = arith.constant 1 : i32
      %dma_wait3A_1001 = arith.constant 1 : i32
      %dma_wait3A_1002 = arith.constant 0 : i32
      %dma_wait3A_1003 = arith.constant 0 : i32
      %dma_wait3A_1004 = arith.constant 0 : i32
      %dma_wait3A_1005 = tpu.memref_slice %arg13[%dma_wait3A_1000, %dma_wait3A_1003, %dma_wait3A_1004] : memref<2x400x32xf32, #tpu.memory_space<vmem>> -> memref<1x80x32xf32, #tpu.memory_space<vmem>>
      %dma_wait3A_1006 = tpu.memref_squeeze %dma_wait3A_1005 : memref<1x80x32xf32, #tpu.memory_space<vmem>> -> memref<80x32xf32, #tpu.memory_space<vmem>>
      %dma_wait3A_1007 = arith.constant 0 : i32
      %dma_wait3A_1008 = arith.constant 0 : i32
      %dma_wait3A_1009 = tpu.memref_slice %arg14[%dma_wait3A_1007, %dma_wait3A_1008] : memref<10240x32xf32, #tpu.memory_space<vmem_shared>> -> memref<80x32xf32, #tpu.memory_space<vmem_shared>>
      %dma_wait3A_1010 = tpu.memref_slice %arg17[%dma_wait3A_1001, %dma_wait3A_1002] : memref<2x5x!tpu.dma_semaphore, #tpu.memory_space<semaphore_mem>> -> memref<1x1x!tpu.dma_semaphore, #tpu.memory_space<semaphore_mem>>
      %dma_wait3A_1011 = tpu.memref_squeeze %dma_wait3A_1010 : memref<1x1x!tpu.dma_semaphore, #tpu.memory_space<semaphore_mem>> -> memref<!tpu.dma_semaphore, #tpu.memory_space<semaphore_mem>>
      %dma_wait3A_1012 = arith.constant 0 : i32
      %dma_wait3A_1013 = arith.constant 0 : i32
      %dma_wait3A_1014 = tpu.memref_slice %arg14[%dma_wait3A_1012, %dma_wait3A_1013] : memref<10240x32xf32, #tpu.memory_space<vmem_shared>> -> memref<80x32xf32, #tpu.memory_space<vmem_shared>>
      %dma_wait3A_1015 = arith.constant 0 : i32
      %dma_wait3A_1016 = arith.constant 0 : i32
      %dma_wait3A_1017 = tpu.memref_slice %arg13[%dma_wait3A_1000, %dma_wait3A_1015, %dma_wait3A_1016] : memref<2x400x32xf32, #tpu.memory_space<vmem>> -> memref<1x80x32xf32, #tpu.memory_space<vmem>>
      %dma_wait3A_1018 = tpu.memref_squeeze %dma_wait3A_1017 : memref<1x80x32xf32, #tpu.memory_space<vmem>> -> memref<80x32xf32, #tpu.memory_space<vmem>>
      tpu.wait_dma2 semaphore(%dma_wait3A_1011 : memref<!tpu.dma_semaphore, #tpu.memory_space<semaphore_mem>>) src(%dma_wait3A_1018 : memref<80x32xf32, #tpu.memory_space<vmem>>) dst(%dma_wait3A_1014 : memref<80x32xf32, #tpu.memory_space<vmem_shared>>)
      %dma_wait3A_1019 = arith.constant 1 : i32
      %dma_wait3A_1020 = arith.constant 1 : i32
      %dma_wait3A_1021 = arith.constant 1 : i32
      %dma_wait3A_1022 = arith.constant 80 : i32
      %dma_wait3A_1023 = arith.constant 0 : i32
      %dma_wait3A_1024 = tpu.memref_slice %arg13[%dma_wait3A_1019, %dma_wait3A_1022, %dma_wait3A_1023] : memref<2x400x32xf32, #tpu.memory_space<vmem>> -> memref<1x80x32xf32, #tpu.memory_space<vmem>>
      %dma_wait3A_1025 = tpu.memref_squeeze %dma_wait3A_1024 : memref<1x80x32xf32, #tpu.memory_space<vmem>> -> memref<80x32xf32, #tpu.memory_space<vmem>>
      %dma_wait3A_1026 = arith.constant 0 : i32
      %dma_wait3A_1027 = arith.constant 0 : i32
      %dma_wait3A_1028 = tpu.memref_slice %arg14[%dma_wait3A_1026, %dma_wait3A_1027] : memref<10240x32xf32, #tpu.memory_space<vmem_shared>> -> memref<80x32xf32, #tpu.memory_space<vmem_shared>>
      %dma_wait3A_1029 = tpu.memref_slice %arg17[%dma_wait3A_1020, %dma_wait3A_1021] : memref<2x5x!tpu.dma_semaphore, #tpu.memory_space<semaphore_mem>> -> memref<1x1x!tpu.dma_semaphore, #tpu.memory_space<semaphore_mem>>
      %dma_wait3A_1030 = tpu.memref_squeeze %dma_wait3A_1029 : memref<1x1x!tpu.dma_semaphore, #tpu.memory_space<semaphore_mem>> -> memref<!tpu.dma_semaphore, #tpu.memory_space<semaphore_mem>>
      %dma_wait3A_1031 = arith.constant 0 : i32
      %dma_wait3A_1032 = arith.constant 0 : i32
      %dma_wait3A_1033 = tpu.memref_slice %arg14[%dma_wait3A_1031, %dma_wait3A_1032] : memref<10240x32xf32, #tpu.memory_space<vmem_shared>> -> memref<80x32xf32, #tpu.memory_space<vmem_shared>>
      %dma_wait3A_1034 = arith.constant 80 : i32
      %dma_wait3A_1035 = arith.constant 0 : i32
      %dma_wait3A_1036 = tpu.memref_slice %arg13[%dma_wait3A_1019, %dma_wait3A_1034, %dma_wait3A_1035] : memref<2x400x32xf32, #tpu.memory_space<vmem>> -> memref<1x80x32xf32, #tpu.memory_space<vmem>>
      %dma_wait3A_1037 = tpu.memref_squeeze %dma_wait3A_1036 : memref<1x80x32xf32, #tpu.memory_space<vmem>> -> memref<80x32xf32, #tpu.memory_space<vmem>>
      tpu.wait_dma2 semaphore(%dma_wait3A_1030 : memref<!tpu.dma_semaphore, #tpu.memory_space<semaphore_mem>>) src(%dma_wait3A_1037 : memref<80x32xf32, #tpu.memory_space<vmem>>) dst(%dma_wait3A_1033 : memref<80x32xf32, #tpu.memory_space<vmem_shared>>)
      %dma_wait3A_1038 = arith.constant 1 : i32
      %dma_wait3A_1039 = arith.constant 1 : i32
      %dma_wait3A_1040 = arith.constant 2 : i32
      %dma_wait3A_1041 = arith.constant 160 : i32
      %dma_wait3A_1042 = arith.constant 0 : i32
      %dma_wait3A_1043 = tpu.memref_slice %arg13[%dma_wait3A_1038, %dma_wait3A_1041, %dma_wait3A_1042] : memref<2x400x32xf32, #tpu.memory_space<vmem>> -> memref<1x80x32xf32, #tpu.memory_space<vmem>>
      %dma_wait3A_1044 = tpu.memref_squeeze %dma_wait3A_1043 : memref<1x80x32xf32, #tpu.memory_space<vmem>> -> memref<80x32xf32, #tpu.memory_space<vmem>>
      %dma_wait3A_1045 = arith.constant 0 : i32
      %dma_wait3A_1046 = arith.constant 0 : i32
      %dma_wait3A_1047 = tpu.memref_slice %arg14[%dma_wait3A_1045, %dma_wait3A_1046] : memref<10240x32xf32, #tpu.memory_space<vmem_shared>> -> memref<80x32xf32, #tpu.memory_space<vmem_shared>>
      %dma_wait3A_1048 = tpu.memref_slice %arg17[%dma_wait3A_1039, %dma_wait3A_1040] : memref<2x5x!tpu.dma_semaphore, #tpu.memory_space<semaphore_mem>> -> memref<1x1x!tpu.dma_semaphore, #tpu.memory_space<semaphore_mem>>
      %dma_wait3A_1049 = tpu.memref_squeeze %dma_wait3A_1048 : memref<1x1x!tpu.dma_semaphore, #tpu.memory_space<semaphore_mem>> -> memref<!tpu.dma_semaphore, #tpu.memory_space<semaphore_mem>>
      %dma_wait3A_1050 = arith.constant 0 : i32
      %dma_wait3A_1051 = arith.constant 0 : i32
      %dma_wait3A_1052 = tpu.memref_slice %arg14[%dma_wait3A_1050, %dma_wait3A_1051] : memref<10240x32xf32, #tpu.memory_space<vmem_shared>> -> memref<80x32xf32, #tpu.memory_space<vmem_shared>>
      %dma_wait3A_1053 = arith.constant 160 : i32
      %dma_wait3A_1054 = arith.constant 0 : i32
      %dma_wait3A_1055 = tpu.memref_slice %arg13[%dma_wait3A_1038, %dma_wait3A_1053, %dma_wait3A_1054] : memref<2x400x32xf32, #tpu.memory_space<vmem>> -> memref<1x80x32xf32, #tpu.memory_space<vmem>>
      %dma_wait3A_1056 = tpu.memref_squeeze %dma_wait3A_1055 : memref<1x80x32xf32, #tpu.memory_space<vmem>> -> memref<80x32xf32, #tpu.memory_space<vmem>>
      tpu.wait_dma2 semaphore(%dma_wait3A_1049 : memref<!tpu.dma_semaphore, #tpu.memory_space<semaphore_mem>>) src(%dma_wait3A_1056 : memref<80x32xf32, #tpu.memory_space<vmem>>) dst(%dma_wait3A_1052 : memref<80x32xf32, #tpu.memory_space<vmem_shared>>)
      %dma_wait3A_1057 = arith.constant 1 : i32
      %dma_wait3A_1058 = arith.constant 1 : i32
      %dma_wait3A_1059 = arith.constant 3 : i32
      %dma_wait3A_1060 = arith.constant 240 : i32
      %dma_wait3A_1061 = arith.constant 0 : i32
      %dma_wait3A_1062 = tpu.memref_slice %arg13[%dma_wait3A_1057, %dma_wait3A_1060, %dma_wait3A_1061] : memref<2x400x32xf32, #tpu.memory_space<vmem>> -> memref<1x80x32xf32, #tpu.memory_space<vmem>>
      %dma_wait3A_1063 = tpu.memref_squeeze %dma_wait3A_1062 : memref<1x80x32xf32, #tpu.memory_space<vmem>> -> memref<80x32xf32, #tpu.memory_space<vmem>>
      %dma_wait3A_1064 = arith.constant 0 : i32
      %dma_wait3A_1065 = arith.constant 0 : i32
      %dma_wait3A_1066 = tpu.memref_slice %arg14[%dma_wait3A_1064, %dma_wait3A_1065] : memref<10240x32xf32, #tpu.memory_space<vmem_shared>> -> memref<80x32xf32, #tpu.memory_space<vmem_shared>>
      %dma_wait3A_1067 = tpu.memref_slice %arg17[%dma_wait3A_1058, %dma_wait3A_1059] : memref<2x5x!tpu.dma_semaphore, #tpu.memory_space<semaphore_mem>> -> memref<1x1x!tpu.dma_semaphore, #tpu.memory_space<semaphore_mem>>
      %dma_wait3A_1068 = tpu.memref_squeeze %dma_wait3A_1067 : memref<1x1x!tpu.dma_semaphore, #tpu.memory_space<semaphore_mem>> -> memref<!tpu.dma_semaphore, #tpu.memory_space<semaphore_mem>>
      %dma_wait3A_1069 = arith.constant 0 : i32
      %dma_wait3A_1070 = arith.constant 0 : i32
      %dma_wait3A_1071 = tpu.memref_slice %arg14[%dma_wait3A_1069, %dma_wait3A_1070] : memref<10240x32xf32, #tpu.memory_space<vmem_shared>> -> memref<80x32xf32, #tpu.memory_space<vmem_shared>>
      %dma_wait3A_1072 = arith.constant 240 : i32
      %dma_wait3A_1073 = arith.constant 0 : i32
      %dma_wait3A_1074 = tpu.memref_slice %arg13[%dma_wait3A_1057, %dma_wait3A_1072, %dma_wait3A_1073] : memref<2x400x32xf32, #tpu.memory_space<vmem>> -> memref<1x80x32xf32, #tpu.memory_space<vmem>>
      %dma_wait3A_1075 = tpu.memref_squeeze %dma_wait3A_1074 : memref<1x80x32xf32, #tpu.memory_space<vmem>> -> memref<80x32xf32, #tpu.memory_space<vmem>>
      tpu.wait_dma2 semaphore(%dma_wait3A_1068 : memref<!tpu.dma_semaphore, #tpu.memory_space<semaphore_mem>>) src(%dma_wait3A_1075 : memref<80x32xf32, #tpu.memory_space<vmem>>) dst(%dma_wait3A_1071 : memref<80x32xf32, #tpu.memory_space<vmem_shared>>)
      %dma_wait3A_1076 = arith.constant 1 : i32
      %dma_wait3A_1077 = arith.constant 1 : i32
      %dma_wait3A_1078 = arith.constant 4 : i32
      %dma_wait3A_1079 = arith.constant 320 : i32
      %dma_wait3A_1080 = arith.constant 0 : i32
      %dma_wait3A_1081 = tpu.memref_slice %arg13[%dma_wait3A_1076, %dma_wait3A_1079, %dma_wait3A_1080] : memref<2x400x32xf32, #tpu.memory_space<vmem>> -> memref<1x80x32xf32, #tpu.memory_space<vmem>>
      %dma_wait3A_1082 = tpu.memref_squeeze %dma_wait3A_1081 : memref<1x80x32xf32, #tpu.memory_space<vmem>> -> memref<80x32xf32, #tpu.memory_space<vmem>>
      %dma_wait3A_1083 = arith.constant 0 : i32
      %dma_wait3A_1084 = arith.constant 0 : i32
      %dma_wait3A_1085 = tpu.memref_slice %arg14[%dma_wait3A_1083, %dma_wait3A_1084] : memref<10240x32xf32, #tpu.memory_space<vmem_shared>> -> memref<80x32xf32, #tpu.memory_space<vmem_shared>>
      %dma_wait3A_1086 = tpu.memref_slice %arg17[%dma_wait3A_1077, %dma_wait3A_1078] : memref<2x5x!tpu.dma_semaphore, #tpu.memory_space<semaphore_mem>> -> memref<1x1x!tpu.dma_semaphore, #tpu.memory_space<semaphore_mem>>
      %dma_wait3A_1087 = tpu.memref_squeeze %dma_wait3A_1086 : memref<1x1x!tpu.dma_semaphore, #tpu.memory_space<semaphore_mem>> -> memref<!tpu.dma_semaphore, #tpu.memory_space<semaphore_mem>>
      %dma_wait3A_1088 = arith.constant 0 : i32
      %dma_wait3A_1089 = arith.constant 0 : i32
      %dma_wait3A_1090 = tpu.memref_slice %arg14[%dma_wait3A_1088, %dma_wait3A_1089] : memref<10240x32xf32, #tpu.memory_space<vmem_shared>> -> memref<80x32xf32, #tpu.memory_space<vmem_shared>>
      %dma_wait3A_1091 = arith.constant 320 : i32
      %dma_wait3A_1092 = arith.constant 0 : i32
      %dma_wait3A_1093 = tpu.memref_slice %arg13[%dma_wait3A_1076, %dma_wait3A_1091, %dma_wait3A_1092] : memref<2x400x32xf32, #tpu.memory_space<vmem>> -> memref<1x80x32xf32, #tpu.memory_space<vmem>>
      %dma_wait3A_1094 = tpu.memref_squeeze %dma_wait3A_1093 : memref<1x80x32xf32, #tpu.memory_space<vmem>> -> memref<80x32xf32, #tpu.memory_space<vmem>>
      tpu.wait_dma2 semaphore(%dma_wait3A_1087 : memref<!tpu.dma_semaphore, #tpu.memory_space<semaphore_mem>>) src(%dma_wait3A_1094 : memref<80x32xf32, #tpu.memory_space<vmem>>) dst(%dma_wait3A_1090 : memref<80x32xf32, #tpu.memory_space<vmem_shared>>)
      %scan3A_1095 = arith.constant 0 : i32
      scf.yield %scan3A_1095 : i32
    }
    %scan3A_303 = arith.constant 25 : i32
    %barrier3A_304 = arith.constant 0 : index
    tpu.barrier barrier_id(%barrier3A_304)
    "tpu.region"() ({
      %run_scoped3A_305 = tpu.sem_alloc : memref<!tpu.dma_semaphore, #tpu.memory_space<semaphore_mem>>
      %dma_start3A_306 = arith.constant 0 : i32
      %dma_start3A_307 = tpu.memref_slice %arg5[%add3A_196, %mul3A_0, %dma_start3A_306] : memref<4x10240x32xf32, #tpu.memory_space<hbm>> -> memref<1x640x32xf32, #tpu.memory_space<hbm>>
      %dma_start3A_308 = tpu.memref_squeeze %dma_start3A_307 : memref<1x640x32xf32, #tpu.memory_space<hbm>> -> memref<640x32xf32, #tpu.memory_space<hbm>>
      %dma_start3A_309 = arith.constant 0 : i32
      %dma_start3A_310 = tpu.memref_slice %arg14[%mul3A_0, %dma_start3A_309] : memref<10240x32xf32, #tpu.memory_space<vmem_shared>> -> memref<640x32xf32, #tpu.memory_space<vmem_shared>>
      tpu.enqueue_dma source(%dma_start3A_310 : memref<640x32xf32, #tpu.memory_space<vmem_shared>>) target(%dma_start3A_308 : memref<640x32xf32, #tpu.memory_space<hbm>>) target_semaphore(%run_scoped3A_305 : memref<!tpu.dma_semaphore, #tpu.memory_space<semaphore_mem>>)
      %dma_wait3A = arith.constant 0 : i32
      %dma_wait3A_311 = tpu.memref_slice %arg5[%add3A_196, %mul3A_0, %dma_wait3A] : memref<4x10240x32xf32, #tpu.memory_space<hbm>> -> memref<1x640x32xf32, #tpu.memory_space<hbm>>
      %dma_wait3A_312 = tpu.memref_squeeze %dma_wait3A_311 : memref<1x640x32xf32, #tpu.memory_space<hbm>> -> memref<640x32xf32, #tpu.memory_space<hbm>>
      %dma_wait3A_313 = arith.constant 0 : i32
      %dma_wait3A_314 = tpu.memref_slice %arg14[%mul3A_0, %dma_wait3A_313] : memref<10240x32xf32, #tpu.memory_space<vmem_shared>> -> memref<640x32xf32, #tpu.memory_space<vmem_shared>>
      tpu.wait_dma2 semaphore(%run_scoped3A_305 : memref<!tpu.dma_semaphore, #tpu.memory_space<semaphore_mem>>) src(%dma_wait3A_314 : memref<640x32xf32, #tpu.memory_space<vmem_shared>>) dst(%dma_wait3A_312 : memref<640x32xf32, #tpu.memory_space<hbm>>)
      tpu.yield
    }) : () -> ()
    return
  }
}

module attributes {stable_mosaic.version = 14 : i64} {
  func.func @_tc_body(%arg0: i32, %arg1: memref<1000x128xf32, #tpu.memory_space<vmem>>, %arg2: memref<1x1000x32xf32, #tpu.memory_space<vmem>>, %arg3: memref<1x1000x32xf32, #tpu.memory_space<vmem>>, %arg4: memref<1x1000x32xf32, #tpu.memory_space<vmem>>, %arg5: memref<1x1000x32xf32, #tpu.memory_space<vmem>>, %arg6: memref<1000x1xf32, #tpu.memory_space<vmem>>, %arg7: memref<128x128xf32, #tpu.memory_space<vmem>>, %arg8: memref<1x128xf32, #tpu.memory_space<vmem>>, %arg9: memref<128x1xf32, #tpu.memory_space<vmem>>, %arg10: memref<1x1xf32, #tpu.memory_space<vmem>>, %arg11: memref<1000x1xf32, #tpu.memory_space<vmem>>) attributes {dimension_semantics = [#tpu.dimension_semantics<arbitrary>], iteration_bounds = array<i64: 10>, scalar_prefetch = 0 : i64, scratch_operands = 0 : i64, tpu.core_type = #tpu.core_type<tc>, window_params = [{transform_indices = @transform_0, window_bounds = array<i64: 1000, 128>}, {transform_indices = @transform_1, window_bounds = array<i64: 1, 1000, 32>}, {transform_indices = @transform_2, window_bounds = array<i64: 1, 1000, 32>}, {transform_indices = @transform_3, window_bounds = array<i64: 1, 1000, 32>}, {transform_indices = @transform_4, window_bounds = array<i64: 1, 1000, 32>}, {transform_indices = @transform_5, window_bounds = array<i64: 1000, 1>}, {pipeline_mode = #tpu.pipeline_mode<synchronous>, transform_indices = @transform_6, window_bounds = array<i64: 128, 128>}, {pipeline_mode = #tpu.pipeline_mode<synchronous>, transform_indices = @transform_7, window_bounds = array<i64: 1, 128>}, {pipeline_mode = #tpu.pipeline_mode<synchronous>, transform_indices = @transform_8, window_bounds = array<i64: 128, 1>}, {pipeline_mode = #tpu.pipeline_mode<synchronous>, transform_indices = @transform_9, window_bounds = array<i64: 1, 1>}, {transform_indices = @transform_10, window_bounds = array<i64: 1000, 1>}]} {
    %get3A = arith.constant 0 : index
    %get3A_0 = arith.constant 0 : index
    %get3A_1 = vector.load %arg6[%get3A, %get3A_0] : memref<1000x1xf32, #tpu.memory_space<vmem>>, vector<1000x1xf32>
    %get3A_2 = arith.constant 0 : index
    %get3A_3 = arith.constant 0 : index
    %get3A_4 = arith.constant 0 : index
    %get3A_5 = vector.load %arg2[%get3A_2, %get3A_3, %get3A_4] : memref<1x1000x32xf32, #tpu.memory_space<vmem>>, vector<1x1000x32xf32>
    %get3A_6 = vector.shape_cast %get3A_5 : vector<1x1000x32xf32> to vector<1000x32xf32>
    %get3A_7 = arith.constant 0 : index
    %get3A_8 = arith.constant 0 : index
    %get3A_9 = arith.constant 0 : index
    %get3A_10 = vector.load %arg3[%get3A_7, %get3A_8, %get3A_9] : memref<1x1000x32xf32, #tpu.memory_space<vmem>>, vector<1x1000x32xf32>
    %get3A_11 = vector.shape_cast %get3A_10 : vector<1x1000x32xf32> to vector<1000x32xf32>
    %get3A_12 = arith.constant 0 : index
    %get3A_13 = arith.constant 0 : index
    %get3A_14 = arith.constant 0 : index
    %get3A_15 = vector.load %arg4[%get3A_12, %get3A_13, %get3A_14] : memref<1x1000x32xf32, #tpu.memory_space<vmem>>, vector<1x1000x32xf32>
    %get3A_16 = vector.shape_cast %get3A_15 : vector<1x1000x32xf32> to vector<1000x32xf32>
    %get3A_17 = arith.constant 0 : index
    %get3A_18 = arith.constant 0 : index
    %get3A_19 = arith.constant 0 : index
    %get3A_20 = vector.load %arg5[%get3A_17, %get3A_18, %get3A_19] : memref<1x1000x32xf32, #tpu.memory_space<vmem>>, vector<1x1000x32xf32>
    %get3A_21 = vector.shape_cast %get3A_20 : vector<1x1000x32xf32> to vector<1000x32xf32>
    %concatenate3A = tpu.concatenate %get3A_6, %get3A_11, %get3A_16, %get3A_21 in 1 : vector<1000x32xf32>, vector<1000x32xf32>, vector<1000x32xf32>, vector<1000x32xf32> -> vector<1000x128xf32>
    %mul3A = vector.broadcast %get3A_1 : vector<1000x1xf32> to vector<1000x128xf32>
    %mul3A_22 = arith.mulf %mul3A, %concatenate3A : vector<1000x128xf32>
    %mul3A_23 = arith.mulf %get3A_1, %get3A_1 : vector<1000x1xf32>
    %get3A_24 = arith.constant 0 : index
    %get3A_25 = arith.constant 0 : index
    %get3A_26 = vector.load %arg1[%get3A_24, %get3A_25] : memref<1000x128xf32, #tpu.memory_space<vmem>>, vector<1000x128xf32>
    %mul3A_27 = vector.broadcast %mul3A_23 : vector<1000x1xf32> to vector<1000x128xf32>
    %mul3A_28 = arith.mulf %mul3A_27, %get3A_26 : vector<1000x128xf32>
    %add3A = arith.addf %mul3A_22, %mul3A_28 : vector<1000x128xf32>
    %get3A_29 = arith.constant 0 : index
    %get3A_30 = arith.constant 0 : index
    %get3A_31 = vector.load %arg7[%get3A_29, %get3A_30] : memref<128x128xf32, #tpu.memory_space<vmem>>, vector<128x128xf32>
    %dot_general3A = arith.constant dense<0.000000e+00> : vector<1000x128xf32>
    %dot_general3A_32 = tpu.matmul %add3A, %get3A_31, %dot_general3A {dimension_numbers = #tpu.dot_dimension_numbers<[1], [0], [0], [1], [0, 0, 1, 1], [], []>, transpose_lhs_hint = false} : vector<1000x128xf32>, vector<128x128xf32>, vector<1000x128xf32> -> vector<1000x128xf32>
    %get3A_33 = arith.constant 0 : index
    %get3A_34 = arith.constant 0 : index
    %get3A_35 = vector.load %arg8[%get3A_33, %get3A_34] : memref<1x128xf32, #tpu.memory_space<vmem>>, vector<1x128xf32>
    %add3A_36 = vector.broadcast %get3A_35 : vector<1x128xf32> to vector<1000x128xf32>
    %add3A_37 = arith.addf %dot_general3A_32, %add3A_36 : vector<1000x128xf32>
    %max3A = arith.constant 0.000000e+00 : f32
    %max3A_38 = vector.broadcast %max3A : f32 to vector<1000x128xf32>
    %max3A_39 = arith.maximumf %add3A_37, %max3A_38 : vector<1000x128xf32>
    %get3A_40 = arith.constant 0 : index
    %get3A_41 = arith.constant 0 : index
    %get3A_42 = vector.load %arg9[%get3A_40, %get3A_41] : memref<128x1xf32, #tpu.memory_space<vmem>>, vector<128x1xf32>
    %dot_general3A_43 = arith.constant dense<0.000000e+00> : vector<1000x1xf32>
    %dot_general3A_44 = tpu.matmul %max3A_39, %get3A_42, %dot_general3A_43 {dimension_numbers = #tpu.dot_dimension_numbers<[1], [0], [0], [1], [0, 0, 1, 1], [], []>, transpose_lhs_hint = false} : vector<1000x128xf32>, vector<128x1xf32>, vector<1000x1xf32> -> vector<1000x1xf32>
    %get3A_45 = arith.constant 0 : index
    %get3A_46 = arith.constant 0 : index
    %get3A_47 = vector.load %arg10[%get3A_45, %get3A_46] : memref<1x1xf32, #tpu.memory_space<vmem>>, vector<1x1xf32>
    %add3A_48 = vector.broadcast %get3A_47 : vector<1x1xf32> to vector<1000x1xf32>
    %add3A_49 = arith.addf %dot_general3A_44, %add3A_48 : vector<1000x1xf32>
    %swap3A = arith.constant 0 : index
    %swap3A_50 = arith.constant 0 : index
    %swap3A_51 = vector.load %arg11[%swap3A, %swap3A_50] : memref<1000x1xf32, #tpu.memory_space<vmem>>, vector<1000x1xf32>
    tpu.vector_store %arg11[%swap3A, %swap3A_50], %add3A_49 {strides = array<i32>} : memref<1000x1xf32, #tpu.memory_space<vmem>>, vector<1000x1xf32>,
    return
  }
  func.func @transform_0(%arg0: i32) -> (i32, i32) {
    %c0_i32 = arith.constant 0 : i32
    %c0_i32_0 = arith.constant 0 : i32
    return %arg0, %c0_i32 : i32, i32
  }
  func.func @transform_1(%arg0: i32) -> (i32, i32, i32) {
    %c0_i32 = arith.constant 0 : i32
    %c0_i32_0 = arith.constant 0 : i32
    %c0_i32_1 = arith.constant 0 : i32
    return %c0_i32, %arg0, %c0_i32_0 : i32, i32, i32
  }
  func.func @transform_2(%arg0: i32) -> (i32, i32, i32) {
    %c1_i32 = arith.constant 1 : i32
    %c0_i32 = arith.constant 0 : i32
    %c0_i32_0 = arith.constant 0 : i32
    return %c1_i32, %arg0, %c0_i32 : i32, i32, i32
  }
  func.func @transform_3(%arg0: i32) -> (i32, i32, i32) {
    %c2_i32 = arith.constant 2 : i32
    %c0_i32 = arith.constant 0 : i32
    %c0_i32_0 = arith.constant 0 : i32
    return %c2_i32, %arg0, %c0_i32 : i32, i32, i32
  }
  func.func @transform_4(%arg0: i32) -> (i32, i32, i32) {
    %c3_i32 = arith.constant 3 : i32
    %c0_i32 = arith.constant 0 : i32
    %c0_i32_0 = arith.constant 0 : i32
    return %c3_i32, %arg0, %c0_i32 : i32, i32, i32
  }
  func.func @transform_5(%arg0: i32) -> (i32, i32) {
    %c0_i32 = arith.constant 0 : i32
    %c0_i32_0 = arith.constant 0 : i32
    return %arg0, %c0_i32 : i32, i32
  }
  func.func @transform_6(%arg0: i32) -> (i32, i32) {
    %c0_i32 = arith.constant 0 : i32
    %c0_i32_0 = arith.constant 0 : i32
    %c0_i32_1 = arith.constant 0 : i32
    return %c0_i32, %c0_i32_0 : i32, i32
  }
  func.func @transform_7(%arg0: i32) -> (i32, i32) {
    %c0_i32 = arith.constant 0 : i32
    %c0_i32_0 = arith.constant 0 : i32
    %c0_i32_1 = arith.constant 0 : i32
    return %c0_i32, %c0_i32_0 : i32, i32
  }
  func.func @transform_8(%arg0: i32) -> (i32, i32) {
    %c0_i32 = arith.constant 0 : i32
    %c0_i32_0 = arith.constant 0 : i32
    %c0_i32_1 = arith.constant 0 : i32
    return %c0_i32, %c0_i32_0 : i32, i32
  }
  func.func @transform_9(%arg0: i32) -> (i32, i32) {
    %c0_i32 = arith.constant 0 : i32
    %c0_i32_0 = arith.constant 0 : i32
    %c0_i32_1 = arith.constant 0 : i32
    return %c0_i32, %c0_i32_0 : i32, i32
  }
  func.func @transform_10(%arg0: i32) -> (i32, i32) {
    %c0_i32 = arith.constant 0 : i32
    %c0_i32_0 = arith.constant 0 : i32
    return %arg0, %c0_i32 : i32, i32
  }
}

</mosaic_0001>

<sc_bundles>
// kernel: kernel.4.cloned.1.call-start
scs
__scs_entry_jumppad:
0x0: {  	(pc) =	sbr.rel $0x88, $3  }
0x1: {  	(tag) =	ssettag $0x0;
	lr =	simm.s32 $0x1  }
0x2: {  	[smem:$0x3F9A] =	sst lr;
	_ =	strace $0xD0000000  }
0x3: {  	_ = 	snop  }
0x4: {  	_ = 	snop  }
0x5: {  	_ = 	snop  }
0x6: {  	_ = 	snop  }
0x7: {  	_ = 	snop  }
__scs_overlays_trampoline_lowered:
0x8: {  	[smem:$0x3FA9] =	sst s0  }
0x9: {  	[smem:$0x3FAA] =	sst s1  }
0xa: {  	[smem:$0x3FAB] =	sst s2  }
0xb: {  	[smem:$0x3FAC] =	sst s3  }
0xc: {  	[smem:$0x3FAD] =	sst s4  }
0xd: {  	[smem:$0x3FAE] =	sst s5  }
0xe: {  	[smem:$0x3FAF] =	sst s6  }
0xf: {  	[smem:$0x3FB0] =	sst s7  }
0x10: {  	[smem:$0x3FB1] =	sst s8  }
0x11: {  	[smem:$0x3FB2] =	sst s9;
	s0 =	simm.s32 @!p0 $0x0  }
0x12: {  	s1 =	sld [smem:$0x3F98];
	s0 =	simm.s32 @p0 $0x1  }
0x13: {  	[smem:$0x3FB3] =	sst s0;
	s0 =	simm.s32 @!p1 $0x0  }
0x14: {  	s2 =	sld [smem:$0x3F97];
	s0 =	simm.s32 @p1 $0x1  }
0x15: {  	[smem:$0x3FB4] =	sst s0;
	s0 =	simm.s32 @!p2 $0x0  }
0x16: {  	s3 =	sld [smem:$0x3FDB];
	s0 =	simm.s32 @p2 $0x1  }
0x17: {  	s4 =	simm.s32 $0x1BF5;
	[smem:$0x3FB6] =	sst s0  }
0x18: {  	s0 =	sld [smem:$0x3F99];
	_ =	swait.ge [sflag:s4], $0x0  }
0x19: {  	s7 =	sld [smem:$0x3F9A]  }
0x1a: {  	s8 =	sadd.s32 $0xFFFFE003, lr  }
0x1b: {  	s9 =	sadd.s32 $0xFFFFFEF7, lr;
	s5 =	simm.s32 $0xFFFFFFFF;
	p2 =	slt.u32 s8, $0xFFFFF086  }
0x1c: {  	p1 =	slt.u32 s9, $0xF7A;
	s5 =	simm.s32 @!p2 $0x0  }
0x1d: {  	s5 =	simm.s32 @p1 $0x1;
	p0 =	seq.s32 s7, s2  }
0x1e: {  	s7 =	smul.u32 @!p0 $0xF7A, s2;
	p2 =	seq.s32 @!p0 s5, $0x0  }
0x1f: {  	s9 =	smul.u32 $0xF7A, s1;
	s8 =	simm.s32 @!p0 $0x1BF5;
	p2 =	por !p2, p0  }
0x20: {  	[sflag:s8] =	ssyncset.s32 @!p0 $0xFFFFF086;
	s6 =	sadd.s32 @!p0 s3, s7;
	s7 =	simm.s32 @!p0 $0x108  }
0x21: {  	s3 =	sadd.s32 s3, s9;
	s6 =	sadd.s32 @!p0 $0x88, s6;
	s7 =	simm.s32 @p2 $0x1082  }
0x22: {  	[simem:s7], [sflag:s8] =	dma.local @!p0 [hbm:s6], $0xF7A  }
0x23: {  	s9 =	sor.u32 $0xD0000000, s2;
	s6 =	simm.s32 $0x108;
	_ =	swait.ge @!p0 [sflag:s8], $0x0  }
0x24: {  	s3 =	sadd.s32 $0x88, s3;
	s6 =	simm.s32 @!p1 $0x1082;
	[sflag:s4] =	ssyncset.s32 $0xFFFFF086  }
0x25: {  	[simem:s6], [sflag:s4] =	dma.local [hbm:s3], $0xF7A  }
0x26: {  	[smem:$0x3F9A] =	sst s1;
	(tag) =	ssettag s2;
	_ =	strace s9  }
0x27: {  	s1 =	sld [smem:$0x3FAA]  }
0x28: {  	s2 =	sld [smem:$0x3FAB]  }
0x29: {  	s4 =	sld [smem:$0x3FAD]  }
0x2a: {  	p0 =	seq.s32 s5, $0x0;
	s5 =	sld [smem:$0x3FAE]  }
0x2b: {  	s6 =	sld [smem:$0x3FAF]  }
0x2c: {  	s7 =	sld [smem:$0x3FB0]  }
0x2d: {  	s3 =	simm.s32 $0x108;
	s8 =	sld [smem:$0x3FB1]  }
0x2e: {  	s3 =	simm.s32 @!p0 $0x1082;
	s9 =	sld [smem:$0x3FB2]  }
0x2f: {  	lr =	sadd.s32 s0, s3;
	s0 =	sld [smem:$0x3FA9]  }
0x30: {  	s3 =	sld [smem:$0x3FAC]  }
0x31: {  	[smem:$0x3FB5] =	sst s10  }
0x32: {  	s10 =	sld [smem:$0x3FB3];
	_ =	sdelay $0x3  }
0x33: {  	p0 =	seq.s32 s10, $0x1;
	s10 =	sld [smem:$0x3FB5];
	_ =	sdelay $0x3  }
0x34: {  	[smem:$0x3FB5] =	sst s10  }
0x35: {  	s10 =	sld [smem:$0x3FB4];
	_ =	sdelay $0x3  }
0x36: {  	p1 =	seq.s32 s10, $0x1;
	s10 =	sld [smem:$0x3FB5];
	_ =	sdelay $0x3  }
0x37: {  	[smem:$0x3FB5] =	sst s10  }
0x38: {  	s10 =	sld [smem:$0x3FB6]  }
0x39: {  	_ = 	snop;
	(pc) =	sbr.ind lr, $3  }
0x3a: {  	_ = 	snop  }
0x3b: {  	_ = 	snop  }
0x3c: {  	p2 =	seq.s32 s10, $0x1;
	s10 =	sld [smem:$0x3FB5]  }
0x3d: {  	_ =	shalt  }
0x3e: {  	_ =	shalt  }
0x3f: {  	_ =	shalt  }
0x40: {  	_ =	shalt  }
0x41: {  	_ =	shalt  }
0x42: {  	_ =	shalt  }
0x43: {  	_ =	shalt  }
0x44: {  	_ =	shalt  }
0x45: {  	_ =	shalt  }
0x46: {  	_ =	shalt  }
0x47: {  	_ =	shalt  }
0x48: {  	_ =	shalt  }
0x49: {  	_ =	shalt  }
0x4a: {  	_ =	shalt  }
0x4b: {  	_ =	shalt  }
0x4c: {  	_ =	shalt  }
0x4d: {  	_ =	shalt  }
0x4e: {  	_ =	shalt  }
0x4f: {  	_ =	shalt  }
0x50: {  	_ =	shalt  }
0x51: {  	_ =	shalt  }
0x52: {  	_ =	shalt  }
0x53: {  	_ =	shalt  }
0x54: {  	_ =	shalt  }
0x55: {  	_ =	shalt  }
0x56: {  	_ =	shalt  }
0x57: {  	_ =	shalt  }
0x58: {  	_ =	shalt  }
0x59: {  	_ =	shalt  }
0x5a: {  	_ =	shalt  }
0x5b: {  	_ =	shalt  }
0x5c: {  	_ =	shalt  }
0x5d: {  	_ =	shalt  }
0x5e: {  	_ =	shalt  }
0x5f: {  	_ =	shalt  }
0x60: {  	_ =	shalt  }
0x61: {  	_ =	shalt  }
0x62: {  	_ =	shalt  }
0x63: {  	_ =	shalt  }
0x64: {  	_ =	shalt  }
0x65: {  	_ =	shalt  }
0x66: {  	_ =	shalt  }
0x67: {  	_ =	shalt  }
0x68: {  	_ =	shalt  }
0x69: {  	_ =	shalt  }
0x6a: {  	_ =	shalt  }
0x6b: {  	_ =	shalt  }
0x6c: {  	_ =	shalt  }
0x6d: {  	_ =	shalt  }
0x6e: {  	_ =	shalt  }
0x6f: {  	_ =	shalt  }
0x70: {  	_ =	shalt  }
0x71: {  	_ =	shalt  }
0x72: {  	_ =	shalt  }
0x73: {  	_ =	shalt  }
0x74: {  	_ =	shalt  }
0x75: {  	_ =	shalt  }
0x76: {  	_ =	shalt  }
0x77: {  	_ =	shalt  }
0x78: {  	_ =	shalt  }
0x79: {  	_ =	shalt  }
0x7a: {  	_ =	shalt  }
0x7b: {  	_ =	shalt  }
0x7c: {  	_ =	shalt  }
0x7d: {  	_ =	shalt  }
0x7e: {  	_ =	shalt  }
0x7f: {  	_ =	shalt  }
0x80: {  	_ =	shalt  }
0x81: {  	_ =	shalt  }
0x82: {  	_ =	shalt  }
0x83: {  	_ =	shalt  }
0x84: {  	_ =	shalt  }
0x85: {  	_ =	shalt  }
0x86: {  	_ =	shalt  }
0x87: {  	_ =	shalt  }
.Lfunc_end0:
.L_simem_size_0:
called_computation_lowered:
.L_overlay_start_0:
0x88: {  	s2 =	sld [smem:$0x3FD9]  }
0x89: {  	s3 =	sld [smem:$0x3FFE];
	_ =	sdelay $0x1  }
0x8a: {  	s1 =	srdreg.scid  }
0x8b: {  	s0 =	sand.u32 $0x1, s1  }
0x8c: {  	s17 =	sshll.u32 s0, $0xA;
	s2 =	sadd.s32 s3, s2  }
0x8d: {  	s2 =	sadd.s32 s2, s17  }
0x8e: {  	[smem:$0x3FC1] =	sst s2  }
0x8f: {  	_ = 	snop  }
0x90: {  	s2 =	sld [smem:$0x3FC7];
	(tm) =	ssettm $0x1  }
0x91: {  	s18 =	sld [smem:$0x3FFB];
	_ =	sdelay $0x3  }
0x92: {  	_ =	strace s18  }
0x93: {  	s3 =	sld [smem:$0x3FFC];
	_ =	sdelay $0x3  }
0x94: {  	_ =	strace s3  }
0x95: {  	s3 =	sld [smem:$0x3FFD];
	_ =	sdelay $0x3  }
0x96: {  	_ =	strace s3  }
0x97: {  	_ =	strace $0x8FFFFFFF  }
0x98: {  	s19 =	sld [smem:$0x3FDB];
	_ =	sdelay $0x1  }
0x99: {  	s4 =	simm.s32 $_scs_section_size  }
0x9a: {  	s5 =	simm.s32 $_size__tile_overlayer_lowered;
	s6 =	simm.s32 $_tile_overlayer_lowered  }
0x9b: {  	s22 =	simm.s32 $0x1BFF;
	s21 =	sshll.u32 s6, $0x1;
	s3 =	sadd.s32 s4, s19  }
0x9c: {  	s7 =	simm.s32 $0x0;
	s20 =	sshll.u32 s5, $0x1;
	s5 =	sadd.s32 s21, s3  }
0x9d: {  	[timem:s7], [sflag:s22] =	dma.local [hbm:s5], s20  }
0x9e: {  	_ =	swait.ge [sflag:s22], s20  }
0x9f: {  	s4 =	ssub.s32 $0x0, s20;
	[sflag:s22] =	ssyncset.done $0x0  }
0xa0: {  	[sflag:s22] =	ssyncadd.s32 s4;
	_ =	sdelay $0x1  }
0xa1: {  	s23 =	simm.s32 $0x1B8B  }
0xa2: {  	_ =	swait.ge [sflag:s23], $0x1  }
0xa3: {  	[sflag:s23] =	ssyncset.done $0x0  }
0xa4: {  	s25 =	simm.s32 $0x1B8E;
	s24 =	sld [smem:$0x3FFE];
	[sflag:s23] =	ssyncadd.s32 $0xFFFFFFFF  }
0xa5: {  	s26 =	simm.s32 $execute0_lowered;
	[smem:$0x3FD2] =	sst s25  }
0xa6: {  	s5 =	sshll.u32 s26, $0x1;
	_ =	strace $0x80000046;
	[dreg:$0x1] =	wrdreg $0xFFFFFFFF  }
0xa7: {  	s28 =	simm.s32 $_size_execute0_lowered;
	s3 =	sadd.s32 s3, s5;
	[dreg:$0x0] =	wrdreg $0x0  }
0xa8: {  	s5 =	sshll.u32 s28, $0x1;
	[dreg:$0x2] =	wrdreg s3  }
0xa9: {  	[dreg:$0x3] =	wrdreg s5  }
0xaa: {  	[dreg:$0x4] =	wrdreg $0xC0  }
0xab: {  	_ =	task [dreg:s7], $0x5FFFF  }
0xac: {  	[dreg:$0x1] =	wrdreg $0xFFFFFFFF  }
0xad: {  	[dreg:$0x0] =	wrdreg $0x60  }
0xae: {  	[dreg:$0x2] =	wrdreg s24  }
0xaf: {  	[dreg:$0x3] =	wrdreg s2  }
0xb0: {  	[dreg:$0x4] =	wrdreg $0x180E00  }
0xb1: {  	[dreg:$0x5] =	wrdreg $0x1D0E00  }
0xb2: {  	[dreg:$0x6] =	wrdreg $0x9  }
0xb3: {  	_ =	task.clear_ibuf [dreg:s7], $0x7FFFF;
	_ =	strace $0x90000046  }
0xb4: {  	s29 =	simm.s32 $0x9;
	_ =	strace $0x80000048  }
0xb5: {  	_ =	swait.ge [sflag:s29], $0x1  }
0xb6: {  	[sflag:s29] =	ssyncadd.s32 $0xFFFFFFFF  }
0xb7: {  	_ =	strace $0x90000048  }
0xb8: {  	_ =	sfence  }
0xb9: {  	s30 =	sld [smem:$0x0];
	_ =	sdelay $0x2  }
0xba: {  	s31 =	sshll.u32 s1, $0xD;
	s1 =	sshrl.u32 s1, $0x2  }
0xbb: {  	s3 =	sand.u32 $0x4000, s31;
	s1 =	sadd.s32 s1, s30  }
0xbc: {  	s0 =	sor.u32 s3, s0;
	s1 =	sshll.u32 s1, $0x11  }
0xbd: {  	s0 =	sor.u32 s1, s0  }
0xbe: {  	s0 =	sadd.s32 $0x8F2B, s0  }
0xbf: {  	[sflag:s0] =	ssyncadd.remote.s32 $0x1  }
0xc0: {  	_ =	sfence.sel $0xFFFF  }
0xc1: {  	[dreg:$0x0] =	wrdreg $0xFFFFFFFF;
	(pc) =	sbr.abs _section_cstart, $3  }
0xc2: {  	[dreg:$0x1] =	wrdreg $0xFFFFFFFF  }
0xc3: {  	_ =	task.clear_ibuf [dreg:s7], $0x2FFFF;
	_ =	strace $0x9FFFFFFF  }
0xc4: {  	(tm) =	ssettm $0x7FFFFFFF  }
0xc5: {  	_ =	shalt  }
tec
execute0_lowered:
.L_overlay_start_1:
0x0: {  	(tag) =	ssettag $0x1  }
0x1: {  	s0 =	rddreg [dreg:$0x0]  }
0x2: {  	s1 =	rddreg [dreg:$0x1]  }
0x3: {  	s2 =	rddreg [dreg:$0x2]  }
0x4: {  	s3 =	rddreg [dreg:$0x3];
	s13 =	stileid.u32  }
0x5: {  	s5 =	simm.s32 $0x0;
	s6 =	srdreg.scid;
	s4 =	smul.u32 $0x4E20, s13  }
0x6: {  	[smem:$0x7FF] =	sst s5;
	s5 =	smul.u32 $0x280, s13  }
0x7: {  	s28 =	simm.s32 $0x9C40;
	s31 =	simm.s32 $0x50;
	s11 =	smul.u32 $0x9C4, s13  }
0x8: {  	s29 =	simm.s32 $0x162E0;
	s7 =	sadd.s32 $0x1A00, s0;
	s12 =	smul.u32 $0x14000, s13  }
0x9: {  	s8 =	sadd.s32 $0x3D400, s0;
	s6 =	sand.u32 $0x1, s6;
	s30 =	smul.u32 $0x5000, s13  }
0xa: {  	_ =	strace $0x80000047;
	s10 =	ssub.s32 $0x2, s6;
	s14 =	smul.u32 $0xA0000, s6  }
0xb: {  	p0 =	sne.s32 s6, $0x0;
	s6 =	simm.s32 $0x10;
	s4 =	sshrl.u32 s4, $0x3  }
0xc: {  	s9 =	sshrl.u32 s5, $0x3;
	s25 =	sshrl.u32 s10, $0x1;
	s1 =	sadd.s32 s1, s11  }
0xd: {  	s12 =	sshrl.u32 s12, $0x2;
	s13 =	sadd.s32 s30, s2;
	s4 =	sadd.s32 s4, s0  }
0xe: {  	s0 =	sadd.s32 s9, s0;
	s9 =	ssub.s32 s10, s25;
	[dreg:$0x7] =	wrdreg s1  }
0xf: {  	[dreg:$0x8] =	wrdreg s13;
	s1 =	sadd.s32 s12, s2;
	s26 =	sadd.s32 $0x29A00, s4  }
0x10: {  	s20 =	sshrl.u32 s14, $0x3;
	s4 =	sadd.s32 $0x33640, s4;
	[dreg:$0x5] =	wrdreg s26  }
0x11: {  	s22 =	sadd.s32 $0x50000, s14;
	s15 =	sadd.s32 $0x800, s1;
	[dreg:$0x6] =	wrdreg s4  }
0x12: {  	s16 =	sadd.s32 $0x1000, s1;
	s17 =	sadd.s32 $0x1800, s1;
	[dreg:$0x9] =	wrdreg s15  }
0x13: {  	s18 =	sadd.s32 $0x2000, s1;
	s19 =	sadd.s32 $0x2800, s1;
	[dreg:$0xa] =	wrdreg s16  }
0x14: {  	s21 =	sadd.s32 $0x3000, s1;
	s10 =	sadd.s32 s30, s22;
	[dreg:$0xb] =	wrdreg s17  }
0x15: {  	s11 =	sshrl.u32 s22, $0x3;
	s24 =	sadd.s32 $0x3800, s1;
	[dreg:$0xc] =	wrdreg s18  }
0x16: {  	s0 =	sadd.s32 $0x65400, s0;
	s22 =	simm.s32 $0x158E0;
	[dreg:$0xd] =	wrdreg s19  }
0x17: {  	[dreg:$0xe] =	wrdreg s21;
	s15 =	sadd.s32 s7, s20;
	s4 =	sadd.s32 s30, s14  }
0x18: {  	s16 =	sadd.s32 s7, s11;
	s23 =	sshrl.u32 s10, $0x3;
	[dreg:$0xf] =	wrdreg s24  }
0x19: {  	s26 =	sadd.s32 $0x4000, s1;
	s1 =	sadd.s32 $0x4800, s1;
	s14 =	sadd.s32 s5, s3  }
0x1a: {  	[dreg:$0x15] =	wrdreg s0;
	s30 =	smax.u32 s9, $0x1;
	s17 =	simm.s32 $0x16  }
0x1b: {  	s20 =	simm.s32 $0x11A60;
	s0 =	simm.s32 $0x15;
	s21 =	simm.s32 $0x14EE0  }
0x1c: {  	s5 =	simm.s32 $0x9;
	s7 =	simm.s32 $0xA;
	[dreg:$0x12] =	wrdreg s26  }
0x1d: {  	s18 =	simm.s32 $0x11;
	s19 =	simm.s32 $0x13;
	[dreg:$0x13] =	wrdreg s1  }
0x1e: {  	s4 =	sshrl.u32 s4, $0x3;
	s25 =	sadd.s32 s8, s23;
	[dreg:$0x16] =	wrdreg s30  }
0x1f: {  	s26 =	simm.s32 $0xEA60;
	s1 =	simm.s32 $0x8;
	[dreg:$0x14] =	wrdreg s14  }
0x20: {  	v2 =	vimm.s32 $0x0;
	vm0 =	vcmask $0x300;
	s23 =	simm.s32 $0x14;
	s4 =	sadd.s32 s8, s4;
	[dreg:$0x11] =	wrdreg s25  }
0x21: {  	v0 =	vimm.f32 $0.0e+00;
	v1 =	vimm.f32 $1.000000000e+00;
	v2 =	vsel vm0, $0x3, v2;
	s25 =	simm.s32 $0x12;
	s8 =	simm.s32 $0x0;
	[dreg:$0x10] =	wrdreg s4  }
.LBB2_1:
0x22: {  	[dreg:$0x17] =	wrdreg s8  }
0x23: {  	s4 =	simm.s32 $0x0;
	s13 =	rddreg [dreg:$0x5]  }
0x24: {  	[tilespmem:s4], [sflag:$0x16] =	stream.linear.gather [hbm4b:s13+s4], $0x4E20, $0x38;
	[tilespmem:$0x1D360] =	vst v63  }
0x25: {  	_ =	swait.ge [sflag:s17], $0x4E20  }
0x26: {  	[sflag:s17] =	ssyncset.done $0x0  }
0x27: {  	s9 =	simm.s32 $0x4E20;
	s24 =	rddreg [dreg:$0x6];
	[sflag:s17] =	ssyncadd.s32 $0xFFFFB1E0  }
0x28: {  	[tilespmem:s9], [sflag:$0x16] =	stream.linear.gather [hbm4b:s24+s4], $0x4E20, $0x38;
	[tilespmem:$0x1D360] =	vst v63  }
0x29: {  	_ =	swait.ge [sflag:s17], $0x4E20  }
0x2a: {  	[sflag:s17] =	ssyncset.done $0x0  }
0x2b: {  	s30 =	rddreg [dreg:$0x7];
	[sflag:s17] =	ssyncadd.s32 $0xFFFFB1E0  }
0x2c: {  	[tilespmem:s28], [sflag:$0x16] =	stream.linear.gather [hbm4b:s30+s4], $0x4E20, $0x38;
	[tilespmem:$0x1D360] =	vst v63  }
0x2d: {  	_ =	swait.ge [sflag:s17], $0x4E20  }
0x2e: {  	[sflag:s17] =	ssyncset.done $0x0  }
0x2f: {  	s9 =	simm.s32 $0x0;
	s4 =	simm.s32 $0x80;
	[sflag:s17] =	ssyncadd.s32 $0xFFFFB1E0  }
.LBB2_2:
0x30: {  	p1 =	sne.s32 s4, $0x1F80;
	[tilespmem:s9+$0x11260] =	vst v0;
	s10 =	smov.u32 s4;
	s4 =	sadd.s32 $0x80, s4  }
.Ltmp0:
0x31: {  	[tilespmem:s9+$0x11270] =	vst v0;
	(pc) =	sbr.rel @p1 .LBB2_2-.Ltmp0, $2  }
0x32: {  	_ =	sdelay $0x2  }
0x33: {  	s9 =	sshra.s32 s10, $0x2  }
0x34: {  	[tilespmem:s9+$0x11260] =	vst v0  }
0x35: {  	[tilespmem:s9+$0x11270] =	vst v0  }
0x36: {  	[tilespmem:$0x11A60] =	vst v1  }
0x37: {  	[tilespmem:$0x11A70] =	vst v1  }
0x38: {  	[tilespmem:$0x11A80] =	vst v1  }
0x39: {  	[tilespmem:$0x11A90] =	vst v1  }
0x3a: {  	[tilespmem:$0x11AA0] =	vst v1  }
0x3b: {  	[tilespmem:$0x11AB0] =	vst v1  }
0x3c: {  	[tilespmem:$0x11AC0] =	vst v1  }
0x3d: {  	[tilespmem:$0x11AD0] =	vst v1  }
0x3e: {  	[tilespmem:$0x11AE0] =	vst v1  }
0x3f: {  	[tilespmem:$0x11AF0] =	vst v1  }
0x40: {  	[tilespmem:$0x11B00] =	vst v1  }
0x41: {  	[tilespmem:$0x11B10] =	vst v1  }
0x42: {  	[tilespmem:$0x11B20] =	vst v1  }
0x43: {  	[tilespmem:$0x11B30] =	vst v1  }
0x44: {  	[tilespmem:$0x11B40] =	vst v1  }
0x45: {  	[tilespmem:$0x11B50] =	vst v1  }
0x46: {  	[tilespmem:$0x11B60] =	vst v1  }
0x47: {  	[tilespmem:$0x11B70] =	vst v1  }
0x48: {  	[tilespmem:$0x11B80] =	vst v1  }
0x49: {  	[tilespmem:$0x11B90] =	vst v1  }
0x4a: {  	[tilespmem:$0x11BA0] =	vst v1  }
0x4b: {  	[tilespmem:$0x11BB0] =	vst v1  }
0x4c: {  	[tilespmem:$0x11BC0] =	vst v1  }
0x4d: {  	[tilespmem:$0x11BD0] =	vst v1  }
0x4e: {  	[tilespmem:$0x11BE0] =	vst v1  }
0x4f: {  	[tilespmem:$0x11BF0] =	vst v1  }
0x50: {  	[tilespmem:$0x11C00] =	vst v1  }
0x51: {  	[tilespmem:$0x11C10] =	vst v1  }
0x52: {  	[tilespmem:$0x11C20] =	vst v1  }
0x53: {  	[tilespmem:$0x11C30] =	vst v1  }
0x54: {  	[tilespmem:$0x11C40] =	vst v1  }
0x55: {  	[tilespmem:$0x11C50] =	vst v1  }
0x56: {  	[tilespmem:$0x11C60] =	vst v1  }
0x57: {  	[tilespmem:$0x11C70] =	vst v1  }
0x58: {  	[tilespmem:$0x11C80] =	vst v1  }
0x59: {  	[tilespmem:$0x11C90] =	vst v1  }
0x5a: {  	[tilespmem:$0x11CA0] =	vst v1  }
0x5b: {  	[tilespmem:$0x11CB0] =	vst v1  }
0x5c: {  	[tilespmem:$0x11CC0] =	vst v1  }
0x5d: {  	s4 =	rddreg [dreg:$0x8];
	s8 =	simm.s32 $0x11260;
	[tilespmem:$0x11CD0] =	vst v1  }
0x5e: {  	[spmem:s4] =	stream.linear.scatter [tilespmem:s8], [sflag:$0x16], $0x800, $0x38;
	[tilespmem:$0x1D360] =	vst v63  }
0x5f: {  	_ =	swait.ge [sflag:s17], $0x800  }
0x60: {  	[sflag:s17] =	ssyncset.done $0x0  }
0x61: {  	s11 =	rddreg [dreg:$0x9];
	[sflag:s17] =	ssyncadd.s32 $0xFFFFF800  }
0x62: {  	[spmem:s11] =	stream.linear.scatter [tilespmem:s8], [sflag:$0x16], $0x800, $0x38;
	[tilespmem:$0x1D360] =	vst v63  }
0x63: {  	_ =	swait.ge [sflag:s17], $0x800  }
0x64: {  	[sflag:s17] =	ssyncset.done $0x0  }
0x65: {  	s12 =	rddreg [dreg:$0xa];
	[sflag:s17] =	ssyncadd.s32 $0xFFFFF800  }
0x66: {  	[spmem:s12] =	stream.linear.scatter [tilespmem:s8], [sflag:$0x16], $0x800, $0x38;
	[tilespmem:$0x1D360] =	vst v63  }
0x67: {  	_ =	swait.ge [sflag:s17], $0x800  }
0x68: {  	[sflag:s17] =	ssyncset.done $0x0  }
0x69: {  	s13 =	rddreg [dreg:$0xb];
	[sflag:s17] =	ssyncadd.s32 $0xFFFFF800  }
0x6a: {  	[spmem:s13] =	stream.linear.scatter [tilespmem:s8], [sflag:$0x16], $0x800, $0x38;
	[tilespmem:$0x1D360] =	vst v63  }
0x6b: {  	_ =	swait.ge [sflag:s17], $0x800  }
0x6c: {  	[sflag:s17] =	ssyncset.done $0x0  }
0x6d: {  	s24 =	rddreg [dreg:$0xc];
	[sflag:s17] =	ssyncadd.s32 $0xFFFFF800  }
0x6e: {  	[spmem:s24] =	stream.linear.scatter [tilespmem:s8], [sflag:$0x16], $0x800, $0x38;
	[tilespmem:$0x1D360] =	vst v63  }
0x6f: {  	_ =	swait.ge [sflag:s17], $0x800  }
0x70: {  	[sflag:s17] =	ssyncset.done $0x0  }
0x71: {  	s30 =	rddreg [dreg:$0xd];
	[sflag:s17] =	ssyncadd.s32 $0xFFFFF800  }
0x72: {  	[spmem:s30] =	stream.linear.scatter [tilespmem:s8], [sflag:$0x16], $0x800, $0x38;
	[tilespmem:$0x1D360] =	vst v63  }
0x73: {  	_ =	swait.ge [sflag:s17], $0x800  }
0x74: {  	[sflag:s17] =	ssyncset.done $0x0  }
0x75: {  	s9 =	rddreg [dreg:$0xe];
	[sflag:s17] =	ssyncadd.s32 $0xFFFFF800  }
0x76: {  	[spmem:s9] =	stream.linear.scatter [tilespmem:s8], [sflag:$0x16], $0x800, $0x38;
	[tilespmem:$0x1D360] =	vst v63  }
0x77: {  	_ =	swait.ge [sflag:s17], $0x800  }
0x78: {  	[sflag:s17] =	ssyncset.done $0x0  }
0x79: {  	s10 =	rddreg [dreg:$0xf];
	[sflag:s17] =	ssyncadd.s32 $0xFFFFF800  }
0x7a: {  	[spmem:s10] =	stream.linear.scatter [tilespmem:s8], [sflag:$0x16], $0x800, $0x38;
	[tilespmem:$0x1D360] =	vst v63  }
0x7b: {  	_ =	swait.ge [sflag:s17], $0x800  }
0x7c: {  	[sflag:s17] =	ssyncset.done $0x0  }
0x7d: {  	s11 =	rddreg [dreg:$0x12];
	[sflag:s17] =	ssyncadd.s32 $0xFFFFF800  }
0x7e: {  	[spmem:s11] =	stream.linear.scatter [tilespmem:s8], [sflag:$0x16], $0x800, $0x38;
	[tilespmem:$0x1D360] =	vst v63  }
0x7f: {  	_ =	swait.ge [sflag:s17], $0x800  }
0x80: {  	[sflag:s17] =	ssyncset.done $0x0  }
0x81: {  	s12 =	rddreg [dreg:$0x13];
	[sflag:s17] =	ssyncadd.s32 $0xFFFFF800  }
0x82: {  	[spmem:s12] =	stream.linear.scatter [tilespmem:s8], [sflag:$0x16], $0x800, $0x38;
	[tilespmem:$0x1D360] =	vst v63  }
0x83: {  	_ =	swait.ge [sflag:s17], $0x800  }
0x84: {  	[sflag:s17] =	ssyncset.done $0x0  }
0x85: {  	[sflag:s17] =	ssyncadd.s32 $0xFFFFF800  }
0x86: {  	[spmem:s14] =	stream.linear.scatter [tilespmem:s20], [sflag:$0x16], $0x280, $0x38;
	[tilespmem:$0x1D360] =	vst v63  }
0x87: {  	_ =	swait.ge [sflag:s17], $0x280  }
0x88: {  	[sflag:s17] =	ssyncset.done $0x0  }
0x89: {  	[sflag:s17] =	ssyncadd.s32 $0xFFFFFD80  }
0x8a: {  	s13 =	simm.s32 $0x9C40;
	s24 =	simm.s32 $0x4E20;
	[bflag:$0x0] =	sbarrier.arrive $0xFFFF  }
0x8b: {  	[spmem:s3] =	stream.indirect.scatter.add.f32 [tilespmem:s13], [sflag:$0x15], $0x1, s24, s31, $0xb8;
	[tilespmem:$0x1D360] =	vst v63  }
0x8c: {  	s30 =	simm.s32 $0x9C90;
	s8 =	simm.s32 $0x4E70  }
0x8d: {  	[spmem:s3] =	stream.indirect.scatter.add.f32 [tilespmem:s30], [sflag:$0x15], $0x1, s8, s31, $0xb8;
	[tilespmem:$0x1D360] =	vst v63  }
0x8e: {  	s10 =	simm.s32 $0x9CE0;
	s11 =	simm.s32 $0x4EC0  }
0x8f: {  	[spmem:s3] =	stream.indirect.scatter.add.f32 [tilespmem:s10], [sflag:$0x15], $0x1, s11, s31, $0xb8;
	[tilespmem:$0x1D360] =	vst v63  }
0x90: {  	s12 =	simm.s32 $0x9D30;
	s13 =	simm.s32 $0x4F10  }
0x91: {  	[spmem:s3] =	stream.indirect.scatter.add.f32 [tilespmem:s12], [sflag:$0x15], $0x1, s13, s31, $0xb8;
	[tilespmem:$0x1D360] =	vst v63  }
0x92: {  	s24 =	simm.s32 $0x9D80;
	s30 =	simm.s32 $0x4F60  }
0x93: {  	[spmem:s3] =	stream.indirect.scatter.add.f32 [tilespmem:s24], [sflag:$0x15], $0x1, s30, s31, $0xb8;
	[tilespmem:$0x1D360] =	vst v63  }
0x94: {  	_ =	swait.ge [sflag:s0], $0x50  }
0x95: {  	[sflag:s0] =	ssyncset.done $0x0  }
0x96: {  	[sflag:s0] =	ssyncadd.s32 $0xFFFFFFB0  }
0x97: {  	_ =	swait.ge [sflag:s0], $0x50  }
0x98: {  	[sflag:s0] =	ssyncset.done $0x0  }
0x99: {  	[sflag:s0] =	ssyncadd.s32 $0xFFFFFFB0  }
0x9a: {  	_ =	swait.ge [sflag:s0], $0x50  }
0x9b: {  	[sflag:s0] =	ssyncset.done $0x0  }
0x9c: {  	[sflag:s0] =	ssyncadd.s32 $0xFFFFFFB0  }
0x9d: {  	_ =	swait.ge [sflag:s0], $0x50  }
0x9e: {  	[sflag:s0] =	ssyncset.done $0x0  }
0x9f: {  	[sflag:s0] =	ssyncadd.s32 $0xFFFFFFB0  }
0xa0: {  	_ =	swait.ge [sflag:s0], $0x50  }
0xa1: {  	s4 =	simm.s32 $0x190;
	s9 =	simm.s32 $0xC80;
	[sflag:s0] =	ssyncset.done $0x0  }
.LBB2_4:
0xa2: {  	s10 =	sadd.s32 $0x9C40, s4  }
0xa3: {  	s11 =	sadd.s32 $0x4E20, s4;
	[sflag:s0] =	ssyncadd.s32 $0xFFFFFFB0;
	s12 =	smov.u32 s9  }
0xa4: {  	[spmem:s3] =	stream.indirect.scatter.add.f32 [tilespmem:s10], [sflag:$0x15], $0x1, s11, s31, $0xb8;
	[tilespmem:$0x1D360] =	vst v63  }
0xa5: {  	s13 =	sadd.s32 $0x4E70, s4;
	s10 =	sadd.s32 $0x640, s9;
	s11 =	sadd.s32 $0x9C90, s4  }
0xa6: {  	[spmem:s3] =	stream.indirect.scatter.add.f32 [tilespmem:s11], [sflag:$0x15], $0x1, s13, s31, $0xb8;
	[tilespmem:$0x1D360] =	vst v63  }
0xa7: {  	p1 =	sne.s32 s9, $0x13240;
	s9 =	sadd.s32 $0x9CE0, s4;
	s11 =	sadd.s32 $0x4EC0, s4  }
0xa8: {  	[spmem:s3] =	stream.indirect.scatter.add.f32 [tilespmem:s9], [sflag:$0x15], $0x1, s11, s31, $0xb8;
	[tilespmem:$0x1D360] =	vst v63  }
0xa9: {  	s9 =	sadd.s32 $0x9D30, s4;
	s11 =	sadd.s32 $0x4F10, s4  }
0xaa: {  	[spmem:s3] =	stream.indirect.scatter.add.f32 [tilespmem:s9], [sflag:$0x15], $0x1, s11, s31, $0xb8;
	[tilespmem:$0x1D360] =	vst v63  }
0xab: {  	s9 =	sadd.s32 $0x9D80, s4;
	s4 =	sadd.s32 $0x4F60, s4  }
0xac: {  	[spmem:s3] =	stream.indirect.scatter.add.f32 [tilespmem:s9], [sflag:$0x15], $0x1, s4, s31, $0xb8;
	[tilespmem:$0x1D360] =	vst v63  }
0xad: {  	_ =	swait.ge [sflag:s0], $0x50  }
0xae: {  	[sflag:s0] =	ssyncset.done $0x0  }
0xaf: {  	[sflag:s0] =	ssyncadd.s32 $0xFFFFFFB0  }
0xb0: {  	_ =	swait.ge [sflag:s0], $0x50  }
0xb1: {  	[sflag:s0] =	ssyncset.done $0x0  }
0xb2: {  	[sflag:s0] =	ssyncadd.s32 $0xFFFFFFB0  }
0xb3: {  	_ =	swait.ge [sflag:s0], $0x50  }
0xb4: {  	[sflag:s0] =	ssyncset.done $0x0  }
0xb5: {  	[sflag:s0] =	ssyncadd.s32 $0xFFFFFFB0  }
.Ltmp1:
0xb6: {  	_ =	swait.ge [sflag:s0], $0x50;
	(pc) =	sbr.rel @p1 .LBB2_4-.Ltmp1, $4  }
0xb7: {  	[sflag:s0] =	ssyncset.done $0x0  }
0xb8: {  	[sflag:s0] =	ssyncadd.s32 $0xFFFFFFB0  }
0xb9: {  	_ =	swait.ge [sflag:s0], $0x50  }
0xba: {  	s4 =	sshra.s32 s12, $0x2;
	s9 =	smov.u32 s10;
	[sflag:s0] =	ssyncset.done $0x0  }
0xbb: {  	s9 =	sadd.s32 $0x9C40, s4;
	s10 =	sadd.s32 $0x4E20, s4;
	[sflag:s0] =	ssyncadd.s32 $0xFFFFFFB0  }
0xbc: {  	[spmem:s3] =	stream.indirect.scatter.add.f32 [tilespmem:s9], [sflag:$0x15], $0x1, s10, s31, $0xb8;
	[tilespmem:$0x1D360] =	vst v63  }
0xbd: {  	s30 =	sadd.s32 $0x9C90, s4;
	s8 =	sadd.s32 $0x4E70, s4  }
0xbe: {  	[spmem:s3] =	stream.indirect.scatter.add.f32 [tilespmem:s30], [sflag:$0x15], $0x1, s8, s31, $0xb8;
	[tilespmem:$0x1D360] =	vst v63  }
0xbf: {  	s11 =	sadd.s32 $0x4EC0, s4;
	s10 =	sadd.s32 $0x9CE0, s4  }
0xc0: {  	[spmem:s3] =	stream.indirect.scatter.add.f32 [tilespmem:s10], [sflag:$0x15], $0x1, s11, s31, $0xb8;
	[tilespmem:$0x1D360] =	vst v63  }
0xc1: {  	s12 =	sadd.s32 $0x9D30, s4;
	s13 =	sadd.s32 $0x4F10, s4  }
0xc2: {  	[spmem:s3] =	stream.indirect.scatter.add.f32 [tilespmem:s12], [sflag:$0x15], $0x1, s13, s31, $0xb8;
	[tilespmem:$0x1D360] =	vst v63  }
0xc3: {  	s24 =	sadd.s32 $0x9D80, s4;
	s30 =	sadd.s32 $0x4F60, s4  }
0xc4: {  	[spmem:s3] =	stream.indirect.scatter.add.f32 [tilespmem:s24], [sflag:$0x15], $0x1, s30, s31, $0xb8;
	[tilespmem:$0x1D360] =	vst v63  }
0xc5: {  	_ =	swait.ge [sflag:s0], $0x50  }
0xc6: {  	[sflag:s0] =	ssyncset.done $0x0  }
0xc7: {  	[sflag:s0] =	ssyncadd.s32 $0xFFFFFFB0  }
0xc8: {  	_ =	swait.ge [sflag:s0], $0x50  }
0xc9: {  	[sflag:s0] =	ssyncset.done $0x0  }
0xca: {  	[sflag:s0] =	ssyncadd.s32 $0xFFFFFFB0  }
0xcb: {  	_ =	swait.ge [sflag:s0], $0x50  }
0xcc: {  	[sflag:s0] =	ssyncset.done $0x0  }
0xcd: {  	[sflag:s0] =	ssyncadd.s32 $0xFFFFFFB0  }
0xce: {  	_ =	swait.ge [sflag:s0], $0x50  }
0xcf: {  	[sflag:s0] =	ssyncset.done $0x0  }
0xd0: {  	[sflag:s0] =	ssyncadd.s32 $0xFFFFFFB0  }
0xd1: {  	_ =	swait.ge [sflag:s0], $0x50  }
0xd2: {  	[sflag:s0] =	ssyncset.done $0x0  }
0xd3: {  	[sflag:s0] =	ssyncadd.s32 $0xFFFFFFB0  }
0xd4: {  	[bflag:$0x0] =	sbarrier.arrive $0xFFFF  }
0xd5: {  	[tilespmem:s20], [sflag:$0x16] =	stream.linear.gather [spmem:s14], $0x280, $0x38;
	[tilespmem:$0x1D360] =	vst v63  }
0xd6: {  	_ =	swait.ge [sflag:s17], $0x280  }
0xd7: {  	[sflag:s17] =	ssyncset.done $0x0  }
0xd8: {  	s9 =	simm.s32 $0x40;
	s4 =	simm.s32 $0x0;
	[sflag:s17] =	ssyncadd.s32 $0xFFFFFD80  }
.LBB2_6:
0xd9: {  	p1 =	sne.s32 s9, $0x9C0;
	v3 =	vld [tilespmem:s4+$0x11A60];
	_ =	sdelay $0x4  }
0xda: {  	v4 =	vshrl.u32 v3, $0x1;
	v3 =	vmul.f32 $5.000000000e-01, v3  }
0xdb: {  	v4 =	vsub.s32 $0x5F3759DF, v4  }
0xdc: {  	v5 =	vmul.f32 v4, v3;
	_ =	sdelay $0x1  }
0xdd: {  	v5 =	vmul.f32 v4, v5;
	_ =	sdelay $0x1  }
0xde: {  	v5 =	vsub.f32 $1.500000000e+00, v5;
	_ =	sdelay $0x1  }
0xdf: {  	v4 =	vmul.f32 v4, v5;
	_ =	sdelay $0x1  }
0xe0: {  	v5 =	vmul.f32 v4, v3;
	_ =	sdelay $0x1  }
0xe1: {  	v5 =	vmul.f32 v5, v4;
	_ =	sdelay $0x1  }
0xe2: {  	v5 =	vsub.f32 $1.500000000e+00, v5;
	_ =	sdelay $0x1  }
0xe3: {  	v4 =	vmul.f32 v5, v4;
	_ =	sdelay $0x1  }
0xe4: {  	v3 =	vmul.f32 v4, v3;
	_ =	sdelay $0x1  }
0xe5: {  	v3 =	vmul.f32 v3, v4;
	_ =	sdelay $0x1  }
.Ltmp2:
0xe6: {  	v3 =	vsub.f32 $1.500000000e+00, v3;
	(pc) =	sbr.rel @p1 .LBB2_6-.Ltmp2, $3  }
0xe7: {  	_ = 	snop  }
0xe8: {  	v3 =	vmul.f32 v3, v4;
	_ =	sdelay $0x1  }
0xe9: {  	[tilespmem:s4+$0x11A60] =	vst v3;
	s4 =	sshra.s32 s9, $0x2;
	s9 =	sadd.s32 $0x40, s9  }
0xea: {  	v3 =	vld [tilespmem:s4+$0x11A60];
	_ =	sdelay $0x4  }
0xeb: {  	v4 =	vshrl.u32 v3, $0x1;
	v3 =	vmul.f32 $5.000000000e-01, v3  }
0xec: {  	v4 =	vsub.s32 $0x5F3759DF, v4  }
0xed: {  	v5 =	vmul.f32 v4, v3;
	_ =	sdelay $0x1  }
0xee: {  	v5 =	vmul.f32 v4, v5;
	_ =	sdelay $0x1  }
0xef: {  	v5 =	vsub.f32 $1.500000000e+00, v5;
	_ =	sdelay $0x1  }
0xf0: {  	v4 =	vmul.f32 v4, v5;
	_ =	sdelay $0x1  }
0xf1: {  	v5 =	vmul.f32 v4, v3;
	_ =	sdelay $0x1  }
0xf2: {  	v5 =	vmul.f32 v5, v4;
	_ =	sdelay $0x1  }
0xf3: {  	v5 =	vsub.f32 $1.500000000e+00, v5;
	_ =	sdelay $0x1  }
0xf4: {  	v4 =	vmul.f32 v5, v4;
	_ =	sdelay $0x1  }
0xf5: {  	v3 =	vmul.f32 v4, v3;
	_ =	sdelay $0x1  }
0xf6: {  	v3 =	vmul.f32 v3, v4;
	_ =	sdelay $0x1  }
0xf7: {  	v3 =	vsub.f32 $1.500000000e+00, v3;
	_ =	sdelay $0x1  }
0xf8: {  	v3 =	vmul.f32 v3, v4;
	_ =	sdelay $0x1  }
0xf9: {  	[tilespmem:s4+$0x11A60] =	vst v3  }
0xfa: {  	[spmem:s14] =	stream.linear.scatter [tilespmem:s20], [sflag:$0x16], $0x280, $0x38;
	[tilespmem:$0x1D360] =	vst v63  }
0xfb: {  	_ =	swait.ge [sflag:s17], $0x280  }
0xfc: {  	s9 =	simm.s32 @!p0 $0x11A60;
	[sflag:s17] =	ssyncset.done $0x0  }
0xfd: {  	s4 =	simm.s32 @!p0 $0x0;
	s8 =	rddreg [dreg:$0x15];
	[sflag:s17] =	ssyncadd.s32 $0xFFFFFD80  }
0xfe: {  	[hbm4b:s8+s4] =	stream.linear.scatter @!p0 [tilespmem:s9], [sflag:$0x16], $0x280, $0x38;
	[tilespmem:$0x1D360] =	vst v63  }
0xff: {  	s4 =	simm.s32 @!p0 $0x16  }
0x100: {  	_ =	swait.ge @!p0 [sflag:s4], $0x280  }
0x101: {  	[sflag:s4] =	ssyncset.done @!p0 $0x0  }
0x102: {  	[sflag:s4] =	ssyncadd.s32 @!p0 $0xFFFFFD80  }
0x103: {  	[bflag:$0x0] =	sbarrier.arrive $0xFFFF  }
0x104: {  	[tilespmem:s26], [sflag:$0x16] =	stream.linear.gather [spmem:s3], $0x2800, $0x38;
	[tilespmem:$0x1D360] =	vst v63  }
0x105: {  	_ =	swait.ge [sflag:s17], $0x2800  }
0x106: {  	[sflag:s17] =	ssyncset.done $0x0  }
0x107: {  	s11 =	simm.s32 $0xA0;
	[sflag:s17] =	ssyncadd.s32 $0xFFFFD800  }
0x108: {  	v3 =	vld [tilespmem:s11+$0x50];
	_ =	sdelay $0x3  }
0x109: {  	v5 =	vld [tilespmem:s11+$0xFFFFFF60];
	_ =	sdelay $0x1  }
0x10a: {  	s4 =	simm.s32 $0x9CE0;
	v4 =	vld [tilespmem:s11+$0xFFFFFFB0]  }
0x10b: {  	v6 =	vld [tilespmem:s4+$0x50]  }
0x10c: {  	v3 =	vld.idx.msk [tilespmem:v3+s26+$0x0], $0xffff;
	_ =	sdelay $0x1  }
0x10d: {  	v7 =	vld [tilespmem:s11+$0x0]  }
0x10e: {  	v8 =	vld [tilespmem:s4+$0xFFFFFFB0]  }
0x10f: {  	v5 =	vld.idx.msk [tilespmem:v5+s26+$0x0], $0xffff  }
0x110: {  	v3 =	vmul.f32 v3, v6;
	v6 =	vld [tilespmem:s4+$0xFFFFFF60]  }
0x111: {  	v4 =	vld.idx.msk [tilespmem:v4+s26+$0x0], $0xffff;
	_ =	sdelay $0x1  }
0x112: {  	[tilespmem:s4+$0x50] =	vst v3  }
0x113: {  	v3 =	vld [tilespmem:s11+$0x60]  }
0x114: {  	v7 =	vld.idx.msk [tilespmem:v7+s26+$0x0], $0xffff;
	v5 =	vmul.f32 v5, v6  }
0x115: {  	v4 =	vmul.f32 v4, v8;
	v6 =	vld [tilespmem:s4+$0x0]  }
0x116: {  	[tilespmem:s4+$0xFFFFFF60] =	vst v5  }
0x117: {  	[tilespmem:s4+$0xFFFFFFB0] =	vst v4;
	v8 =	vld [tilespmem:s11+$0xFFFFFF70]  }
0x118: {  	v4 =	vld [tilespmem:s11+$0xFFFFFFC0]  }
0x119: {  	v9 =	vld [tilespmem:s4+$0xFFFFFF70]  }
0x11a: {  	v6 =	vmul.f32 v7, v6;
	v7 =	vld [tilespmem:s4+$0x60]  }
0x11b: {  	v3 =	vld.idx.msk [tilespmem:v3+s26+$0x0], $0xffff  }
0x11c: {  	v10 =	vld [tilespmem:s4+$0x10]  }
0x11d: {  	v5 =	vld [tilespmem:s4+$0xFFFFFFC0];
	[tilespmem:s4+$0x0] =	vst v6  }
0x11e: {  	v6 =	vld [tilespmem:s11+$0x10]  }
0x11f: {  	v8 =	vld.idx.msk [tilespmem:v8+s26+$0x0], $0xffff  }
0x120: {  	v4 =	vld.idx.msk [tilespmem:v4+s26+$0x0], $0xffff;
	v3 =	vmul.f32 v3, v7  }
0x121: {  	v11 =	vld [tilespmem:s4+$0xFFFFFF80]  }
0x122: {  	v12 =	vld [tilespmem:s4+$0x20];
	[tilespmem:s4+$0x60] =	vst v3  }
0x123: {  	v3 =	vld [tilespmem:s11+$0x70]  }
0x124: {  	v13 =	vld [tilespmem:s4+$0xFFFFFF90];
	v8 =	vmul.f32 v8, v9  }
0x125: {  	v14 =	vld [tilespmem:s4+$0x30];
	v4 =	vmul.f32 v4, v5  }
0x126: {  	v6 =	vld.idx.msk [tilespmem:v6+s26+$0x0], $0xffff;
	[tilespmem:s4+$0xFFFFFF70] =	vst v8  }
0x127: {  	[tilespmem:s4+$0xFFFFFFC0] =	vst v4;
	v8 =	vld [tilespmem:s11+$0xFFFFFF80]  }
0x128: {  	v4 =	vld [tilespmem:s11+$0xFFFFFFD0]  }
0x129: {  	v15 =	vld [tilespmem:s4+$0xFFFFFFA0]  }
0x12a: {  	v9 =	vld [tilespmem:s4+$0x70]  }
0x12b: {  	s10 =	simm.s32 $0x1E0;
	v6 =	vmul.f32 v6, v10;
	v3 =	vld.idx.msk [tilespmem:v3+s26+$0x0], $0xffff  }
0x12c: {  	v16 =	vld [tilespmem:s10+$0x0]  }
0x12d: {  	v7 =	vld [tilespmem:s4+$0xFFFFFFD0];
	[tilespmem:s4+$0x10] =	vst v6  }
0x12e: {  	v6 =	vld [tilespmem:s11+$0x20]  }
0x12f: {  	v8 =	vld.idx.msk [tilespmem:v8+s26+$0x0], $0xffff  }
0x130: {  	s9 =	simm.s32 $0x9E20;
	v4 =	vld.idx.msk [tilespmem:v4+s26+$0x0], $0xffff;
	v3 =	vmul.f32 v3, v9  }
0x131: {  	v19 =	vld [tilespmem:s9+$0xFFFFFFB0]  }
0x132: {  	v20 =	vld [tilespmem:s4+$0x90];
	[tilespmem:s4+$0x70] =	vst v3  }
0x133: {  	v9 =	vld [tilespmem:s11+$0x80]  }
0x134: {  	v23 =	vld [tilespmem:s9+$0xFFFFFFD0];
	v3 =	vmul.f32 v8, v11  }
0x135: {  	v5 =	vld [tilespmem:s4+$0xFFFFFFE0];
	v4 =	vmul.f32 v4, v7  }
0x136: {  	v6 =	vld.idx.msk [tilespmem:v6+s26+$0x0], $0xffff;
	[tilespmem:s4+$0xFFFFFF80] =	vst v3  }
0x137: {  	[tilespmem:s4+$0xFFFFFFD0] =	vst v4;
	v7 =	vld [tilespmem:s11+$0xFFFFFF90]  }
0x138: {  	v4 =	vld [tilespmem:s11+$0xFFFFFFE0]  }
0x139: {  	v10 =	vld [tilespmem:s10+$0x50]  }
0x13a: {  	v11 =	vld [tilespmem:s4+$0x80]  }
0x13b: {  	v9 =	vld.idx.msk [tilespmem:v9+s26+$0x0], $0xffff  }
0x13c: {  	v8 =	vld [tilespmem:s4+$0xFFFFFFF0];
	v6 =	vmul.f32 v6, v12  }
0x13d: {  	v12 =	vld [tilespmem:s10+$0xFFFFFFB0]  }
0x13e: {  	[tilespmem:s4+$0x20] =	vst v6;
	v6 =	vld [tilespmem:s10+$0xFFFFFF60]  }
0x13f: {  	v18 =	vld.idx.msk [tilespmem:v7+s26+$0x0], $0xffff  }
0x140: {  	v7 =	vmul.f32 v9, v11;
	v11 =	vld.idx.msk [tilespmem:v4+s26+$0x0], $0xffff  }
0x141: {  	v4 =	vld.idx.msk [tilespmem:v10+s26+$0x0], $0xffff  }
0x142: {  	v9 =	vld [tilespmem:s9+$0x50];
	[tilespmem:s4+$0x80] =	vst v7  }
0x143: {  	v7 =	vld [tilespmem:s11+$0x90]  }
0x144: {  	v17 =	vld [tilespmem:s11+$0x30]  }
0x145: {  	v10 =	vld.idx.msk [tilespmem:v12+s26+$0x0], $0xffff  }
0x146: {  	v12 =	vld.idx.msk [tilespmem:v16+s26+$0x0], $0xffff  }
0x147: {  	v16 =	vld [tilespmem:s9+$0xFFFFFF60];
	v4 =	vmul.f32 v4, v9  }
0x148: {  	v6 =	vld.idx.msk [tilespmem:v6+s26+$0x0], $0xffff  }
0x149: {  	v3 =	vld [tilespmem:s4+$0x40];
	[tilespmem:s9+$0x50] =	vst v4  }
0x14a: {  	v4 =	vld [tilespmem:s10+$0x60]  }
0x14b: {  	v21 =	vld.idx.msk [tilespmem:v7+s26+$0x0], $0xffff  }
0x14c: {  	v9 =	vmul.f32 v10, v19;
	v7 =	vld [tilespmem:s9+$0x0]  }
0x14d: {  	v17 =	vld.idx.msk [tilespmem:v17+s26+$0x0], $0xffff;
	v6 =	vmul.f32 v6, v16  }
0x14e: {  	v10 =	vld [tilespmem:s9+$0xFFFFFFC0];
	[tilespmem:s9+$0xFFFFFFB0] =	vst v9  }
0x14f: {  	v9 =	vld [tilespmem:s10+$0xFFFFFFC0];
	[tilespmem:s9+$0xFFFFFF60] =	vst v6  }
0x150: {  	v13 =	vmul.f32 v18, v13;
	v6 =	vld [tilespmem:s10+$0xFFFFFF70]  }
0x151: {  	v19 =	vld [tilespmem:s9+$0x10];
	v7 =	vmul.f32 v12, v7  }
0x152: {  	v5 =	vmul.f32 v11, v5;
	[tilespmem:s4+$0xFFFFFF90] =	vst v13;
	v4 =	vld.idx.msk [tilespmem:v4+s26+$0x0], $0xffff  }
0x153: {  	[tilespmem:s9+$0x0] =	vst v7;
	v7 =	vld [tilespmem:s9+$0x60]  }
0x154: {  	[tilespmem:s4+$0xFFFFFFE0] =	vst v5;
	v5 =	vld [tilespmem:s11+$0xFFFFFFA0]  }
0x155: {  	v22 =	vld [tilespmem:s10+$0x10]  }
0x156: {  	v16 =	vld [tilespmem:s9+$0xFFFFFF70]  }
0x157: {  	v25 =	vld.idx.msk [tilespmem:v9+s26+$0x0], $0xffff  }
0x158: {  	v24 =	vld.idx.msk [tilespmem:v6+s26+$0x0], $0xffff;
	v4 =	vmul.f32 v4, v7  }
0x159: {  	v12 =	vld [tilespmem:s9+$0xFFFFFF80]  }
0x15a: {  	v9 =	vld [tilespmem:s9+$0x20];
	[tilespmem:s9+$0x60] =	vst v4  }
0x15b: {  	v26 =	vld [tilespmem:s10+$0x70]  }
0x15c: {  	v6 =	vld [tilespmem:s9+$0xFFFFFF90];
	v10 =	vmul.f32 v25, v10  }
0x15d: {  	v4 =	vmul.f32 v24, v16;
	v16 =	vld.idx.msk [tilespmem:v22+s26+$0x0], $0xffff  }
0x15e: {  	v7 =	vld [tilespmem:s9+$0xFFFFFFE0];
	[tilespmem:s9+$0xFFFFFFC0] =	vst v10  }
0x15f: {  	v11 =	vld [tilespmem:s10+$0xFFFFFFD0];
	[tilespmem:s9+$0xFFFFFF70] =	vst v4  }
0x160: {  	v10 =	vld [tilespmem:s10+$0xFFFFFF80]  }
0x161: {  	v14 =	vmul.f32 v17, v14;
	v4 =	vld [tilespmem:s9+$0x30]  }
0x162: {  	v13 =	vmul.f32 v16, v19;
	v16 =	vld [tilespmem:s11+$0xFFFFFFF0]  }
0x163: {  	[tilespmem:s4+$0x30] =	vst v14;
	v17 =	vld.idx.msk [tilespmem:v26+s26+$0x0], $0xffff  }
0x164: {  	[tilespmem:s9+$0x10] =	vst v13;
	v13 =	vld [tilespmem:s9+$0x70]  }
0x165: {  	v19 =	vld [tilespmem:s11+$0x40]  }
0x166: {  	v18 =	vld [tilespmem:s10+$0x20]  }
0x167: {  	v11 =	vld.idx.msk [tilespmem:v11+s26+$0x0], $0xffff  }
0x168: {  	v10 =	vld.idx.msk [tilespmem:v10+s26+$0x0], $0xffff  }
0x169: {  	v13 =	vmul.f32 v17, v13;
	v17 =	vld.idx.msk [tilespmem:v5+s26+$0x0], $0xffff  }
0x16a: {  	v5 =	vld [tilespmem:s9+$0xFFFFFFA0]  }
0x16b: {  	v63 =	vld.idx.msk [tilespmem:v16+s26+$0x0], $0xffff;
	[tilespmem:s9+$0x70] =	vst v13  }
0x16c: {  	v13 =	vmul.f32 v21, v20;
	v14 =	vld [tilespmem:s10+$0x80]  }
0x16d: {  	v10 =	vmul.f32 v10, v12;
	v12 =	vmul.f32 v11, v23;
	v11 =	vld.idx.msk [tilespmem:v19+s26+$0x0], $0xffff  }
0x16e: {  	v16 =	vld.idx.msk [tilespmem:v18+s26+$0x0], $0xffff;
	[tilespmem:s4+$0x90] =	vst v13  }
0x16f: {  	[tilespmem:s9+$0xFFFFFF80] =	vst v10;
	v10 =	vld [tilespmem:s9+$0xFFFFFFF0];
	v17 =	vmul.f32 v17, v15  }
0x170: {  	[tilespmem:s9+$0xFFFFFFD0] =	vst v12;
	v12 =	vld [tilespmem:s9+$0x40];
	v8 =	vmul.f32 v63, v8  }
0x171: {  	v13 =	vld [tilespmem:s10+$0xFFFFFF90];
	[tilespmem:s4+$0xFFFFFFA0] =	vst v17  }
0x172: {  	s12 =	simm.s32 $0x320;
	s13 =	simm.s32 $0x16CE0;
	s11 =	simm.s32 $0x4;
	v15 =	vld [tilespmem:s10+$0xFFFFFFE0];
	[tilespmem:s4+$0xFFFFFFF0] =	vst v8  }
.LBB2_8:
0x173: {  	v17 =	vld [tilespmem:s12+$0x50];
	v9 =	vmul.f32 v16, v9  }
0x174: {  	v16 =	vmul.f32 v11, v3;
	v14 =	vld.idx.msk [tilespmem:v14+s26+$0x0], $0xffff;
	v8 =	vmov v10  }
0x175: {  	s11 =	sadd.s32 $0x4, s11;
	[tilespmem:s9+$0x20] =	vst v9;
	v9 =	vld [tilespmem:s9+$0x80]  }
0x176: {  	p1 =	slt.u32 s11, $0xF4;
	v10 =	vld [tilespmem:s12+$0xFFFFFFB0];
	[tilespmem:s4+$0x40] =	vst v16;
	s4 =	smov.u32 s9  }
0x177: {  	v11 =	vld [tilespmem:s12+$0x0];
	v3 =	vmov v12  }
0x178: {  	v12 =	vld [tilespmem:s12+$0xFFFFFF60]  }
0x179: {  	v16 =	vld [tilespmem:s10+$0x30]  }
0x17a: {  	v13 =	vld.idx.msk [tilespmem:v13+s26+$0x0], $0xffff;
	v9 =	vmul.f32 v14, v9  }
0x17b: {  	v14 =	vld.idx.msk [tilespmem:v15+s26+$0x0], $0xffff  }
0x17c: {  	v15 =	vld.idx.msk [tilespmem:v17+s26+$0x0], $0xffff;
	[tilespmem:s9+$0x80] =	vst v9  }
0x17d: {  	s9 =	sadd.s32 $0x140, s9;
	v9 =	vld [tilespmem:s10+$0x90]  }
0x17e: {  	v17 =	vld [tilespmem:s9+$0x50]  }
0x17f: {  	v10 =	vld.idx.msk [tilespmem:v10+s26+$0x0], $0xffff  }
0x180: {  	v6 =	vmul.f32 v13, v6;
	v12 =	vld.idx.msk [tilespmem:v12+s26+$0x0], $0xffff  }
0x181: {  	v7 =	vmul.f32 v14, v7;
	v11 =	vld.idx.msk [tilespmem:v11+s26+$0x0], $0xffff  }
0x182: {  	v13 =	vld [tilespmem:s9+$0xFFFFFF60];
	[tilespmem:s4+$0xFFFFFF90] =	vst v6  }
0x183: {  	v6 =	vld [tilespmem:s9+$0xFFFFFFB0];
	v14 =	vmul.f32 v15, v17;
	[tilespmem:s4+$0xFFFFFFE0] =	vst v7  }
0x184: {  	v7 =	vld [tilespmem:s4+$0x90]  }
0x185: {  	[tilespmem:s9+$0x50] =	vst v14;
	v9 =	vld.idx.msk [tilespmem:v9+s26+$0x0], $0xffff  }
0x186: {  	v14 =	vld [tilespmem:s12+$0x60]  }
0x187: {  	v12 =	vmul.f32 v12, v13;
	v13 =	vld [tilespmem:s9+$0x0]  }
0x188: {  	v15 =	vld [tilespmem:s9+$0xFFFFFF70];
	v6 =	vmul.f32 v10, v6  }
0x189: {  	[tilespmem:s9+$0xFFFFFF60] =	vst v12;
	v10 =	vld [tilespmem:s9+$0xFFFFFFC0]  }
0x18a: {  	v12 =	vld [tilespmem:s12+$0xFFFFFF70];
	[tilespmem:s9+$0xFFFFFFB0] =	vst v6  }
0x18b: {  	v7 =	vmul.f32 v9, v7;
	v6 =	vld [tilespmem:s12+$0xFFFFFFC0]  }
0x18c: {  	v9 =	vmul.f32 v11, v13;
	v11 =	vld [tilespmem:s9+$0x10]  }
0x18d: {  	v13 =	vld [tilespmem:s9+$0xFFFFFF80];
	[tilespmem:s4+$0x90] =	vst v7  }
0x18e: {  	[tilespmem:s9+$0x0] =	vst v9;
	v7 =	vld.idx.msk [tilespmem:v14+s26+$0x0], $0xffff  }
0x18f: {  	v14 =	vld [tilespmem:s9+$0x60]  }
0x190: {  	v17 =	vld [tilespmem:s12+$0x10]  }
0x191: {  	v18 =	vld [tilespmem:s9+$0xFFFFFFD0]  }
0x192: {  	v12 =	vld.idx.msk [tilespmem:v12+s26+$0x0], $0xffff  }
0x193: {  	v19 =	vld.idx.msk [tilespmem:v6+s26+$0x0], $0xffff  }
0x194: {  	v9 =	vld [tilespmem:s9+$0x20];
	v7 =	vmul.f32 v7, v14  }
0x195: {  	v14 =	vld.idx.msk [tilespmem:v16+s26+$0x0], $0xffff  }
0x196: {  	v6 =	vld [tilespmem:s9+$0xFFFFFF90];
	[tilespmem:s9+$0x60] =	vst v7  }
0x197: {  	v16 =	vld [tilespmem:s12+$0x70]  }
0x198: {  	v12 =	vmul.f32 v12, v15;
	v15 =	vld.idx.msk [tilespmem:v17+s26+$0x0], $0xffff  }
0x199: {  	v10 =	vmul.f32 v19, v10;
	v7 =	vld [tilespmem:s9+$0xFFFFFFE0]  }
0x19a: {  	[tilespmem:s9+$0xFFFFFF70] =	vst v12;
	v12 =	vld [tilespmem:s9+$0x30]  }
0x19b: {  	v4 =	vmul.f32 v14, v4;
	v17 =	vld [tilespmem:s12+$0xFFFFFF80];
	[tilespmem:s9+$0xFFFFFFC0] =	vst v10  }
0x19c: {  	v10 =	vld [tilespmem:s12+$0xFFFFFFD0]  }
0x19d: {  	v14 =	vld [tilespmem:s10+$0xFFFFFFA0];
	[tilespmem:s4+$0x30] =	vst v4  }
0x19e: {  	v11 =	vmul.f32 v15, v11;
	v15 =	vld [tilespmem:s10+$0xFFFFFFF0]  }
0x19f: {  	v16 =	vld.idx.msk [tilespmem:v16+s26+$0x0], $0xffff;
	v4 =	vmov v12  }
0x1a0: {  	[tilespmem:s9+$0x10] =	vst v11;
	v11 =	vld [tilespmem:s9+$0x70]  }
0x1a1: {  	v12 =	vld [tilespmem:s12+$0x20]  }
0x1a2: {  	v19 =	vld [tilespmem:s10+$0x40];
	s10 =	smov.u32 s12  }
0x1a3: {  	v17 =	vld.idx.msk [tilespmem:v17+s26+$0x0], $0xffff  }
0x1a4: {  	v10 =	vld.idx.msk [tilespmem:v10+s26+$0x0], $0xffff  }
0x1a5: {  	v11 =	vmul.f32 v16, v11;
	v20 =	vld.idx.msk [tilespmem:v14+s26+$0x0], $0xffff  }
0x1a6: {  	v15 =	vld.idx.msk [tilespmem:v15+s26+$0x0], $0xffff  }
0x1a7: {  	v21 =	vld [tilespmem:s9+$0xFFFFFFA0];
	[tilespmem:s9+$0x70] =	vst v11  }
0x1a8: {  	v14 =	vld [tilespmem:s12+$0x80]  }
0x1a9: {  	v13 =	vmul.f32 v17, v13;
	v16 =	vld.idx.msk [tilespmem:v12+s26+$0x0], $0xffff  }
.Ltmp3:
0x1aa: {  	v12 =	vmul.f32 v10, v18;
	v11 =	vld.idx.msk [tilespmem:v19+s26+$0x0], $0xffff;
	(pc) =	sbr.rel @p1 .LBB2_8-.Ltmp3, $4  }
0x1ab: {  	v17 =	vmul.f32 v20, v5;
	[tilespmem:s9+$0xFFFFFF80] =	vst v13;
	v10 =	vld [tilespmem:s9+$0xFFFFFFF0]  }
0x1ac: {  	v8 =	vmul.f32 v15, v8;
	v13 =	vld [tilespmem:s12+$0xFFFFFF90];
	[tilespmem:s9+$0xFFFFFFD0] =	vst v12;
	v5 =	vmov v21  }
0x1ad: {  	v15 =	vld [tilespmem:s12+$0xFFFFFFE0];
	[tilespmem:s4+$0xFFFFFFA0] =	vst v17  }
0x1ae: {  	s12 =	sadd.s32 $0x140, s12;
	v12 =	vld [tilespmem:s9+$0x40];
	[tilespmem:s4+$0xFFFFFFF0] =	vst v8  }
0x1af: {  	v8 =	vmul.f32 v16, v9;
	_ =	sdelay $0x1  }
0x1b0: {  	[tilespmem:s9+$0x20] =	vst v8  }
0x1b1: {  	v8 =	vld [tilespmem:s10+$0x30];
	_ =	sdelay $0x3  }
0x1b2: {  	v59 =	vld.idx.msk [tilespmem:v14+s26+$0x0], $0xffff  }
0x1b3: {  	v60 =	vld [tilespmem:s9+$0x80]  }
0x1b4: {  	v13 =	vld.idx.msk [tilespmem:v13+s26+$0x0], $0xffff  }
0x1b5: {  	v15 =	vld.idx.msk [tilespmem:v15+s26+$0x0], $0xffff  }
0x1b6: {  	v8 =	vld.idx.msk [tilespmem:v8+s26+$0x0], $0xffff;
	_ =	sdelay $0x1  }
0x1b7: {  	v9 =	vmul.f32 v59, v60  }
0x1b8: {  	v6 =	vmul.f32 v13, v6  }
0x1b9: {  	[tilespmem:s9+$0x80] =	vst v9;
	v7 =	vmul.f32 v15, v7  }
0x1ba: {  	v9 =	vld [tilespmem:s10+$0x90];
	[tilespmem:s9+$0xFFFFFF90] =	vst v6;
	v4 =	vmul.f32 v8, v4  }
0x1bb: {  	[tilespmem:s9+$0xFFFFFFE0] =	vst v7;
	v6 =	vld [tilespmem:s10+$0xFFFFFFA0]  }
0x1bc: {  	v61 =	vld [tilespmem:s10+$0xFFFFFFF0];
	[tilespmem:s9+$0x30] =	vst v4  }
0x1bd: {  	v62 =	vld [tilespmem:s10+$0x40];
	_ =	sdelay $0x3  }
0x1be: {  	v63 =	vld [tilespmem:s9+$0x90]  }
0x1bf: {  	v9 =	vld.idx.msk [tilespmem:v9+s26+$0x0], $0xffff  }
0x1c0: {  	v6 =	vld.idx.msk [tilespmem:v6+s26+$0x0], $0xffff  }
0x1c1: {  	v4 =	vld.idx.msk [tilespmem:v61+s26+$0x0], $0xffff  }
0x1c2: {  	v7 =	vld.idx.msk [tilespmem:v62+s26+$0x0], $0xffff  }
0x1c3: {  	v3 =	vmul.f32 v11, v3  }
0x1c4: {  	v8 =	vmul.f32 v9, v63  }
0x1c5: {  	[tilespmem:s4+$0x40] =	vst v3;
	v3 =	vmul.f32 v6, v5  }
0x1c6: {  	[tilespmem:s9+$0x90] =	vst v8;
	v4 =	vmul.f32 v4, v10  }
0x1c7: {  	[tilespmem:s9+$0xFFFFFFA0] =	vst v3;
	v3 =	vmul.f32 v7, v12  }
0x1c8: {  	[tilespmem:s9+$0xFFFFFFF0] =	vst v4  }
0x1c9: {  	s4 =	simm.s32 $0x0;
	[tilespmem:s9+$0x40] =	vst v3  }
.LBB2_10:
0x1ca: {  	s9 =	sshra.s32 s4, $0x2  }
0x1cb: {  	v3 =	vld [tilespmem:s9+$0x4D80];
	_ =	sdelay $0x5  }
0x1cc: {  	v4 =	vld [tilespmem:s9+$0xE9C0]  }
0x1cd: {  	v5 =	vld [tilespmem:s9+$0x4D90]  }
0x1ce: {  	v3 =	vld.idx.msk [tilespmem:v3+s26+$0x0], $0xffff;
	_ =	sdelay $0x4  }
0x1cf: {  	v3 =	vmul.f32 v3, v4  }
0x1d0: {  	v58 =	vld [tilespmem:s9+$0x4DA0]  }
0x1d1: {  	[tilespmem:s9+$0xE9C0] =	vst v3;
	v3 =	vld [tilespmem:s9+$0xE9D0]  }
0x1d2: {  	v57 =	vld.idx.msk [tilespmem:v5+s26+$0x0], $0xffff;
	_ =	sdelay $0x4  }
0x1d3: {  	v3 =	vmul.f32 v57, v3  }
0x1d4: {  	v60 =	vld [tilespmem:s9+$0x4DB0]  }
0x1d5: {  	[tilespmem:s9+$0xE9D0] =	vst v3;
	v3 =	vld [tilespmem:s9+$0xE9E0]  }
0x1d6: {  	v59 =	vld.idx.msk [tilespmem:v58+s26+$0x0], $0xffff;
	_ =	sdelay $0x4  }
0x1d7: {  	v3 =	vmul.f32 v59, v3  }
0x1d8: {  	v62 =	vld [tilespmem:s9+$0x4DC0]  }
0x1d9: {  	[tilespmem:s9+$0xE9E0] =	vst v3;
	v3 =	vld [tilespmem:s9+$0xE9F0]  }
0x1da: {  	v61 =	vld.idx.msk [tilespmem:v60+s26+$0x0], $0xffff;
	_ =	sdelay $0x4  }
0x1db: {  	v3 =	vmul.f32 v61, v3;
	_ =	sdelay $0x1  }
0x1dc: {  	[tilespmem:s9+$0xE9F0] =	vst v3;
	v3 =	vld [tilespmem:s9+$0xEA00]  }
0x1dd: {  	v63 =	vld.idx.msk [tilespmem:v62+s26+$0x0], $0xffff;
	_ =	sdelay $0x1  }
0x1de: {  	p1 =	sne.s32 s4, $0x140  }
.Ltmp4:
0x1df: {  	_ = 	snop;
	(pc) =	sbr.rel @p1 .LBB2_10-.Ltmp4, $3  }
0x1e0: {  	_ = 	snop  }
0x1e1: {  	v3 =	vmul.f32 v63, v3;
	_ =	sdelay $0x1  }
0x1e2: {  	s4 =	sadd.s32 $0x140, s4;
	[tilespmem:s9+$0xEA00] =	vst v3  }
0x1e3: {  	s24 =	simm.s32 $0x0;
	s4 =	simm.s32 $0x11CE0  }
0x1e4: {  	[tilespmem:s4], [sflag:$0x1] =	stream.indirect.gather [hbm4b:s15+s31], $0x20, s24, s31, $0xb8;
	[tilespmem:$0x1D360] =	vst v63  }
0x1e5: {  	s11 =	simm.s32 $0x126E0  }
0x1e6: {  	[tilespmem:s11], [sflag:$0x2] =	stream.indirect.gather [hbm4b:s15+s31], $0x20, s31, s31, $0xb8;
	[tilespmem:$0x1D360] =	vst v63  }
0x1e7: {  	s12 =	simm.s32 $0xA0;
	s8 =	simm.s32 $0x130E0  }
0x1e8: {  	[tilespmem:s8], [sflag:$0x3] =	stream.indirect.gather [hbm4b:s15+s31], $0x20, s12, s31, $0xb8;
	[tilespmem:$0x1D360] =	vst v63  }
0x1e9: {  	s14 =	simm.s32 $0xF0;
	s17 =	simm.s32 $0x13AE0;
	s20 =	simm.s32 $0x140  }
0x1ea: {  	[tilespmem:s17], [sflag:$0x4] =	stream.indirect.gather [hbm4b:s15+s31], $0x20, s14, s31, $0xb8;
	[tilespmem:$0x1D360] =	vst v63  }
0x1eb: {  	s30 =	simm.s32 $0x144E0;
	s4 =	simm.s32 $0x0;
	s14 =	simm.s32 $0x176E0  }
0x1ec: {  	[tilespmem:s30], [sflag:$0x5] =	stream.indirect.gather [hbm4b:s15+s31], $0x20, s20, s31, $0xb8;
	[tilespmem:$0x1D360] =	vst v63  }
.LBB2_12:
0x1ed: {  	s12 =	smul.u32 $0x320, s4;
	_ =	sdelay $0x1  }
0x1ee: {  	s30 =	sadd.s32 $0x190, s12  }
0x1ef: {  	[tilespmem:s21], [sflag:$0x6] =	stream.indirect.gather [hbm4b:s15+s31], $0x20, s30, s31, $0xb8;
	[tilespmem:$0x1D360] =	vst v63  }
0x1f0: {  	s9 =	sadd.s32 $0x1E0, s12  }
0x1f1: {  	[tilespmem:s22], [sflag:$0x7] =	stream.indirect.gather [hbm4b:s15+s31], $0x20, s9, s31, $0xb8;
	[tilespmem:$0x1D360] =	vst v63  }
0x1f2: {  	s10 =	sadd.s32 $0x230, s12  }
0x1f3: {  	[tilespmem:s29], [sflag:$0x8] =	stream.indirect.gather [hbm4b:s15+s31], $0x20, s10, s31, $0xb8;
	[tilespmem:$0x1D360] =	vst v63  }
0x1f4: {  	s11 =	sadd.s32 $0x280, s12  }
0x1f5: {  	[tilespmem:s13], [sflag:$0x9] =	stream.indirect.gather [hbm4b:s15+s31], $0x20, s11, s31, $0xb8;
	[tilespmem:$0x1D360] =	vst v63  }
0x1f6: {  	s8 =	simm.s32 $0x1;
	s12 =	sadd.s32 $0x2D0, s12  }
0x1f7: {  	[tilespmem:s14], [sflag:$0xA] =	stream.indirect.gather [hbm4b:s15+s31], $0x20, s12, s31, $0xb8;
	[tilespmem:$0x1D360] =	vst v63  }
0x1f8: {  	_ =	swait.ge [sflag:s8], $0xA00  }
0x1f9: {  	[sflag:s8] =	ssyncset.done $0x0  }
0x1fa: {  	s20 =	simm.s32 $0x2;
	[sflag:s8] =	ssyncadd.s32 $0xFFFFF600  }
0x1fb: {  	s13 =	sadd.s32 $0xFFFFFFF8, s24;
	_ =	swait.ge [sflag:s20], $0xA00  }
0x1fc: {  	s21 =	sadd.s32 $0xF, s13;
	[sflag:s20] =	ssyncset.done $0x0  }
0x1fd: {  	s22 =	simm.s32 $0x3;
	v3 =	vmov s21;
	[sflag:s20] =	ssyncadd.s32 $0xFFFFF600  }
0x1fe: {  	v3 =	vshrl.u32 v3, $0x3;
	_ =	swait.ge [sflag:s22], $0xA00  }
0x1ff: {  	v3 =	vshll.u32 v3, v2;
	[sflag:s22] =	ssyncset.done $0x0  }
0x200: {  	s29 =	simm.s32 $0x4;
	v3 =	vadd.s32 $0x7, v3;
	[sflag:s22] =	ssyncadd.s32 $0xFFFFF600  }
0x201: {  	v3 =	vbroadcast v3, $0x0;
	_ =	swait.ge [sflag:s29], $0xA00  }
0x202: {  	s17 =	sadd.s32 $0xB, s13;
	s20 =	sadd.s32 $0xC, s13;
	[sflag:s29] =	ssyncset.done $0x0  }
0x203: {  	s21 =	sadd.s32 $0x9, s13;
	v7 =	vmov s20;
	s20 =	simm.s32 $0x5;
	[sflag:s29] =	ssyncadd.s32 $0xFFFFF600  }
0x204: {  	v6 =	vmov s17;
	v4 =	vmov s21;
	s8 =	sadd.s32 $0xE, s13;
	_ =	swait.ge [sflag:s20], $0xA00  }
0x205: {  	v6 =	vshrl.u32 v6, $0x3;
	s21 =	sadd.s32 $0x8, s13;
	v4 =	vshrl.u32 v4, $0x3;
	v9 =	vmov s8;
	[sflag:s20] =	ssyncset.done $0x0  }
0x206: {  	v10 =	vmov s21;
	v4 =	vshll.u32 v4, v2;
	v9 =	vshrl.u32 v9, $0x3;
	[sflag:s20] =	ssyncadd.s32 $0xFFFFF600  }
0x207: {  	v10 =	vshrl.u32 v10, $0x3;
	v4 =	vadd.s32 $0x1, v4;
	v9 =	vshll.u32 v9, v2;
	s22 =	sadd.s32 $0xA, s13;
	s29 =	sadd.s32 $0xD, s13;
	s13 =	simm.s32 $0x11D60;
	v11 =	vld.idx.msk [tilespmem:v3+s28+$0x0], $0xffff  }
0x208: {  	v4 =	vbroadcast v4, $0x0;
	v9 =	vadd.s32 $0x6, v9;
	v3 =	vshll.u32 v6, v2;
	v6 =	vld [tilespmem:s13+$0x70]  }
0x209: {  	v10 =	vshll.u32 v10, v2;
	v9 =	vbroadcast v9, $0x0;
	v13 =	vld [tilespmem:s13+$0xFFFFFF80]  }
0x20a: {  	v10 =	vbroadcast v10, $0x0;
	v23 =	vld [tilespmem:s13+$0xFFFFFF90]  }
0x20b: {  	v12 =	vld [tilespmem:s13+$0xFFFFFFA0]  }
0x20c: {  	v14 =	vld [tilespmem:s13+$0xFFFFFFB0]  }
0x20d: {  	v5 =	vmov s22;
	v15 =	vld [tilespmem:s13+$0xFFFFFFC0]  }
0x20e: {  	v5 =	vshrl.u32 v5, $0x3;
	v4 =	vld.idx.msk [tilespmem:v4+s28+$0x0], $0xffff  }
0x20f: {  	v5 =	vshll.u32 v5, v2;
	v24 =	vld.idx.msk [tilespmem:v9+s28+$0x0], $0xffff  }
0x210: {  	v5 =	vadd.s32 $0x2, v5;
	v25 =	vld.idx.msk [tilespmem:v10+s28+$0x0], $0xffff  }
0x211: {  	v5 =	vbroadcast v5, $0x0;
	v9 =	vld [tilespmem:s13+$0xFFFFFFE0]  }
0x212: {  	v21 =	vld [tilespmem:s13+$0xFFFFFFF0];
	v3 =	vadd.s32 $0x3, v3  }
0x213: {  	s14 =	sadd.s32 $0x0, s24;
	v7 =	vshrl.u32 v7, $0x3;
	v8 =	vmov s29;
	v22 =	vld [tilespmem:s13+$0x0];
	v3 =	vbroadcast v3, $0x0  }
0x214: {  	s21 =	sadd.s32 $0xC, s14;
	v7 =	vshll.u32 v7, v2;
	v8 =	vshrl.u32 v8, $0x3;
	v26 =	vld [tilespmem:s13+$0x10]  }
0x215: {  	v18 =	vmov s21;
	v7 =	vadd.s32 $0x4, v7;
	v8 =	vshll.u32 v8, v2;
	v28 =	vld [tilespmem:s13+$0x20]  }
0x216: {  	s8 =	sadd.s32 $0xA, s14;
	v18 =	vshrl.u32 v18, $0x3;
	v7 =	vbroadcast v7, $0x0;
	s20 =	sadd.s32 $0xB, s14;
	v8 =	vadd.s32 $0x5, v8;
	v29 =	vld [tilespmem:s13+$0x30]  }
0x217: {  	v10 =	vmov s8;
	v17 =	vmov s20;
	v8 =	vbroadcast v8, $0x0;
	v16 =	vld.idx.msk [tilespmem:v5+s28+$0x0], $0xffff  }
0x218: {  	v18 =	vshll.u32 v18, v2;
	s22 =	sadd.s32 $0xF, s14;
	s29 =	sadd.s32 $0x9, s14;
	v30 =	vld [tilespmem:s13+$0x40];
	v10 =	vshrl.u32 v10, $0x3;
	v17 =	vshrl.u32 v17, $0x3  }
0x219: {  	v10 =	vshll.u32 v10, v2;
	v5 =	vmov s29;
	v19 =	vld.idx.msk [tilespmem:v3+s28+$0x0], $0xffff;
	v3 =	vmov s22  }
0x21a: {  	v31 =	vld [tilespmem:s13+$0x50];
	v6 =	vmul.f32 v6, v11;
	v12 =	vmul.f32 v12, v4;
	v3 =	vshrl.u32 v3, $0x3  }
0x21b: {  	v32 =	vld [tilespmem:s13+$0x60];
	v14 =	vmul.f32 v14, v4;
	v5 =	vshrl.u32 v5, $0x3;
	v3 =	vshll.u32 v3, v2  }
0x21c: {  	v7 =	vld.idx.msk [tilespmem:v7+s28+$0x0], $0xffff;
	s29 =	sadd.s32 $0xE, s14;
	v5 =	vshll.u32 v5, v2;
	s22 =	sadd.s32 $0xD, s14;
	v27 =	vmul.f32 v15, v16;
	v3 =	vadd.s32 $0x7, v3  }
0x21d: {  	v20 =	vld.idx.msk [tilespmem:v8+s28+$0x0], $0xffff;
	s14 =	sadd.s32 $0x8, s14;
	v4 =	vmov s22;
	v15 =	vmov s29;
	v3 =	vbroadcast v3, $0x0  }
0x21e: {  	v8 =	vld [tilespmem:s13+$0xFFFFFFD0];
	[tilespmem:s13+$0x70] =	vst v6;
	v4 =	vshrl.u32 v4, $0x3;
	v6 =	vshrl.u32 v15, $0x3;
	v15 =	vmov s14;
	s14 =	simm.s32 $0x11E60  }
0x21f: {  	v17 =	vshll.u32 v17, v2;
	v33 =	vshll.u32 v4, v2;
	v4 =	vadd.s32 $0x1, v5;
	v36 =	vld [tilespmem:s14+$0x70]  }
0x220: {  	v5 =	vadd.s32 $0x2, v10;
	v10 =	vadd.s32 $0x3, v17;
	v17 =	vld [tilespmem:s14+$0xFFFFFFB0];
	v35 =	vbroadcast v4, $0x0  }
0x221: {  	v34 =	vshrl.u32 v15, $0x3;
	v15 =	vadd.s32 $0x4, v18;
	v37 =	vbroadcast v5, $0x0;
	v4 =	vld [tilespmem:s14+$0xFFFFFF80]  }
0x222: {  	v63 =	vmul.f32 v22, v7;
	[tilespmem:s13+$0xFFFFFFA0] =	vst v12;
	v12 =	vadd.s32 $0x5, v33;
	v38 =	vbroadcast v15, $0x0;
	v5 =	vld [tilespmem:s14+$0xFFFFFF90]  }
0x223: {  	v26 =	vmul.f32 v26, v7;
	[tilespmem:s13+$0xFFFFFFB0] =	vst v14;
	v6 =	vshll.u32 v6, v2;
	v39 =	vbroadcast v12, $0x0;
	v3 =	vld.idx.msk [tilespmem:v3+s28+$0x0], $0xffff  }
0x224: {  	[tilespmem:s13+$0x0] =	vst v63;
	v62 =	vbroadcast v10, $0x0;
	v6 =	vadd.s32 $0x6, v6;
	v8 =	vmul.f32 v8, v16;
	v15 =	vld [tilespmem:s14+$0xFFFFFFA0]  }
0x225: {  	[tilespmem:s13+$0x10] =	vst v26;
	v10 =	vshll.u32 v34, v2;
	v16 =	vld [tilespmem:s14+$0xFFFFFFC0];
	v18 =	vbroadcast v6, $0x0;
	v6 =	vmul.f32 v9, v19  }
0x226: {  	[tilespmem:s13+$0xFFFFFFC0] =	vst v27;
	v10 =	vbroadcast v10, $0x0;
	v12 =	vmul.f32 v21, v19;
	v19 =	vld.idx.msk [tilespmem:v35+s28+$0x0], $0xffff  }
0x227: {  	v13 =	vmul.f32 v13, v25;
	v14 =	vmul.f32 v31, v24;
	[tilespmem:s13+$0xFFFFFFD0] =	vst v8;
	v8 =	vld.idx.msk [tilespmem:v37+s28+$0x0], $0xffff  }
0x228: {  	v22 =	vmul.f32 v28, v20;
	[tilespmem:s13+$0xFFFFFFE0] =	vst v6;
	v6 =	vld.idx.msk [tilespmem:v38+s28+$0x0], $0xffff;
	v9 =	vmul.f32 v36, v3  }
0x229: {  	v21 =	vmul.f32 v29, v20;
	v20 =	vmul.f32 v30, v24;
	[tilespmem:s13+$0xFFFFFFF0] =	vst v12;
	v7 =	vld.idx.msk [tilespmem:v39+s28+$0x0], $0xffff  }
0x22a: {  	s17 =	simm.s32 $0x8;
	v12 =	vmul.f32 v32, v11;
	v11 =	vmul.f32 v23, v25;
	[tilespmem:s14+$0x70] =	vst v9;
	v9 =	vld.idx.msk [tilespmem:v62+s28+$0x0], $0xffff  }
.LBB2_13:
0x22b: {  	s20 =	sadd.s32 s17, s24;
	s17 =	sadd.s32 $0x8, s17;
	v23 =	vld.idx.msk [tilespmem:v18+s28+$0x0], $0xffff;
	[tilespmem:s13+$0x20] =	vst v22  }
0x22c: {  	s21 =	sadd.s32 $0x9, s20;
	s8 =	sadd.s32 $0xF, s20;
	p1 =	slt.u32 s17, $0x188;
	v24 =	vld.idx.msk [tilespmem:v10+s28+$0x0], $0xffff;
	v10 =	vmul.f32 v15, v19;
	v15 =	vmul.f32 v17, v19;
	[tilespmem:s13+$0x30] =	vst v21  }
0x22d: {  	s22 =	sadd.s32 $0xB, s20;
	s29 =	sadd.s32 $0xC, s20;
	v16 =	vmul.f32 v16, v8;
	v17 =	vmov s21;
	s21 =	sadd.s32 $0xA, s20;
	v18 =	vmov s8;
	v19 =	vld [tilespmem:s14+$0xFFFFFFD0];
	[tilespmem:s13+$0x40] =	vst v20  }
0x22e: {  	s8 =	sadd.s32 $0x8, s20;
	v21 =	vmov s22;
	v20 =	vmov s21;
	s21 =	sadd.s32 $0xD, s20;
	s20 =	sadd.s32 $0xE, s20;
	v18 =	vshrl.u32 v18, $0x3;
	[tilespmem:s14+$0xFFFFFFA0] =	vst v10;
	v22 =	vld [tilespmem:s14+$0xFFFFFFE0]  }
0x22f: {  	v10 =	vmov s29;
	v25 =	vmov s21;
	v18 =	vshll.u32 v18, v2;
	[tilespmem:s14+$0xFFFFFFB0] =	vst v15;
	v26 =	vld [tilespmem:s14+$0xFFFFFFF0]  }
0x230: {  	v15 =	vshrl.u32 v17, $0x3;
	v17 =	vmov s20;
	v18 =	vadd.s32 $0x7, v18;
	[tilespmem:s14+$0xFFFFFFC0] =	vst v16;
	v27 =	vld [tilespmem:s14+$0x0]  }
0x231: {  	v16 =	vshrl.u32 v20, $0x3;
	v20 =	vshrl.u32 v21, $0x3;
	v18 =	vbroadcast v18, $0x0;
	v21 =	vld [tilespmem:s14+$0x10];
	[tilespmem:s13+$0x50] =	vst v14  }
0x232: {  	v10 =	vshrl.u32 v10, $0x3;
	v17 =	vshrl.u32 v17, $0x3;
	v14 =	vshrl.u32 v25, $0x3;
	v25 =	vld [tilespmem:s14+$0x20];
	[tilespmem:s13+$0x60] =	vst v12  }
0x233: {  	v15 =	vshll.u32 v15, v2;
	v16 =	vshll.u32 v16, v2;
	v12 =	vmov s8;
	v28 =	vld [tilespmem:s14+$0x30];
	[tilespmem:s13+$0xFFFFFF80] =	vst v13  }
0x234: {  	v10 =	vshll.u32 v10, v2;
	v14 =	vshll.u32 v14, v2;
	v13 =	vshll.u32 v20, v2;
	v20 =	vld [tilespmem:s14+$0x40];
	[tilespmem:s13+$0xFFFFFF90] =	vst v11;
	s13 =	smov.u32 s14  }
0x235: {  	v11 =	vshrl.u32 v12, $0x3;
	v12 =	vadd.s32 $0x1, v15;
	v15 =	vshll.u32 v17, v2;
	v29 =	vld [tilespmem:s14+$0x50]  }
0x236: {  	v10 =	vadd.s32 $0x4, v10;
	v16 =	vadd.s32 $0x2, v16;
	v13 =	vadd.s32 $0x3, v13;
	v30 =	vld [tilespmem:s14+$0x60]  }
0x237: {  	v14 =	vadd.s32 $0x5, v14;
	v11 =	vshll.u32 v11, v2;
	v15 =	vadd.s32 $0x6, v15;
	s14 =	sadd.s32 $0x100, s14;
	v31 =	vld.idx.msk [tilespmem:v18+s28+$0x0], $0xffff  }
0x238: {  	v32 =	vbroadcast v16, $0x0;
	v12 =	vbroadcast v12, $0x0;
	v33 =	vld [tilespmem:s14+$0x70]  }
0x239: {  	v35 =	vbroadcast v10, $0x0;
	v13 =	vbroadcast v13, $0x0;
	v34 =	vld [tilespmem:s14+$0xFFFFFF80]  }
0x23a: {  	v37 =	vbroadcast v14, $0x0;
	v18 =	vbroadcast v15, $0x0;
	v36 =	vld [tilespmem:s14+$0xFFFFFF90]  }
0x23b: {  	v8 =	vmul.f32 v19, v8;
	v10 =	vbroadcast v11, $0x0;
	v15 =	vld [tilespmem:s14+$0xFFFFFFA0]  }
0x23c: {  	v14 =	vmul.f32 v26, v9;
	v11 =	vmul.f32 v22, v9;
	v17 =	vld [tilespmem:s14+$0xFFFFFFB0]  }
0x23d: {  	v26 =	vmul.f32 v27, v6;
	v16 =	vld [tilespmem:s14+$0xFFFFFFC0];
	v9 =	vmul.f32 v33, v31;
	[tilespmem:s13+$0xFFFFFFD0] =	vst v8  }
.Ltmp5:
0x23e: {  	v27 =	vmul.f32 v21, v6;
	v22 =	vmul.f32 v25, v7;
	v19 =	vld.idx.msk [tilespmem:v12+s28+$0x0], $0xffff;
	[tilespmem:s13+$0xFFFFFFE0] =	vst v11;
	(pc) =	sbr.rel @p1 .LBB2_13-.Ltmp5, $4  }
0x23f: {  	v21 =	vmul.f32 v28, v7;
	v20 =	vmul.f32 v20, v23;
	v8 =	vld.idx.msk [tilespmem:v32+s28+$0x0], $0xffff;
	[tilespmem:s14+$0x70] =	vst v9  }
0x240: {  	v12 =	vmul.f32 v30, v3;
	v3 =	vmov v31;
	v9 =	vld.idx.msk [tilespmem:v13+s28+$0x0], $0xffff;
	[tilespmem:s13+$0xFFFFFFF0] =	vst v14;
	v14 =	vmul.f32 v29, v23  }
0x241: {  	v11 =	vmul.f32 v5, v24;
	v13 =	vmul.f32 v4, v24;
	v4 =	vmov v34;
	v6 =	vld.idx.msk [tilespmem:v35+s28+$0x0], $0xffff;
	[tilespmem:s13+$0x0] =	vst v26  }
0x242: {  	v5 =	vmov v36;
	v7 =	vld.idx.msk [tilespmem:v37+s28+$0x0], $0xffff;
	[tilespmem:s13+$0x10] =	vst v27  }
0x243: {  	_ =	sdelay $0x1  }
0x244: {  	[tilespmem:s13+$0x20] =	vst v22  }
0x245: {  	[tilespmem:s13+$0x30] =	vst v21  }
0x246: {  	v15 =	vmul.f32 v15, v19;
	v18 =	vld.idx.msk [tilespmem:v18+s28+$0x0], $0xffff;
	[tilespmem:s13+$0x40] =	vst v20  }
0x247: {  	v17 =	vmul.f32 v17, v19;
	v19 =	vld [tilespmem:s14+$0xFFFFFFD0];
	[tilespmem:s13+$0x50] =	vst v14  }
0x248: {  	v16 =	vmul.f32 v16, v8;
	[tilespmem:s14+$0xFFFFFFA0] =	vst v15;
	v15 =	vld [tilespmem:s14+$0xFFFFFFE0]  }
0x249: {  	[tilespmem:s14+$0xFFFFFFB0] =	vst v17;
	v17 =	vld [tilespmem:s14+$0xFFFFFFF0]  }
0x24a: {  	[tilespmem:s14+$0xFFFFFFC0] =	vst v16;
	v16 =	vld [tilespmem:s14+$0x0]  }
0x24b: {  	v14 =	vld [tilespmem:s14+$0x10];
	[tilespmem:s13+$0x60] =	vst v12  }
0x24c: {  	v12 =	vld [tilespmem:s14+$0x20];
	[tilespmem:s13+$0xFFFFFF80] =	vst v13;
	v8 =	vmul.f32 v19, v8  }
0x24d: {  	v13 =	vld [tilespmem:s14+$0x30];
	[tilespmem:s13+$0xFFFFFF90] =	vst v11;
	v11 =	vmul.f32 v15, v9  }
0x24e: {  	v15 =	vld [tilespmem:s14+$0x40];
	v9 =	vmul.f32 v17, v9;
	[tilespmem:s14+$0xFFFFFFD0] =	vst v8  }
0x24f: {  	v8 =	vld [tilespmem:s14+$0x50];
	v16 =	vmul.f32 v16, v6;
	[tilespmem:s14+$0xFFFFFFE0] =	vst v11  }
0x250: {  	v6 =	vmul.f32 v14, v6;
	v11 =	vld [tilespmem:s14+$0x60];
	[tilespmem:s14+$0xFFFFFFF0] =	vst v9  }
0x251: {  	v9 =	vld.idx.msk [tilespmem:v10+s28+$0x0], $0xffff;
	v10 =	vmul.f32 v12, v7;
	[tilespmem:s14+$0x0] =	vst v16  }
0x252: {  	v7 =	vmul.f32 v13, v7;
	[tilespmem:s14+$0x10] =	vst v6  }
0x253: {  	[tilespmem:s14+$0x20] =	vst v10;
	v6 =	vmul.f32 v15, v18  }
0x254: {  	[tilespmem:s14+$0x30] =	vst v7;
	v8 =	vmul.f32 v8, v18  }
0x255: {  	v3 =	vmul.f32 v11, v3;
	[tilespmem:s14+$0x40] =	vst v6  }
0x256: {  	s8 =	smul.u32 $0xC80, s4;
	v4 =	vmul.f32 v4, v9;
	[tilespmem:s14+$0x50] =	vst v8  }
0x257: {  	v5 =	vmul.f32 v5, v9;
	[tilespmem:s14+$0x60] =	vst v3  }
0x258: {  	s13 =	sshra.s32 s8, $0x2;
	[tilespmem:s14+$0xFFFFFF80] =	vst v4  }
0x259: {  	s17 =	simm.s32 $0x11CE0;
	s21 =	sadd.s32 $0x4E20, s13;
	[tilespmem:s14+$0xFFFFFF90] =	vst v5  }
0x25a: {  	[spmem:s2] =	stream.indirect.scatter.add.f32 [tilespmem:s17], [sflag:$0xB], $0x20, s21, s31, $0xb8;
	[tilespmem:$0x1D360] =	vst v63  }
0x25b: {  	s29 =	simm.s32 $0x126E0;
	s22 =	sadd.s32 $0x4E70, s13  }
0x25c: {  	[spmem:s2] =	stream.indirect.scatter.add.f32 [tilespmem:s29], [sflag:$0xC], $0x20, s22, s31, $0xb8;
	[tilespmem:$0x1D360] =	vst v63  }
0x25d: {  	s20 =	simm.s32 $0x130E0;
	s17 =	sadd.s32 $0x4EC0, s13  }
0x25e: {  	[spmem:s2] =	stream.indirect.scatter.add.f32 [tilespmem:s20], [sflag:$0xD], $0x20, s17, s31, $0xb8;
	[tilespmem:$0x1D360] =	vst v63  }
0x25f: {  	s21 =	sadd.s32 $0x4F10, s13;
	s22 =	simm.s32 $0x13AE0  }
0x260: {  	[spmem:s2] =	stream.indirect.scatter.add.f32 [tilespmem:s22], [sflag:$0xE], $0x20, s21, s31, $0xb8;
	[tilespmem:$0x1D360] =	vst v63  }
0x261: {  	s13 =	sadd.s32 $0x4F60, s13;
	s29 =	simm.s32 $0x144E0;
	s17 =	simm.s32 $0xB  }
0x262: {  	[spmem:s2] =	stream.indirect.scatter.add.f32 [tilespmem:s29], [sflag:$0xF], $0x20, s13, s31, $0xb8;
	[tilespmem:$0x1D360] =	vst v63  }
0x263: {  	_ =	swait.ge [sflag:s17], $0xA00  }
0x264: {  	[sflag:s17] =	ssyncset.done $0x0  }
0x265: {  	s20 =	simm.s32 $0xC;
	[sflag:s17] =	ssyncadd.s32 $0xFFFFF600  }
0x266: {  	_ =	swait.ge [sflag:s20], $0xA00  }
0x267: {  	[sflag:s20] =	ssyncset.done $0x0  }
0x268: {  	s21 =	simm.s32 $0xD;
	[sflag:s20] =	ssyncadd.s32 $0xFFFFF600  }
0x269: {  	_ =	swait.ge [sflag:s21], $0xA00  }
0x26a: {  	[sflag:s21] =	ssyncset.done $0x0  }
0x26b: {  	s22 =	simm.s32 $0xE;
	[sflag:s21] =	ssyncadd.s32 $0xFFFFF600  }
0x26c: {  	_ =	swait.ge [sflag:s22], $0xA00  }
0x26d: {  	[sflag:s22] =	ssyncset.done $0x0  }
0x26e: {  	s29 =	simm.s32 $0xF;
	[sflag:s22] =	ssyncadd.s32 $0xFFFFF600  }
0x26f: {  	p1 =	seq.s32 s4, $0x18;
	_ =	swait.ge [sflag:s29], $0xA00  }
0x270: {  	s8 =	sshra.s32 @!p1 s8, $0x2;
	s14 =	simm.s32 @!p1 $0x50;
	[sflag:s29] =	ssyncset.done $0x0  }
0x271: {  	s13 =	sadd.s32 @!p1 $0x320, s8;
	s17 =	simm.s32 @!p1 $0x11CE0;
	[sflag:s29] =	ssyncadd.s32 $0xFFFFF600  }
0x272: {  	[tilespmem:s17], [sflag:$0x1] =	stream.indirect.gather @!p1 [hbm4b:s15+s14], $0x20, s13, s14, $0xb8;
	[tilespmem:$0x1D360] =	vst v63  }
0x273: {  	s13 =	sadd.s32 @!p1 $0x370, s8;
	s17 =	simm.s32 @!p1 $0x126E0  }
0x274: {  	[tilespmem:s17], [sflag:$0x2] =	stream.indirect.gather @!p1 [hbm4b:s15+s14], $0x20, s13, s14, $0xb8;
	[tilespmem:$0x1D360] =	vst v63  }
0x275: {  	s13 =	sadd.s32 @!p1 $0x3C0, s8;
	s17 =	simm.s32 @!p1 $0x130E0  }
0x276: {  	[tilespmem:s17], [sflag:$0x3] =	stream.indirect.gather @!p1 [hbm4b:s15+s14], $0x20, s13, s14, $0xb8;
	[tilespmem:$0x1D360] =	vst v63  }
0x277: {  	s13 =	sadd.s32 @!p1 $0x410, s8;
	s17 =	simm.s32 @!p1 $0x13AE0  }
0x278: {  	[tilespmem:s17], [sflag:$0x4] =	stream.indirect.gather @!p1 [hbm4b:s15+s14], $0x20, s13, s14, $0xb8;
	[tilespmem:$0x1D360] =	vst v63  }
0x279: {  	s8 =	sadd.s32 @!p1 $0x460, s8;
	s13 =	simm.s32 @!p1 $0x144E0  }
0x27a: {  	[tilespmem:s13], [sflag:$0x5] =	stream.indirect.gather @!p1 [hbm4b:s15+s14], $0x20, s8, s14, $0xb8;
	[tilespmem:$0x1D360] =	vst v63  }
0x27b: {  	s13 =	simm.s32 $0x6  }
0x27c: {  	_ =	swait.ge [sflag:s13], $0xA00  }
0x27d: {  	[sflag:s13] =	ssyncset.done $0x0  }
0x27e: {  	s14 =	simm.s32 $0x7;
	[sflag:s13] =	ssyncadd.s32 $0xFFFFF600  }
0x27f: {  	s8 =	sadd.s32 $0xFFFFFFF8, s24;
	_ =	swait.ge [sflag:s14], $0xA00  }
0x280: {  	s17 =	sadd.s32 $0x19F, s8;
	[sflag:s14] =	ssyncset.done $0x0  }
0x281: {  	v3 =	vmov s17;
	[sflag:s14] =	ssyncadd.s32 $0xFFFFF600  }
0x282: {  	v3 =	vshrl.u32 v3, $0x3;
	_ =	swait.ge [sflag:s1], $0xA00  }
0x283: {  	v3 =	vshll.u32 v3, v2;
	[sflag:s1] =	ssyncset.done $0x0  }
0x284: {  	v3 =	vadd.s32 $0x7, v3;
	[sflag:s1] =	ssyncadd.s32 $0xFFFFF600  }
0x285: {  	s20 =	sadd.s32 $0x199, s8;
	v3 =	vbroadcast v3, $0x0;
	_ =	swait.ge [sflag:s5], $0xA00  }
0x286: {  	s21 =	sadd.s32 $0x19A, s8;
	s22 =	sadd.s32 $0x19B, s8;
	[sflag:s5] =	ssyncset.done $0x0  }
0x287: {  	s29 =	sadd.s32 $0x19C, s8;
	v4 =	vmov s20;
	v5 =	vmov s21;
	v6 =	vmov s22;
	s20 =	sadd.s32 $0x19E, s8;
	[sflag:s5] =	ssyncadd.s32 $0xFFFFF600  }
0x288: {  	v7 =	vmov s29;
	v4 =	vshrl.u32 v4, $0x3;
	v9 =	vmov s20;
	_ =	swait.ge [sflag:s7], $0xA00  }
0x289: {  	v5 =	vshrl.u32 v5, $0x3;
	v6 =	vshrl.u32 v6, $0x3;
	v7 =	vshrl.u32 v7, $0x3;
	[sflag:s7] =	ssyncset.done $0x0  }
0x28a: {  	v9 =	vshrl.u32 v9, $0x3;
	v4 =	vshll.u32 v4, v2;
	v5 =	vshll.u32 v5, v2;
	[sflag:s7] =	ssyncadd.s32 $0xFFFFF600  }
0x28b: {  	s13 =	simm.s32 $0x14FD0;
	v7 =	vshll.u32 v7, v2;
	v4 =	vadd.s32 $0x1, v4;
	v5 =	vadd.s32 $0x2, v5;
	v11 =	vld.idx.msk [tilespmem:v3+s28+$0x0], $0xffff  }
0x28c: {  	v7 =	vadd.s32 $0x4, v7;
	s14 =	sadd.s32 $0x19D, s8;
	s8 =	sadd.s32 $0x198, s8;
	v4 =	vbroadcast v4, $0x0;
	v3 =	vshll.u32 v6, v2;
	v6 =	vld [tilespmem:s13+$0x0]  }
0x28d: {  	v9 =	vshll.u32 v9, v2;
	v5 =	vbroadcast v5, $0x0;
	v10 =	vmov s8;
	v13 =	vld [tilespmem:s13+$0xFFFFFF10]  }
0x28e: {  	v7 =	vbroadcast v7, $0x0;
	v9 =	vadd.s32 $0x6, v9;
	v10 =	vshrl.u32 v10, $0x3;
	v23 =	vld [tilespmem:s13+$0xFFFFFF20]  }
0x28f: {  	v9 =	vbroadcast v9, $0x0;
	v10 =	vshll.u32 v10, v2;
	v12 =	vld [tilespmem:s13+$0xFFFFFF30]  }
0x290: {  	v10 =	vbroadcast v10, $0x0;
	v14 =	vld [tilespmem:s13+$0xFFFFFF40]  }
0x291: {  	v8 =	vmov s14;
	v15 =	vld [tilespmem:s13+$0xFFFFFF50]  }
0x292: {  	v8 =	vshrl.u32 v8, $0x3;
	v4 =	vld.idx.msk [tilespmem:v4+s28+$0x0], $0xffff  }
0x293: {  	v8 =	vshll.u32 v8, v2;
	v16 =	vld.idx.msk [tilespmem:v5+s28+$0x0], $0xffff  }
0x294: {  	v8 =	vadd.s32 $0x5, v8;
	v7 =	vld.idx.msk [tilespmem:v7+s28+$0x0], $0xffff  }
0x295: {  	v8 =	vbroadcast v8, $0x0;
	v24 =	vld.idx.msk [tilespmem:v9+s28+$0x0], $0xffff  }
0x296: {  	v25 =	vld.idx.msk [tilespmem:v10+s28+$0x0], $0xffff;
	v3 =	vadd.s32 $0x3, v3  }
0x297: {  	v9 =	vld [tilespmem:s13+$0xFFFFFF70];
	v3 =	vbroadcast v3, $0x0  }
0x298: {  	s8 =	sadd.s32 $0x0, s24;
	v21 =	vld [tilespmem:s13+$0xFFFFFF80]  }
0x299: {  	s22 =	sadd.s32 $0x199, s8;
	s20 =	sadd.s32 $0x19B, s8;
	v22 =	vld [tilespmem:s13+$0xFFFFFF90]  }
0x29a: {  	s29 =	sadd.s32 $0x19A, s8;
	v17 =	vmov s20;
	v5 =	vmov s22;
	v26 =	vld [tilespmem:s13+$0xFFFFFFA0]  }
0x29b: {  	v17 =	vshrl.u32 v17, $0x3;
	v10 =	vmov s29;
	v20 =	vld.idx.msk [tilespmem:v8+s28+$0x0], $0xffff;
	v5 =	vshrl.u32 v5, $0x3  }
0x29c: {  	s21 =	sadd.s32 $0x19F, s8;
	v17 =	vshll.u32 v17, v2;
	v8 =	vld [tilespmem:s13+$0xFFFFFF60];
	v10 =	vshrl.u32 v10, $0x3;
	v5 =	vshll.u32 v5, v2  }
0x29d: {  	v10 =	vshll.u32 v10, v2;
	v6 =	vmul.f32 v6, v11;
	v19 =	vld.idx.msk [tilespmem:v3+s28+$0x0], $0xffff;
	v3 =	vmov s21  }
0x29e: {  	s22 =	sadd.s32 $0x19D, s8;
	v28 =	vld [tilespmem:s13+$0xFFFFFFB0];
	v12 =	vmul.f32 v12, v4;
	v14 =	vmul.f32 v14, v4;
	v3 =	vshrl.u32 v3, $0x3  }
0x29f: {  	s29 =	sadd.s32 $0x19E, s8;
	v29 =	vld [tilespmem:s13+$0xFFFFFFC0];
	v27 =	vmul.f32 v15, v16;
	v4 =	vmov s22;
	v3 =	vshll.u32 v3, v2  }
0x2a0: {  	v30 =	vld [tilespmem:s13+$0xFFFFFFD0];
	v15 =	vmov s29;
	v63 =	vmul.f32 v22, v7;
	v3 =	vadd.s32 $0x7, v3  }
0x2a1: {  	v31 =	vld [tilespmem:s13+$0xFFFFFFE0];
	v4 =	vshrl.u32 v4, $0x3;
	v8 =	vmul.f32 v8, v16;
	v3 =	vbroadcast v3, $0x0  }
0x2a2: {  	s14 =	simm.s32 $0x150D0;
	v32 =	vld [tilespmem:s13+$0xFFFFFFF0];
	[tilespmem:s13+$0x0] =	vst v6;
	v6 =	vshrl.u32 v15, $0x3;
	v33 =	vshll.u32 v4, v2;
	v4 =	vadd.s32 $0x1, v5;
	s21 =	sadd.s32 $0x19C, s8  }
0x2a3: {  	v36 =	vld [tilespmem:s14+$0x0];
	v5 =	vadd.s32 $0x2, v10;
	v10 =	vadd.s32 $0x3, v17;
	v18 =	vmov s21  }
0x2a4: {  	v16 =	vld [tilespmem:s14+$0xFFFFFF50];
	s8 =	sadd.s32 $0x198, s8;
	v35 =	vbroadcast v4, $0x0;
	v37 =	vbroadcast v5, $0x0;
	v18 =	vshrl.u32 v18, $0x3  }
0x2a5: {  	[tilespmem:s13+$0xFFFFFF30] =	vst v12;
	v17 =	vld [tilespmem:s14+$0xFFFFFF40];
	v12 =	vadd.s32 $0x5, v33;
	v15 =	vmov s8;
	v18 =	vshll.u32 v18, v2  }
0x2a6: {  	v4 =	vld [tilespmem:s14+$0xFFFFFF10];
	v39 =	vbroadcast v12, $0x0;
	v34 =	vshrl.u32 v15, $0x3;
	v15 =	vadd.s32 $0x4, v18  }
0x2a7: {  	v26 =	vmul.f32 v26, v7;
	[tilespmem:s13+$0xFFFFFF40] =	vst v14;
	v6 =	vshll.u32 v6, v2;
	v38 =	vbroadcast v15, $0x0;
	v3 =	vld.idx.msk [tilespmem:v3+s28+$0x0], $0xffff  }
0x2a8: {  	[tilespmem:s13+$0xFFFFFF50] =	vst v27;
	v62 =	vbroadcast v10, $0x0;
	v5 =	vld [tilespmem:s14+$0xFFFFFF20];
	v6 =	vadd.s32 $0x6, v6;
	v10 =	vshll.u32 v34, v2  }
0x2a9: {  	[tilespmem:s13+$0xFFFFFF90] =	vst v63;
	v18 =	vbroadcast v6, $0x0;
	v10 =	vbroadcast v10, $0x0;
	v15 =	vld [tilespmem:s14+$0xFFFFFF30]  }
0x2aa: {  	[tilespmem:s13+$0xFFFFFFA0] =	vst v26;
	v6 =	vmul.f32 v9, v19;
	v12 =	vmul.f32 v21, v19;
	v19 =	vld.idx.msk [tilespmem:v35+s28+$0x0], $0xffff  }
0x2ab: {  	v13 =	vmul.f32 v13, v25;
	v22 =	vmul.f32 v28, v20;
	[tilespmem:s13+$0xFFFFFF60] =	vst v8;
	v8 =	vld.idx.msk [tilespmem:v37+s28+$0x0], $0xffff  }
0x2ac: {  	v14 =	vmul.f32 v31, v24;
	[tilespmem:s13+$0xFFFFFF70] =	vst v6;
	v7 =	vld.idx.msk [tilespmem:v39+s28+$0x0], $0xffff;
	v9 =	vmul.f32 v36, v3  }
0x2ad: {  	v21 =	vmul.f32 v29, v20;
	v20 =	vmul.f32 v30, v24;
	[tilespmem:s13+$0xFFFFFF80] =	vst v12;
	v6 =	vld.idx.msk [tilespmem:v38+s28+$0x0], $0xffff  }
0x2ae: {  	s17 =	simm.s32 $0x8;
	v12 =	vmul.f32 v32, v11;
	v11 =	vmul.f32 v23, v25;
	[tilespmem:s14+$0x0] =	vst v9;
	v9 =	vld.idx.msk [tilespmem:v62+s28+$0x0], $0xffff  }
.LBB2_15:
0x2af: {  	s8 =	sadd.s32 s17, s24;
	s17 =	sadd.s32 $0x8, s17;
	v23 =	vld.idx.msk [tilespmem:v18+s28+$0x0], $0xffff;
	[tilespmem:s13+$0xFFFFFFB0] =	vst v22  }
0x2b0: {  	s20 =	sadd.s32 $0x199, s8;
	s21 =	sadd.s32 $0x19F, s8;
	p1 =	slt.u32 s17, $0x188;
	v24 =	vld.idx.msk [tilespmem:v10+s28+$0x0], $0xffff;
	v10 =	vmul.f32 v15, v19;
	v15 =	vmul.f32 v17, v19;
	[tilespmem:s13+$0xFFFFFFC0] =	vst v21  }
0x2b1: {  	s22 =	sadd.s32 $0x19B, s8;
	s29 =	sadd.s32 $0x19C, s8;
	v16 =	vmul.f32 v16, v8;
	v17 =	vmov s20;
	s20 =	sadd.s32 $0x19A, s8;
	v18 =	vmov s21;
	v19 =	vld [tilespmem:s14+$0xFFFFFF60];
	[tilespmem:s13+$0xFFFFFFD0] =	vst v20  }
0x2b2: {  	s21 =	sadd.s32 $0x198, s8;
	v21 =	vmov s22;
	v20 =	vmov s20;
	s20 =	sadd.s32 $0x19D, s8;
	s8 =	sadd.s32 $0x19E, s8;
	v18 =	vshrl.u32 v18, $0x3;
	[tilespmem:s14+$0xFFFFFF30] =	vst v10;
	v22 =	vld [tilespmem:s14+$0xFFFFFF70]  }
0x2b3: {  	v10 =	vmov s29;
	v25 =	vmov s20;
	v18 =	vshll.u32 v18, v2;
	[tilespmem:s14+$0xFFFFFF40] =	vst v15;
	v26 =	vld [tilespmem:s14+$0xFFFFFF80]  }
0x2b4: {  	v15 =	vshrl.u32 v17, $0x3;
	v17 =	vmov s8;
	v18 =	vadd.s32 $0x7, v18;
	[tilespmem:s14+$0xFFFFFF50] =	vst v16;
	v27 =	vld [tilespmem:s14+$0xFFFFFF90]  }
0x2b5: {  	v16 =	vshrl.u32 v20, $0x3;
	v20 =	vshrl.u32 v21, $0x3;
	v18 =	vbroadcast v18, $0x0;
	v21 =	vld [tilespmem:s14+$0xFFFFFFA0];
	[tilespmem:s13+$0xFFFFFFE0] =	vst v14  }
0x2b6: {  	v10 =	vshrl.u32 v10, $0x3;
	v17 =	vshrl.u32 v17, $0x3;
	v14 =	vshrl.u32 v25, $0x3;
	v25 =	vld [tilespmem:s14+$0xFFFFFFB0];
	[tilespmem:s13+$0xFFFFFFF0] =	vst v12  }
0x2b7: {  	v15 =	vshll.u32 v15, v2;
	v16 =	vshll.u32 v16, v2;
	v12 =	vmov s21;
	v28 =	vld [tilespmem:s14+$0xFFFFFFC0];
	[tilespmem:s13+$0xFFFFFF10] =	vst v13  }
0x2b8: {  	v10 =	vshll.u32 v10, v2;
	v14 =	vshll.u32 v14, v2;
	v13 =	vshll.u32 v20, v2;
	v20 =	vld [tilespmem:s14+$0xFFFFFFD0];
	[tilespmem:s13+$0xFFFFFF20] =	vst v11;
	s13 =	smov.u32 s14  }
0x2b9: {  	v11 =	vshrl.u32 v12, $0x3;
	v12 =	vadd.s32 $0x1, v15;
	v15 =	vshll.u32 v17, v2;
	v29 =	vld [tilespmem:s14+$0xFFFFFFE0]  }
0x2ba: {  	v10 =	vadd.s32 $0x4, v10;
	v16 =	vadd.s32 $0x2, v16;
	v13 =	vadd.s32 $0x3, v13;
	v30 =	vld [tilespmem:s14+$0xFFFFFFF0]  }
0x2bb: {  	v14 =	vadd.s32 $0x5, v14;
	v11 =	vshll.u32 v11, v2;
	v15 =	vadd.s32 $0x6, v15;
	s14 =	sadd.s32 $0x100, s14;
	v31 =	vld.idx.msk [tilespmem:v18+s28+$0x0], $0xffff  }
0x2bc: {  	v32 =	vbroadcast v16, $0x0;
	v12 =	vbroadcast v12, $0x0;
	v33 =	vld [tilespmem:s14+$0x0]  }
0x2bd: {  	v35 =	vbroadcast v10, $0x0;
	v13 =	vbroadcast v13, $0x0;
	v34 =	vld [tilespmem:s14+$0xFFFFFF10]  }
0x2be: {  	v37 =	vbroadcast v14, $0x0;
	v18 =	vbroadcast v15, $0x0;
	v36 =	vld [tilespmem:s14+$0xFFFFFF20]  }
0x2bf: {  	v8 =	vmul.f32 v19, v8;
	v10 =	vbroadcast v11, $0x0;
	v15 =	vld [tilespmem:s14+$0xFFFFFF30]  }
0x2c0: {  	v14 =	vmul.f32 v26, v9;
	v11 =	vmul.f32 v22, v9;
	v17 =	vld [tilespmem:s14+$0xFFFFFF40]  }
0x2c1: {  	v26 =	vmul.f32 v27, v6;
	v16 =	vld [tilespmem:s14+$0xFFFFFF50];
	v9 =	vmul.f32 v33, v31;
	[tilespmem:s13+$0xFFFFFF60] =	vst v8  }
.Ltmp6:
0x2c2: {  	v27 =	vmul.f32 v21, v6;
	v22 =	vmul.f32 v25, v7;
	v19 =	vld.idx.msk [tilespmem:v12+s28+$0x0], $0xffff;
	[tilespmem:s13+$0xFFFFFF70] =	vst v11;
	(pc) =	sbr.rel @p1 .LBB2_15-.Ltmp6, $4  }
0x2c3: {  	v21 =	vmul.f32 v28, v7;
	v20 =	vmul.f32 v20, v23;
	v8 =	vld.idx.msk [tilespmem:v32+s28+$0x0], $0xffff;
	[tilespmem:s14+$0x0] =	vst v9  }
0x2c4: {  	v12 =	vmul.f32 v30, v3;
	v3 =	vmov v31;
	v9 =	vld.idx.msk [tilespmem:v13+s28+$0x0], $0xffff;
	[tilespmem:s13+$0xFFFFFF80] =	vst v14;
	v14 =	vmul.f32 v29, v23  }
0x2c5: {  	v11 =	vmul.f32 v5, v24;
	v13 =	vmul.f32 v4, v24;
	v4 =	vmov v34;
	v6 =	vld.idx.msk [tilespmem:v35+s28+$0x0], $0xffff;
	[tilespmem:s13+$0xFFFFFF90] =	vst v26  }
0x2c6: {  	v5 =	vmov v36;
	v7 =	vld.idx.msk [tilespmem:v37+s28+$0x0], $0xffff;
	[tilespmem:s13+$0xFFFFFFA0] =	vst v27  }
0x2c7: {  	_ =	sdelay $0x1  }
0x2c8: {  	[tilespmem:s13+$0xFFFFFFB0] =	vst v22  }
0x2c9: {  	[tilespmem:s13+$0xFFFFFFC0] =	vst v21  }
0x2ca: {  	v18 =	vld.idx.msk [tilespmem:v18+s28+$0x0], $0xffff;
	[tilespmem:s13+$0xFFFFFFD0] =	vst v20  }
0x2cb: {  	v46 =	vld [tilespmem:s14+$0xFFFFFF60];
	[tilespmem:s13+$0xFFFFFFE0] =	vst v14  }
0x2cc: {  	v47 =	vld [tilespmem:s14+$0xFFFFFF70];
	[tilespmem:s13+$0xFFFFFFF0] =	vst v12  }
0x2cd: {  	v15 =	vmul.f32 v15, v19;
	v48 =	vld [tilespmem:s14+$0xFFFFFF80];
	[tilespmem:s13+$0xFFFFFF10] =	vst v13  }
0x2ce: {  	v17 =	vmul.f32 v17, v19;
	v49 =	vld [tilespmem:s14+$0xFFFFFF90];
	[tilespmem:s13+$0xFFFFFF20] =	vst v11  }
0x2cf: {  	v50 =	vld [tilespmem:s14+$0xFFFFFFA0];
	v16 =	vmul.f32 v16, v8;
	[tilespmem:s14+$0xFFFFFF30] =	vst v15  }
0x2d0: {  	v51 =	vld [tilespmem:s14+$0xFFFFFFB0];
	[tilespmem:s14+$0xFFFFFF40] =	vst v17;
	v52 =	vmul.f32 v46, v8  }
0x2d1: {  	v53 =	vld [tilespmem:s14+$0xFFFFFFC0];
	[tilespmem:s14+$0xFFFFFF50] =	vst v16;
	v54 =	vmul.f32 v47, v9  }
0x2d2: {  	v55 =	vld [tilespmem:s14+$0xFFFFFFD0];
	v56 =	vmul.f32 v48, v9;
	[tilespmem:s14+$0xFFFFFF60] =	vst v52  }
0x2d3: {  	v57 =	vld [tilespmem:s14+$0xFFFFFFE0];
	v16 =	vmul.f32 v49, v6;
	[tilespmem:s14+$0xFFFFFF70] =	vst v54  }
0x2d4: {  	v58 =	vld [tilespmem:s14+$0xFFFFFFF0];
	v59 =	vmul.f32 v50, v6;
	[tilespmem:s14+$0xFFFFFF80] =	vst v56  }
0x2d5: {  	v60 =	vld.idx.msk [tilespmem:v10+s28+$0x0], $0xffff;
	v61 =	vmul.f32 v51, v7;
	[tilespmem:s14+$0xFFFFFF90] =	vst v16  }
0x2d6: {  	v62 =	vmul.f32 v53, v7;
	[tilespmem:s14+$0xFFFFFFA0] =	vst v59  }
0x2d7: {  	v63 =	vmul.f32 v55, v18;
	[tilespmem:s14+$0xFFFFFFB0] =	vst v61  }
0x2d8: {  	v8 =	vmul.f32 v57, v18;
	[tilespmem:s14+$0xFFFFFFC0] =	vst v62  }
0x2d9: {  	v3 =	vmul.f32 v58, v3;
	[tilespmem:s14+$0xFFFFFFD0] =	vst v63  }
0x2da: {  	v4 =	vmul.f32 v4, v60;
	[tilespmem:s14+$0xFFFFFFE0] =	vst v8  }
0x2db: {  	v5 =	vmul.f32 v5, v60;
	[tilespmem:s14+$0xFFFFFFF0] =	vst v3  }
0x2dc: {  	[tilespmem:s14+$0xFFFFFF10] =	vst v4  }
0x2dd: {  	s8 =	sadd.s32 $0x4E20, s30;
	s21 =	simm.s32 $0x14EE0;
	[tilespmem:s14+$0xFFFFFF20] =	vst v5  }
0x2de: {  	[spmem:s2] =	stream.indirect.scatter.add.f32 [tilespmem:s21], [sflag:$0x10], $0x20, s8, s31, $0xb8;
	[tilespmem:$0x1D360] =	vst v63  }
0x2df: {  	s22 =	simm.s32 $0x158E0;
	s14 =	sadd.s32 $0x4E20, s9  }
0x2e0: {  	[spmem:s2] =	stream.indirect.scatter.add.f32 [tilespmem:s22], [sflag:$0x11], $0x20, s14, s31, $0xb8;
	[tilespmem:$0x1D360] =	vst v63  }
0x2e1: {  	s17 =	sadd.s32 $0x4E20, s10;
	s29 =	simm.s32 $0x162E0  }
0x2e2: {  	[spmem:s2] =	stream.indirect.scatter.add.f32 [tilespmem:s29], [sflag:$0x12], $0x20, s17, s31, $0xb8;
	[tilespmem:$0x1D360] =	vst v63  }
0x2e3: {  	s20 =	sadd.s32 $0x4E20, s11;
	s13 =	simm.s32 $0x16CE0  }
0x2e4: {  	[spmem:s2] =	stream.indirect.scatter.add.f32 [tilespmem:s13], [sflag:$0x13], $0x20, s20, s31, $0xb8;
	[tilespmem:$0x1D360] =	vst v63  }
0x2e5: {  	s30 =	sadd.s32 $0x4E20, s12;
	s14 =	simm.s32 $0x176E0  }
0x2e6: {  	[spmem:s2] =	stream.indirect.scatter.add.f32 [tilespmem:s14], [sflag:$0x14], $0x20, s30, s31, $0xb8;
	[tilespmem:$0x1D360] =	vst v63  }
0x2e7: {  	_ =	swait.ge [sflag:s6], $0xA00  }
0x2e8: {  	[sflag:s6] =	ssyncset.done $0x0  }
0x2e9: {  	[sflag:s6] =	ssyncadd.s32 $0xFFFFF600  }
0x2ea: {  	_ =	swait.ge [sflag:s18], $0xA00  }
0x2eb: {  	[sflag:s18] =	ssyncset.done $0x0  }
0x2ec: {  	[sflag:s18] =	ssyncadd.s32 $0xFFFFF600  }
0x2ed: {  	_ =	swait.ge [sflag:s25], $0xA00  }
0x2ee: {  	[sflag:s25] =	ssyncset.done $0x0  }
0x2ef: {  	s4 =	sadd.s32 $0x1, s4;
	[sflag:s25] =	ssyncadd.s32 $0xFFFFF600  }
0x2f0: {  	p1 =	sne.s32 s4, $0x19;
	_ =	swait.ge [sflag:s19], $0xA00  }
.Ltmp7:
0x2f1: {  	[sflag:s19] =	ssyncset.done $0x0;
	(pc) =	sbr.rel @p1 .LBB2_12-.Ltmp7, $4  }
0x2f2: {  	[sflag:s19] =	ssyncadd.s32 $0xFFFFF600  }
0x2f3: {  	_ =	swait.ge [sflag:s23], $0xA00  }
0x2f4: {  	[sflag:s23] =	ssyncset.done $0x0  }
0x2f5: {  	s24 =	sadd.s32 $0x320, s24;
	[sflag:s23] =	ssyncadd.s32 $0xFFFFF600  }
0x2f6: {  	s4 =	stileid.u32;
	[bflag:$0x0] =	sbarrier.arrive $0xFFFF  }
0x2f7: {  	s4 =	sshll.u32 s4, $0x6;
	s20 =	rddreg [dreg:$0x8]  }
0x2f8: {  	s8 =	rddreg [dreg:$0x10];
	s9 =	sor.u32 $0x1C16, s4  }
0x2f9: {  	s10 =	sshrl.u32 s20, $0x3;
	[dreg:$0x18] =	wrdreg s9  }
0x2fa: {  	[dreg:$0x19] =	wrdreg s10  }
0x2fb: {  	[hbm:s8], [sflag:s9] =	dma.local [spmem:s10], $0xA00  }
0x2fc: {  	s8 =	simm.s32 $0x16  }
0x2fd: {  	_ =	swait.ge [sflag:s8], $0xA00  }
0x2fe: {  	[sflag:s8] =	ssyncset.done $0x0  }
0x2ff: {  	s9 =	simm.s32 $0x11260;
	[sflag:s8] =	ssyncadd.s32 $0xFFFFF600  }
0x300: {  	[spmem:s20] =	stream.linear.scatter [tilespmem:s9], [sflag:$0x16], $0x800, $0x38;
	[tilespmem:$0x1D360] =	vst v63  }
0x301: {  	_ =	swait.ge [sflag:s8], $0x800  }
0x302: {  	[sflag:s8] =	ssyncset.done $0x0  }
0x303: {  	s24 =	rddreg [dreg:$0x9];
	[sflag:s8] =	ssyncadd.s32 $0xFFFFF800  }
0x304: {  	[spmem:s24] =	stream.linear.scatter [tilespmem:s9], [sflag:$0x16], $0x800, $0x38;
	[tilespmem:$0x1D360] =	vst v63  }
0x305: {  	_ =	swait.ge [sflag:s8], $0x800  }
0x306: {  	[sflag:s8] =	ssyncset.done $0x0  }
0x307: {  	s30 =	rddreg [dreg:$0xa];
	[sflag:s8] =	ssyncadd.s32 $0xFFFFF800  }
0x308: {  	[spmem:s30] =	stream.linear.scatter [tilespmem:s9], [sflag:$0x16], $0x800, $0x38;
	[tilespmem:$0x1D360] =	vst v63  }
0x309: {  	_ =	swait.ge [sflag:s8], $0x800  }
0x30a: {  	[sflag:s8] =	ssyncset.done $0x0  }
0x30b: {  	s10 =	rddreg [dreg:$0xb];
	[sflag:s8] =	ssyncadd.s32 $0xFFFFF800  }
0x30c: {  	[spmem:s10] =	stream.linear.scatter [tilespmem:s9], [sflag:$0x16], $0x800, $0x38;
	[tilespmem:$0x1D360] =	vst v63  }
0x30d: {  	_ =	swait.ge [sflag:s8], $0x800  }
0x30e: {  	[sflag:s8] =	ssyncset.done $0x0  }
0x30f: {  	s11 =	rddreg [dreg:$0xc];
	[sflag:s8] =	ssyncadd.s32 $0xFFFFF800  }
0x310: {  	[spmem:s11] =	stream.linear.scatter [tilespmem:s9], [sflag:$0x16], $0x800, $0x38;
	[tilespmem:$0x1D360] =	vst v63  }
0x311: {  	_ =	swait.ge [sflag:s8], $0x800  }
0x312: {  	[sflag:s8] =	ssyncset.done $0x0  }
0x313: {  	s12 =	rddreg [dreg:$0xd];
	[sflag:s8] =	ssyncadd.s32 $0xFFFFF800  }
0x314: {  	[spmem:s12] =	stream.linear.scatter [tilespmem:s9], [sflag:$0x16], $0x800, $0x38;
	[tilespmem:$0x1D360] =	vst v63  }
0x315: {  	_ =	swait.ge [sflag:s8], $0x800  }
0x316: {  	[sflag:s8] =	ssyncset.done $0x0  }
0x317: {  	s17 =	rddreg [dreg:$0xe];
	[sflag:s8] =	ssyncadd.s32 $0xFFFFF800  }
0x318: {  	[spmem:s17] =	stream.linear.scatter [tilespmem:s9], [sflag:$0x16], $0x800, $0x38;
	[tilespmem:$0x1D360] =	vst v63  }
0x319: {  	_ =	swait.ge [sflag:s8], $0x800  }
0x31a: {  	[sflag:s8] =	ssyncset.done $0x0  }
0x31b: {  	s20 =	rddreg [dreg:$0xf];
	[sflag:s8] =	ssyncadd.s32 $0xFFFFF800  }
0x31c: {  	[spmem:s20] =	stream.linear.scatter [tilespmem:s9], [sflag:$0x16], $0x800, $0x38;
	[tilespmem:$0x1D360] =	vst v63  }
0x31d: {  	_ =	swait.ge [sflag:s8], $0x800  }
0x31e: {  	[sflag:s8] =	ssyncset.done $0x0  }
0x31f: {  	s24 =	rddreg [dreg:$0x12];
	[sflag:s8] =	ssyncadd.s32 $0xFFFFF800  }
0x320: {  	[spmem:s24] =	stream.linear.scatter [tilespmem:s9], [sflag:$0x16], $0x800, $0x38;
	[tilespmem:$0x1D360] =	vst v63  }
0x321: {  	_ =	swait.ge [sflag:s8], $0x800  }
0x322: {  	[sflag:s8] =	ssyncset.done $0x0  }
0x323: {  	s30 =	rddreg [dreg:$0x13];
	[sflag:s8] =	ssyncadd.s32 $0xFFFFF800  }
0x324: {  	[spmem:s30] =	stream.linear.scatter [tilespmem:s9], [sflag:$0x16], $0x800, $0x38;
	[tilespmem:$0x1D360] =	vst v63  }
0x325: {  	_ =	swait.ge [sflag:s8], $0x800  }
0x326: {  	[sflag:s8] =	ssyncset.done $0x0  }
0x327: {  	[sflag:s8] =	ssyncadd.s32 $0xFFFFF800  }
0x328: {  	s24 =	simm.s32 $0x0;
	s8 =	simm.s32 $0x11CE0;
	[bflag:$0x0] =	sbarrier.arrive $0xFFFF  }
0x329: {  	[tilespmem:s8], [sflag:$0x1] =	stream.indirect.gather [hbm4b:s16+s31], $0x20, s24, s31, $0xb8;
	[tilespmem:$0x1D360] =	vst v63  }
0x32a: {  	s9 =	simm.s32 $0x126E0  }
0x32b: {  	[tilespmem:s9], [sflag:$0x2] =	stream.indirect.gather [hbm4b:s16+s31], $0x20, s31, s31, $0xb8;
	[tilespmem:$0x1D360] =	vst v63  }
0x32c: {  	s10 =	simm.s32 $0xA0;
	s11 =	simm.s32 $0x130E0  }
0x32d: {  	[tilespmem:s11], [sflag:$0x3] =	stream.indirect.gather [hbm4b:s16+s31], $0x20, s10, s31, $0xb8;
	[tilespmem:$0x1D360] =	vst v63  }
0x32e: {  	s12 =	simm.s32 $0xF0;
	s17 =	simm.s32 $0x13AE0  }
0x32f: {  	[tilespmem:s17], [sflag:$0x4] =	stream.indirect.gather [hbm4b:s16+s31], $0x20, s12, s31, $0xb8;
	[tilespmem:$0x1D360] =	vst v63  }
0x330: {  	s4 =	simm.s32 $0x0;
	s20 =	simm.s32 $0x140;
	s30 =	simm.s32 $0x144E0  }
0x331: {  	[tilespmem:s30], [sflag:$0x5] =	stream.indirect.gather [hbm4b:s16+s31], $0x20, s20, s31, $0xb8;
	[tilespmem:$0x1D360] =	vst v63  }
.LBB2_18:
0x332: {  	s8 =	smul.u32 $0x320, s4;
	_ =	sdelay $0x1  }
0x333: {  	s9 =	sadd.s32 $0x190, s8  }
0x334: {  	[tilespmem:s21], [sflag:$0x6] =	stream.indirect.gather [hbm4b:s16+s31], $0x20, s9, s31, $0xb8;
	[tilespmem:$0x1D360] =	vst v63  }
0x335: {  	s10 =	sadd.s32 $0x1E0, s8  }
0x336: {  	[tilespmem:s22], [sflag:$0x7] =	stream.indirect.gather [hbm4b:s16+s31], $0x20, s10, s31, $0xb8;
	[tilespmem:$0x1D360] =	vst v63  }
0x337: {  	s11 =	sadd.s32 $0x230, s8  }
0x338: {  	[tilespmem:s29], [sflag:$0x8] =	stream.indirect.gather [hbm4b:s16+s31], $0x20, s11, s31, $0xb8;
	[tilespmem:$0x1D360] =	vst v63  }
0x339: {  	s12 =	sadd.s32 $0x280, s8  }
0x33a: {  	[tilespmem:s13], [sflag:$0x9] =	stream.indirect.gather [hbm4b:s16+s31], $0x20, s12, s31, $0xb8;
	[tilespmem:$0x1D360] =	vst v63  }
0x33b: {  	s17 =	simm.s32 $0x1;
	s30 =	sadd.s32 $0x2D0, s8  }
0x33c: {  	[tilespmem:s14], [sflag:$0xA] =	stream.indirect.gather [hbm4b:s16+s31], $0x20, s30, s31, $0xb8;
	[tilespmem:$0x1D360] =	vst v63  }
0x33d: {  	_ =	swait.ge [sflag:s17], $0xA00  }
0x33e: {  	[sflag:s17] =	ssyncset.done $0x0  }
0x33f: {  	s20 =	simm.s32 $0x2;
	[sflag:s17] =	ssyncadd.s32 $0xFFFFF600  }
0x340: {  	s8 =	sadd.s32 $0xFFFFFFF8, s24;
	_ =	swait.ge [sflag:s20], $0xA00  }
0x341: {  	s21 =	sadd.s32 $0xF, s8;
	[sflag:s20] =	ssyncset.done $0x0  }
0x342: {  	v3 =	vmov s21;
	s22 =	simm.s32 $0x3;
	[sflag:s20] =	ssyncadd.s32 $0xFFFFF600  }
0x343: {  	v3 =	vshrl.u32 v3, $0x3;
	_ =	swait.ge [sflag:s22], $0xA00  }
0x344: {  	v3 =	vshll.u32 v3, v2;
	[sflag:s22] =	ssyncset.done $0x0  }
0x345: {  	v3 =	vadd.s32 $0x7, v3;
	s20 =	simm.s32 $0x4;
	[sflag:s22] =	ssyncadd.s32 $0xFFFFF600  }
0x346: {  	v3 =	vbroadcast v3, $0x0;
	_ =	swait.ge [sflag:s20], $0xA00  }
0x347: {  	s21 =	sadd.s32 $0xB, s8;
	s29 =	sadd.s32 $0x9, s8;
	[sflag:s20] =	ssyncset.done $0x0  }
0x348: {  	v6 =	vmov s21;
	v4 =	vmov s29;
	s29 =	sadd.s32 $0xE, s8;
	[sflag:s20] =	ssyncadd.s32 $0xFFFFF600;
	s20 =	simm.s32 $0x5  }
0x349: {  	v6 =	vshrl.u32 v6, $0x3;
	v4 =	vshrl.u32 v4, $0x3;
	v9 =	vmov s29;
	s14 =	sadd.s32 $0xA, s8;
	_ =	swait.ge [sflag:s20], $0xA00  }
0x34a: {  	v9 =	vshrl.u32 v9, $0x3;
	v4 =	vshll.u32 v4, v2;
	v5 =	vmov s14;
	s17 =	sadd.s32 $0xC, s8;
	[sflag:s20] =	ssyncset.done $0x0  }
0x34b: {  	v4 =	vadd.s32 $0x1, v4;
	v5 =	vshrl.u32 v5, $0x3;
	v7 =	vmov s17;
	[sflag:s20] =	ssyncadd.s32 $0xFFFFF600  }
0x34c: {  	s13 =	simm.s32 $0x11D60;
	v4 =	vbroadcast v4, $0x0;
	v5 =	vshll.u32 v5, v2;
	v7 =	vshrl.u32 v7, $0x3;
	v11 =	vld.idx.msk [tilespmem:v3+s28+$0x0], $0xffff  }
0x34d: {  	v5 =	vadd.s32 $0x2, v5;
	v7 =	vshll.u32 v7, v2;
	v3 =	vshll.u32 v6, v2;
	v6 =	vld [tilespmem:s13+$0x70]  }
0x34e: {  	v9 =	vshll.u32 v9, v2;
	v5 =	vbroadcast v5, $0x0;
	v7 =	vadd.s32 $0x4, v7;
	v13 =	vld [tilespmem:s13+$0xFFFFFF80]  }
0x34f: {  	v9 =	vadd.s32 $0x6, v9;
	v7 =	vbroadcast v7, $0x0;
	v23 =	vld [tilespmem:s13+$0xFFFFFF90]  }
0x350: {  	v9 =	vbroadcast v9, $0x0;
	v12 =	vld [tilespmem:s13+$0xFFFFFFA0]  }
0x351: {  	v14 =	vld [tilespmem:s13+$0xFFFFFFB0]  }
0x352: {  	s22 =	sadd.s32 $0xD, s8;
	s8 =	sadd.s32 $0x8, s8;
	v15 =	vld [tilespmem:s13+$0xFFFFFFC0]  }
0x353: {  	v10 =	vmov s8;
	v4 =	vld.idx.msk [tilespmem:v4+s28+$0x0], $0xffff  }
0x354: {  	v10 =	vshrl.u32 v10, $0x3;
	v16 =	vld.idx.msk [tilespmem:v5+s28+$0x0], $0xffff  }
0x355: {  	v10 =	vshll.u32 v10, v2;
	v7 =	vld.idx.msk [tilespmem:v7+s28+$0x0], $0xffff  }
0x356: {  	v10 =	vbroadcast v10, $0x0;
	v24 =	vld.idx.msk [tilespmem:v9+s28+$0x0], $0xffff  }
0x357: {  	v8 =	vmov s22;
	v9 =	vld [tilespmem:s13+$0xFFFFFFE0];
	v3 =	vadd.s32 $0x3, v3  }
0x358: {  	v8 =	vshrl.u32 v8, $0x3;
	v21 =	vld [tilespmem:s13+$0xFFFFFFF0];
	v3 =	vbroadcast v3, $0x0  }
0x359: {  	s8 =	sadd.s32 $0x0, s24;
	v8 =	vshll.u32 v8, v2;
	v22 =	vld [tilespmem:s13+$0x0]  }
0x35a: {  	s22 =	sadd.s32 $0x9, s8;
	v8 =	vadd.s32 $0x5, v8;
	s20 =	sadd.s32 $0xB, s8;
	v26 =	vld [tilespmem:s13+$0x10]  }
0x35b: {  	s29 =	sadd.s32 $0xA, s8;
	v8 =	vbroadcast v8, $0x0;
	v5 =	vmov s22;
	v17 =	vmov s20;
	v28 =	vld [tilespmem:s13+$0x20]  }
0x35c: {  	v5 =	vshrl.u32 v5, $0x3;
	v17 =	vshrl.u32 v17, $0x3;
	v25 =	vld.idx.msk [tilespmem:v10+s28+$0x0], $0xffff;
	v10 =	vmov s29  }
0x35d: {  	s21 =	sadd.s32 $0xF, s8;
	v29 =	vld [tilespmem:s13+$0x30];
	v5 =	vshll.u32 v5, v2;
	v17 =	vshll.u32 v17, v2;
	v10 =	vshrl.u32 v10, $0x3  }
0x35e: {  	v6 =	vmul.f32 v6, v11;
	v12 =	vmul.f32 v12, v4;
	v19 =	vld.idx.msk [tilespmem:v3+s28+$0x0], $0xffff;
	v3 =	vmov s21  }
0x35f: {  	s22 =	sadd.s32 $0xD, s8;
	v30 =	vld [tilespmem:s13+$0x40];
	s29 =	sadd.s32 $0xE, s8;
	v14 =	vmul.f32 v14, v4;
	v27 =	vmul.f32 v15, v16;
	v3 =	vshrl.u32 v3, $0x3  }
0x360: {  	v31 =	vld [tilespmem:s13+$0x50];
	v4 =	vmov s22;
	v15 =	vmov s29;
	v3 =	vshll.u32 v3, v2  }
0x361: {  	s14 =	simm.s32 $0x11E60;
	v32 =	vld [tilespmem:s13+$0x60];
	v10 =	vshll.u32 v10, v2;
	v63 =	vmul.f32 v22, v7;
	v3 =	vadd.s32 $0x7, v3  }
0x362: {  	v36 =	vld [tilespmem:s14+$0x70];
	v26 =	vmul.f32 v26, v7;
	v4 =	vshrl.u32 v4, $0x3;
	v3 =	vbroadcast v3, $0x0  }
0x363: {  	v20 =	vld.idx.msk [tilespmem:v8+s28+$0x0], $0xffff;
	[tilespmem:s13+$0x70] =	vst v6;
	v6 =	vshrl.u32 v15, $0x3;
	v33 =	vshll.u32 v4, v2;
	v4 =	vadd.s32 $0x1, v5;
	s21 =	sadd.s32 $0xC, s8  }
0x364: {  	v8 =	vld [tilespmem:s13+$0xFFFFFFD0];
	v5 =	vadd.s32 $0x2, v10;
	v10 =	vadd.s32 $0x3, v17;
	v18 =	vmov s21  }
0x365: {  	v17 =	vld [tilespmem:s14+$0xFFFFFFB0];
	s8 =	sadd.s32 $0x8, s8;
	v35 =	vbroadcast v4, $0x0;
	v37 =	vbroadcast v5, $0x0;
	v18 =	vshrl.u32 v18, $0x3  }
0x366: {  	[tilespmem:s13+$0xFFFFFFA0] =	vst v12;
	v4 =	vld [tilespmem:s14+$0xFFFFFF80];
	v12 =	vadd.s32 $0x5, v33;
	v15 =	vmov s8;
	v18 =	vshll.u32 v18, v2  }
0x367: {  	v5 =	vld [tilespmem:s14+$0xFFFFFF90];
	v39 =	vbroadcast v12, $0x0;
	v34 =	vshrl.u32 v15, $0x3;
	v15 =	vadd.s32 $0x4, v18  }
0x368: {  	[tilespmem:s13+$0xFFFFFFB0] =	vst v14;
	v6 =	vshll.u32 v6, v2;
	v62 =	vbroadcast v10, $0x0;
	v38 =	vbroadcast v15, $0x0;
	v3 =	vld.idx.msk [tilespmem:v3+s28+$0x0], $0xffff  }
0x369: {  	[tilespmem:s13+$0xFFFFFFC0] =	vst v27;
	v6 =	vadd.s32 $0x6, v6;
	v8 =	vmul.f32 v8, v16;
	v16 =	vld [tilespmem:s14+$0xFFFFFFC0];
	v10 =	vshll.u32 v34, v2  }
0x36a: {  	[tilespmem:s13+$0x0] =	vst v63;
	v18 =	vbroadcast v6, $0x0;
	v10 =	vbroadcast v10, $0x0;
	v15 =	vld [tilespmem:s14+$0xFFFFFFA0]  }
0x36b: {  	[tilespmem:s13+$0x10] =	vst v26;
	v6 =	vmul.f32 v9, v19;
	v12 =	vmul.f32 v21, v19;
	v19 =	vld.idx.msk [tilespmem:v35+s28+$0x0], $0xffff  }
0x36c: {  	v14 =	vmul.f32 v31, v24;
	v13 =	vmul.f32 v13, v25;
	[tilespmem:s13+$0xFFFFFFD0] =	vst v8;
	v8 =	vld.idx.msk [tilespmem:v37+s28+$0x0], $0xffff  }
0x36d: {  	v22 =	vmul.f32 v28, v20;
	[tilespmem:s13+$0xFFFFFFE0] =	vst v6;
	v7 =	vld.idx.msk [tilespmem:v39+s28+$0x0], $0xffff;
	v9 =	vmul.f32 v36, v3  }
0x36e: {  	v21 =	vmul.f32 v29, v20;
	v20 =	vmul.f32 v30, v24;
	[tilespmem:s13+$0xFFFFFFF0] =	vst v12;
	v6 =	vld.idx.msk [tilespmem:v38+s28+$0x0], $0xffff  }
0x36f: {  	s17 =	simm.s32 $0x8;
	v12 =	vmul.f32 v32, v11;
	v11 =	vmul.f32 v23, v25;
	[tilespmem:s14+$0x70] =	vst v9;
	v9 =	vld.idx.msk [tilespmem:v62+s28+$0x0], $0xffff  }
.LBB2_19:
0x370: {  	s8 =	sadd.s32 s17, s24;
	s17 =	sadd.s32 $0x8, s17;
	v23 =	vld.idx.msk [tilespmem:v18+s28+$0x0], $0xffff;
	[tilespmem:s13+$0x20] =	vst v22  }
0x371: {  	s20 =	sadd.s32 $0x9, s8;
	s21 =	sadd.s32 $0xF, s8;
	p1 =	slt.u32 s17, $0x188;
	v24 =	vld.idx.msk [tilespmem:v10+s28+$0x0], $0xffff;
	v10 =	vmul.f32 v15, v19;
	v15 =	vmul.f32 v17, v19;
	[tilespmem:s13+$0x30] =	vst v21  }
0x372: {  	s22 =	sadd.s32 $0xB, s8;
	s29 =	sadd.s32 $0xC, s8;
	v16 =	vmul.f32 v16, v8;
	v17 =	vmov s20;
	s20 =	sadd.s32 $0xA, s8;
	v18 =	vmov s21;
	v19 =	vld [tilespmem:s14+$0xFFFFFFD0];
	[tilespmem:s13+$0x40] =	vst v20  }
0x373: {  	s21 =	sadd.s32 $0x8, s8;
	v21 =	vmov s22;
	v20 =	vmov s20;
	s20 =	sadd.s32 $0xD, s8;
	s8 =	sadd.s32 $0xE, s8;
	v18 =	vshrl.u32 v18, $0x3;
	[tilespmem:s14+$0xFFFFFFA0] =	vst v10;
	v22 =	vld [tilespmem:s14+$0xFFFFFFE0]  }
0x374: {  	v10 =	vmov s29;
	v25 =	vmov s20;
	v18 =	vshll.u32 v18, v2;
	[tilespmem:s14+$0xFFFFFFB0] =	vst v15;
	v26 =	vld [tilespmem:s14+$0xFFFFFFF0]  }
0x375: {  	v15 =	vshrl.u32 v17, $0x3;
	v17 =	vmov s8;
	v18 =	vadd.s32 $0x7, v18;
	[tilespmem:s14+$0xFFFFFFC0] =	vst v16;
	v27 =	vld [tilespmem:s14+$0x0]  }
0x376: {  	v16 =	vshrl.u32 v20, $0x3;
	v20 =	vshrl.u32 v21, $0x3;
	v18 =	vbroadcast v18, $0x0;
	v21 =	vld [tilespmem:s14+$0x10];
	[tilespmem:s13+$0x50] =	vst v14  }
0x377: {  	v10 =	vshrl.u32 v10, $0x3;
	v17 =	vshrl.u32 v17, $0x3;
	v14 =	vshrl.u32 v25, $0x3;
	v25 =	vld [tilespmem:s14+$0x20];
	[tilespmem:s13+$0x60] =	vst v12  }
0x378: {  	v15 =	vshll.u32 v15, v2;
	v16 =	vshll.u32 v16, v2;
	v12 =	vmov s21;
	v28 =	vld [tilespmem:s14+$0x30];
	[tilespmem:s13+$0xFFFFFF80] =	vst v13  }
0x379: {  	v10 =	vshll.u32 v10, v2;
	v14 =	vshll.u32 v14, v2;
	v13 =	vshll.u32 v20, v2;
	v20 =	vld [tilespmem:s14+$0x40];
	[tilespmem:s13+$0xFFFFFF90] =	vst v11;
	s13 =	smov.u32 s14  }
0x37a: {  	v11 =	vshrl.u32 v12, $0x3;
	v12 =	vadd.s32 $0x1, v15;
	v15 =	vshll.u32 v17, v2;
	v29 =	vld [tilespmem:s14+$0x50]  }
0x37b: {  	v10 =	vadd.s32 $0x4, v10;
	v16 =	vadd.s32 $0x2, v16;
	v13 =	vadd.s32 $0x3, v13;
	v30 =	vld [tilespmem:s14+$0x60]  }
0x37c: {  	v14 =	vadd.s32 $0x5, v14;
	v11 =	vshll.u32 v11, v2;
	v15 =	vadd.s32 $0x6, v15;
	s14 =	sadd.s32 $0x100, s14;
	v31 =	vld.idx.msk [tilespmem:v18+s28+$0x0], $0xffff  }
0x37d: {  	v32 =	vbroadcast v16, $0x0;
	v12 =	vbroadcast v12, $0x0;
	v33 =	vld [tilespmem:s14+$0x70]  }
0x37e: {  	v35 =	vbroadcast v10, $0x0;
	v13 =	vbroadcast v13, $0x0;
	v34 =	vld [tilespmem:s14+$0xFFFFFF80]  }
0x37f: {  	v37 =	vbroadcast v14, $0x0;
	v18 =	vbroadcast v15, $0x0;
	v36 =	vld [tilespmem:s14+$0xFFFFFF90]  }
0x380: {  	v8 =	vmul.f32 v19, v8;
	v10 =	vbroadcast v11, $0x0;
	v15 =	vld [tilespmem:s14+$0xFFFFFFA0]  }
0x381: {  	v14 =	vmul.f32 v26, v9;
	v11 =	vmul.f32 v22, v9;
	v17 =	vld [tilespmem:s14+$0xFFFFFFB0]  }
0x382: {  	v26 =	vmul.f32 v27, v6;
	v16 =	vld [tilespmem:s14+$0xFFFFFFC0];
	v9 =	vmul.f32 v33, v31;
	[tilespmem:s13+$0xFFFFFFD0] =	vst v8  }
.Ltmp8:
0x383: {  	v27 =	vmul.f32 v21, v6;
	v22 =	vmul.f32 v25, v7;
	v19 =	vld.idx.msk [tilespmem:v12+s28+$0x0], $0xffff;
	[tilespmem:s13+$0xFFFFFFE0] =	vst v11;
	(pc) =	sbr.rel @p1 .LBB2_19-.Ltmp8, $4  }
0x384: {  	v21 =	vmul.f32 v28, v7;
	v20 =	vmul.f32 v20, v23;
	v8 =	vld.idx.msk [tilespmem:v32+s28+$0x0], $0xffff;
	[tilespmem:s14+$0x70] =	vst v9  }
0x385: {  	v12 =	vmul.f32 v30, v3;
	v3 =	vmov v31;
	v9 =	vld.idx.msk [tilespmem:v13+s28+$0x0], $0xffff;
	[tilespmem:s13+$0xFFFFFFF0] =	vst v14;
	v14 =	vmul.f32 v29, v23  }
0x386: {  	v11 =	vmul.f32 v5, v24;
	v13 =	vmul.f32 v4, v24;
	v4 =	vmov v34;
	v6 =	vld.idx.msk [tilespmem:v35+s28+$0x0], $0xffff;
	[tilespmem:s13+$0x0] =	vst v26  }
0x387: {  	v5 =	vmov v36;
	v7 =	vld.idx.msk [tilespmem:v37+s28+$0x0], $0xffff;
	[tilespmem:s13+$0x10] =	vst v27  }
0x388: {  	_ =	sdelay $0x1  }
0x389: {  	[tilespmem:s13+$0x20] =	vst v22  }
0x38a: {  	[tilespmem:s13+$0x30] =	vst v21  }
0x38b: {  	v15 =	vmul.f32 v15, v19;
	v18 =	vld.idx.msk [tilespmem:v18+s28+$0x0], $0xffff;
	[tilespmem:s13+$0x40] =	vst v20  }
0x38c: {  	v17 =	vmul.f32 v17, v19;
	v19 =	vld [tilespmem:s14+$0xFFFFFFD0];
	[tilespmem:s13+$0x50] =	vst v14  }
0x38d: {  	v16 =	vmul.f32 v16, v8;
	[tilespmem:s14+$0xFFFFFFA0] =	vst v15;
	v15 =	vld [tilespmem:s14+$0xFFFFFFE0]  }
0x38e: {  	[tilespmem:s14+$0xFFFFFFB0] =	vst v17;
	v17 =	vld [tilespmem:s14+$0xFFFFFFF0]  }
0x38f: {  	[tilespmem:s14+$0xFFFFFFC0] =	vst v16;
	v16 =	vld [tilespmem:s14+$0x0]  }
0x390: {  	v14 =	vld [tilespmem:s14+$0x10];
	[tilespmem:s13+$0x60] =	vst v12  }
0x391: {  	v12 =	vld [tilespmem:s14+$0x20];
	[tilespmem:s13+$0xFFFFFF80] =	vst v13;
	v8 =	vmul.f32 v19, v8  }
0x392: {  	v13 =	vld [tilespmem:s14+$0x30];
	[tilespmem:s13+$0xFFFFFF90] =	vst v11;
	v11 =	vmul.f32 v15, v9  }
0x393: {  	v15 =	vld [tilespmem:s14+$0x40];
	v9 =	vmul.f32 v17, v9;
	[tilespmem:s14+$0xFFFFFFD0] =	vst v8  }
0x394: {  	v8 =	vld [tilespmem:s14+$0x50];
	v16 =	vmul.f32 v16, v6;
	[tilespmem:s14+$0xFFFFFFE0] =	vst v11  }
0x395: {  	v6 =	vmul.f32 v14, v6;
	v11 =	vld [tilespmem:s14+$0x60];
	[tilespmem:s14+$0xFFFFFFF0] =	vst v9  }
0x396: {  	v9 =	vld.idx.msk [tilespmem:v10+s28+$0x0], $0xffff;
	v10 =	vmul.f32 v12, v7;
	[tilespmem:s14+$0x0] =	vst v16  }
0x397: {  	v7 =	vmul.f32 v13, v7;
	[tilespmem:s14+$0x10] =	vst v6  }
0x398: {  	[tilespmem:s14+$0x20] =	vst v10;
	v6 =	vmul.f32 v15, v18  }
0x399: {  	[tilespmem:s14+$0x30] =	vst v7;
	v8 =	vmul.f32 v8, v18  }
0x39a: {  	v3 =	vmul.f32 v11, v3;
	[tilespmem:s14+$0x40] =	vst v6  }
0x39b: {  	s8 =	smul.u32 $0xC80, s4;
	v4 =	vmul.f32 v4, v9;
	[tilespmem:s14+$0x50] =	vst v8  }
0x39c: {  	v5 =	vmul.f32 v5, v9;
	[tilespmem:s14+$0x60] =	vst v3  }
0x39d: {  	s13 =	sshra.s32 s8, $0x2;
	[tilespmem:s14+$0xFFFFFF80] =	vst v4  }
0x39e: {  	s17 =	simm.s32 $0x11CE0;
	s21 =	sadd.s32 $0x4E20, s13;
	[tilespmem:s14+$0xFFFFFF90] =	vst v5  }
0x39f: {  	[spmem:s2] =	stream.indirect.scatter.add.f32 [tilespmem:s17], [sflag:$0xB], $0x20, s21, s31, $0xb8;
	[tilespmem:$0x1D360] =	vst v63  }
0x3a0: {  	s29 =	simm.s32 $0x126E0;
	s22 =	sadd.s32 $0x4E70, s13  }
0x3a1: {  	[spmem:s2] =	stream.indirect.scatter.add.f32 [tilespmem:s29], [sflag:$0xC], $0x20, s22, s31, $0xb8;
	[tilespmem:$0x1D360] =	vst v63  }
0x3a2: {  	s20 =	simm.s32 $0x130E0;
	s17 =	sadd.s32 $0x4EC0, s13  }
0x3a3: {  	[spmem:s2] =	stream.indirect.scatter.add.f32 [tilespmem:s20], [sflag:$0xD], $0x20, s17, s31, $0xb8;
	[tilespmem:$0x1D360] =	vst v63  }
0x3a4: {  	s21 =	sadd.s32 $0x4F10, s13;
	s22 =	simm.s32 $0x13AE0  }
0x3a5: {  	[spmem:s2] =	stream.indirect.scatter.add.f32 [tilespmem:s22], [sflag:$0xE], $0x20, s21, s31, $0xb8;
	[tilespmem:$0x1D360] =	vst v63  }
0x3a6: {  	s13 =	sadd.s32 $0x4F60, s13;
	s29 =	simm.s32 $0x144E0;
	s17 =	simm.s32 $0xB  }
0x3a7: {  	[spmem:s2] =	stream.indirect.scatter.add.f32 [tilespmem:s29], [sflag:$0xF], $0x20, s13, s31, $0xb8;
	[tilespmem:$0x1D360] =	vst v63  }
0x3a8: {  	_ =	swait.ge [sflag:s17], $0xA00  }
0x3a9: {  	[sflag:s17] =	ssyncset.done $0x0  }
0x3aa: {  	s20 =	simm.s32 $0xC;
	[sflag:s17] =	ssyncadd.s32 $0xFFFFF600  }
0x3ab: {  	_ =	swait.ge [sflag:s20], $0xA00  }
0x3ac: {  	[sflag:s20] =	ssyncset.done $0x0  }
0x3ad: {  	s21 =	simm.s32 $0xD;
	[sflag:s20] =	ssyncadd.s32 $0xFFFFF600  }
0x3ae: {  	_ =	swait.ge [sflag:s21], $0xA00  }
0x3af: {  	[sflag:s21] =	ssyncset.done $0x0  }
0x3b0: {  	s22 =	simm.s32 $0xE;
	[sflag:s21] =	ssyncadd.s32 $0xFFFFF600  }
0x3b1: {  	_ =	swait.ge [sflag:s22], $0xA00  }
0x3b2: {  	[sflag:s22] =	ssyncset.done $0x0  }
0x3b3: {  	s29 =	simm.s32 $0xF;
	[sflag:s22] =	ssyncadd.s32 $0xFFFFF600  }
0x3b4: {  	p1 =	seq.s32 s4, $0x18;
	_ =	swait.ge [sflag:s29], $0xA00  }
0x3b5: {  	s8 =	sshra.s32 @!p1 s8, $0x2;
	s14 =	simm.s32 @!p1 $0x50;
	[sflag:s29] =	ssyncset.done $0x0  }
0x3b6: {  	s13 =	sadd.s32 @!p1 $0x320, s8;
	s17 =	simm.s32 @!p1 $0x11CE0;
	[sflag:s29] =	ssyncadd.s32 $0xFFFFF600  }
0x3b7: {  	[tilespmem:s17], [sflag:$0x1] =	stream.indirect.gather @!p1 [hbm4b:s16+s14], $0x20, s13, s14, $0xb8;
	[tilespmem:$0x1D360] =	vst v63  }
0x3b8: {  	s13 =	sadd.s32 @!p1 $0x370, s8;
	s17 =	simm.s32 @!p1 $0x126E0  }
0x3b9: {  	[tilespmem:s17], [sflag:$0x2] =	stream.indirect.gather @!p1 [hbm4b:s16+s14], $0x20, s13, s14, $0xb8;
	[tilespmem:$0x1D360] =	vst v63  }
0x3ba: {  	s13 =	sadd.s32 @!p1 $0x3C0, s8;
	s17 =	simm.s32 @!p1 $0x130E0  }
0x3bb: {  	[tilespmem:s17], [sflag:$0x3] =	stream.indirect.gather @!p1 [hbm4b:s16+s14], $0x20, s13, s14, $0xb8;
	[tilespmem:$0x1D360] =	vst v63  }
0x3bc: {  	s13 =	sadd.s32 @!p1 $0x410, s8;
	s17 =	simm.s32 @!p1 $0x13AE0  }
0x3bd: {  	[tilespmem:s17], [sflag:$0x4] =	stream.indirect.gather @!p1 [hbm4b:s16+s14], $0x20, s13, s14, $0xb8;
	[tilespmem:$0x1D360] =	vst v63  }
0x3be: {  	s8 =	sadd.s32 @!p1 $0x460, s8;
	s13 =	simm.s32 @!p1 $0x144E0  }
0x3bf: {  	[tilespmem:s13], [sflag:$0x5] =	stream.indirect.gather @!p1 [hbm4b:s16+s14], $0x20, s8, s14, $0xb8;
	[tilespmem:$0x1D360] =	vst v63  }
0x3c0: {  	s13 =	simm.s32 $0x6  }
0x3c1: {  	_ =	swait.ge [sflag:s13], $0xA00  }
0x3c2: {  	[sflag:s13] =	ssyncset.done $0x0  }
0x3c3: {  	s14 =	simm.s32 $0x7;
	[sflag:s13] =	ssyncadd.s32 $0xFFFFF600  }
0x3c4: {  	s8 =	sadd.s32 $0xFFFFFFF8, s24;
	_ =	swait.ge [sflag:s14], $0xA00  }
0x3c5: {  	s17 =	sadd.s32 $0x19F, s8;
	[sflag:s14] =	ssyncset.done $0x0  }
0x3c6: {  	v3 =	vmov s17;
	[sflag:s14] =	ssyncadd.s32 $0xFFFFF600  }
0x3c7: {  	v3 =	vshrl.u32 v3, $0x3;
	_ =	swait.ge [sflag:s1], $0xA00  }
0x3c8: {  	v3 =	vshll.u32 v3, v2;
	[sflag:s1] =	ssyncset.done $0x0  }
0x3c9: {  	v3 =	vadd.s32 $0x7, v3;
	[sflag:s1] =	ssyncadd.s32 $0xFFFFF600  }
0x3ca: {  	s20 =	sadd.s32 $0x199, s8;
	v3 =	vbroadcast v3, $0x0;
	_ =	swait.ge [sflag:s5], $0xA00  }
0x3cb: {  	s21 =	sadd.s32 $0x19A, s8;
	s22 =	sadd.s32 $0x19B, s8;
	[sflag:s5] =	ssyncset.done $0x0  }
0x3cc: {  	s29 =	sadd.s32 $0x19C, s8;
	v4 =	vmov s20;
	v5 =	vmov s21;
	v6 =	vmov s22;
	s20 =	sadd.s32 $0x19E, s8;
	[sflag:s5] =	ssyncadd.s32 $0xFFFFF600  }
0x3cd: {  	v7 =	vmov s29;
	v4 =	vshrl.u32 v4, $0x3;
	v9 =	vmov s20;
	_ =	swait.ge [sflag:s7], $0xA00  }
0x3ce: {  	v5 =	vshrl.u32 v5, $0x3;
	v6 =	vshrl.u32 v6, $0x3;
	v7 =	vshrl.u32 v7, $0x3;
	[sflag:s7] =	ssyncset.done $0x0  }
0x3cf: {  	v9 =	vshrl.u32 v9, $0x3;
	v4 =	vshll.u32 v4, v2;
	v5 =	vshll.u32 v5, v2;
	[sflag:s7] =	ssyncadd.s32 $0xFFFFF600  }
0x3d0: {  	s13 =	simm.s32 $0x14FD0;
	v7 =	vshll.u32 v7, v2;
	v4 =	vadd.s32 $0x1, v4;
	v5 =	vadd.s32 $0x2, v5;
	v11 =	vld.idx.msk [tilespmem:v3+s28+$0x0], $0xffff  }
0x3d1: {  	v7 =	vadd.s32 $0x4, v7;
	s14 =	sadd.s32 $0x19D, s8;
	s8 =	sadd.s32 $0x198, s8;
	v4 =	vbroadcast v4, $0x0;
	v3 =	vshll.u32 v6, v2;
	v6 =	vld [tilespmem:s13+$0x0]  }
0x3d2: {  	v9 =	vshll.u32 v9, v2;
	v5 =	vbroadcast v5, $0x0;
	v10 =	vmov s8;
	v13 =	vld [tilespmem:s13+$0xFFFFFF10]  }
0x3d3: {  	v7 =	vbroadcast v7, $0x0;
	v9 =	vadd.s32 $0x6, v9;
	v10 =	vshrl.u32 v10, $0x3;
	v23 =	vld [tilespmem:s13+$0xFFFFFF20]  }
0x3d4: {  	v9 =	vbroadcast v9, $0x0;
	v10 =	vshll.u32 v10, v2;
	v12 =	vld [tilespmem:s13+$0xFFFFFF30]  }
0x3d5: {  	v10 =	vbroadcast v10, $0x0;
	v14 =	vld [tilespmem:s13+$0xFFFFFF40]  }
0x3d6: {  	v8 =	vmov s14;
	v15 =	vld [tilespmem:s13+$0xFFFFFF50]  }
0x3d7: {  	v8 =	vshrl.u32 v8, $0x3;
	v4 =	vld.idx.msk [tilespmem:v4+s28+$0x0], $0xffff  }
0x3d8: {  	v8 =	vshll.u32 v8, v2;
	v16 =	vld.idx.msk [tilespmem:v5+s28+$0x0], $0xffff  }
0x3d9: {  	v8 =	vadd.s32 $0x5, v8;
	v7 =	vld.idx.msk [tilespmem:v7+s28+$0x0], $0xffff  }
0x3da: {  	v8 =	vbroadcast v8, $0x0;
	v24 =	vld.idx.msk [tilespmem:v9+s28+$0x0], $0xffff  }
0x3db: {  	v25 =	vld.idx.msk [tilespmem:v10+s28+$0x0], $0xffff;
	v3 =	vadd.s32 $0x3, v3  }
0x3dc: {  	v9 =	vld [tilespmem:s13+$0xFFFFFF70];
	v3 =	vbroadcast v3, $0x0  }
0x3dd: {  	s8 =	sadd.s32 $0x0, s24;
	v21 =	vld [tilespmem:s13+$0xFFFFFF80]  }
0x3de: {  	s22 =	sadd.s32 $0x199, s8;
	s20 =	sadd.s32 $0x19B, s8;
	v22 =	vld [tilespmem:s13+$0xFFFFFF90]  }
0x3df: {  	s29 =	sadd.s32 $0x19A, s8;
	v17 =	vmov s20;
	v5 =	vmov s22;
	v26 =	vld [tilespmem:s13+$0xFFFFFFA0]  }
0x3e0: {  	v17 =	vshrl.u32 v17, $0x3;
	v10 =	vmov s29;
	v20 =	vld.idx.msk [tilespmem:v8+s28+$0x0], $0xffff;
	v5 =	vshrl.u32 v5, $0x3  }
0x3e1: {  	s21 =	sadd.s32 $0x19F, s8;
	v17 =	vshll.u32 v17, v2;
	v8 =	vld [tilespmem:s13+$0xFFFFFF60];
	v10 =	vshrl.u32 v10, $0x3;
	v5 =	vshll.u32 v5, v2  }
0x3e2: {  	v10 =	vshll.u32 v10, v2;
	v6 =	vmul.f32 v6, v11;
	v19 =	vld.idx.msk [tilespmem:v3+s28+$0x0], $0xffff;
	v3 =	vmov s21  }
0x3e3: {  	s22 =	sadd.s32 $0x19D, s8;
	v28 =	vld [tilespmem:s13+$0xFFFFFFB0];
	v12 =	vmul.f32 v12, v4;
	v14 =	vmul.f32 v14, v4;
	v3 =	vshrl.u32 v3, $0x3  }
0x3e4: {  	s29 =	sadd.s32 $0x19E, s8;
	v29 =	vld [tilespmem:s13+$0xFFFFFFC0];
	v27 =	vmul.f32 v15, v16;
	v4 =	vmov s22;
	v3 =	vshll.u32 v3, v2  }
0x3e5: {  	v30 =	vld [tilespmem:s13+$0xFFFFFFD0];
	v15 =	vmov s29;
	v63 =	vmul.f32 v22, v7;
	v3 =	vadd.s32 $0x7, v3  }
0x3e6: {  	v31 =	vld [tilespmem:s13+$0xFFFFFFE0];
	v4 =	vshrl.u32 v4, $0x3;
	v8 =	vmul.f32 v8, v16;
	v3 =	vbroadcast v3, $0x0  }
0x3e7: {  	s14 =	simm.s32 $0x150D0;
	v32 =	vld [tilespmem:s13+$0xFFFFFFF0];
	[tilespmem:s13+$0x0] =	vst v6;
	v6 =	vshrl.u32 v15, $0x3;
	v33 =	vshll.u32 v4, v2;
	v4 =	vadd.s32 $0x1, v5;
	s21 =	sadd.s32 $0x19C, s8  }
0x3e8: {  	v36 =	vld [tilespmem:s14+$0x0];
	v5 =	vadd.s32 $0x2, v10;
	v10 =	vadd.s32 $0x3, v17;
	v18 =	vmov s21  }
0x3e9: {  	v16 =	vld [tilespmem:s14+$0xFFFFFF50];
	s8 =	sadd.s32 $0x198, s8;
	v35 =	vbroadcast v4, $0x0;
	v37 =	vbroadcast v5, $0x0;
	v18 =	vshrl.u32 v18, $0x3  }
0x3ea: {  	[tilespmem:s13+$0xFFFFFF30] =	vst v12;
	v17 =	vld [tilespmem:s14+$0xFFFFFF40];
	v12 =	vadd.s32 $0x5, v33;
	v15 =	vmov s8;
	v18 =	vshll.u32 v18, v2  }
0x3eb: {  	v4 =	vld [tilespmem:s14+$0xFFFFFF10];
	v39 =	vbroadcast v12, $0x0;
	v34 =	vshrl.u32 v15, $0x3;
	v15 =	vadd.s32 $0x4, v18  }
0x3ec: {  	v26 =	vmul.f32 v26, v7;
	[tilespmem:s13+$0xFFFFFF40] =	vst v14;
	v6 =	vshll.u32 v6, v2;
	v38 =	vbroadcast v15, $0x0;
	v3 =	vld.idx.msk [tilespmem:v3+s28+$0x0], $0xffff  }
0x3ed: {  	[tilespmem:s13+$0xFFFFFF50] =	vst v27;
	v62 =	vbroadcast v10, $0x0;
	v5 =	vld [tilespmem:s14+$0xFFFFFF20];
	v6 =	vadd.s32 $0x6, v6;
	v10 =	vshll.u32 v34, v2  }
0x3ee: {  	[tilespmem:s13+$0xFFFFFF90] =	vst v63;
	v18 =	vbroadcast v6, $0x0;
	v10 =	vbroadcast v10, $0x0;
	v15 =	vld [tilespmem:s14+$0xFFFFFF30]  }
0x3ef: {  	[tilespmem:s13+$0xFFFFFFA0] =	vst v26;
	v6 =	vmul.f32 v9, v19;
	v12 =	vmul.f32 v21, v19;
	v19 =	vld.idx.msk [tilespmem:v35+s28+$0x0], $0xffff  }
0x3f0: {  	v13 =	vmul.f32 v13, v25;
	v22 =	vmul.f32 v28, v20;
	[tilespmem:s13+$0xFFFFFF60] =	vst v8;
	v8 =	vld.idx.msk [tilespmem:v37+s28+$0x0], $0xffff  }
0x3f1: {  	v14 =	vmul.f32 v31, v24;
	[tilespmem:s13+$0xFFFFFF70] =	vst v6;
	v7 =	vld.idx.msk [tilespmem:v39+s28+$0x0], $0xffff;
	v9 =	vmul.f32 v36, v3  }
0x3f2: {  	v21 =	vmul.f32 v29, v20;
	v20 =	vmul.f32 v30, v24;
	[tilespmem:s13+$0xFFFFFF80] =	vst v12;
	v6 =	vld.idx.msk [tilespmem:v38+s28+$0x0], $0xffff  }
0x3f3: {  	s17 =	simm.s32 $0x8;
	v12 =	vmul.f32 v32, v11;
	v11 =	vmul.f32 v23, v25;
	[tilespmem:s14+$0x0] =	vst v9;
	v9 =	vld.idx.msk [tilespmem:v62+s28+$0x0], $0xffff  }
.LBB2_21:
0x3f4: {  	s8 =	sadd.s32 s17, s24;
	s17 =	sadd.s32 $0x8, s17;
	v23 =	vld.idx.msk [tilespmem:v18+s28+$0x0], $0xffff;
	[tilespmem:s13+$0xFFFFFFB0] =	vst v22  }
0x3f5: {  	s20 =	sadd.s32 $0x199, s8;
	s21 =	sadd.s32 $0x19F, s8;
	p1 =	slt.u32 s17, $0x188;
	v24 =	vld.idx.msk [tilespmem:v10+s28+$0x0], $0xffff;
	v10 =	vmul.f32 v15, v19;
	v15 =	vmul.f32 v17, v19;
	[tilespmem:s13+$0xFFFFFFC0] =	vst v21  }
0x3f6: {  	s22 =	sadd.s32 $0x19B, s8;
	s29 =	sadd.s32 $0x19C, s8;
	v16 =	vmul.f32 v16, v8;
	v17 =	vmov s20;
	s20 =	sadd.s32 $0x19A, s8;
	v18 =	vmov s21;
	v19 =	vld [tilespmem:s14+$0xFFFFFF60];
	[tilespmem:s13+$0xFFFFFFD0] =	vst v20  }
0x3f7: {  	s21 =	sadd.s32 $0x198, s8;
	v21 =	vmov s22;
	v20 =	vmov s20;
	s20 =	sadd.s32 $0x19D, s8;
	s8 =	sadd.s32 $0x19E, s8;
	v18 =	vshrl.u32 v18, $0x3;
	[tilespmem:s14+$0xFFFFFF30] =	vst v10;
	v22 =	vld [tilespmem:s14+$0xFFFFFF70]  }
0x3f8: {  	v10 =	vmov s29;
	v25 =	vmov s20;
	v18 =	vshll.u32 v18, v2;
	[tilespmem:s14+$0xFFFFFF40] =	vst v15;
	v26 =	vld [tilespmem:s14+$0xFFFFFF80]  }
0x3f9: {  	v15 =	vshrl.u32 v17, $0x3;
	v17 =	vmov s8;
	v18 =	vadd.s32 $0x7, v18;
	[tilespmem:s14+$0xFFFFFF50] =	vst v16;
	v27 =	vld [tilespmem:s14+$0xFFFFFF90]  }
0x3fa: {  	v16 =	vshrl.u32 v20, $0x3;
	v20 =	vshrl.u32 v21, $0x3;
	v18 =	vbroadcast v18, $0x0;
	v21 =	vld [tilespmem:s14+$0xFFFFFFA0];
	[tilespmem:s13+$0xFFFFFFE0] =	vst v14  }
0x3fb: {  	v10 =	vshrl.u32 v10, $0x3;
	v17 =	vshrl.u32 v17, $0x3;
	v14 =	vshrl.u32 v25, $0x3;
	v25 =	vld [tilespmem:s14+$0xFFFFFFB0];
	[tilespmem:s13+$0xFFFFFFF0] =	vst v12  }
0x3fc: {  	v15 =	vshll.u32 v15, v2;
	v16 =	vshll.u32 v16, v2;
	v12 =	vmov s21;
	v28 =	vld [tilespmem:s14+$0xFFFFFFC0];
	[tilespmem:s13+$0xFFFFFF10] =	vst v13  }
0x3fd: {  	v10 =	vshll.u32 v10, v2;
	v14 =	vshll.u32 v14, v2;
	v13 =	vshll.u32 v20, v2;
	v20 =	vld [tilespmem:s14+$0xFFFFFFD0];
	[tilespmem:s13+$0xFFFFFF20] =	vst v11;
	s13 =	smov.u32 s14  }
0x3fe: {  	v11 =	vshrl.u32 v12, $0x3;
	v12 =	vadd.s32 $0x1, v15;
	v15 =	vshll.u32 v17, v2;
	v29 =	vld [tilespmem:s14+$0xFFFFFFE0]  }
0x3ff: {  	v10 =	vadd.s32 $0x4, v10;
	v16 =	vadd.s32 $0x2, v16;
	v13 =	vadd.s32 $0x3, v13;
	v30 =	vld [tilespmem:s14+$0xFFFFFFF0]  }
0x400: {  	v14 =	vadd.s32 $0x5, v14;
	v11 =	vshll.u32 v11, v2;
	v15 =	vadd.s32 $0x6, v15;
	s14 =	sadd.s32 $0x100, s14;
	v31 =	vld.idx.msk [tilespmem:v18+s28+$0x0], $0xffff  }
0x401: {  	v32 =	vbroadcast v16, $0x0;
	v12 =	vbroadcast v12, $0x0;
	v33 =	vld [tilespmem:s14+$0x0]  }
0x402: {  	v35 =	vbroadcast v10, $0x0;
	v13 =	vbroadcast v13, $0x0;
	v34 =	vld [tilespmem:s14+$0xFFFFFF10]  }
0x403: {  	v37 =	vbroadcast v14, $0x0;
	v18 =	vbroadcast v15, $0x0;
	v36 =	vld [tilespmem:s14+$0xFFFFFF20]  }
0x404: {  	v8 =	vmul.f32 v19, v8;
	v10 =	vbroadcast v11, $0x0;
	v15 =	vld [tilespmem:s14+$0xFFFFFF30]  }
0x405: {  	v14 =	vmul.f32 v26, v9;
	v11 =	vmul.f32 v22, v9;
	v17 =	vld [tilespmem:s14+$0xFFFFFF40]  }
0x406: {  	v26 =	vmul.f32 v27, v6;
	v16 =	vld [tilespmem:s14+$0xFFFFFF50];
	v9 =	vmul.f32 v33, v31;
	[tilespmem:s13+$0xFFFFFF60] =	vst v8  }
.Ltmp9:
0x407: {  	v27 =	vmul.f32 v21, v6;
	v22 =	vmul.f32 v25, v7;
	v19 =	vld.idx.msk [tilespmem:v12+s28+$0x0], $0xffff;
	[tilespmem:s13+$0xFFFFFF70] =	vst v11;
	(pc) =	sbr.rel @p1 .LBB2_21-.Ltmp9, $4  }
0x408: {  	v21 =	vmul.f32 v28, v7;
	v20 =	vmul.f32 v20, v23;
	v8 =	vld.idx.msk [tilespmem:v32+s28+$0x0], $0xffff;
	[tilespmem:s14+$0x0] =	vst v9  }
0x409: {  	v12 =	vmul.f32 v30, v3;
	v3 =	vmov v31;
	v9 =	vld.idx.msk [tilespmem:v13+s28+$0x0], $0xffff;
	[tilespmem:s13+$0xFFFFFF80] =	vst v14;
	v14 =	vmul.f32 v29, v23  }
0x40a: {  	v11 =	vmul.f32 v5, v24;
	v13 =	vmul.f32 v4, v24;
	v4 =	vmov v34;
	v6 =	vld.idx.msk [tilespmem:v35+s28+$0x0], $0xffff;
	[tilespmem:s13+$0xFFFFFF90] =	vst v26  }
0x40b: {  	v5 =	vmov v36;
	v7 =	vld.idx.msk [tilespmem:v37+s28+$0x0], $0xffff;
	[tilespmem:s13+$0xFFFFFFA0] =	vst v27  }
0x40c: {  	_ =	sdelay $0x1  }
0x40d: {  	[tilespmem:s13+$0xFFFFFFB0] =	vst v22  }
0x40e: {  	[tilespmem:s13+$0xFFFFFFC0] =	vst v21  }
0x40f: {  	v18 =	vld.idx.msk [tilespmem:v18+s28+$0x0], $0xffff;
	[tilespmem:s13+$0xFFFFFFD0] =	vst v20  }
0x410: {  	v46 =	vld [tilespmem:s14+$0xFFFFFF60];
	[tilespmem:s13+$0xFFFFFFE0] =	vst v14  }
0x411: {  	v47 =	vld [tilespmem:s14+$0xFFFFFF70];
	[tilespmem:s13+$0xFFFFFFF0] =	vst v12  }
0x412: {  	v15 =	vmul.f32 v15, v19;
	v48 =	vld [tilespmem:s14+$0xFFFFFF80];
	[tilespmem:s13+$0xFFFFFF10] =	vst v13  }
0x413: {  	v17 =	vmul.f32 v17, v19;
	v49 =	vld [tilespmem:s14+$0xFFFFFF90];
	[tilespmem:s13+$0xFFFFFF20] =	vst v11  }
0x414: {  	v50 =	vld [tilespmem:s14+$0xFFFFFFA0];
	v16 =	vmul.f32 v16, v8;
	[tilespmem:s14+$0xFFFFFF30] =	vst v15  }
0x415: {  	v51 =	vld [tilespmem:s14+$0xFFFFFFB0];
	[tilespmem:s14+$0xFFFFFF40] =	vst v17;
	v52 =	vmul.f32 v46, v8  }
0x416: {  	v53 =	vld [tilespmem:s14+$0xFFFFFFC0];
	[tilespmem:s14+$0xFFFFFF50] =	vst v16;
	v54 =	vmul.f32 v47, v9  }
0x417: {  	v55 =	vld [tilespmem:s14+$0xFFFFFFD0];
	v56 =	vmul.f32 v48, v9;
	[tilespmem:s14+$0xFFFFFF60] =	vst v52  }
0x418: {  	v57 =	vld [tilespmem:s14+$0xFFFFFFE0];
	v16 =	vmul.f32 v49, v6;
	[tilespmem:s14+$0xFFFFFF70] =	vst v54  }
0x419: {  	v58 =	vld [tilespmem:s14+$0xFFFFFFF0];
	v59 =	vmul.f32 v50, v6;
	[tilespmem:s14+$0xFFFFFF80] =	vst v56  }
0x41a: {  	v60 =	vld.idx.msk [tilespmem:v10+s28+$0x0], $0xffff;
	v61 =	vmul.f32 v51, v7;
	[tilespmem:s14+$0xFFFFFF90] =	vst v16  }
0x41b: {  	v62 =	vmul.f32 v53, v7;
	[tilespmem:s14+$0xFFFFFFA0] =	vst v59  }
0x41c: {  	v63 =	vmul.f32 v55, v18;
	[tilespmem:s14+$0xFFFFFFB0] =	vst v61  }
0x41d: {  	v8 =	vmul.f32 v57, v18;
	[tilespmem:s14+$0xFFFFFFC0] =	vst v62  }
0x41e: {  	v3 =	vmul.f32 v58, v3;
	[tilespmem:s14+$0xFFFFFFD0] =	vst v63  }
0x41f: {  	v4 =	vmul.f32 v4, v60;
	[tilespmem:s14+$0xFFFFFFE0] =	vst v8  }
0x420: {  	v5 =	vmul.f32 v5, v60;
	[tilespmem:s14+$0xFFFFFFF0] =	vst v3  }
0x421: {  	[tilespmem:s14+$0xFFFFFF10] =	vst v4  }
0x422: {  	s8 =	sadd.s32 $0x4E20, s9;
	s21 =	simm.s32 $0x14EE0;
	[tilespmem:s14+$0xFFFFFF20] =	vst v5  }
0x423: {  	[spmem:s2] =	stream.indirect.scatter.add.f32 [tilespmem:s21], [sflag:$0x10], $0x20, s8, s31, $0xb8;
	[tilespmem:$0x1D360] =	vst v63  }
0x424: {  	s22 =	simm.s32 $0x158E0;
	s14 =	sadd.s32 $0x4E20, s10  }
0x425: {  	[spmem:s2] =	stream.indirect.scatter.add.f32 [tilespmem:s22], [sflag:$0x11], $0x20, s14, s31, $0xb8;
	[tilespmem:$0x1D360] =	vst v63  }
0x426: {  	s17 =	sadd.s32 $0x4E20, s11;
	s29 =	simm.s32 $0x162E0  }
0x427: {  	[spmem:s2] =	stream.indirect.scatter.add.f32 [tilespmem:s29], [sflag:$0x12], $0x20, s17, s31, $0xb8;
	[tilespmem:$0x1D360] =	vst v63  }
0x428: {  	s20 =	sadd.s32 $0x4E20, s12;
	s13 =	simm.s32 $0x16CE0  }
0x429: {  	[spmem:s2] =	stream.indirect.scatter.add.f32 [tilespmem:s13], [sflag:$0x13], $0x20, s20, s31, $0xb8;
	[tilespmem:$0x1D360] =	vst v63  }
0x42a: {  	s30 =	sadd.s32 $0x4E20, s30;
	s14 =	simm.s32 $0x176E0  }
0x42b: {  	[spmem:s2] =	stream.indirect.scatter.add.f32 [tilespmem:s14], [sflag:$0x14], $0x20, s30, s31, $0xb8;
	[tilespmem:$0x1D360] =	vst v63  }
0x42c: {  	_ =	swait.ge [sflag:s6], $0xA00  }
0x42d: {  	[sflag:s6] =	ssyncset.done $0x0  }
0x42e: {  	[sflag:s6] =	ssyncadd.s32 $0xFFFFF600  }
0x42f: {  	_ =	swait.ge [sflag:s18], $0xA00  }
0x430: {  	[sflag:s18] =	ssyncset.done $0x0  }
0x431: {  	[sflag:s18] =	ssyncadd.s32 $0xFFFFF600  }
0x432: {  	_ =	swait.ge [sflag:s25], $0xA00  }
0x433: {  	[sflag:s25] =	ssyncset.done $0x0  }
0x434: {  	s4 =	sadd.s32 $0x1, s4;
	[sflag:s25] =	ssyncadd.s32 $0xFFFFF600  }
0x435: {  	p1 =	sne.s32 s4, $0x19;
	_ =	swait.ge [sflag:s19], $0xA00  }
.Ltmp10:
0x436: {  	[sflag:s19] =	ssyncset.done $0x0;
	(pc) =	sbr.rel @p1 .LBB2_18-.Ltmp10, $4  }
0x437: {  	[sflag:s19] =	ssyncadd.s32 $0xFFFFF600  }
0x438: {  	_ =	swait.ge [sflag:s23], $0xA00  }
0x439: {  	[sflag:s23] =	ssyncset.done $0x0  }
0x43a: {  	s24 =	sadd.s32 $0x320, s24;
	[sflag:s23] =	ssyncadd.s32 $0xFFFFF600  }
0x43b: {  	[bflag:$0x0] =	sbarrier.arrive $0xFFFF  }
0x43c: {  	s4 =	rddreg [dreg:$0x11]  }
0x43d: {  	s8 =	rddreg [dreg:$0x18]  }
0x43e: {  	s17 =	simm.s32 $0x16;
	s9 =	rddreg [dreg:$0x19]  }
0x43f: {  	[hbm:s4], [sflag:s8] =	dma.local [spmem:s9], $0xA00  }
0x440: {  	_ =	swait.ge [sflag:s17], $0xA00  }
0x441: {  	s24 =	rddreg [dreg:$0x17]  }
0x442: {  	s30 =	rddreg [dreg:$0x16];
	s8 =	sadd.s32 $0x1, s24  }
0x443: {  	p1 =	sne.s32 s8, s30  }
.Ltmp11:
0x444: {  	_ = 	snop;
	(pc) =	sbr.rel @p1 .LBB2_1-.Ltmp11, $3  }
0x445: {  	_ =	sdelay $0x1  }
0x446: {  	[sflag:s17] =	ssyncset.done $0x0  }
0x447: {  	s20 =	simm.s32 $0x11A60;
	s14 =	rddreg [dreg:$0x14];
	[sflag:s17] =	ssyncadd.s32 $0xFFFFF600  }
0x448: {  	_ =	sfence.sel $0x180000  }
0x449: {  	[bflag:$0x0] =	sbarrier.arrive $0xFFFF  }
0x44a: {  	_ =	strace $0x90000047  }
0x44b: {  	s0 =	stileid.u32;
	[bflag:$0x2] =	sbarrier.arrive $0xFFFF  }
0x44c: {  	p0 =	sne.s32 s0, $0x0;
	s0 =	rddreg [dreg:$0x4]  }
0x44d: {  	s0 =	sadd.s32 @!p0 $0x100000, s0  }
0x44e: {  	[sflag:s0] =	ssyncadd.tile.s32 @!p0 $0x1;
	_ =	shalt  }
.Lfunc_end2:
_tile_overlayer_lowered:
.L_overlay_start_2:
0x44f: {  	(tag) =	ssettag $0x2  }
0x450: {  	s0 =	rddreg [dreg:$0x0];
	s2 =	stileid.u32  }
0x451: {  	s1 =	rddreg [dreg:$0x1];
	p0 =	sne.s32 s2, $0x0  }
0x452: {  	s3 =	rddreg [dreg:$0x2];
	[bflag:$0x3] =	sbarrier.arrive $0xFFFF;
	s2 =	simm.s32 @!p0 $0x1C16  }
0x453: {  	[timem:s3], [sflag:s2] =	dma.local @!p0 [hbm:s0], s1  }
0x454: {  	s0 =	simm.s32 @!p0 $0x16  }
0x455: {  	_ =	swait.ge @!p0 [sflag:s0], s1  }
0x456: {  	s1 =	ssub.s32 @!p0 $0x0, s1;
	[sflag:s0] =	ssyncset.done @!p0 $0x0  }
0x457: {  	[sflag:s0] =	ssyncadd.s32 @!p0 s1  }
0x458: {  	[bflag:$0x3] =	sbarrier.arrive $0xFFFF  }
0x459: {  	_ =	shalt  }

</sc_bundles>
